<compile_context>
chip_gen: v7x
topology: tpu7x:2x2x1
jax: 0.10.2.dev20260603
libtpu: 0.0.44.dev20260713+nightly
codegen_flags: <defaults>
</compile_context>

<pallas_src>
import functools

import jax
import jax.numpy as jnp
from jax import lax
from jax.experimental import pallas as pl
from jax.experimental.pallas import tpu as pltpu
from jax.experimental.pallas import tpu_sc as plsc

N_DST = 10000
N_SRC = 10000
E = 320000
D = 128

L = 16
N_TILES = 16
EDGES_PER_TILE = E // N_TILES
CHUNK = 80
N_CHUNKS = EDGES_PER_TILE // CHUNK
ROWS_PER_TILE = 640
N_PAD = N_TILES * ROWS_PER_TILE

BLK = 2048



def _logits_body(fd, fs0, fs1, al0, ar0, al1, ar1,
                 el0_o, er0_o, el1_o, er1_o, mx_o):
    el0 = jnp.sum(fs0[...] * al0[...], axis=1, keepdims=True)
    er0 = jnp.sum(fd[...] * ar0[...], axis=1, keepdims=True)
    el1 = jnp.sum(fs1[...] * al1[...], axis=1, keepdims=True)
    er1 = jnp.sum(fd[...] * ar1[...], axis=1, keepdims=True)
    el0_o[...] = el0
    er0_o[...] = er0
    el1_o[...] = el1
    er1_o[...] = er1
    mx = jnp.stack([jnp.max(el0), jnp.max(el1)])
    mx_o[...] = jnp.broadcast_to(mx[:, None], (2, 128))


def _logits_call(fd, fs0, fs1, al0, ar0, al1, ar1):
    vec = jax.ShapeDtypeStruct((N_SRC, 1), jnp.float32)
    mxs = jax.ShapeDtypeStruct((2, 128), jnp.float32)
    return pl.pallas_call(
        _logits_body,
        out_shape=(vec, vec, vec, vec, mxs),
        compiler_params=pltpu.CompilerParams(vmem_limit_bytes=100 * 1024 * 1024),
    )(fd, fs0, fs1, al0, ar0, al1, ar1)



G = 10
N_GROUPS = N_CHUNKS // G
GEDGES = G * CHUNK
SUB = 40
N_SUBS = EDGES_PER_TILE // SUB
SUBS_PER_GROUP = GEDGES // SUB
PAIRS = SUBS_PER_GROUP // 2


def _sc_body(fs0, fs1, src0, dst0t, src1, dst1t,
             el0, er0, el1, er1, mx,
             out0, out1, den0, den1,
             el_b, er_b, mx_b, den_b, src_f, dstb, wbuf, rowsA, rowsB,
             acc_sh, gsemA, gsemB, ssemA, ssemB):
    g = lax.axis_index("c")
    t = lax.axis_index("s")

    zero16 = jnp.zeros((L,), jnp.float32)
    lane = lax.iota(jnp.int32, L)
    cols = [lane + d * L for d in range(D // L)]

    @pl.loop(0, N_PAD // L)
    def _(i):
        den_b[pl.ds(i * L, L)] = zero16

    @pl.loop(0, SUB)
    def _(b):
        bsp = jnp.full((L,), b, jnp.int32)
        for d in range(D // L):
            plsc.store_scatter(rowsA, [bsp, cols[d]], zero16)

    for kk in range(ROWS_PER_TILE // SUB):
        pltpu.sync_copy(
            rowsA, acc_sh.at[pl.ds(t * ROWS_PER_TILE + kk * SUB, SUB), :])
    plsc.subcore_barrier()

    def run_graph(gi, fs, srcr, dstrt, el, er, out_o, den_o):
        pltpu.sync_copy(el, el_b)
        pltpu.sync_copy(er, er_b)
        pltpu.sync_copy(mx.at[gi], mx_b)
        msp = jnp.full((L,), mx_b[pl.ds(0, L)][0], jnp.float32)

        rowoffs = []
        colks = []
        for k in range(2 * SUB // L):
            q = lane + k * L
            ro = jnp.where(q >= SUB, 1, 0).astype(jnp.int32)
            rowoffs.append(ro)
            colks.append(q - ro * SUB)

        def scale(buf, off):
            @pl.loop(0, SUB, unroll=8)
            def _(b):
                ws = wbuf[pl.ds(b + off, L)][0]
                spl = jnp.full((L,), ws, jnp.float32)
                bsp = jnp.full((L,), b, jnp.int32)
                for d in range(D // L):
                    v = plsc.load_gather(buf, [bsp, cols[d]])
                    plsc.store_scatter(buf, [bsp, cols[d]], v * spl)

        def gather_start(c, buf, sem_):
            pltpu.async_copy(fs.at[src_f.at[pl.ds(c * SUB, SUB)]], buf, sem_)

        def gather_wait(c, buf, sem_):
            pltpu.make_async_copy(fs.at[src_f.at[pl.ds(c * SUB, SUB)]],
                                  buf, sem_).wait()

        def scat_start(c, buf, sem_):
            pltpu.async_copy(buf, acc_sh.at[dstb.at[c]], sem_, add=True)

        def scat_wait(c, buf, sem_):
            pltpu.make_async_copy(buf, acc_sh.at[dstb.at[c]], sem_).wait()

        @pl.loop(0, N_GROUPS)
        def _(grp):
            pltpu.sync_copy(srcr.at[t, pl.ds(grp * GEDGES, GEDGES)], src_f)
            pltpu.sync_copy(
                dstrt.at[t, pl.ds(grp * SUBS_PER_GROUP, SUBS_PER_GROUP), :],
                dstb)
            gather_start(0, rowsA, gsemA)

            @pl.loop(0, PAIRS)
            def _(p):
                c0 = 2 * p
                c1 = c0 + 1
                base = c0 * SUB
                for k in range(2 * SUB // L):
                    sidx = src_f[pl.ds(base + k * L, L)]
                    didx = plsc.load_gather(
                        dstb, [jnp.full((L,), c0, jnp.int32) + rowoffs[k],
                               colks[k]])
                    elv = plsc.load_gather(el_b, [sidx])
                    erv = plsc.load_gather(er_b, [didx])
                    x = elv + erv
                    e = jnp.maximum(x, 0.01 * x)
                    x2 = erv + msp
                    cv = jnp.maximum(x2, 0.01 * x2)
                    w = jnp.exp(e - cv)
                    wbuf[pl.ds(k * L, L)] = w
                    plsc.addupdate_scatter(den_b, [didx], w)

                @pl.when(p > 0)
                def _():
                    scat_wait(c1 - 2, rowsB, ssemB)
                gather_start(c1, rowsB, gsemB)
                gather_wait(c0, rowsA, gsemA)
                scale(rowsA, 0)
                scat_start(c0, rowsA, ssemA)
                gather_wait(c1, rowsB, gsemB)
                scale(rowsB, SUB)
                scat_start(c1, rowsB, ssemB)

                @pl.when(p < PAIRS - 1)
                def _():
                    scat_wait(c0, rowsA, ssemA)
                    gather_start(c0 + 2, rowsA, gsemA)

            scat_wait(SUBS_PER_GROUP - 2, rowsA, ssemA)
            scat_wait(SUBS_PER_GROUP - 1, rowsB, ssemB)

        pltpu.sync_copy(den_b, den_o.at[t])
        plsc.subcore_barrier()
        pltpu.sync_copy(acc_sh.at[pl.ds(t * ROWS_PER_TILE, ROWS_PER_TILE), :],
                        out_o.at[pl.ds(t * ROWS_PER_TILE, ROWS_PER_TILE), :])

    @pl.when(g == 0)
    def _():
        run_graph(0, fs0, src0, dst0t, el0, er0, out0, den0)

    @pl.when(g == 1)
    def _():
        run_graph(1, fs1, src1, dst1t, el1, er1, out1, den1)


def _sc_call(fs0, fs1, src0, dst0t, src1, dst1t,
             el0, er0, el1, er1, mx):
    mesh = plsc.VectorSubcoreMesh(core_axis_name="c", subcore_axis_name="s")
    mat = jax.ShapeDtypeStruct((N_PAD, D), jnp.float32)
    vec = jax.ShapeDtypeStruct((N_TILES, N_PAD), jnp.float32)
    kern = pl.kernel(
        _sc_body,
        out_type=(mat, mat, vec, vec),
        mesh=mesh,
        compiler_params=pltpu.CompilerParams(needs_layout_passes=False,
                                             use_tc_tiling_on_sc=False),
        scratch_types=[
            pltpu.VMEM((N_SRC,), jnp.float32),
            pltpu.VMEM((N_DST,), jnp.float32),
            pltpu.VMEM((128,), jnp.float32),
            pltpu.VMEM((N_PAD,), jnp.float32),
            pltpu.VMEM((GEDGES,), jnp.int32),
            pltpu.VMEM((SUBS_PER_GROUP, SUB), jnp.int32),
            pltpu.VMEM((CHUNK + L,), jnp.float32),
            pltpu.VMEM((SUB, D), jnp.float32),
            pltpu.VMEM((SUB, D), jnp.float32),
            pltpu.VMEM_SHARED((N_PAD, D), jnp.float32),
            pltpu.SemaphoreType.DMA,
            pltpu.SemaphoreType.DMA,
            pltpu.SemaphoreType.DMA,
            pltpu.SemaphoreType.DMA,
        ],
    )
    return kern(fs0, fs1, src0, dst0t, src1, dst1t,
                el0, er0, el1, er1, mx)



def _combine1_body(o0, d0, o1, d1, W, b, h0_o, h1_o, s0_o, s1_o):
    i = pl.program_id(0)

    def head(o, dd):
        dv = jnp.maximum(jnp.sum(dd[...], axis=0), 1e-9)[:, None]
        h = o[...] / dv
        return jnp.where(h > 0, h, jnp.exp(h) - 1.0)

    h0 = head(o0, d0)
    h1 = head(o1, d1)
    h0_o[...] = h0
    h1_o[...] = h1

    rowid = lax.broadcasted_iota(jnp.int32, (BLK, 1), 0) + i * BLK
    msk = (rowid < N_DST).astype(jnp.float32)
    Wt = W[...].T

    def tsum(h):
        tv = jnp.tanh(jnp.dot(h, Wt, preferred_element_type=jnp.float32)
                      + b[...])
        return jnp.broadcast_to(jnp.sum(tv * msk, axis=0)[None, :], (8, D))

    a0 = tsum(h0)
    a1 = tsum(h1)

    @pl.when(i == 0)
    def _():
        s0_o[...] = a0
        s1_o[...] = a1

    @pl.when(i > 0)
    def _():
        s0_o[...] = s0_o[...] + a0
        s1_o[...] = s1_o[...] + a1


def _combine1_call(o0, d0, o1, d1, W, b):
    nblk = N_PAD // BLK
    mat_spec = pl.BlockSpec((BLK, D), lambda i: (i, 0))
    vec_spec = pl.BlockSpec((N_TILES, BLK), lambda i: (0, i))
    full = pl.BlockSpec((D, D), lambda i: (0, 0))
    brow = pl.BlockSpec((1, D), lambda i: (0, 0))
    s_spec = pl.BlockSpec((8, D), lambda i: (0, 0))
    return pl.pallas_call(
        _combine1_body,
        grid=(nblk,),
        in_specs=[mat_spec, vec_spec, mat_spec, vec_spec, full, brow],
        out_specs=(mat_spec, mat_spec, s_spec, s_spec),
        out_shape=(
            jax.ShapeDtypeStruct((N_PAD, D), jnp.float32),
            jax.ShapeDtypeStruct((N_PAD, D), jnp.float32),
            jax.ShapeDtypeStruct((8, D), jnp.float32),
            jax.ShapeDtypeStruct((8, D), jnp.float32),
        ),
    )(o0, d0, o1, d1, W, b)



def _combine2_body(beta, h0, h1, z_o):
    z_o[...] = h0[...] * beta[0, 0] + h1[...] * beta[0, 1]


def _combine2_call(h0, h1, beta):
    nblk = N_PAD // BLK
    mat_spec = pl.BlockSpec((BLK, D), lambda i: (i, 0))
    return pl.pallas_call(
        _combine2_body,
        grid=(nblk,),
        in_specs=[pl.BlockSpec(memory_space=pltpu.SMEM), mat_spec, mat_spec],
        out_specs=mat_spec,
        out_shape=jax.ShapeDtypeStruct((N_PAD, D), jnp.float32),
    )(beta, h0, h1)



def kernel(feat_dst, feat_src0, feat_src1, edge_index0, edge_index1,
           attn_l0, attn_r0, attn_l1, attn_r1, fc_W, fc_b, sem_attn):
    el0, er0, el1, er1, mx = _logits_call(
        feat_dst, feat_src0, feat_src1, attn_l0, attn_r0, attn_l1, attn_r1)

    src0 = edge_index0[0].reshape(N_TILES, EDGES_PER_TILE)
    dst0t = edge_index0[1].reshape(N_TILES, N_SUBS, SUB)
    src1 = edge_index1[0].reshape(N_TILES, EDGES_PER_TILE)
    dst1t = edge_index1[1].reshape(N_TILES, N_SUBS, SUB)

    out0, out1, den0, den1 = _sc_call(
        feat_src0, feat_src1, src0, dst0t, src1, dst1t,
        el0.reshape(-1), er0.reshape(-1), el1.reshape(-1), er1.reshape(-1),
        mx)

    h0, h1, s0a, s1a = _combine1_call(
        out0, den0, out1, den1, fc_W, fc_b.reshape(1, D))

    mean0 = s0a[0] / N_DST
    mean1 = s1a[0] / N_DST
    wv = jnp.stack([jnp.dot(mean0, sem_attn[0]), jnp.dot(mean1, sem_attn[0])])
    beta = jax.nn.softmax(wv)

    z = _combine2_call(h0, h1, beta.reshape(1, 2))
    return z[:N_DST]

# --- scband reference (transcript-rebuilt; emitter-appended) ---
"""Pipeline reference for scband-network-schema-encoder-40776419508606 (READ-ONLY COPY).

The authoritative reference and input builder live on the scoring server;
editing this copy changes nothing except your own understanding.
"""

import jax, jax.numpy as jnp
import numpy as np

N_DST = 10000
N_SRC = 10000
E = 320000
D = 128


def _xavier_normal(key, shape, gain):
    fan_in = shape[1]
    fan_out = shape[0]
    std = gain * np.sqrt(2.0 / (fan_in + fan_out))
    return jax.random.normal(key, shape, dtype=jnp.float32) * std


def setup_inputs(seed: int = 0) -> dict:
    key = jax.random.key(seed)
    ks = jax.random.split(key, 12)
    gain = float(np.sqrt(2.0))  # calculate_gain('relu')
    feat_dst = jax.random.normal(ks[0], (N_DST, D), dtype=jnp.float32)
    feat_src0 = jax.random.normal(ks[1], (N_SRC, D), dtype=jnp.float32)
    feat_src1 = jax.random.normal(ks[2], (N_SRC, D), dtype=jnp.float32)
    edge_index0 = jax.random.randint(ks[3], (2, E), 0, N_SRC, dtype=jnp.int32)
    edge_index1 = jax.random.randint(ks[4], (2, E), 0, N_SRC, dtype=jnp.int32)
    attn_l0 = _xavier_normal(ks[5], (1, D), gain)
    attn_r0 = _xavier_normal(ks[6], (1, D), gain)
    attn_l1 = _xavier_normal(ks[7], (1, D), gain)
    attn_r1 = _xavier_normal(ks[8], (1, D), gain)
    fc_W = _xavier_normal(ks[9], (D, D), gain)
    fc_b = jnp.zeros((D,), dtype=jnp.float32)
    sem_attn = _xavier_normal(ks[10], (1, D), gain)
    return {
        'feat_dst': feat_dst, 'feat_src0': feat_src0, 'feat_src1': feat_src1,
        'edge_index0': edge_index0, 'edge_index1': edge_index1,
        'attn_l0': attn_l0, 'attn_r0': attn_r0, 'attn_l1': attn_l1, 'attn_r1': attn_r1,
        'fc_W': fc_W, 'fc_b': fc_b, 'sem_attn': sem_attn,
    }


def _heco_gat(feat_src, feat_dst, src, dst, attn_l, attn_r):
    # el/er: per-node attention logits
    el = (feat_src * attn_l).sum(axis=-1)  # [N_src]
    er = (feat_dst * attn_r).sum(axis=-1)  # [N_dst]
    e = el[src] + er[dst]                  # gather per edge [E]
    e = jnp.where(e > 0, e, 0.01 * e)      # LeakyReLU(0.01)
    # edge softmax over incoming edges of each dst node
    emax = jax.ops.segment_max(e, dst, num_segments=N_DST)
    emax = jnp.where(jnp.isfinite(emax), emax, 0.0)
    emax = jax.lax.stop_gradient(emax)
    a = jnp.exp(e - emax[dst])
    denom = jax.ops.segment_sum(a, dst, num_segments=N_DST)
    a = a / jnp.maximum(denom[dst], 1e-9)
    # message = u_mul_e, reduce = sum
    m = feat_src[src] * a[:, None]         # gather + per-edge multiply
    out = jax.ops.segment_sum(m, dst, num_segments=N_DST)  # scatter-add
    return jax.nn.elu(out)


def reference(feat_dst, feat_src0, feat_src1, edge_index0, edge_index1,
              attn_l0, attn_r0, attn_l1, attn_r1, fc_W, fc_b, sem_attn):
    h0 = _heco_gat(feat_src0, feat_dst, edge_index0[0], edge_index0[1], attn_l0, attn_r0)
    h1 = _heco_gat(feat_src1, feat_dst, edge_index1[0], edge_index1[1], attn_l1, attn_r1)
    h = jnp.stack([h0, h1], axis=1)  # [N, M=2, D]
    # semantic-level attention
    w = jnp.tanh(h @ fc_W.T + fc_b).mean(axis=0) @ sem_attn.T  # [M, 1]
    beta = jax.nn.softmax(w, axis=0)                            # [M, 1]
    z = (beta[None, :, :] * h).sum(axis=1)                      # [N, D]
    return z

if __name__ == "__main__":
    import jax
    _d = setup_inputs()
    print(jax.jit(kernel)(*tuple(_d.values())))

</pallas_src>

<mosaic_0001>
#map = affine_map<(d0, d1) -> (0, 0)>
#map1 = affine_map<(d0, d1) -> (0, 0, 0)>
#map2 = affine_map<(d0, d1) -> (0)>
module attributes {stable_mosaic.version = 14 : i64} {
  func.func @_sc_body(%arg0: i32, %arg1: i32, %arg2: memref<10000x128xf32, #tpu.memory_space<hbm>>, %arg3: memref<10000x128xf32, #tpu.memory_space<hbm>>, %arg4: memref<16x20000xi32, #tpu.memory_space<hbm>>, %arg5: memref<16x500x40xi32, #tpu.memory_space<hbm>>, %arg6: memref<16x20000xi32, #tpu.memory_space<hbm>>, %arg7: memref<16x500x40xi32, #tpu.memory_space<hbm>>, %arg8: memref<10000xf32, #tpu.memory_space<hbm>>, %arg9: memref<10000xf32, #tpu.memory_space<hbm>>, %arg10: memref<10000xf32, #tpu.memory_space<hbm>>, %arg11: memref<10000xf32, #tpu.memory_space<hbm>>, %arg12: memref<2x128xf32, #tpu.memory_space<hbm>>, %arg13: memref<10240x128xf32, #tpu.memory_space<hbm>>, %arg14: memref<10240x128xf32, #tpu.memory_space<hbm>>, %arg15: memref<16x10240xf32, #tpu.memory_space<hbm>>, %arg16: memref<16x10240xf32, #tpu.memory_space<hbm>>, %arg17: memref<10000xf32, #tpu.memory_space<vmem>>, %arg18: memref<10000xf32, #tpu.memory_space<vmem>>, %arg19: memref<128xf32, #tpu.memory_space<vmem>>, %arg20: memref<10240xf32, #tpu.memory_space<vmem>>, %arg21: memref<800xi32, #tpu.memory_space<vmem>>, %arg22: memref<20x40xi32, #tpu.memory_space<vmem>>, %arg23: memref<96xf32, #tpu.memory_space<vmem>>, %arg24: memref<40x128xf32, #tpu.memory_space<vmem>>, %arg25: memref<40x128xf32, #tpu.memory_space<vmem>>, %arg26: memref<10240x128xf32, #tpu.memory_space<vmem_shared>>, %arg27: memref<!tpu.dma_semaphore, #tpu.memory_space<semaphore_mem>>, %arg28: memref<!tpu.dma_semaphore, #tpu.memory_space<semaphore_mem>>, %arg29: memref<!tpu.dma_semaphore, #tpu.memory_space<semaphore_mem>>, %arg30: memref<!tpu.dma_semaphore, #tpu.memory_space<semaphore_mem>>) attributes {dimension_semantics = [#tpu.dimension_semantics<core_parallel>, #tpu.dimension_semantics<subcore_parallel>], iteration_bounds = array<i64: 2, 16>, scalar_prefetch = 0 : i64, scratch_operands = 14 : i64, tpu.core_type = #tpu.core_type<sc_vector_subcore>, window_params = [{transform_indices = #map}, {transform_indices = #map}, {transform_indices = #map}, {transform_indices = #map1}, {transform_indices = #map}, {transform_indices = #map1}, {transform_indices = #map2}, {transform_indices = #map2}, {transform_indices = #map2}, {transform_indices = #map2}, {transform_indices = #map}, {transform_indices = #map}, {transform_indices = #map}, {transform_indices = #map}, {transform_indices = #map}]} {
    %broadcast_in_dim3A = arith.constant 0.000000e+00 : f32
    %broadcast_in_dim3A_0 = vector.broadcast %broadcast_in_dim3A : f32 to vector<16xf32>
    %iota3A = tpu.iota {dimensions = array<i32: 0>} : vector<16xi32>
    %add3A = arith.constant 0 : i32
    %add3A_1 = vector.broadcast %add3A : i32 to vector<16xi32>
    %add3A_2 = arith.addi %iota3A, %add3A_1 : vector<16xi32>
    %add3A_3 = arith.constant 16 : i32
    %add3A_4 = vector.broadcast %add3A_3 : i32 to vector<16xi32>
    %add3A_5 = arith.addi %iota3A, %add3A_4 : vector<16xi32>
    %add3A_6 = arith.constant 32 : i32
    %add3A_7 = vector.broadcast %add3A_6 : i32 to vector<16xi32>
    %add3A_8 = arith.addi %iota3A, %add3A_7 : vector<16xi32>
    %add3A_9 = arith.constant 48 : i32
    %add3A_10 = vector.broadcast %add3A_9 : i32 to vector<16xi32>
    %add3A_11 = arith.addi %iota3A, %add3A_10 : vector<16xi32>
    %add3A_12 = arith.constant 64 : i32
    %add3A_13 = vector.broadcast %add3A_12 : i32 to vector<16xi32>
    %add3A_14 = arith.addi %iota3A, %add3A_13 : vector<16xi32>
    %add3A_15 = arith.constant 80 : i32
    %add3A_16 = vector.broadcast %add3A_15 : i32 to vector<16xi32>
    %add3A_17 = arith.addi %iota3A, %add3A_16 : vector<16xi32>
    %add3A_18 = arith.constant 96 : i32
    %add3A_19 = vector.broadcast %add3A_18 : i32 to vector<16xi32>
    %add3A_20 = arith.addi %iota3A, %add3A_19 : vector<16xi32>
    %add3A_21 = arith.constant 112 : i32
    %add3A_22 = vector.broadcast %add3A_21 : i32 to vector<16xi32>
    %add3A_23 = arith.addi %iota3A, %add3A_22 : vector<16xi32>
    %scan3A = arith.constant 0 : i32
    %scan3A_24 = arith.constant 640 : i32
    %scan3A_25 = arith.addi %scan3A, %scan3A_24 : i32
    %scan3A_26 = arith.constant 1 : i32
    scf.for %scan3A_103 = %scan3A to %scan3A_25 step %scan3A_26  : i32 {
      %mul3A_104 = arith.constant 1 : i32
      %mul3A_105 = arith.muli %scan3A_103, %mul3A_104 : i32
      %add3A_106 = arith.constant 0 : i32
      %add3A_107 = arith.addi %add3A_106, %mul3A_105 : i32
      %mul3A_108 = arith.constant 16 : i32
      %mul3A_109 = arith.muli %add3A_107, %mul3A_108 : i32
      %swap3A = arith.index_cast %mul3A_109 : i32 to index
      %swap3A_110 = tpu.vector_load %arg20[%swap3A] {strides = array<i32>} : memref<10240xf32, #tpu.memory_space<vmem>>, vector<16xf32>,
      tpu.vector_store %arg20[%swap3A], %broadcast_in_dim3A_0 {strides = array<i32>} : memref<10240xf32, #tpu.memory_space<vmem>>, vector<16xf32>,
    }
    %scan3A_27 = arith.constant 640 : i32
    %scan3A_28 = arith.constant 0 : i32
    %scan3A_29 = arith.constant 40 : i32
    %scan3A_30 = arith.addi %scan3A_28, %scan3A_29 : i32
    %scan3A_31 = arith.constant 1 : i32
    scf.for %scan3A_103 = %scan3A_28 to %scan3A_30 step %scan3A_31  : i32 {
      %mul3A_104 = arith.constant 1 : i32
      %mul3A_105 = arith.muli %scan3A_103, %mul3A_104 : i32
      %add3A_106 = arith.constant 0 : i32
      %add3A_107 = arith.addi %add3A_106, %mul3A_105 : i32
      %broadcast_in_dim3A_108 = vector.broadcast %add3A_107 : i32 to vector<16xi32>
      tpu.vector_store_idx %arg24[%broadcast_in_dim3A_108, %add3A_2], %broadcast_in_dim3A_0 : memref<40x128xf32, #tpu.memory_space<vmem>>[vector<16xi32>, vector<16xi32>], vector<16xf32>,
      tpu.vector_store_idx %arg24[%broadcast_in_dim3A_108, %add3A_5], %broadcast_in_dim3A_0 : memref<40x128xf32, #tpu.memory_space<vmem>>[vector<16xi32>, vector<16xi32>], vector<16xf32>,
      tpu.vector_store_idx %arg24[%broadcast_in_dim3A_108, %add3A_8], %broadcast_in_dim3A_0 : memref<40x128xf32, #tpu.memory_space<vmem>>[vector<16xi32>, vector<16xi32>], vector<16xf32>,
      tpu.vector_store_idx %arg24[%broadcast_in_dim3A_108, %add3A_11], %broadcast_in_dim3A_0 : memref<40x128xf32, #tpu.memory_space<vmem>>[vector<16xi32>, vector<16xi32>], vector<16xf32>,
      tpu.vector_store_idx %arg24[%broadcast_in_dim3A_108, %add3A_14], %broadcast_in_dim3A_0 : memref<40x128xf32, #tpu.memory_space<vmem>>[vector<16xi32>, vector<16xi32>], vector<16xf32>,
      tpu.vector_store_idx %arg24[%broadcast_in_dim3A_108, %add3A_17], %broadcast_in_dim3A_0 : memref<40x128xf32, #tpu.memory_space<vmem>>[vector<16xi32>, vector<16xi32>], vector<16xf32>,
      tpu.vector_store_idx %arg24[%broadcast_in_dim3A_108, %add3A_20], %broadcast_in_dim3A_0 : memref<40x128xf32, #tpu.memory_space<vmem>>[vector<16xi32>, vector<16xi32>], vector<16xf32>,
      tpu.vector_store_idx %arg24[%broadcast_in_dim3A_108, %add3A_23], %broadcast_in_dim3A_0 : memref<40x128xf32, #tpu.memory_space<vmem>>[vector<16xi32>, vector<16xi32>], vector<16xf32>,
    }
    %scan3A_32 = arith.constant 40 : i32
    %mul3A = arith.constant 640 : i32
    %mul3A_33 = arith.muli %arg1, %mul3A : i32
    %add3A_34 = arith.constant 0 : i32
    %add3A_35 = arith.addi %mul3A_33, %add3A_34 : i32
    "tpu.region"() ({
      %run_scoped3A = tpu.sem_alloc : memref<!tpu.dma_semaphore, #tpu.memory_space<semaphore_mem>>
      %dma_start3A = arith.constant 0 : i32
      %dma_start3A_103 = tpu.memref_slice %arg26[%add3A_35, %dma_start3A] : memref<10240x128xf32, #tpu.memory_space<vmem_shared>> -> memref<40x128xf32, #tpu.memory_space<vmem_shared>>
      %dma_start3A_104 = arith.constant 0 : i32
      %dma_start3A_105 = tpu.memref_slice %arg26[%add3A_35, %dma_start3A_104] : memref<10240x128xf32, #tpu.memory_space<vmem_shared>> -> memref<40x128xf32, #tpu.memory_space<vmem_shared>>
      tpu.enqueue_dma source(%arg24 : memref<40x128xf32, #tpu.memory_space<vmem>>) target(%dma_start3A_105 : memref<40x128xf32, #tpu.memory_space<vmem_shared>>) target_semaphore(%run_scoped3A : memref<!tpu.dma_semaphore, #tpu.memory_space<semaphore_mem>>)
      %dma_wait3A = arith.constant 0 : i32
      %dma_wait3A_106 = tpu.memref_slice %arg26[%add3A_35, %dma_wait3A] : memref<10240x128xf32, #tpu.memory_space<vmem_shared>> -> memref<40x128xf32, #tpu.memory_space<vmem_shared>>
      %dma_wait3A_107 = arith.constant 0 : i32
      %dma_wait3A_108 = tpu.memref_slice %arg26[%add3A_35, %dma_wait3A_107] : memref<10240x128xf32, #tpu.memory_space<vmem_shared>> -> memref<40x128xf32, #tpu.memory_space<vmem_shared>>
      tpu.wait_dma2 semaphore(%run_scoped3A : memref<!tpu.dma_semaphore, #tpu.memory_space<semaphore_mem>>) src(%arg24 : memref<40x128xf32, #tpu.memory_space<vmem>>) dst(%dma_wait3A_108 : memref<40x128xf32, #tpu.memory_space<vmem_shared>>)
      tpu.yield
    }) : () -> ()
    %mul3A_36 = arith.constant 640 : i32
    %mul3A_37 = arith.muli %arg1, %mul3A_36 : i32
    %add3A_38 = arith.constant 40 : i32
    %add3A_39 = arith.addi %mul3A_37, %add3A_38 : i32
    "tpu.region"() ({
      %run_scoped3A = tpu.sem_alloc : memref<!tpu.dma_semaphore, #tpu.memory_space<semaphore_mem>>
      %dma_start3A = arith.constant 0 : i32
      %dma_start3A_103 = tpu.memref_slice %arg26[%add3A_39, %dma_start3A] : memref<10240x128xf32, #tpu.memory_space<vmem_shared>> -> memref<40x128xf32, #tpu.memory_space<vmem_shared>>
      %dma_start3A_104 = arith.constant 0 : i32
      %dma_start3A_105 = tpu.memref_slice %arg26[%add3A_39, %dma_start3A_104] : memref<10240x128xf32, #tpu.memory_space<vmem_shared>> -> memref<40x128xf32, #tpu.memory_space<vmem_shared>>
      tpu.enqueue_dma source(%arg24 : memref<40x128xf32, #tpu.memory_space<vmem>>) target(%dma_start3A_105 : memref<40x128xf32, #tpu.memory_space<vmem_shared>>) target_semaphore(%run_scoped3A : memref<!tpu.dma_semaphore, #tpu.memory_space<semaphore_mem>>)
      %dma_wait3A = arith.constant 0 : i32
      %dma_wait3A_106 = tpu.memref_slice %arg26[%add3A_39, %dma_wait3A] : memref<10240x128xf32, #tpu.memory_space<vmem_shared>> -> memref<40x128xf32, #tpu.memory_space<vmem_shared>>
      %dma_wait3A_107 = arith.constant 0 : i32
      %dma_wait3A_108 = tpu.memref_slice %arg26[%add3A_39, %dma_wait3A_107] : memref<10240x128xf32, #tpu.memory_space<vmem_shared>> -> memref<40x128xf32, #tpu.memory_space<vmem_shared>>
      tpu.wait_dma2 semaphore(%run_scoped3A : memref<!tpu.dma_semaphore, #tpu.memory_space<semaphore_mem>>) src(%arg24 : memref<40x128xf32, #tpu.memory_space<vmem>>) dst(%dma_wait3A_108 : memref<40x128xf32, #tpu.memory_space<vmem_shared>>)
      tpu.yield
    }) : () -> ()
    %mul3A_40 = arith.constant 640 : i32
    %mul3A_41 = arith.muli %arg1, %mul3A_40 : i32
    %add3A_42 = arith.constant 80 : i32
    %add3A_43 = arith.addi %mul3A_41, %add3A_42 : i32
    "tpu.region"() ({
      %run_scoped3A = tpu.sem_alloc : memref<!tpu.dma_semaphore, #tpu.memory_space<semaphore_mem>>
      %dma_start3A = arith.constant 0 : i32
      %dma_start3A_103 = tpu.memref_slice %arg26[%add3A_43, %dma_start3A] : memref<10240x128xf32, #tpu.memory_space<vmem_shared>> -> memref<40x128xf32, #tpu.memory_space<vmem_shared>>
      %dma_start3A_104 = arith.constant 0 : i32
      %dma_start3A_105 = tpu.memref_slice %arg26[%add3A_43, %dma_start3A_104] : memref<10240x128xf32, #tpu.memory_space<vmem_shared>> -> memref<40x128xf32, #tpu.memory_space<vmem_shared>>
      tpu.enqueue_dma source(%arg24 : memref<40x128xf32, #tpu.memory_space<vmem>>) target(%dma_start3A_105 : memref<40x128xf32, #tpu.memory_space<vmem_shared>>) target_semaphore(%run_scoped3A : memref<!tpu.dma_semaphore, #tpu.memory_space<semaphore_mem>>)
      %dma_wait3A = arith.constant 0 : i32
      %dma_wait3A_106 = tpu.memref_slice %arg26[%add3A_43, %dma_wait3A] : memref<10240x128xf32, #tpu.memory_space<vmem_shared>> -> memref<40x128xf32, #tpu.memory_space<vmem_shared>>
      %dma_wait3A_107 = arith.constant 0 : i32
      %dma_wait3A_108 = tpu.memref_slice %arg26[%add3A_43, %dma_wait3A_107] : memref<10240x128xf32, #tpu.memory_space<vmem_shared>> -> memref<40x128xf32, #tpu.memory_space<vmem_shared>>
      tpu.wait_dma2 semaphore(%run_scoped3A : memref<!tpu.dma_semaphore, #tpu.memory_space<semaphore_mem>>) src(%arg24 : memref<40x128xf32, #tpu.memory_space<vmem>>) dst(%dma_wait3A_108 : memref<40x128xf32, #tpu.memory_space<vmem_shared>>)
      tpu.yield
    }) : () -> ()
    %mul3A_44 = arith.constant 640 : i32
    %mul3A_45 = arith.muli %arg1, %mul3A_44 : i32
    %add3A_46 = arith.constant 120 : i32
    %add3A_47 = arith.addi %mul3A_45, %add3A_46 : i32
    "tpu.region"() ({
      %run_scoped3A = tpu.sem_alloc : memref<!tpu.dma_semaphore, #tpu.memory_space<semaphore_mem>>
      %dma_start3A = arith.constant 0 : i32
      %dma_start3A_103 = tpu.memref_slice %arg26[%add3A_47, %dma_start3A] : memref<10240x128xf32, #tpu.memory_space<vmem_shared>> -> memref<40x128xf32, #tpu.memory_space<vmem_shared>>
      %dma_start3A_104 = arith.constant 0 : i32
      %dma_start3A_105 = tpu.memref_slice %arg26[%add3A_47, %dma_start3A_104] : memref<10240x128xf32, #tpu.memory_space<vmem_shared>> -> memref<40x128xf32, #tpu.memory_space<vmem_shared>>
      tpu.enqueue_dma source(%arg24 : memref<40x128xf32, #tpu.memory_space<vmem>>) target(%dma_start3A_105 : memref<40x128xf32, #tpu.memory_space<vmem_shared>>) target_semaphore(%run_scoped3A : memref<!tpu.dma_semaphore, #tpu.memory_space<semaphore_mem>>)
      %dma_wait3A = arith.constant 0 : i32
      %dma_wait3A_106 = tpu.memref_slice %arg26[%add3A_47, %dma_wait3A] : memref<10240x128xf32, #tpu.memory_space<vmem_shared>> -> memref<40x128xf32, #tpu.memory_space<vmem_shared>>
      %dma_wait3A_107 = arith.constant 0 : i32
      %dma_wait3A_108 = tpu.memref_slice %arg26[%add3A_47, %dma_wait3A_107] : memref<10240x128xf32, #tpu.memory_space<vmem_shared>> -> memref<40x128xf32, #tpu.memory_space<vmem_shared>>
      tpu.wait_dma2 semaphore(%run_scoped3A : memref<!tpu.dma_semaphore, #tpu.memory_space<semaphore_mem>>) src(%arg24 : memref<40x128xf32, #tpu.memory_space<vmem>>) dst(%dma_wait3A_108 : memref<40x128xf32, #tpu.memory_space<vmem_shared>>)
      tpu.yield
    }) : () -> ()
    %mul3A_48 = arith.constant 640 : i32
    %mul3A_49 = arith.muli %arg1, %mul3A_48 : i32
    %add3A_50 = arith.constant 160 : i32
    %add3A_51 = arith.addi %mul3A_49, %add3A_50 : i32
    "tpu.region"() ({
      %run_scoped3A = tpu.sem_alloc : memref<!tpu.dma_semaphore, #tpu.memory_space<semaphore_mem>>
      %dma_start3A = arith.constant 0 : i32
      %dma_start3A_103 = tpu.memref_slice %arg26[%add3A_51, %dma_start3A] : memref<10240x128xf32, #tpu.memory_space<vmem_shared>> -> memref<40x128xf32, #tpu.memory_space<vmem_shared>>
      %dma_start3A_104 = arith.constant 0 : i32
      %dma_start3A_105 = tpu.memref_slice %arg26[%add3A_51, %dma_start3A_104] : memref<10240x128xf32, #tpu.memory_space<vmem_shared>> -> memref<40x128xf32, #tpu.memory_space<vmem_shared>>
      tpu.enqueue_dma source(%arg24 : memref<40x128xf32, #tpu.memory_space<vmem>>) target(%dma_start3A_105 : memref<40x128xf32, #tpu.memory_space<vmem_shared>>) target_semaphore(%run_scoped3A : memref<!tpu.dma_semaphore, #tpu.memory_space<semaphore_mem>>)
      %dma_wait3A = arith.constant 0 : i32
      %dma_wait3A_106 = tpu.memref_slice %arg26[%add3A_51, %dma_wait3A] : memref<10240x128xf32, #tpu.memory_space<vmem_shared>> -> memref<40x128xf32, #tpu.memory_space<vmem_shared>>
      %dma_wait3A_107 = arith.constant 0 : i32
      %dma_wait3A_108 = tpu.memref_slice %arg26[%add3A_51, %dma_wait3A_107] : memref<10240x128xf32, #tpu.memory_space<vmem_shared>> -> memref<40x128xf32, #tpu.memory_space<vmem_shared>>
      tpu.wait_dma2 semaphore(%run_scoped3A : memref<!tpu.dma_semaphore, #tpu.memory_space<semaphore_mem>>) src(%arg24 : memref<40x128xf32, #tpu.memory_space<vmem>>) dst(%dma_wait3A_108 : memref<40x128xf32, #tpu.memory_space<vmem_shared>>)
      tpu.yield
    }) : () -> ()
    %mul3A_52 = arith.constant 640 : i32
    %mul3A_53 = arith.muli %arg1, %mul3A_52 : i32
    %add3A_54 = arith.constant 200 : i32
    %add3A_55 = arith.addi %mul3A_53, %add3A_54 : i32
    "tpu.region"() ({
      %run_scoped3A = tpu.sem_alloc : memref<!tpu.dma_semaphore, #tpu.memory_space<semaphore_mem>>
      %dma_start3A = arith.constant 0 : i32
      %dma_start3A_103 = tpu.memref_slice %arg26[%add3A_55, %dma_start3A] : memref<10240x128xf32, #tpu.memory_space<vmem_shared>> -> memref<40x128xf32, #tpu.memory_space<vmem_shared>>
      %dma_start3A_104 = arith.constant 0 : i32
      %dma_start3A_105 = tpu.memref_slice %arg26[%add3A_55, %dma_start3A_104] : memref<10240x128xf32, #tpu.memory_space<vmem_shared>> -> memref<40x128xf32, #tpu.memory_space<vmem_shared>>
      tpu.enqueue_dma source(%arg24 : memref<40x128xf32, #tpu.memory_space<vmem>>) target(%dma_start3A_105 : memref<40x128xf32, #tpu.memory_space<vmem_shared>>) target_semaphore(%run_scoped3A : memref<!tpu.dma_semaphore, #tpu.memory_space<semaphore_mem>>)
      %dma_wait3A = arith.constant 0 : i32
      %dma_wait3A_106 = tpu.memref_slice %arg26[%add3A_55, %dma_wait3A] : memref<10240x128xf32, #tpu.memory_space<vmem_shared>> -> memref<40x128xf32, #tpu.memory_space<vmem_shared>>
      %dma_wait3A_107 = arith.constant 0 : i32
      %dma_wait3A_108 = tpu.memref_slice %arg26[%add3A_55, %dma_wait3A_107] : memref<10240x128xf32, #tpu.memory_space<vmem_shared>> -> memref<40x128xf32, #tpu.memory_space<vmem_shared>>
      tpu.wait_dma2 semaphore(%run_scoped3A : memref<!tpu.dma_semaphore, #tpu.memory_space<semaphore_mem>>) src(%arg24 : memref<40x128xf32, #tpu.memory_space<vmem>>) dst(%dma_wait3A_108 : memref<40x128xf32, #tpu.memory_space<vmem_shared>>)
      tpu.yield
    }) : () -> ()
    %mul3A_56 = arith.constant 640 : i32
    %mul3A_57 = arith.muli %arg1, %mul3A_56 : i32
    %add3A_58 = arith.constant 240 : i32
    %add3A_59 = arith.addi %mul3A_57, %add3A_58 : i32
    "tpu.region"() ({
      %run_scoped3A = tpu.sem_alloc : memref<!tpu.dma_semaphore, #tpu.memory_space<semaphore_mem>>
      %dma_start3A = arith.constant 0 : i32
      %dma_start3A_103 = tpu.memref_slice %arg26[%add3A_59, %dma_start3A] : memref<10240x128xf32, #tpu.memory_space<vmem_shared>> -> memref<40x128xf32, #tpu.memory_space<vmem_shared>>
      %dma_start3A_104 = arith.constant 0 : i32
      %dma_start3A_105 = tpu.memref_slice %arg26[%add3A_59, %dma_start3A_104] : memref<10240x128xf32, #tpu.memory_space<vmem_shared>> -> memref<40x128xf32, #tpu.memory_space<vmem_shared>>
      tpu.enqueue_dma source(%arg24 : memref<40x128xf32, #tpu.memory_space<vmem>>) target(%dma_start3A_105 : memref<40x128xf32, #tpu.memory_space<vmem_shared>>) target_semaphore(%run_scoped3A : memref<!tpu.dma_semaphore, #tpu.memory_space<semaphore_mem>>)
      %dma_wait3A = arith.constant 0 : i32
      %dma_wait3A_106 = tpu.memref_slice %arg26[%add3A_59, %dma_wait3A] : memref<10240x128xf32, #tpu.memory_space<vmem_shared>> -> memref<40x128xf32, #tpu.memory_space<vmem_shared>>
      %dma_wait3A_107 = arith.constant 0 : i32
      %dma_wait3A_108 = tpu.memref_slice %arg26[%add3A_59, %dma_wait3A_107] : memref<10240x128xf32, #tpu.memory_space<vmem_shared>> -> memref<40x128xf32, #tpu.memory_space<vmem_shared>>
      tpu.wait_dma2 semaphore(%run_scoped3A : memref<!tpu.dma_semaphore, #tpu.memory_space<semaphore_mem>>) src(%arg24 : memref<40x128xf32, #tpu.memory_space<vmem>>) dst(%dma_wait3A_108 : memref<40x128xf32, #tpu.memory_space<vmem_shared>>)
      tpu.yield
    }) : () -> ()
    %mul3A_60 = arith.constant 640 : i32
    %mul3A_61 = arith.muli %arg1, %mul3A_60 : i32
    %add3A_62 = arith.constant 280 : i32
    %add3A_63 = arith.addi %mul3A_61, %add3A_62 : i32
    "tpu.region"() ({
      %run_scoped3A = tpu.sem_alloc : memref<!tpu.dma_semaphore, #tpu.memory_space<semaphore_mem>>
      %dma_start3A = arith.constant 0 : i32
      %dma_start3A_103 = tpu.memref_slice %arg26[%add3A_63, %dma_start3A] : memref<10240x128xf32, #tpu.memory_space<vmem_shared>> -> memref<40x128xf32, #tpu.memory_space<vmem_shared>>
      %dma_start3A_104 = arith.constant 0 : i32
      %dma_start3A_105 = tpu.memref_slice %arg26[%add3A_63, %dma_start3A_104] : memref<10240x128xf32, #tpu.memory_space<vmem_shared>> -> memref<40x128xf32, #tpu.memory_space<vmem_shared>>
      tpu.enqueue_dma source(%arg24 : memref<40x128xf32, #tpu.memory_space<vmem>>) target(%dma_start3A_105 : memref<40x128xf32, #tpu.memory_space<vmem_shared>>) target_semaphore(%run_scoped3A : memref<!tpu.dma_semaphore, #tpu.memory_space<semaphore_mem>>)
      %dma_wait3A = arith.constant 0 : i32
      %dma_wait3A_106 = tpu.memref_slice %arg26[%add3A_63, %dma_wait3A] : memref<10240x128xf32, #tpu.memory_space<vmem_shared>> -> memref<40x128xf32, #tpu.memory_space<vmem_shared>>
      %dma_wait3A_107 = arith.constant 0 : i32
      %dma_wait3A_108 = tpu.memref_slice %arg26[%add3A_63, %dma_wait3A_107] : memref<10240x128xf32, #tpu.memory_space<vmem_shared>> -> memref<40x128xf32, #tpu.memory_space<vmem_shared>>
      tpu.wait_dma2 semaphore(%run_scoped3A : memref<!tpu.dma_semaphore, #tpu.memory_space<semaphore_mem>>) src(%arg24 : memref<40x128xf32, #tpu.memory_space<vmem>>) dst(%dma_wait3A_108 : memref<40x128xf32, #tpu.memory_space<vmem_shared>>)
      tpu.yield
    }) : () -> ()
    %mul3A_64 = arith.constant 640 : i32
    %mul3A_65 = arith.muli %arg1, %mul3A_64 : i32
    %add3A_66 = arith.constant 320 : i32
    %add3A_67 = arith.addi %mul3A_65, %add3A_66 : i32
    "tpu.region"() ({
      %run_scoped3A = tpu.sem_alloc : memref<!tpu.dma_semaphore, #tpu.memory_space<semaphore_mem>>
      %dma_start3A = arith.constant 0 : i32
      %dma_start3A_103 = tpu.memref_slice %arg26[%add3A_67, %dma_start3A] : memref<10240x128xf32, #tpu.memory_space<vmem_shared>> -> memref<40x128xf32, #tpu.memory_space<vmem_shared>>
      %dma_start3A_104 = arith.constant 0 : i32
      %dma_start3A_105 = tpu.memref_slice %arg26[%add3A_67, %dma_start3A_104] : memref<10240x128xf32, #tpu.memory_space<vmem_shared>> -> memref<40x128xf32, #tpu.memory_space<vmem_shared>>
      tpu.enqueue_dma source(%arg24 : memref<40x128xf32, #tpu.memory_space<vmem>>) target(%dma_start3A_105 : memref<40x128xf32, #tpu.memory_space<vmem_shared>>) target_semaphore(%run_scoped3A : memref<!tpu.dma_semaphore, #tpu.memory_space<semaphore_mem>>)
      %dma_wait3A = arith.constant 0 : i32
      %dma_wait3A_106 = tpu.memref_slice %arg26[%add3A_67, %dma_wait3A] : memref<10240x128xf32, #tpu.memory_space<vmem_shared>> -> memref<40x128xf32, #tpu.memory_space<vmem_shared>>
      %dma_wait3A_107 = arith.constant 0 : i32
      %dma_wait3A_108 = tpu.memref_slice %arg26[%add3A_67, %dma_wait3A_107] : memref<10240x128xf32, #tpu.memory_space<vmem_shared>> -> memref<40x128xf32, #tpu.memory_space<vmem_shared>>
      tpu.wait_dma2 semaphore(%run_scoped3A : memref<!tpu.dma_semaphore, #tpu.memory_space<semaphore_mem>>) src(%arg24 : memref<40x128xf32, #tpu.memory_space<vmem>>) dst(%dma_wait3A_108 : memref<40x128xf32, #tpu.memory_space<vmem_shared>>)
      tpu.yield
    }) : () -> ()
    %mul3A_68 = arith.constant 640 : i32
    %mul3A_69 = arith.muli %arg1, %mul3A_68 : i32
    %add3A_70 = arith.constant 360 : i32
    %add3A_71 = arith.addi %mul3A_69, %add3A_70 : i32
    "tpu.region"() ({
      %run_scoped3A = tpu.sem_alloc : memref<!tpu.dma_semaphore, #tpu.memory_space<semaphore_mem>>
      %dma_start3A = arith.constant 0 : i32
      %dma_start3A_103 = tpu.memref_slice %arg26[%add3A_71, %dma_start3A] : memref<10240x128xf32, #tpu.memory_space<vmem_shared>> -> memref<40x128xf32, #tpu.memory_space<vmem_shared>>
      %dma_start3A_104 = arith.constant 0 : i32
      %dma_start3A_105 = tpu.memref_slice %arg26[%add3A_71, %dma_start3A_104] : memref<10240x128xf32, #tpu.memory_space<vmem_shared>> -> memref<40x128xf32, #tpu.memory_space<vmem_shared>>
      tpu.enqueue_dma source(%arg24 : memref<40x128xf32, #tpu.memory_space<vmem>>) target(%dma_start3A_105 : memref<40x128xf32, #tpu.memory_space<vmem_shared>>) target_semaphore(%run_scoped3A : memref<!tpu.dma_semaphore, #tpu.memory_space<semaphore_mem>>)
      %dma_wait3A = arith.constant 0 : i32
      %dma_wait3A_106 = tpu.memref_slice %arg26[%add3A_71, %dma_wait3A] : memref<10240x128xf32, #tpu.memory_space<vmem_shared>> -> memref<40x128xf32, #tpu.memory_space<vmem_shared>>
      %dma_wait3A_107 = arith.constant 0 : i32
      %dma_wait3A_108 = tpu.memref_slice %arg26[%add3A_71, %dma_wait3A_107] : memref<10240x128xf32, #tpu.memory_space<vmem_shared>> -> memref<40x128xf32, #tpu.memory_space<vmem_shared>>
      tpu.wait_dma2 semaphore(%run_scoped3A : memref<!tpu.dma_semaphore, #tpu.memory_space<semaphore_mem>>) src(%arg24 : memref<40x128xf32, #tpu.memory_space<vmem>>) dst(%dma_wait3A_108 : memref<40x128xf32, #tpu.memory_space<vmem_shared>>)
      tpu.yield
    }) : () -> ()
    %mul3A_72 = arith.constant 640 : i32
    %mul3A_73 = arith.muli %arg1, %mul3A_72 : i32
    %add3A_74 = arith.constant 400 : i32
    %add3A_75 = arith.addi %mul3A_73, %add3A_74 : i32
    "tpu.region"() ({
      %run_scoped3A = tpu.sem_alloc : memref<!tpu.dma_semaphore, #tpu.memory_space<semaphore_mem>>
      %dma_start3A = arith.constant 0 : i32
      %dma_start3A_103 = tpu.memref_slice %arg26[%add3A_75, %dma_start3A] : memref<10240x128xf32, #tpu.memory_space<vmem_shared>> -> memref<40x128xf32, #tpu.memory_space<vmem_shared>>
      %dma_start3A_104 = arith.constant 0 : i32
      %dma_start3A_105 = tpu.memref_slice %arg26[%add3A_75, %dma_start3A_104] : memref<10240x128xf32, #tpu.memory_space<vmem_shared>> -> memref<40x128xf32, #tpu.memory_space<vmem_shared>>
      tpu.enqueue_dma source(%arg24 : memref<40x128xf32, #tpu.memory_space<vmem>>) target(%dma_start3A_105 : memref<40x128xf32, #tpu.memory_space<vmem_shared>>) target_semaphore(%run_scoped3A : memref<!tpu.dma_semaphore, #tpu.memory_space<semaphore_mem>>)
      %dma_wait3A = arith.constant 0 : i32
      %dma_wait3A_106 = tpu.memref_slice %arg26[%add3A_75, %dma_wait3A] : memref<10240x128xf32, #tpu.memory_space<vmem_shared>> -> memref<40x128xf32, #tpu.memory_space<vmem_shared>>
      %dma_wait3A_107 = arith.constant 0 : i32
      %dma_wait3A_108 = tpu.memref_slice %arg26[%add3A_75, %dma_wait3A_107] : memref<10240x128xf32, #tpu.memory_space<vmem_shared>> -> memref<40x128xf32, #tpu.memory_space<vmem_shared>>
      tpu.wait_dma2 semaphore(%run_scoped3A : memref<!tpu.dma_semaphore, #tpu.memory_space<semaphore_mem>>) src(%arg24 : memref<40x128xf32, #tpu.memory_space<vmem>>) dst(%dma_wait3A_108 : memref<40x128xf32, #tpu.memory_space<vmem_shared>>)
      tpu.yield
    }) : () -> ()
    %mul3A_76 = arith.constant 640 : i32
    %mul3A_77 = arith.muli %arg1, %mul3A_76 : i32
    %add3A_78 = arith.constant 440 : i32
    %add3A_79 = arith.addi %mul3A_77, %add3A_78 : i32
    "tpu.region"() ({
      %run_scoped3A = tpu.sem_alloc : memref<!tpu.dma_semaphore, #tpu.memory_space<semaphore_mem>>
      %dma_start3A = arith.constant 0 : i32
      %dma_start3A_103 = tpu.memref_slice %arg26[%add3A_79, %dma_start3A] : memref<10240x128xf32, #tpu.memory_space<vmem_shared>> -> memref<40x128xf32, #tpu.memory_space<vmem_shared>>
      %dma_start3A_104 = arith.constant 0 : i32
      %dma_start3A_105 = tpu.memref_slice %arg26[%add3A_79, %dma_start3A_104] : memref<10240x128xf32, #tpu.memory_space<vmem_shared>> -> memref<40x128xf32, #tpu.memory_space<vmem_shared>>
      tpu.enqueue_dma source(%arg24 : memref<40x128xf32, #tpu.memory_space<vmem>>) target(%dma_start3A_105 : memref<40x128xf32, #tpu.memory_space<vmem_shared>>) target_semaphore(%run_scoped3A : memref<!tpu.dma_semaphore, #tpu.memory_space<semaphore_mem>>)
      %dma_wait3A = arith.constant 0 : i32
      %dma_wait3A_106 = tpu.memref_slice %arg26[%add3A_79, %dma_wait3A] : memref<10240x128xf32, #tpu.memory_space<vmem_shared>> -> memref<40x128xf32, #tpu.memory_space<vmem_shared>>
      %dma_wait3A_107 = arith.constant 0 : i32
      %dma_wait3A_108 = tpu.memref_slice %arg26[%add3A_79, %dma_wait3A_107] : memref<10240x128xf32, #tpu.memory_space<vmem_shared>> -> memref<40x128xf32, #tpu.memory_space<vmem_shared>>
      tpu.wait_dma2 semaphore(%run_scoped3A : memref<!tpu.dma_semaphore, #tpu.memory_space<semaphore_mem>>) src(%arg24 : memref<40x128xf32, #tpu.memory_space<vmem>>) dst(%dma_wait3A_108 : memref<40x128xf32, #tpu.memory_space<vmem_shared>>)
      tpu.yield
    }) : () -> ()
    %mul3A_80 = arith.constant 640 : i32
    %mul3A_81 = arith.muli %arg1, %mul3A_80 : i32
    %add3A_82 = arith.constant 480 : i32
    %add3A_83 = arith.addi %mul3A_81, %add3A_82 : i32
    "tpu.region"() ({
      %run_scoped3A = tpu.sem_alloc : memref<!tpu.dma_semaphore, #tpu.memory_space<semaphore_mem>>
      %dma_start3A = arith.constant 0 : i32
      %dma_start3A_103 = tpu.memref_slice %arg26[%add3A_83, %dma_start3A] : memref<10240x128xf32, #tpu.memory_space<vmem_shared>> -> memref<40x128xf32, #tpu.memory_space<vmem_shared>>
      %dma_start3A_104 = arith.constant 0 : i32
      %dma_start3A_105 = tpu.memref_slice %arg26[%add3A_83, %dma_start3A_104] : memref<10240x128xf32, #tpu.memory_space<vmem_shared>> -> memref<40x128xf32, #tpu.memory_space<vmem_shared>>
      tpu.enqueue_dma source(%arg24 : memref<40x128xf32, #tpu.memory_space<vmem>>) target(%dma_start3A_105 : memref<40x128xf32, #tpu.memory_space<vmem_shared>>) target_semaphore(%run_scoped3A : memref<!tpu.dma_semaphore, #tpu.memory_space<semaphore_mem>>)
      %dma_wait3A = arith.constant 0 : i32
      %dma_wait3A_106 = tpu.memref_slice %arg26[%add3A_83, %dma_wait3A] : memref<10240x128xf32, #tpu.memory_space<vmem_shared>> -> memref<40x128xf32, #tpu.memory_space<vmem_shared>>
      %dma_wait3A_107 = arith.constant 0 : i32
      %dma_wait3A_108 = tpu.memref_slice %arg26[%add3A_83, %dma_wait3A_107] : memref<10240x128xf32, #tpu.memory_space<vmem_shared>> -> memref<40x128xf32, #tpu.memory_space<vmem_shared>>
      tpu.wait_dma2 semaphore(%run_scoped3A : memref<!tpu.dma_semaphore, #tpu.memory_space<semaphore_mem>>) src(%arg24 : memref<40x128xf32, #tpu.memory_space<vmem>>) dst(%dma_wait3A_108 : memref<40x128xf32, #tpu.memory_space<vmem_shared>>)
      tpu.yield
    }) : () -> ()
    %mul3A_84 = arith.constant 640 : i32
    %mul3A_85 = arith.muli %arg1, %mul3A_84 : i32
    %add3A_86 = arith.constant 520 : i32
    %add3A_87 = arith.addi %mul3A_85, %add3A_86 : i32
    "tpu.region"() ({
      %run_scoped3A = tpu.sem_alloc : memref<!tpu.dma_semaphore, #tpu.memory_space<semaphore_mem>>
      %dma_start3A = arith.constant 0 : i32
      %dma_start3A_103 = tpu.memref_slice %arg26[%add3A_87, %dma_start3A] : memref<10240x128xf32, #tpu.memory_space<vmem_shared>> -> memref<40x128xf32, #tpu.memory_space<vmem_shared>>
      %dma_start3A_104 = arith.constant 0 : i32
      %dma_start3A_105 = tpu.memref_slice %arg26[%add3A_87, %dma_start3A_104] : memref<10240x128xf32, #tpu.memory_space<vmem_shared>> -> memref<40x128xf32, #tpu.memory_space<vmem_shared>>
      tpu.enqueue_dma source(%arg24 : memref<40x128xf32, #tpu.memory_space<vmem>>) target(%dma_start3A_105 : memref<40x128xf32, #tpu.memory_space<vmem_shared>>) target_semaphore(%run_scoped3A : memref<!tpu.dma_semaphore, #tpu.memory_space<semaphore_mem>>)
      %dma_wait3A = arith.constant 0 : i32
      %dma_wait3A_106 = tpu.memref_slice %arg26[%add3A_87, %dma_wait3A] : memref<10240x128xf32, #tpu.memory_space<vmem_shared>> -> memref<40x128xf32, #tpu.memory_space<vmem_shared>>
      %dma_wait3A_107 = arith.constant 0 : i32
      %dma_wait3A_108 = tpu.memref_slice %arg26[%add3A_87, %dma_wait3A_107] : memref<10240x128xf32, #tpu.memory_space<vmem_shared>> -> memref<40x128xf32, #tpu.memory_space<vmem_shared>>
      tpu.wait_dma2 semaphore(%run_scoped3A : memref<!tpu.dma_semaphore, #tpu.memory_space<semaphore_mem>>) src(%arg24 : memref<40x128xf32, #tpu.memory_space<vmem>>) dst(%dma_wait3A_108 : memref<40x128xf32, #tpu.memory_space<vmem_shared>>)
      tpu.yield
    }) : () -> ()
    %mul3A_88 = arith.constant 640 : i32
    %mul3A_89 = arith.muli %arg1, %mul3A_88 : i32
    %add3A_90 = arith.constant 560 : i32
    %add3A_91 = arith.addi %mul3A_89, %add3A_90 : i32
    "tpu.region"() ({
      %run_scoped3A = tpu.sem_alloc : memref<!tpu.dma_semaphore, #tpu.memory_space<semaphore_mem>>
      %dma_start3A = arith.constant 0 : i32
      %dma_start3A_103 = tpu.memref_slice %arg26[%add3A_91, %dma_start3A] : memref<10240x128xf32, #tpu.memory_space<vmem_shared>> -> memref<40x128xf32, #tpu.memory_space<vmem_shared>>
      %dma_start3A_104 = arith.constant 0 : i32
      %dma_start3A_105 = tpu.memref_slice %arg26[%add3A_91, %dma_start3A_104] : memref<10240x128xf32, #tpu.memory_space<vmem_shared>> -> memref<40x128xf32, #tpu.memory_space<vmem_shared>>
      tpu.enqueue_dma source(%arg24 : memref<40x128xf32, #tpu.memory_space<vmem>>) target(%dma_start3A_105 : memref<40x128xf32, #tpu.memory_space<vmem_shared>>) target_semaphore(%run_scoped3A : memref<!tpu.dma_semaphore, #tpu.memory_space<semaphore_mem>>)
      %dma_wait3A = arith.constant 0 : i32
      %dma_wait3A_106 = tpu.memref_slice %arg26[%add3A_91, %dma_wait3A] : memref<10240x128xf32, #tpu.memory_space<vmem_shared>> -> memref<40x128xf32, #tpu.memory_space<vmem_shared>>
      %dma_wait3A_107 = arith.constant 0 : i32
      %dma_wait3A_108 = tpu.memref_slice %arg26[%add3A_91, %dma_wait3A_107] : memref<10240x128xf32, #tpu.memory_space<vmem_shared>> -> memref<40x128xf32, #tpu.memory_space<vmem_shared>>
      tpu.wait_dma2 semaphore(%run_scoped3A : memref<!tpu.dma_semaphore, #tpu.memory_space<semaphore_mem>>) src(%arg24 : memref<40x128xf32, #tpu.memory_space<vmem>>) dst(%dma_wait3A_108 : memref<40x128xf32, #tpu.memory_space<vmem_shared>>)
      tpu.yield
    }) : () -> ()
    %mul3A_92 = arith.constant 640 : i32
    %mul3A_93 = arith.muli %arg1, %mul3A_92 : i32
    %add3A_94 = arith.constant 600 : i32
    %add3A_95 = arith.addi %mul3A_93, %add3A_94 : i32
    "tpu.region"() ({
      %run_scoped3A = tpu.sem_alloc : memref<!tpu.dma_semaphore, #tpu.memory_space<semaphore_mem>>
      %dma_start3A = arith.constant 0 : i32
      %dma_start3A_103 = tpu.memref_slice %arg26[%add3A_95, %dma_start3A] : memref<10240x128xf32, #tpu.memory_space<vmem_shared>> -> memref<40x128xf32, #tpu.memory_space<vmem_shared>>
      %dma_start3A_104 = arith.constant 0 : i32
      %dma_start3A_105 = tpu.memref_slice %arg26[%add3A_95, %dma_start3A_104] : memref<10240x128xf32, #tpu.memory_space<vmem_shared>> -> memref<40x128xf32, #tpu.memory_space<vmem_shared>>
      tpu.enqueue_dma source(%arg24 : memref<40x128xf32, #tpu.memory_space<vmem>>) target(%dma_start3A_105 : memref<40x128xf32, #tpu.memory_space<vmem_shared>>) target_semaphore(%run_scoped3A : memref<!tpu.dma_semaphore, #tpu.memory_space<semaphore_mem>>)
      %dma_wait3A = arith.constant 0 : i32
      %dma_wait3A_106 = tpu.memref_slice %arg26[%add3A_95, %dma_wait3A] : memref<10240x128xf32, #tpu.memory_space<vmem_shared>> -> memref<40x128xf32, #tpu.memory_space<vmem_shared>>
      %dma_wait3A_107 = arith.constant 0 : i32
      %dma_wait3A_108 = tpu.memref_slice %arg26[%add3A_95, %dma_wait3A_107] : memref<10240x128xf32, #tpu.memory_space<vmem_shared>> -> memref<40x128xf32, #tpu.memory_space<vmem_shared>>
      tpu.wait_dma2 semaphore(%run_scoped3A : memref<!tpu.dma_semaphore, #tpu.memory_space<semaphore_mem>>) src(%arg24 : memref<40x128xf32, #tpu.memory_space<vmem>>) dst(%dma_wait3A_108 : memref<40x128xf32, #tpu.memory_space<vmem_shared>>)
      tpu.yield
    }) : () -> ()
    %barrier3A = arith.constant 0 : index
    tpu.barrier barrier_id(%barrier3A)
    %eq3A = arith.constant 0 : i32
    %eq3A_96 = arith.cmpi eq, %arg0, %eq3A : i32
    %convert_element_type3A = arith.extui %eq3A_96 : i1 to i32
    %cond3A = arith.constant 0 : i32
    %cond3A_97 = arith.cmpi ne, %convert_element_type3A, %cond3A : i32
    scf.if %cond3A_97 {
      "tpu.region"() ({
        %run_scoped3A_186 = tpu.sem_alloc : memref<!tpu.dma_semaphore, #tpu.memory_space<semaphore_mem>>
        tpu.enqueue_dma source(%arg8 : memref<10000xf32, #tpu.memory_space<hbm>>) target(%arg17 : memref<10000xf32, #tpu.memory_space<vmem>>) target_semaphore(%run_scoped3A_186 : memref<!tpu.dma_semaphore, #tpu.memory_space<semaphore_mem>>)
        tpu.wait_dma2 semaphore(%run_scoped3A_186 : memref<!tpu.dma_semaphore, #tpu.memory_space<semaphore_mem>>) src(%arg8 : memref<10000xf32, #tpu.memory_space<hbm>>) dst(%arg17 : memref<10000xf32, #tpu.memory_space<vmem>>)
        tpu.yield
      }) : () -> ()
      "tpu.region"() ({
        %run_scoped3A_186 = tpu.sem_alloc : memref<!tpu.dma_semaphore, #tpu.memory_space<semaphore_mem>>
        tpu.enqueue_dma source(%arg9 : memref<10000xf32, #tpu.memory_space<hbm>>) target(%arg18 : memref<10000xf32, #tpu.memory_space<vmem>>) target_semaphore(%run_scoped3A_186 : memref<!tpu.dma_semaphore, #tpu.memory_space<semaphore_mem>>)
        tpu.wait_dma2 semaphore(%run_scoped3A_186 : memref<!tpu.dma_semaphore, #tpu.memory_space<semaphore_mem>>) src(%arg9 : memref<10000xf32, #tpu.memory_space<hbm>>) dst(%arg18 : memref<10000xf32, #tpu.memory_space<vmem>>)
        tpu.yield
      }) : () -> ()
      %run_scoped3A = arith.constant 0 : i32
      "tpu.region"() ({
        %run_scoped3A_186 = tpu.sem_alloc : memref<!tpu.dma_semaphore, #tpu.memory_space<semaphore_mem>>
        %dma_start3A = arith.constant 0 : i32
        %dma_start3A_187 = tpu.memref_slice %arg12[%run_scoped3A, %dma_start3A] : memref<2x128xf32, #tpu.memory_space<hbm>> -> memref<1x128xf32, #tpu.memory_space<hbm>>
        %dma_start3A_188 = tpu.memref_squeeze %dma_start3A_187 : memref<1x128xf32, #tpu.memory_space<hbm>> -> memref<128xf32, #tpu.memory_space<hbm>>
        %dma_start3A_189 = arith.constant 0 : i32
        %dma_start3A_190 = tpu.memref_slice %arg12[%run_scoped3A, %dma_start3A_189] : memref<2x128xf32, #tpu.memory_space<hbm>> -> memref<1x128xf32, #tpu.memory_space<hbm>>
        %dma_start3A_191 = tpu.memref_squeeze %dma_start3A_190 : memref<1x128xf32, #tpu.memory_space<hbm>> -> memref<128xf32, #tpu.memory_space<hbm>>
        tpu.enqueue_dma source(%dma_start3A_191 : memref<128xf32, #tpu.memory_space<hbm>>) target(%arg19 : memref<128xf32, #tpu.memory_space<vmem>>) target_semaphore(%run_scoped3A_186 : memref<!tpu.dma_semaphore, #tpu.memory_space<semaphore_mem>>)
        %dma_wait3A = arith.constant 0 : i32
        %dma_wait3A_192 = tpu.memref_slice %arg12[%run_scoped3A, %dma_wait3A] : memref<2x128xf32, #tpu.memory_space<hbm>> -> memref<1x128xf32, #tpu.memory_space<hbm>>
        %dma_wait3A_193 = tpu.memref_squeeze %dma_wait3A_192 : memref<1x128xf32, #tpu.memory_space<hbm>> -> memref<128xf32, #tpu.memory_space<hbm>>
        %dma_wait3A_194 = arith.constant 0 : i32
        %dma_wait3A_195 = tpu.memref_slice %arg12[%run_scoped3A, %dma_wait3A_194] : memref<2x128xf32, #tpu.memory_space<hbm>> -> memref<1x128xf32, #tpu.memory_space<hbm>>
        %dma_wait3A_196 = tpu.memref_squeeze %dma_wait3A_195 : memref<1x128xf32, #tpu.memory_space<hbm>> -> memref<128xf32, #tpu.memory_space<hbm>>
        tpu.wait_dma2 semaphore(%run_scoped3A_186 : memref<!tpu.dma_semaphore, #tpu.memory_space<semaphore_mem>>) src(%dma_wait3A_196 : memref<128xf32, #tpu.memory_space<hbm>>) dst(%arg19 : memref<128xf32, #tpu.memory_space<vmem>>)
        tpu.yield
      }) : () -> ()
      %get3A = arith.constant 0 : index
      %get3A_103 = tpu.vector_load %arg19[%get3A] {strides = array<i32>} : memref<128xf32, #tpu.memory_space<vmem>>, vector<16xf32>,
      %slice3A = vector.extract_strided_slice %get3A_103 {offsets = [0], sizes = [1], strides = [1]} : vector<16xf32> to vector<1xf32>
      %squeeze3A = vector.extract %slice3A[0] : f32 from vector<1xf32>
      %broadcast_in_dim3A_104 = vector.broadcast %squeeze3A : f32 to vector<16xf32>
      %add3A_105 = arith.constant 0 : i32
      %add3A_106 = vector.broadcast %add3A_105 : i32 to vector<16xi32>
      %add3A_107 = arith.addi %iota3A, %add3A_106 : vector<16xi32>
      %ge3A = arith.constant 40 : i32
      %ge3A_108 = vector.broadcast %ge3A : i32 to vector<16xi32>
      %ge3A_109 = arith.cmpi sge, %add3A_107, %ge3A_108 : vector<16xi32>
      %jit3A = arith.constant 1 : i32
      %jit3A_110 = arith.constant 0 : i32
      %broadcast_in_dim3A_111 = vector.broadcast %jit3A : i32 to vector<16xi32>
      %broadcast_in_dim3A_112 = vector.broadcast %jit3A_110 : i32 to vector<16xi32>
      %select_n3A = arith.select %ge3A_109, %broadcast_in_dim3A_111, %broadcast_in_dim3A_112 : vector<16xi1>, vector<16xi32>
      %mul3A_113 = arith.constant 40 : i32
      %mul3A_114 = vector.broadcast %mul3A_113 : i32 to vector<16xi32>
      %mul3A_115 = arith.muli %select_n3A, %mul3A_114 : vector<16xi32>
      %sub3A = arith.subi %add3A_107, %mul3A_115 : vector<16xi32>
      %add3A_116 = arith.constant 16 : i32
      %add3A_117 = vector.broadcast %add3A_116 : i32 to vector<16xi32>
      %add3A_118 = arith.addi %iota3A, %add3A_117 : vector<16xi32>
      %ge3A_119 = arith.constant 40 : i32
      %ge3A_120 = vector.broadcast %ge3A_119 : i32 to vector<16xi32>
      %ge3A_121 = arith.cmpi sge, %add3A_118, %ge3A_120 : vector<16xi32>
      %jit3A_122 = arith.constant 1 : i32
      %jit3A_123 = arith.constant 0 : i32
      %broadcast_in_dim3A_124 = vector.broadcast %jit3A_122 : i32 to vector<16xi32>
      %broadcast_in_dim3A_125 = vector.broadcast %jit3A_123 : i32 to vector<16xi32>
      %select_n3A_126 = arith.select %ge3A_121, %broadcast_in_dim3A_124, %broadcast_in_dim3A_125 : vector<16xi1>, vector<16xi32>
      %mul3A_127 = arith.constant 40 : i32
      %mul3A_128 = vector.broadcast %mul3A_127 : i32 to vector<16xi32>
      %mul3A_129 = arith.muli %select_n3A_126, %mul3A_128 : vector<16xi32>
      %sub3A_130 = arith.subi %add3A_118, %mul3A_129 : vector<16xi32>
      %add3A_131 = arith.constant 32 : i32
      %add3A_132 = vector.broadcast %add3A_131 : i32 to vector<16xi32>
      %add3A_133 = arith.addi %iota3A, %add3A_132 : vector<16xi32>
      %ge3A_134 = arith.constant 40 : i32
      %ge3A_135 = vector.broadcast %ge3A_134 : i32 to vector<16xi32>
      %ge3A_136 = arith.cmpi sge, %add3A_133, %ge3A_135 : vector<16xi32>
      %jit3A_137 = arith.constant 1 : i32
      %jit3A_138 = arith.constant 0 : i32
      %broadcast_in_dim3A_139 = vector.broadcast %jit3A_137 : i32 to vector<16xi32>
      %broadcast_in_dim3A_140 = vector.broadcast %jit3A_138 : i32 to vector<16xi32>
      %select_n3A_141 = arith.select %ge3A_136, %broadcast_in_dim3A_139, %broadcast_in_dim3A_140 : vector<16xi1>, vector<16xi32>
      %mul3A_142 = arith.constant 40 : i32
      %mul3A_143 = vector.broadcast %mul3A_142 : i32 to vector<16xi32>
      %mul3A_144 = arith.muli %select_n3A_141, %mul3A_143 : vector<16xi32>
      %sub3A_145 = arith.subi %add3A_133, %mul3A_144 : vector<16xi32>
      %add3A_146 = arith.constant 48 : i32
      %add3A_147 = vector.broadcast %add3A_146 : i32 to vector<16xi32>
      %add3A_148 = arith.addi %iota3A, %add3A_147 : vector<16xi32>
      %ge3A_149 = arith.constant 40 : i32
      %ge3A_150 = vector.broadcast %ge3A_149 : i32 to vector<16xi32>
      %ge3A_151 = arith.cmpi sge, %add3A_148, %ge3A_150 : vector<16xi32>
      %jit3A_152 = arith.constant 1 : i32
      %jit3A_153 = arith.constant 0 : i32
      %broadcast_in_dim3A_154 = vector.broadcast %jit3A_152 : i32 to vector<16xi32>
      %broadcast_in_dim3A_155 = vector.broadcast %jit3A_153 : i32 to vector<16xi32>
      %select_n3A_156 = arith.select %ge3A_151, %broadcast_in_dim3A_154, %broadcast_in_dim3A_155 : vector<16xi1>, vector<16xi32>
      %mul3A_157 = arith.constant 40 : i32
      %mul3A_158 = vector.broadcast %mul3A_157 : i32 to vector<16xi32>
      %mul3A_159 = arith.muli %select_n3A_156, %mul3A_158 : vector<16xi32>
      %sub3A_160 = arith.subi %add3A_148, %mul3A_159 : vector<16xi32>
      %add3A_161 = arith.constant 64 : i32
      %add3A_162 = vector.broadcast %add3A_161 : i32 to vector<16xi32>
      %add3A_163 = arith.addi %iota3A, %add3A_162 : vector<16xi32>
      %ge3A_164 = arith.constant 40 : i32
      %ge3A_165 = vector.broadcast %ge3A_164 : i32 to vector<16xi32>
      %ge3A_166 = arith.cmpi sge, %add3A_163, %ge3A_165 : vector<16xi32>
      %jit3A_167 = arith.constant 1 : i32
      %jit3A_168 = arith.constant 0 : i32
      %broadcast_in_dim3A_169 = vector.broadcast %jit3A_167 : i32 to vector<16xi32>
      %broadcast_in_dim3A_170 = vector.broadcast %jit3A_168 : i32 to vector<16xi32>
      %select_n3A_171 = arith.select %ge3A_166, %broadcast_in_dim3A_169, %broadcast_in_dim3A_170 : vector<16xi1>, vector<16xi32>
      %mul3A_172 = arith.constant 40 : i32
      %mul3A_173 = vector.broadcast %mul3A_172 : i32 to vector<16xi32>
      %mul3A_174 = arith.muli %select_n3A_171, %mul3A_173 : vector<16xi32>
      %sub3A_175 = arith.subi %add3A_163, %mul3A_174 : vector<16xi32>
      %scan3A_176 = arith.constant 0 : i32
      %scan3A_177 = arith.constant 25 : i32
      %scan3A_178 = arith.addi %scan3A_176, %scan3A_177 : i32
      %scan3A_179 = arith.constant 1 : i32
      scf.for %scan3A_186 = %scan3A_176 to %scan3A_178 step %scan3A_179  : i32 {
        %mul3A_187 = arith.constant 1 : i32
        %mul3A_188 = arith.muli %scan3A_186, %mul3A_187 : i32
        %add3A_189 = arith.constant 0 : i32
        %add3A_190 = arith.addi %add3A_189, %mul3A_188 : i32
        %mul3A_191 = arith.constant 800 : i32
        %mul3A_192 = arith.muli %add3A_190, %mul3A_191 : i32
        "tpu.region"() ({
          %run_scoped3A_217 = tpu.sem_alloc : memref<!tpu.dma_semaphore, #tpu.memory_space<semaphore_mem>>
          %dma_start3A_218 = tpu.memref_slice %arg4[%arg1, %mul3A_192] : memref<16x20000xi32, #tpu.memory_space<hbm>> -> memref<1x800xi32, #tpu.memory_space<hbm>>
          %dma_start3A_219 = tpu.memref_squeeze %dma_start3A_218 : memref<1x800xi32, #tpu.memory_space<hbm>> -> memref<800xi32, #tpu.memory_space<hbm>>
          %dma_start3A_220 = tpu.memref_slice %arg4[%arg1, %mul3A_192] : memref<16x20000xi32, #tpu.memory_space<hbm>> -> memref<1x800xi32, #tpu.memory_space<hbm>>
          %dma_start3A_221 = tpu.memref_squeeze %dma_start3A_220 : memref<1x800xi32, #tpu.memory_space<hbm>> -> memref<800xi32, #tpu.memory_space<hbm>>
          tpu.enqueue_dma source(%dma_start3A_221 : memref<800xi32, #tpu.memory_space<hbm>>) target(%arg21 : memref<800xi32, #tpu.memory_space<vmem>>) target_semaphore(%run_scoped3A_217 : memref<!tpu.dma_semaphore, #tpu.memory_space<semaphore_mem>>)
          %dma_wait3A_222 = tpu.memref_slice %arg4[%arg1, %mul3A_192] : memref<16x20000xi32, #tpu.memory_space<hbm>> -> memref<1x800xi32, #tpu.memory_space<hbm>>
          %dma_wait3A_223 = tpu.memref_squeeze %dma_wait3A_222 : memref<1x800xi32, #tpu.memory_space<hbm>> -> memref<800xi32, #tpu.memory_space<hbm>>
          %dma_wait3A_224 = tpu.memref_slice %arg4[%arg1, %mul3A_192] : memref<16x20000xi32, #tpu.memory_space<hbm>> -> memref<1x800xi32, #tpu.memory_space<hbm>>
          %dma_wait3A_225 = tpu.memref_squeeze %dma_wait3A_224 : memref<1x800xi32, #tpu.memory_space<hbm>> -> memref<800xi32, #tpu.memory_space<hbm>>
          tpu.wait_dma2 semaphore(%run_scoped3A_217 : memref<!tpu.dma_semaphore, #tpu.memory_space<semaphore_mem>>) src(%dma_wait3A_225 : memref<800xi32, #tpu.memory_space<hbm>>) dst(%arg21 : memref<800xi32, #tpu.memory_space<vmem>>)
          tpu.yield
        }) : () -> ()
        %mul3A_193 = arith.constant 20 : i32
        %mul3A_194 = arith.muli %add3A_190, %mul3A_193 : i32
        "tpu.region"() ({
          %run_scoped3A_217 = tpu.sem_alloc : memref<!tpu.dma_semaphore, #tpu.memory_space<semaphore_mem>>
          %dma_start3A_218 = arith.constant 0 : i32
          %dma_start3A_219 = tpu.memref_slice %arg5[%arg1, %mul3A_194, %dma_start3A_218] : memref<16x500x40xi32, #tpu.memory_space<hbm>> -> memref<1x20x40xi32, #tpu.memory_space<hbm>>
          %dma_start3A_220 = tpu.memref_squeeze %dma_start3A_219 : memref<1x20x40xi32, #tpu.memory_space<hbm>> -> memref<20x40xi32, #tpu.memory_space<hbm>>
          %dma_start3A_221 = arith.constant 0 : i32
          %dma_start3A_222 = tpu.memref_slice %arg5[%arg1, %mul3A_194, %dma_start3A_221] : memref<16x500x40xi32, #tpu.memory_space<hbm>> -> memref<1x20x40xi32, #tpu.memory_space<hbm>>
          %dma_start3A_223 = tpu.memref_squeeze %dma_start3A_222 : memref<1x20x40xi32, #tpu.memory_space<hbm>> -> memref<20x40xi32, #tpu.memory_space<hbm>>
          tpu.enqueue_dma source(%dma_start3A_223 : memref<20x40xi32, #tpu.memory_space<hbm>>) target(%arg22 : memref<20x40xi32, #tpu.memory_space<vmem>>) target_semaphore(%run_scoped3A_217 : memref<!tpu.dma_semaphore, #tpu.memory_space<semaphore_mem>>)
          %dma_wait3A_224 = arith.constant 0 : i32
          %dma_wait3A_225 = tpu.memref_slice %arg5[%arg1, %mul3A_194, %dma_wait3A_224] : memref<16x500x40xi32, #tpu.memory_space<hbm>> -> memref<1x20x40xi32, #tpu.memory_space<hbm>>
          %dma_wait3A_226 = tpu.memref_squeeze %dma_wait3A_225 : memref<1x20x40xi32, #tpu.memory_space<hbm>> -> memref<20x40xi32, #tpu.memory_space<hbm>>
          %dma_wait3A_227 = arith.constant 0 : i32
          %dma_wait3A_228 = tpu.memref_slice %arg5[%arg1, %mul3A_194, %dma_wait3A_227] : memref<16x500x40xi32, #tpu.memory_space<hbm>> -> memref<1x20x40xi32, #tpu.memory_space<hbm>>
          %dma_wait3A_229 = tpu.memref_squeeze %dma_wait3A_228 : memref<1x20x40xi32, #tpu.memory_space<hbm>> -> memref<20x40xi32, #tpu.memory_space<hbm>>
          tpu.wait_dma2 semaphore(%run_scoped3A_217 : memref<!tpu.dma_semaphore, #tpu.memory_space<semaphore_mem>>) src(%dma_wait3A_229 : memref<20x40xi32, #tpu.memory_space<hbm>>) dst(%arg22 : memref<20x40xi32, #tpu.memory_space<vmem>>)
          tpu.yield
        }) : () -> ()
        %dma_start3A = arith.constant 0 : i32
        %dma_start3A_195 = tpu.memref_slice %arg21[%dma_start3A] : memref<800xi32, #tpu.memory_space<vmem>> -> memref<40xi32, #tpu.memory_space<vmem>>
        %dma_start3A_196 = arith.constant 0 : i32
        %dma_start3A_197 = arith.constant 0 : i32
        %dma_start3A_198 = tpu.memref_slice %arg2[%dma_start3A_196, %dma_start3A_197] : memref<10000x128xf32, #tpu.memory_space<hbm>> -> memref<10000x128xf32, #tpu.memory_space<hbm>>
        tpu.enqueue_indirect_dma source(%dma_start3A_198 : memref<10000x128xf32, #tpu.memory_space<hbm>>) target(%arg24 : memref<40x128xf32, #tpu.memory_space<vmem>>) offsets(%dma_start3A_195 : memref<40xi32, #tpu.memory_space<vmem>>) semaphore(%arg27 : memref<!tpu.dma_semaphore, #tpu.memory_space<semaphore_mem>>)
        %scan3A_199 = arith.constant 0 : i32
        %scan3A_200 = arith.constant 10 : i32
        %scan3A_201 = arith.addi %scan3A_199, %scan3A_200 : i32
        %scan3A_202 = arith.constant 1 : i32
        scf.for %scan3A_217 = %scan3A_199 to %scan3A_201 step %scan3A_202  : i32 {
          %mul3A_218 = arith.constant 1 : i32
          %mul3A_219 = arith.muli %scan3A_217, %mul3A_218 : i32
          %add3A_220 = arith.constant 0 : i32
          %add3A_221 = arith.addi %add3A_220, %mul3A_219 : i32
          %mul3A_222 = arith.constant 2 : i32
          %mul3A_223 = arith.muli %mul3A_222, %add3A_221 : i32
          %add3A_224 = arith.constant 1 : i32
          %add3A_225 = arith.addi %mul3A_223, %add3A_224 : i32
          %mul3A_226 = arith.constant 40 : i32
          %mul3A_227 = arith.muli %mul3A_223, %mul3A_226 : i32
          %add3A_228 = arith.constant 0 : i32
          %add3A_229 = arith.addi %mul3A_227, %add3A_228 : i32
          %get3A_230 = arith.index_cast %add3A_229 : i32 to index
          %get3A_231 = tpu.vector_load %arg21[%get3A_230] {strides = array<i32>} : memref<800xi32, #tpu.memory_space<vmem>>, vector<16xi32>,
          %broadcast_in_dim3A_232 = vector.broadcast %mul3A_223 : i32 to vector<16xi32>
          %add3A_233 = arith.addi %broadcast_in_dim3A_232, %select_n3A : vector<16xi32>
          %gather3A = tpu.vector_load_idx %arg22[%add3A_233, %sub3A] : memref<20x40xi32, #tpu.memory_space<vmem>>[vector<16xi32>, vector<16xi32>], vector<16xi32>,
          %gather3A_234 = tpu.vector_load_idx %arg17[%get3A_231] : memref<10000xf32, #tpu.memory_space<vmem>>[vector<16xi32>], vector<16xf32>,
          %gather3A_235 = tpu.vector_load_idx %arg18[%gather3A] : memref<10000xf32, #tpu.memory_space<vmem>>[vector<16xi32>], vector<16xf32>,
          %add3A_236 = arith.addf %gather3A_234, %gather3A_235 : vector<16xf32>
          %mul3A_237 = arith.constant 0.00999999977 : f32
          %mul3A_238 = vector.broadcast %mul3A_237 : f32 to vector<16xf32>
          %mul3A_239 = arith.mulf %mul3A_238, %add3A_236 : vector<16xf32>
          %max3A = arith.maximumf %add3A_236, %mul3A_239 : vector<16xf32>
          %add3A_240 = arith.addf %gather3A_235, %broadcast_in_dim3A_104 : vector<16xf32>
          %mul3A_241 = arith.constant 0.00999999977 : f32
          %mul3A_242 = vector.broadcast %mul3A_241 : f32 to vector<16xf32>
          %mul3A_243 = arith.mulf %mul3A_242, %add3A_240 : vector<16xf32>
          %max3A_244 = arith.maximumf %add3A_240, %mul3A_243 : vector<16xf32>
          %sub3A_245 = arith.subf %max3A, %max3A_244 : vector<16xf32>
          %exp3A = math.exp %sub3A_245 : vector<16xf32>
          %swap3A = arith.constant 0 : index
          %swap3A_246 = tpu.vector_load %arg23[%swap3A] {strides = array<i32>} : memref<96xf32, #tpu.memory_space<vmem>>, vector<16xf32>,
          tpu.vector_store %arg23[%swap3A], %exp3A {strides = array<i32>} : memref<96xf32, #tpu.memory_space<vmem>>, vector<16xf32>,
          tpu.vector_store_idx %arg20[%gather3A], %exp3A {add = true} : memref<10240xf32, #tpu.memory_space<vmem>>[vector<16xi32>], vector<16xf32>,
          %add3A_247 = arith.constant 16 : i32
          %add3A_248 = arith.addi %mul3A_227, %add3A_247 : i32
          %get3A_249 = arith.index_cast %add3A_248 : i32 to index
          %get3A_250 = tpu.vector_load %arg21[%get3A_249] {strides = array<i32>} : memref<800xi32, #tpu.memory_space<vmem>>, vector<16xi32>,
          %broadcast_in_dim3A_251 = vector.broadcast %mul3A_223 : i32 to vector<16xi32>
          %add3A_252 = arith.addi %broadcast_in_dim3A_251, %select_n3A_126 : vector<16xi32>
          %gather3A_253 = tpu.vector_load_idx %arg22[%add3A_252, %sub3A_130] : memref<20x40xi32, #tpu.memory_space<vmem>>[vector<16xi32>, vector<16xi32>], vector<16xi32>,
          %gather3A_254 = tpu.vector_load_idx %arg17[%get3A_250] : memref<10000xf32, #tpu.memory_space<vmem>>[vector<16xi32>], vector<16xf32>,
          %gather3A_255 = tpu.vector_load_idx %arg18[%gather3A_253] : memref<10000xf32, #tpu.memory_space<vmem>>[vector<16xi32>], vector<16xf32>,
          %add3A_256 = arith.addf %gather3A_254, %gather3A_255 : vector<16xf32>
          %mul3A_257 = arith.constant 0.00999999977 : f32
          %mul3A_258 = vector.broadcast %mul3A_257 : f32 to vector<16xf32>
          %mul3A_259 = arith.mulf %mul3A_258, %add3A_256 : vector<16xf32>
          %max3A_260 = arith.maximumf %add3A_256, %mul3A_259 : vector<16xf32>
          %add3A_261 = arith.addf %gather3A_255, %broadcast_in_dim3A_104 : vector<16xf32>
          %mul3A_262 = arith.constant 0.00999999977 : f32
          %mul3A_263 = vector.broadcast %mul3A_262 : f32 to vector<16xf32>
          %mul3A_264 = arith.mulf %mul3A_263, %add3A_261 : vector<16xf32>
          %max3A_265 = arith.maximumf %add3A_261, %mul3A_264 : vector<16xf32>
          %sub3A_266 = arith.subf %max3A_260, %max3A_265 : vector<16xf32>
          %exp3A_267 = math.exp %sub3A_266 : vector<16xf32>
          %swap3A_268 = arith.constant 16 : index
          %swap3A_269 = tpu.vector_load %arg23[%swap3A_268] {strides = array<i32>} : memref<96xf32, #tpu.memory_space<vmem>>, vector<16xf32>,
          tpu.vector_store %arg23[%swap3A_268], %exp3A_267 {strides = array<i32>} : memref<96xf32, #tpu.memory_space<vmem>>, vector<16xf32>,
          tpu.vector_store_idx %arg20[%gather3A_253], %exp3A_267 {add = true} : memref<10240xf32, #tpu.memory_space<vmem>>[vector<16xi32>], vector<16xf32>,
          %add3A_270 = arith.constant 32 : i32
          %add3A_271 = arith.addi %mul3A_227, %add3A_270 : i32
          %get3A_272 = arith.index_cast %add3A_271 : i32 to index
          %get3A_273 = tpu.vector_load %arg21[%get3A_272] {strides = array<i32>} : memref<800xi32, #tpu.memory_space<vmem>>, vector<16xi32>,
          %broadcast_in_dim3A_274 = vector.broadcast %mul3A_223 : i32 to vector<16xi32>
          %add3A_275 = arith.addi %broadcast_in_dim3A_274, %select_n3A_141 : vector<16xi32>
          %gather3A_276 = tpu.vector_load_idx %arg22[%add3A_275, %sub3A_145] : memref<20x40xi32, #tpu.memory_space<vmem>>[vector<16xi32>, vector<16xi32>], vector<16xi32>,
          %gather3A_277 = tpu.vector_load_idx %arg17[%get3A_273] : memref<10000xf32, #tpu.memory_space<vmem>>[vector<16xi32>], vector<16xf32>,
          %gather3A_278 = tpu.vector_load_idx %arg18[%gather3A_276] : memref<10000xf32, #tpu.memory_space<vmem>>[vector<16xi32>], vector<16xf32>,
          %add3A_279 = arith.addf %gather3A_277, %gather3A_278 : vector<16xf32>
          %mul3A_280 = arith.constant 0.00999999977 : f32
          %mul3A_281 = vector.broadcast %mul3A_280 : f32 to vector<16xf32>
          %mul3A_282 = arith.mulf %mul3A_281, %add3A_279 : vector<16xf32>
          %max3A_283 = arith.maximumf %add3A_279, %mul3A_282 : vector<16xf32>
          %add3A_284 = arith.addf %gather3A_278, %broadcast_in_dim3A_104 : vector<16xf32>
          %mul3A_285 = arith.constant 0.00999999977 : f32
          %mul3A_286 = vector.broadcast %mul3A_285 : f32 to vector<16xf32>
          %mul3A_287 = arith.mulf %mul3A_286, %add3A_284 : vector<16xf32>
          %max3A_288 = arith.maximumf %add3A_284, %mul3A_287 : vector<16xf32>
          %sub3A_289 = arith.subf %max3A_283, %max3A_288 : vector<16xf32>
          %exp3A_290 = math.exp %sub3A_289 : vector<16xf32>
          %swap3A_291 = arith.constant 32 : index
          %swap3A_292 = tpu.vector_load %arg23[%swap3A_291] {strides = array<i32>} : memref<96xf32, #tpu.memory_space<vmem>>, vector<16xf32>,
          tpu.vector_store %arg23[%swap3A_291], %exp3A_290 {strides = array<i32>} : memref<96xf32, #tpu.memory_space<vmem>>, vector<16xf32>,
          tpu.vector_store_idx %arg20[%gather3A_276], %exp3A_290 {add = true} : memref<10240xf32, #tpu.memory_space<vmem>>[vector<16xi32>], vector<16xf32>,
          %add3A_293 = arith.constant 48 : i32
          %add3A_294 = arith.addi %mul3A_227, %add3A_293 : i32
          %get3A_295 = arith.index_cast %add3A_294 : i32 to index
          %get3A_296 = tpu.vector_load %arg21[%get3A_295] {strides = array<i32>} : memref<800xi32, #tpu.memory_space<vmem>>, vector<16xi32>,
          %broadcast_in_dim3A_297 = vector.broadcast %mul3A_223 : i32 to vector<16xi32>
          %add3A_298 = arith.addi %broadcast_in_dim3A_297, %select_n3A_156 : vector<16xi32>
          %gather3A_299 = tpu.vector_load_idx %arg22[%add3A_298, %sub3A_160] : memref<20x40xi32, #tpu.memory_space<vmem>>[vector<16xi32>, vector<16xi32>], vector<16xi32>,
          %gather3A_300 = tpu.vector_load_idx %arg17[%get3A_296] : memref<10000xf32, #tpu.memory_space<vmem>>[vector<16xi32>], vector<16xf32>,
          %gather3A_301 = tpu.vector_load_idx %arg18[%gather3A_299] : memref<10000xf32, #tpu.memory_space<vmem>>[vector<16xi32>], vector<16xf32>,
          %add3A_302 = arith.addf %gather3A_300, %gather3A_301 : vector<16xf32>
          %mul3A_303 = arith.constant 0.00999999977 : f32
          %mul3A_304 = vector.broadcast %mul3A_303 : f32 to vector<16xf32>
          %mul3A_305 = arith.mulf %mul3A_304, %add3A_302 : vector<16xf32>
          %max3A_306 = arith.maximumf %add3A_302, %mul3A_305 : vector<16xf32>
          %add3A_307 = arith.addf %gather3A_301, %broadcast_in_dim3A_104 : vector<16xf32>
          %mul3A_308 = arith.constant 0.00999999977 : f32
          %mul3A_309 = vector.broadcast %mul3A_308 : f32 to vector<16xf32>
          %mul3A_310 = arith.mulf %mul3A_309, %add3A_307 : vector<16xf32>
          %max3A_311 = arith.maximumf %add3A_307, %mul3A_310 : vector<16xf32>
          %sub3A_312 = arith.subf %max3A_306, %max3A_311 : vector<16xf32>
          %exp3A_313 = math.exp %sub3A_312 : vector<16xf32>
          %swap3A_314 = arith.constant 48 : index
          %swap3A_315 = tpu.vector_load %arg23[%swap3A_314] {strides = array<i32>} : memref<96xf32, #tpu.memory_space<vmem>>, vector<16xf32>,
          tpu.vector_store %arg23[%swap3A_314], %exp3A_313 {strides = array<i32>} : memref<96xf32, #tpu.memory_space<vmem>>, vector<16xf32>,
          tpu.vector_store_idx %arg20[%gather3A_299], %exp3A_313 {add = true} : memref<10240xf32, #tpu.memory_space<vmem>>[vector<16xi32>], vector<16xf32>,
          %add3A_316 = arith.constant 64 : i32
          %add3A_317 = arith.addi %mul3A_227, %add3A_316 : i32
          %get3A_318 = arith.index_cast %add3A_317 : i32 to index
          %get3A_319 = tpu.vector_load %arg21[%get3A_318] {strides = array<i32>} : memref<800xi32, #tpu.memory_space<vmem>>, vector<16xi32>,
          %broadcast_in_dim3A_320 = vector.broadcast %mul3A_223 : i32 to vector<16xi32>
          %add3A_321 = arith.addi %broadcast_in_dim3A_320, %select_n3A_171 : vector<16xi32>
          %gather3A_322 = tpu.vector_load_idx %arg22[%add3A_321, %sub3A_175] : memref<20x40xi32, #tpu.memory_space<vmem>>[vector<16xi32>, vector<16xi32>], vector<16xi32>,
          %gather3A_323 = tpu.vector_load_idx %arg17[%get3A_319] : memref<10000xf32, #tpu.memory_space<vmem>>[vector<16xi32>], vector<16xf32>,
          %gather3A_324 = tpu.vector_load_idx %arg18[%gather3A_322] : memref<10000xf32, #tpu.memory_space<vmem>>[vector<16xi32>], vector<16xf32>,
          %add3A_325 = arith.addf %gather3A_323, %gather3A_324 : vector<16xf32>
          %mul3A_326 = arith.constant 0.00999999977 : f32
          %mul3A_327 = vector.broadcast %mul3A_326 : f32 to vector<16xf32>
          %mul3A_328 = arith.mulf %mul3A_327, %add3A_325 : vector<16xf32>
          %max3A_329 = arith.maximumf %add3A_325, %mul3A_328 : vector<16xf32>
          %add3A_330 = arith.addf %gather3A_324, %broadcast_in_dim3A_104 : vector<16xf32>
          %mul3A_331 = arith.constant 0.00999999977 : f32
          %mul3A_332 = vector.broadcast %mul3A_331 : f32 to vector<16xf32>
          %mul3A_333 = arith.mulf %mul3A_332, %add3A_330 : vector<16xf32>
          %max3A_334 = arith.maximumf %add3A_330, %mul3A_333 : vector<16xf32>
          %sub3A_335 = arith.subf %max3A_329, %max3A_334 : vector<16xf32>
          %exp3A_336 = math.exp %sub3A_335 : vector<16xf32>
          %swap3A_337 = arith.constant 64 : index
          %swap3A_338 = tpu.vector_load %arg23[%swap3A_337] {strides = array<i32>} : memref<96xf32, #tpu.memory_space<vmem>>, vector<16xf32>,
          tpu.vector_store %arg23[%swap3A_337], %exp3A_336 {strides = array<i32>} : memref<96xf32, #tpu.memory_space<vmem>>, vector<16xf32>,
          tpu.vector_store_idx %arg20[%gather3A_322], %exp3A_336 {add = true} : memref<10240xf32, #tpu.memory_space<vmem>>[vector<16xi32>], vector<16xf32>,
          %gt3A = arith.constant 0 : i32
          %gt3A_339 = arith.cmpi sgt, %add3A_221, %gt3A : i32
          %convert_element_type3A_340 = arith.extui %gt3A_339 : i1 to i32
          %cond3A_341 = arith.constant 0 : i32
          %cond3A_342 = arith.cmpi ne, %convert_element_type3A_340, %cond3A_341 : i32
          scf.if %cond3A_342 {
            %sub3A_387 = arith.constant 2 : i32
            %sub3A_388 = arith.subi %add3A_225, %sub3A_387 : i32
            %dma_wait3A_389 = arith.constant 0 : i32
            %dma_wait3A_390 = tpu.memref_slice %arg22[%sub3A_388, %dma_wait3A_389] : memref<20x40xi32, #tpu.memory_space<vmem>> -> memref<1x40xi32, #tpu.memory_space<vmem>>
            %dma_wait3A_391 = tpu.memref_squeeze %dma_wait3A_390 : memref<1x40xi32, #tpu.memory_space<vmem>> -> memref<40xi32, #tpu.memory_space<vmem>>
            %dma_wait3A_392 = arith.constant 0 : i32
            %dma_wait3A_393 = arith.constant 0 : i32
            %dma_wait3A_394 = tpu.memref_slice %arg26[%dma_wait3A_392, %dma_wait3A_393] : memref<10240x128xf32, #tpu.memory_space<vmem_shared>> -> memref<10240x128xf32, #tpu.memory_space<vmem_shared>>
            tpu.wait_indirect_dma semaphore(%arg30 : memref<!tpu.dma_semaphore, #tpu.memory_space<semaphore_mem>>) src(%arg25 : memref<40x128xf32, #tpu.memory_space<vmem>>) dst(%dma_wait3A_394 : memref<10240x128xf32, #tpu.memory_space<vmem_shared>>)
          } else {
          }
          %mul3A_343 = arith.constant 40 : i32
          %mul3A_344 = arith.muli %add3A_225, %mul3A_343 : i32
          %dma_start3A_345 = tpu.memref_slice %arg21[%mul3A_344] : memref<800xi32, #tpu.memory_space<vmem>> -> memref<40xi32, #tpu.memory_space<vmem>>
          %dma_start3A_346 = arith.constant 0 : i32
          %dma_start3A_347 = arith.constant 0 : i32
          %dma_start3A_348 = tpu.memref_slice %arg2[%dma_start3A_346, %dma_start3A_347] : memref<10000x128xf32, #tpu.memory_space<hbm>> -> memref<10000x128xf32, #tpu.memory_space<hbm>>
          tpu.enqueue_indirect_dma source(%dma_start3A_348 : memref<10000x128xf32, #tpu.memory_space<hbm>>) target(%arg25 : memref<40x128xf32, #tpu.memory_space<vmem>>) offsets(%dma_start3A_345 : memref<40xi32, #tpu.memory_space<vmem>>) semaphore(%arg28 : memref<!tpu.dma_semaphore, #tpu.memory_space<semaphore_mem>>)
          %mul3A_349 = arith.constant 40 : i32
          %mul3A_350 = arith.muli %mul3A_223, %mul3A_349 : i32
          %dma_wait3A_351 = tpu.memref_slice %arg21[%mul3A_350] : memref<800xi32, #tpu.memory_space<vmem>> -> memref<40xi32, #tpu.memory_space<vmem>>
          %dma_wait3A_352 = arith.constant 0 : i32
          %dma_wait3A_353 = arith.constant 0 : i32
          %dma_wait3A_354 = tpu.memref_slice %arg2[%dma_wait3A_352, %dma_wait3A_353] : memref<10000x128xf32, #tpu.memory_space<hbm>> -> memref<10000x128xf32, #tpu.memory_space<hbm>>
          tpu.wait_indirect_dma semaphore(%arg27 : memref<!tpu.dma_semaphore, #tpu.memory_space<semaphore_mem>>) src(%dma_wait3A_354 : memref<10000x128xf32, #tpu.memory_space<hbm>>) dst(%arg24 : memref<40x128xf32, #tpu.memory_space<vmem>>)
          %scan3A_355 = arith.constant 0 : i32
          %scan3A_356 = arith.constant 40 : i32
          %scan3A_357 = arith.addi %scan3A_355, %scan3A_356 : i32
          %scan3A_358 = arith.constant 8 : i32
          scf.for %scan3A_387 = %scan3A_355 to %scan3A_357 step %scan3A_358  : i32 {
            %mul3A_388 = arith.constant 1 : i32
            %mul3A_389 = arith.muli %scan3A_387, %mul3A_388 : i32
            %add3A_390 = arith.constant 0 : i32
            %add3A_391 = arith.addi %add3A_390, %mul3A_389 : i32
            %add3A_392 = arith.constant 0 : i32
            %add3A_393 = arith.addi %add3A_391, %add3A_392 : i32
            %get3A_394 = arith.index_cast %add3A_393 : i32 to index
            %get3A_395 = tpu.vector_load %arg23[%get3A_394] {strides = array<i32>} : memref<96xf32, #tpu.memory_space<vmem>>, vector<16xf32>,
            %slice3A_396 = vector.extract_strided_slice %get3A_395 {offsets = [0], sizes = [1], strides = [1]} : vector<16xf32> to vector<1xf32>
            %squeeze3A_397 = vector.extract %slice3A_396[0] : f32 from vector<1xf32>
            %broadcast_in_dim3A_398 = vector.broadcast %squeeze3A_397 : f32 to vector<16xf32>
            %broadcast_in_dim3A_399 = vector.broadcast %add3A_391 : i32 to vector<16xi32>
            %gather3A_400 = tpu.vector_load_idx %arg24[%broadcast_in_dim3A_399, %add3A_2] : memref<40x128xf32, #tpu.memory_space<vmem>>[vector<16xi32>, vector<16xi32>], vector<16xf32>,
            %mul3A_401 = arith.mulf %gather3A_400, %broadcast_in_dim3A_398 : vector<16xf32>
            tpu.vector_store_idx %arg24[%broadcast_in_dim3A_399, %add3A_2], %mul3A_401 : memref<40x128xf32, #tpu.memory_space<vmem>>[vector<16xi32>, vector<16xi32>], vector<16xf32>,
            %gather3A_402 = tpu.vector_load_idx %arg24[%broadcast_in_dim3A_399, %add3A_5] : memref<40x128xf32, #tpu.memory_space<vmem>>[vector<16xi32>, vector<16xi32>], vector<16xf32>,
            %mul3A_403 = arith.mulf %gather3A_402, %broadcast_in_dim3A_398 : vector<16xf32>
            tpu.vector_store_idx %arg24[%broadcast_in_dim3A_399, %add3A_5], %mul3A_403 : memref<40x128xf32, #tpu.memory_space<vmem>>[vector<16xi32>, vector<16xi32>], vector<16xf32>,
            %gather3A_404 = tpu.vector_load_idx %arg24[%broadcast_in_dim3A_399, %add3A_8] : memref<40x128xf32, #tpu.memory_space<vmem>>[vector<16xi32>, vector<16xi32>], vector<16xf32>,
            %mul3A_405 = arith.mulf %gather3A_404, %broadcast_in_dim3A_398 : vector<16xf32>
            tpu.vector_store_idx %arg24[%broadcast_in_dim3A_399, %add3A_8], %mul3A_405 : memref<40x128xf32, #tpu.memory_space<vmem>>[vector<16xi32>, vector<16xi32>], vector<16xf32>,
            %gather3A_406 = tpu.vector_load_idx %arg24[%broadcast_in_dim3A_399, %add3A_11] : memref<40x128xf32, #tpu.memory_space<vmem>>[vector<16xi32>, vector<16xi32>], vector<16xf32>,
            %mul3A_407 = arith.mulf %gather3A_406, %broadcast_in_dim3A_398 : vector<16xf32>
            tpu.vector_store_idx %arg24[%broadcast_in_dim3A_399, %add3A_11], %mul3A_407 : memref<40x128xf32, #tpu.memory_space<vmem>>[vector<16xi32>, vector<16xi32>], vector<16xf32>,
            %gather3A_408 = tpu.vector_load_idx %arg24[%broadcast_in_dim3A_399, %add3A_14] : memref<40x128xf32, #tpu.memory_space<vmem>>[vector<16xi32>, vector<16xi32>], vector<16xf32>,
            %mul3A_409 = arith.mulf %gather3A_408, %broadcast_in_dim3A_398 : vector<16xf32>
            tpu.vector_store_idx %arg24[%broadcast_in_dim3A_399, %add3A_14], %mul3A_409 : memref<40x128xf32, #tpu.memory_space<vmem>>[vector<16xi32>, vector<16xi32>], vector<16xf32>,
            %gather3A_410 = tpu.vector_load_idx %arg24[%broadcast_in_dim3A_399, %add3A_17] : memref<40x128xf32, #tpu.memory_space<vmem>>[vector<16xi32>, vector<16xi32>], vector<16xf32>,
            %mul3A_411 = arith.mulf %gather3A_410, %broadcast_in_dim3A_398 : vector<16xf32>
            tpu.vector_store_idx %arg24[%broadcast_in_dim3A_399, %add3A_17], %mul3A_411 : memref<40x128xf32, #tpu.memory_space<vmem>>[vector<16xi32>, vector<16xi32>], vector<16xf32>,
            %gather3A_412 = tpu.vector_load_idx %arg24[%broadcast_in_dim3A_399, %add3A_20] : memref<40x128xf32, #tpu.memory_space<vmem>>[vector<16xi32>, vector<16xi32>], vector<16xf32>,
            %mul3A_413 = arith.mulf %gather3A_412, %broadcast_in_dim3A_398 : vector<16xf32>
            tpu.vector_store_idx %arg24[%broadcast_in_dim3A_399, %add3A_20], %mul3A_413 : memref<40x128xf32, #tpu.memory_space<vmem>>[vector<16xi32>, vector<16xi32>], vector<16xf32>,
            %gather3A_414 = tpu.vector_load_idx %arg24[%broadcast_in_dim3A_399, %add3A_23] : memref<40x128xf32, #tpu.memory_space<vmem>>[vector<16xi32>, vector<16xi32>], vector<16xf32>,
            %mul3A_415 = arith.mulf %gather3A_414, %broadcast_in_dim3A_398 : vector<16xf32>
            tpu.vector_store_idx %arg24[%broadcast_in_dim3A_399, %add3A_23], %mul3A_415 : memref<40x128xf32, #tpu.memory_space<vmem>>[vector<16xi32>, vector<16xi32>], vector<16xf32>,
            %scan3A_416 = arith.constant 1 : i32
            %scan3A_417 = arith.addi %scan3A_387, %scan3A_416 : i32
            %mul3A_418 = arith.constant 1 : i32
            %mul3A_419 = arith.muli %scan3A_417, %mul3A_418 : i32
            %add3A_420 = arith.constant 0 : i32
            %add3A_421 = arith.addi %add3A_420, %mul3A_419 : i32
            %add3A_422 = arith.constant 0 : i32
            %add3A_423 = arith.addi %add3A_421, %add3A_422 : i32
            %get3A_424 = arith.index_cast %add3A_423 : i32 to index
            %get3A_425 = tpu.vector_load %arg23[%get3A_424] {strides = array<i32>} : memref<96xf32, #tpu.memory_space<vmem>>, vector<16xf32>,
            %slice3A_426 = vector.extract_strided_slice %get3A_425 {offsets = [0], sizes = [1], strides = [1]} : vector<16xf32> to vector<1xf32>
            %squeeze3A_427 = vector.extract %slice3A_426[0] : f32 from vector<1xf32>
            %broadcast_in_dim3A_428 = vector.broadcast %squeeze3A_427 : f32 to vector<16xf32>
            %broadcast_in_dim3A_429 = vector.broadcast %add3A_421 : i32 to vector<16xi32>
            %gather3A_430 = tpu.vector_load_idx %arg24[%broadcast_in_dim3A_429, %add3A_2] : memref<40x128xf32, #tpu.memory_space<vmem>>[vector<16xi32>, vector<16xi32>], vector<16xf32>,
            %mul3A_431 = arith.mulf %gather3A_430, %broadcast_in_dim3A_428 : vector<16xf32>
            tpu.vector_store_idx %arg24[%broadcast_in_dim3A_429, %add3A_2], %mul3A_431 : memref<40x128xf32, #tpu.memory_space<vmem>>[vector<16xi32>, vector<16xi32>], vector<16xf32>,
            %gather3A_432 = tpu.vector_load_idx %arg24[%broadcast_in_dim3A_429, %add3A_5] : memref<40x128xf32, #tpu.memory_space<vmem>>[vector<16xi32>, vector<16xi32>], vector<16xf32>,
            %mul3A_433 = arith.mulf %gather3A_432, %broadcast_in_dim3A_428 : vector<16xf32>
            tpu.vector_store_idx %arg24[%broadcast_in_dim3A_429, %add3A_5], %mul3A_433 : memref<40x128xf32, #tpu.memory_space<vmem>>[vector<16xi32>, vector<16xi32>], vector<16xf32>,
            %gather3A_434 = tpu.vector_load_idx %arg24[%broadcast_in_dim3A_429, %add3A_8] : memref<40x128xf32, #tpu.memory_space<vmem>>[vector<16xi32>, vector<16xi32>], vector<16xf32>,
            %mul3A_435 = arith.mulf %gather3A_434, %broadcast_in_dim3A_428 : vector<16xf32>
            tpu.vector_store_idx %arg24[%broadcast_in_dim3A_429, %add3A_8], %mul3A_435 : memref<40x128xf32, #tpu.memory_space<vmem>>[vector<16xi32>, vector<16xi32>], vector<16xf32>,
            %gather3A_436 = tpu.vector_load_idx %arg24[%broadcast_in_dim3A_429, %add3A_11] : memref<40x128xf32, #tpu.memory_space<vmem>>[vector<16xi32>, vector<16xi32>], vector<16xf32>,
            %mul3A_437 = arith.mulf %gather3A_436, %broadcast_in_dim3A_428 : vector<16xf32>
            tpu.vector_store_idx %arg24[%broadcast_in_dim3A_429, %add3A_11], %mul3A_437 : memref<40x128xf32, #tpu.memory_space<vmem>>[vector<16xi32>, vector<16xi32>], vector<16xf32>,
            %gather3A_438 = tpu.vector_load_idx %arg24[%broadcast_in_dim3A_429, %add3A_14] : memref<40x128xf32, #tpu.memory_space<vmem>>[vector<16xi32>, vector<16xi32>], vector<16xf32>,
            %mul3A_439 = arith.mulf %gather3A_438, %broadcast_in_dim3A_428 : vector<16xf32>
            tpu.vector_store_idx %arg24[%broadcast_in_dim3A_429, %add3A_14], %mul3A_439 : memref<40x128xf32, #tpu.memory_space<vmem>>[vector<16xi32>, vector<16xi32>], vector<16xf32>,
            %gather3A_440 = tpu.vector_load_idx %arg24[%broadcast_in_dim3A_429, %add3A_17] : memref<40x128xf32, #tpu.memory_space<vmem>>[vector<16xi32>, vector<16xi32>], vector<16xf32>,
            %mul3A_441 = arith.mulf %gather3A_440, %broadcast_in_dim3A_428 : vector<16xf32>
            tpu.vector_store_idx %arg24[%broadcast_in_dim3A_429, %add3A_17], %mul3A_441 : memref<40x128xf32, #tpu.memory_space<vmem>>[vector<16xi32>, vector<16xi32>], vector<16xf32>,
            %gather3A_442 = tpu.vector_load_idx %arg24[%broadcast_in_dim3A_429, %add3A_20] : memref<40x128xf32, #tpu.memory_space<vmem>>[vector<16xi32>, vector<16xi32>], vector<16xf32>,
            %mul3A_443 = arith.mulf %gather3A_442, %broadcast_in_dim3A_428 : vector<16xf32>
            tpu.vector_store_idx %arg24[%broadcast_in_dim3A_429, %add3A_20], %mul3A_443 : memref<40x128xf32, #tpu.memory_space<vmem>>[vector<16xi32>, vector<16xi32>], vector<16xf32>,
            %gather3A_444 = tpu.vector_load_idx %arg24[%broadcast_in_dim3A_429, %add3A_23] : memref<40x128xf32, #tpu.memory_space<vmem>>[vector<16xi32>, vector<16xi32>], vector<16xf32>,
            %mul3A_445 = arith.mulf %gather3A_444, %broadcast_in_dim3A_428 : vector<16xf32>
            tpu.vector_store_idx %arg24[%broadcast_in_dim3A_429, %add3A_23], %mul3A_445 : memref<40x128xf32, #tpu.memory_space<vmem>>[vector<16xi32>, vector<16xi32>], vector<16xf32>,
            %scan3A_446 = arith.constant 2 : i32
            %scan3A_447 = arith.addi %scan3A_387, %scan3A_446 : i32
            %mul3A_448 = arith.constant 1 : i32
            %mul3A_449 = arith.muli %scan3A_447, %mul3A_448 : i32
            %add3A_450 = arith.constant 0 : i32
            %add3A_451 = arith.addi %add3A_450, %mul3A_449 : i32
            %add3A_452 = arith.constant 0 : i32
            %add3A_453 = arith.addi %add3A_451, %add3A_452 : i32
            %get3A_454 = arith.index_cast %add3A_453 : i32 to index
            %get3A_455 = tpu.vector_load %arg23[%get3A_454] {strides = array<i32>} : memref<96xf32, #tpu.memory_space<vmem>>, vector<16xf32>,
            %slice3A_456 = vector.extract_strided_slice %get3A_455 {offsets = [0], sizes = [1], strides = [1]} : vector<16xf32> to vector<1xf32>
            %squeeze3A_457 = vector.extract %slice3A_456[0] : f32 from vector<1xf32>
            %broadcast_in_dim3A_458 = vector.broadcast %squeeze3A_457 : f32 to vector<16xf32>
            %broadcast_in_dim3A_459 = vector.broadcast %add3A_451 : i32 to vector<16xi32>
            %gather3A_460 = tpu.vector_load_idx %arg24[%broadcast_in_dim3A_459, %add3A_2] : memref<40x128xf32, #tpu.memory_space<vmem>>[vector<16xi32>, vector<16xi32>], vector<16xf32>,
            %mul3A_461 = arith.mulf %gather3A_460, %broadcast_in_dim3A_458 : vector<16xf32>
            tpu.vector_store_idx %arg24[%broadcast_in_dim3A_459, %add3A_2], %mul3A_461 : memref<40x128xf32, #tpu.memory_space<vmem>>[vector<16xi32>, vector<16xi32>], vector<16xf32>,
            %gather3A_462 = tpu.vector_load_idx %arg24[%broadcast_in_dim3A_459, %add3A_5] : memref<40x128xf32, #tpu.memory_space<vmem>>[vector<16xi32>, vector<16xi32>], vector<16xf32>,
            %mul3A_463 = arith.mulf %gather3A_462, %broadcast_in_dim3A_458 : vector<16xf32>
            tpu.vector_store_idx %arg24[%broadcast_in_dim3A_459, %add3A_5], %mul3A_463 : memref<40x128xf32, #tpu.memory_space<vmem>>[vector<16xi32>, vector<16xi32>], vector<16xf32>,
            %gather3A_464 = tpu.vector_load_idx %arg24[%broadcast_in_dim3A_459, %add3A_8] : memref<40x128xf32, #tpu.memory_space<vmem>>[vector<16xi32>, vector<16xi32>], vector<16xf32>,
            %mul3A_465 = arith.mulf %gather3A_464, %broadcast_in_dim3A_458 : vector<16xf32>
            tpu.vector_store_idx %arg24[%broadcast_in_dim3A_459, %add3A_8], %mul3A_465 : memref<40x128xf32, #tpu.memory_space<vmem>>[vector<16xi32>, vector<16xi32>], vector<16xf32>,
            %gather3A_466 = tpu.vector_load_idx %arg24[%broadcast_in_dim3A_459, %add3A_11] : memref<40x128xf32, #tpu.memory_space<vmem>>[vector<16xi32>, vector<16xi32>], vector<16xf32>,
            %mul3A_467 = arith.mulf %gather3A_466, %broadcast_in_dim3A_458 : vector<16xf32>
            tpu.vector_store_idx %arg24[%broadcast_in_dim3A_459, %add3A_11], %mul3A_467 : memref<40x128xf32, #tpu.memory_space<vmem>>[vector<16xi32>, vector<16xi32>], vector<16xf32>,
            %gather3A_468 = tpu.vector_load_idx %arg24[%broadcast_in_dim3A_459, %add3A_14] : memref<40x128xf32, #tpu.memory_space<vmem>>[vector<16xi32>, vector<16xi32>], vector<16xf32>,
            %mul3A_469 = arith.mulf %gather3A_468, %broadcast_in_dim3A_458 : vector<16xf32>
            tpu.vector_store_idx %arg24[%broadcast_in_dim3A_459, %add3A_14], %mul3A_469 : memref<40x128xf32, #tpu.memory_space<vmem>>[vector<16xi32>, vector<16xi32>], vector<16xf32>,
            %gather3A_470 = tpu.vector_load_idx %arg24[%broadcast_in_dim3A_459, %add3A_17] : memref<40x128xf32, #tpu.memory_space<vmem>>[vector<16xi32>, vector<16xi32>], vector<16xf32>,
            %mul3A_471 = arith.mulf %gather3A_470, %broadcast_in_dim3A_458 : vector<16xf32>
            tpu.vector_store_idx %arg24[%broadcast_in_dim3A_459, %add3A_17], %mul3A_471 : memref<40x128xf32, #tpu.memory_space<vmem>>[vector<16xi32>, vector<16xi32>], vector<16xf32>,
            %gather3A_472 = tpu.vector_load_idx %arg24[%broadcast_in_dim3A_459, %add3A_20] : memref<40x128xf32, #tpu.memory_space<vmem>>[vector<16xi32>, vector<16xi32>], vector<16xf32>,
            %mul3A_473 = arith.mulf %gather3A_472, %broadcast_in_dim3A_458 : vector<16xf32>
            tpu.vector_store_idx %arg24[%broadcast_in_dim3A_459, %add3A_20], %mul3A_473 : memref<40x128xf32, #tpu.memory_space<vmem>>[vector<16xi32>, vector<16xi32>], vector<16xf32>,
            %gather3A_474 = tpu.vector_load_idx %arg24[%broadcast_in_dim3A_459, %add3A_23] : memref<40x128xf32, #tpu.memory_space<vmem>>[vector<16xi32>, vector<16xi32>], vector<16xf32>,
            %mul3A_475 = arith.mulf %gather3A_474, %broadcast_in_dim3A_458 : vector<16xf32>
            tpu.vector_store_idx %arg24[%broadcast_in_dim3A_459, %add3A_23], %mul3A_475 : memref<40x128xf32, #tpu.memory_space<vmem>>[vector<16xi32>, vector<16xi32>], vector<16xf32>,
            %scan3A_476 = arith.constant 3 : i32
            %scan3A_477 = arith.addi %scan3A_387, %scan3A_476 : i32
            %mul3A_478 = arith.constant 1 : i32
            %mul3A_479 = arith.muli %scan3A_477, %mul3A_478 : i32
            %add3A_480 = arith.constant 0 : i32
            %add3A_481 = arith.addi %add3A_480, %mul3A_479 : i32
            %add3A_482 = arith.constant 0 : i32
            %add3A_483 = arith.addi %add3A_481, %add3A_482 : i32
            %get3A_484 = arith.index_cast %add3A_483 : i32 to index
            %get3A_485 = tpu.vector_load %arg23[%get3A_484] {strides = array<i32>} : memref<96xf32, #tpu.memory_space<vmem>>, vector<16xf32>,
            %slice3A_486 = vector.extract_strided_slice %get3A_485 {offsets = [0], sizes = [1], strides = [1]} : vector<16xf32> to vector<1xf32>
            %squeeze3A_487 = vector.extract %slice3A_486[0] : f32 from vector<1xf32>
            %broadcast_in_dim3A_488 = vector.broadcast %squeeze3A_487 : f32 to vector<16xf32>
            %broadcast_in_dim3A_489 = vector.broadcast %add3A_481 : i32 to vector<16xi32>
            %gather3A_490 = tpu.vector_load_idx %arg24[%broadcast_in_dim3A_489, %add3A_2] : memref<40x128xf32, #tpu.memory_space<vmem>>[vector<16xi32>, vector<16xi32>], vector<16xf32>,
            %mul3A_491 = arith.mulf %gather3A_490, %broadcast_in_dim3A_488 : vector<16xf32>
            tpu.vector_store_idx %arg24[%broadcast_in_dim3A_489, %add3A_2], %mul3A_491 : memref<40x128xf32, #tpu.memory_space<vmem>>[vector<16xi32>, vector<16xi32>], vector<16xf32>,
            %gather3A_492 = tpu.vector_load_idx %arg24[%broadcast_in_dim3A_489, %add3A_5] : memref<40x128xf32, #tpu.memory_space<vmem>>[vector<16xi32>, vector<16xi32>], vector<16xf32>,
            %mul3A_493 = arith.mulf %gather3A_492, %broadcast_in_dim3A_488 : vector<16xf32>
            tpu.vector_store_idx %arg24[%broadcast_in_dim3A_489, %add3A_5], %mul3A_493 : memref<40x128xf32, #tpu.memory_space<vmem>>[vector<16xi32>, vector<16xi32>], vector<16xf32>,
            %gather3A_494 = tpu.vector_load_idx %arg24[%broadcast_in_dim3A_489, %add3A_8] : memref<40x128xf32, #tpu.memory_space<vmem>>[vector<16xi32>, vector<16xi32>], vector<16xf32>,
            %mul3A_495 = arith.mulf %gather3A_494, %broadcast_in_dim3A_488 : vector<16xf32>
            tpu.vector_store_idx %arg24[%broadcast_in_dim3A_489, %add3A_8], %mul3A_495 : memref<40x128xf32, #tpu.memory_space<vmem>>[vector<16xi32>, vector<16xi32>], vector<16xf32>,
            %gather3A_496 = tpu.vector_load_idx %arg24[%broadcast_in_dim3A_489, %add3A_11] : memref<40x128xf32, #tpu.memory_space<vmem>>[vector<16xi32>, vector<16xi32>], vector<16xf32>,
            %mul3A_497 = arith.mulf %gather3A_496, %broadcast_in_dim3A_488 : vector<16xf32>
            tpu.vector_store_idx %arg24[%broadcast_in_dim3A_489, %add3A_11], %mul3A_497 : memref<40x128xf32, #tpu.memory_space<vmem>>[vector<16xi32>, vector<16xi32>], vector<16xf32>,
            %gather3A_498 = tpu.vector_load_idx %arg24[%broadcast_in_dim3A_489, %add3A_14] : memref<40x128xf32, #tpu.memory_space<vmem>>[vector<16xi32>, vector<16xi32>], vector<16xf32>,
            %mul3A_499 = arith.mulf %gather3A_498, %broadcast_in_dim3A_488 : vector<16xf32>
            tpu.vector_store_idx %arg24[%broadcast_in_dim3A_489, %add3A_14], %mul3A_499 : memref<40x128xf32, #tpu.memory_space<vmem>>[vector<16xi32>, vector<16xi32>], vector<16xf32>,
            %gather3A_500 = tpu.vector_load_idx %arg24[%broadcast_in_dim3A_489, %add3A_17] : memref<40x128xf32, #tpu.memory_space<vmem>>[vector<16xi32>, vector<16xi32>], vector<16xf32>,
            %mul3A_501 = arith.mulf %gather3A_500, %broadcast_in_dim3A_488 : vector<16xf32>
            tpu.vector_store_idx %arg24[%broadcast_in_dim3A_489, %add3A_17], %mul3A_501 : memref<40x128xf32, #tpu.memory_space<vmem>>[vector<16xi32>, vector<16xi32>], vector<16xf32>,
            %gather3A_502 = tpu.vector_load_idx %arg24[%broadcast_in_dim3A_489, %add3A_20] : memref<40x128xf32, #tpu.memory_space<vmem>>[vector<16xi32>, vector<16xi32>], vector<16xf32>,
            %mul3A_503 = arith.mulf %gather3A_502, %broadcast_in_dim3A_488 : vector<16xf32>
            tpu.vector_store_idx %arg24[%broadcast_in_dim3A_489, %add3A_20], %mul3A_503 : memref<40x128xf32, #tpu.memory_space<vmem>>[vector<16xi32>, vector<16xi32>], vector<16xf32>,
            %gather3A_504 = tpu.vector_load_idx %arg24[%broadcast_in_dim3A_489, %add3A_23] : memref<40x128xf32, #tpu.memory_space<vmem>>[vector<16xi32>, vector<16xi32>], vector<16xf32>,
            %mul3A_505 = arith.mulf %gather3A_504, %broadcast_in_dim3A_488 : vector<16xf32>
            tpu.vector_store_idx %arg24[%broadcast_in_dim3A_489, %add3A_23], %mul3A_505 : memref<40x128xf32, #tpu.memory_space<vmem>>[vector<16xi32>, vector<16xi32>], vector<16xf32>,
            %scan3A_506 = arith.constant 4 : i32
            %scan3A_507 = arith.addi %scan3A_387, %scan3A_506 : i32
            %mul3A_508 = arith.constant 1 : i32
            %mul3A_509 = arith.muli %scan3A_507, %mul3A_508 : i32
            %add3A_510 = arith.constant 0 : i32
            %add3A_511 = arith.addi %add3A_510, %mul3A_509 : i32
            %add3A_512 = arith.constant 0 : i32
            %add3A_513 = arith.addi %add3A_511, %add3A_512 : i32
            %get3A_514 = arith.index_cast %add3A_513 : i32 to index
            %get3A_515 = tpu.vector_load %arg23[%get3A_514] {strides = array<i32>} : memref<96xf32, #tpu.memory_space<vmem>>, vector<16xf32>,
            %slice3A_516 = vector.extract_strided_slice %get3A_515 {offsets = [0], sizes = [1], strides = [1]} : vector<16xf32> to vector<1xf32>
            %squeeze3A_517 = vector.extract %slice3A_516[0] : f32 from vector<1xf32>
            %broadcast_in_dim3A_518 = vector.broadcast %squeeze3A_517 : f32 to vector<16xf32>
            %broadcast_in_dim3A_519 = vector.broadcast %add3A_511 : i32 to vector<16xi32>
            %gather3A_520 = tpu.vector_load_idx %arg24[%broadcast_in_dim3A_519, %add3A_2] : memref<40x128xf32, #tpu.memory_space<vmem>>[vector<16xi32>, vector<16xi32>], vector<16xf32>,
            %mul3A_521 = arith.mulf %gather3A_520, %broadcast_in_dim3A_518 : vector<16xf32>
            tpu.vector_store_idx %arg24[%broadcast_in_dim3A_519, %add3A_2], %mul3A_521 : memref<40x128xf32, #tpu.memory_space<vmem>>[vector<16xi32>, vector<16xi32>], vector<16xf32>,
            %gather3A_522 = tpu.vector_load_idx %arg24[%broadcast_in_dim3A_519, %add3A_5] : memref<40x128xf32, #tpu.memory_space<vmem>>[vector<16xi32>, vector<16xi32>], vector<16xf32>,
            %mul3A_523 = arith.mulf %gather3A_522, %broadcast_in_dim3A_518 : vector<16xf32>
            tpu.vector_store_idx %arg24[%broadcast_in_dim3A_519, %add3A_5], %mul3A_523 : memref<40x128xf32, #tpu.memory_space<vmem>>[vector<16xi32>, vector<16xi32>], vector<16xf32>,
            %gather3A_524 = tpu.vector_load_idx %arg24[%broadcast_in_dim3A_519, %add3A_8] : memref<40x128xf32, #tpu.memory_space<vmem>>[vector<16xi32>, vector<16xi32>], vector<16xf32>,
            %mul3A_525 = arith.mulf %gather3A_524, %broadcast_in_dim3A_518 : vector<16xf32>
            tpu.vector_store_idx %arg24[%broadcast_in_dim3A_519, %add3A_8], %mul3A_525 : memref<40x128xf32, #tpu.memory_space<vmem>>[vector<16xi32>, vector<16xi32>], vector<16xf32>,
            %gather3A_526 = tpu.vector_load_idx %arg24[%broadcast_in_dim3A_519, %add3A_11] : memref<40x128xf32, #tpu.memory_space<vmem>>[vector<16xi32>, vector<16xi32>], vector<16xf32>,
            %mul3A_527 = arith.mulf %gather3A_526, %broadcast_in_dim3A_518 : vector<16xf32>
            tpu.vector_store_idx %arg24[%broadcast_in_dim3A_519, %add3A_11], %mul3A_527 : memref<40x128xf32, #tpu.memory_space<vmem>>[vector<16xi32>, vector<16xi32>], vector<16xf32>,
            %gather3A_528 = tpu.vector_load_idx %arg24[%broadcast_in_dim3A_519, %add3A_14] : memref<40x128xf32, #tpu.memory_space<vmem>>[vector<16xi32>, vector<16xi32>], vector<16xf32>,
            %mul3A_529 = arith.mulf %gather3A_528, %broadcast_in_dim3A_518 : vector<16xf32>
            tpu.vector_store_idx %arg24[%broadcast_in_dim3A_519, %add3A_14], %mul3A_529 : memref<40x128xf32, #tpu.memory_space<vmem>>[vector<16xi32>, vector<16xi32>], vector<16xf32>,
            %gather3A_530 = tpu.vector_load_idx %arg24[%broadcast_in_dim3A_519, %add3A_17] : memref<40x128xf32, #tpu.memory_space<vmem>>[vector<16xi32>, vector<16xi32>], vector<16xf32>,
            %mul3A_531 = arith.mulf %gather3A_530, %broadcast_in_dim3A_518 : vector<16xf32>
            tpu.vector_store_idx %arg24[%broadcast_in_dim3A_519, %add3A_17], %mul3A_531 : memref<40x128xf32, #tpu.memory_space<vmem>>[vector<16xi32>, vector<16xi32>], vector<16xf32>,
            %gather3A_532 = tpu.vector_load_idx %arg24[%broadcast_in_dim3A_519, %add3A_20] : memref<40x128xf32, #tpu.memory_space<vmem>>[vector<16xi32>, vector<16xi32>], vector<16xf32>,
            %mul3A_533 = arith.mulf %gather3A_532, %broadcast_in_dim3A_518 : vector<16xf32>
            tpu.vector_store_idx %arg24[%broadcast_in_dim3A_519, %add3A_20], %mul3A_533 : memref<40x128xf32, #tpu.memory_space<vmem>>[vector<16xi32>, vector<16xi32>], vector<16xf32>,
            %gather3A_534 = tpu.vector_load_idx %arg24[%broadcast_in_dim3A_519, %add3A_23] : memref<40x128xf32, #tpu.memory_space<vmem>>[vector<16xi32>, vector<16xi32>], vector<16xf32>,
            %mul3A_535 = arith.mulf %gather3A_534, %broadcast_in_dim3A_518 : vector<16xf32>
            tpu.vector_store_idx %arg24[%broadcast_in_dim3A_519, %add3A_23], %mul3A_535 : memref<40x128xf32, #tpu.memory_space<vmem>>[vector<16xi32>, vector<16xi32>], vector<16xf32>,
            %scan3A_536 = arith.constant 5 : i32
            %scan3A_537 = arith.addi %scan3A_387, %scan3A_536 : i32
            %mul3A_538 = arith.constant 1 : i32
            %mul3A_539 = arith.muli %scan3A_537, %mul3A_538 : i32
            %add3A_540 = arith.constant 0 : i32
            %add3A_541 = arith.addi %add3A_540, %mul3A_539 : i32
            %add3A_542 = arith.constant 0 : i32
            %add3A_543 = arith.addi %add3A_541, %add3A_542 : i32
            %get3A_544 = arith.index_cast %add3A_543 : i32 to index
            %get3A_545 = tpu.vector_load %arg23[%get3A_544] {strides = array<i32>} : memref<96xf32, #tpu.memory_space<vmem>>, vector<16xf32>,
            %slice3A_546 = vector.extract_strided_slice %get3A_545 {offsets = [0], sizes = [1], strides = [1]} : vector<16xf32> to vector<1xf32>
            %squeeze3A_547 = vector.extract %slice3A_546[0] : f32 from vector<1xf32>
            %broadcast_in_dim3A_548 = vector.broadcast %squeeze3A_547 : f32 to vector<16xf32>
            %broadcast_in_dim3A_549 = vector.broadcast %add3A_541 : i32 to vector<16xi32>
            %gather3A_550 = tpu.vector_load_idx %arg24[%broadcast_in_dim3A_549, %add3A_2] : memref<40x128xf32, #tpu.memory_space<vmem>>[vector<16xi32>, vector<16xi32>], vector<16xf32>,
            %mul3A_551 = arith.mulf %gather3A_550, %broadcast_in_dim3A_548 : vector<16xf32>
            tpu.vector_store_idx %arg24[%broadcast_in_dim3A_549, %add3A_2], %mul3A_551 : memref<40x128xf32, #tpu.memory_space<vmem>>[vector<16xi32>, vector<16xi32>], vector<16xf32>,
            %gather3A_552 = tpu.vector_load_idx %arg24[%broadcast_in_dim3A_549, %add3A_5] : memref<40x128xf32, #tpu.memory_space<vmem>>[vector<16xi32>, vector<16xi32>], vector<16xf32>,
            %mul3A_553 = arith.mulf %gather3A_552, %broadcast_in_dim3A_548 : vector<16xf32>
            tpu.vector_store_idx %arg24[%broadcast_in_dim3A_549, %add3A_5], %mul3A_553 : memref<40x128xf32, #tpu.memory_space<vmem>>[vector<16xi32>, vector<16xi32>], vector<16xf32>,
            %gather3A_554 = tpu.vector_load_idx %arg24[%broadcast_in_dim3A_549, %add3A_8] : memref<40x128xf32, #tpu.memory_space<vmem>>[vector<16xi32>, vector<16xi32>], vector<16xf32>,
            %mul3A_555 = arith.mulf %gather3A_554, %broadcast_in_dim3A_548 : vector<16xf32>
            tpu.vector_store_idx %arg24[%broadcast_in_dim3A_549, %add3A_8], %mul3A_555 : memref<40x128xf32, #tpu.memory_space<vmem>>[vector<16xi32>, vector<16xi32>], vector<16xf32>,
            %gather3A_556 = tpu.vector_load_idx %arg24[%broadcast_in_dim3A_549, %add3A_11] : memref<40x128xf32, #tpu.memory_space<vmem>>[vector<16xi32>, vector<16xi32>], vector<16xf32>,
            %mul3A_557 = arith.mulf %gather3A_556, %broadcast_in_dim3A_548 : vector<16xf32>
            tpu.vector_store_idx %arg24[%broadcast_in_dim3A_549, %add3A_11], %mul3A_557 : memref<40x128xf32, #tpu.memory_space<vmem>>[vector<16xi32>, vector<16xi32>], vector<16xf32>,
            %gather3A_558 = tpu.vector_load_idx %arg24[%broadcast_in_dim3A_549, %add3A_14] : memref<40x128xf32, #tpu.memory_space<vmem>>[vector<16xi32>, vector<16xi32>], vector<16xf32>,
            %mul3A_559 = arith.mulf %gather3A_558, %broadcast_in_dim3A_548 : vector<16xf32>
            tpu.vector_store_idx %arg24[%broadcast_in_dim3A_549, %add3A_14], %mul3A_559 : memref<40x128xf32, #tpu.memory_space<vmem>>[vector<16xi32>, vector<16xi32>], vector<16xf32>,
            %gather3A_560 = tpu.vector_load_idx %arg24[%broadcast_in_dim3A_549, %add3A_17] : memref<40x128xf32, #tpu.memory_space<vmem>>[vector<16xi32>, vector<16xi32>], vector<16xf32>,
            %mul3A_561 = arith.mulf %gather3A_560, %broadcast_in_dim3A_548 : vector<16xf32>
            tpu.vector_store_idx %arg24[%broadcast_in_dim3A_549, %add3A_17], %mul3A_561 : memref<40x128xf32, #tpu.memory_space<vmem>>[vector<16xi32>, vector<16xi32>], vector<16xf32>,
            %gather3A_562 = tpu.vector_load_idx %arg24[%broadcast_in_dim3A_549, %add3A_20] : memref<40x128xf32, #tpu.memory_space<vmem>>[vector<16xi32>, vector<16xi32>], vector<16xf32>,
            %mul3A_563 = arith.mulf %gather3A_562, %broadcast_in_dim3A_548 : vector<16xf32>
            tpu.vector_store_idx %arg24[%broadcast_in_dim3A_549, %add3A_20], %mul3A_563 : memref<40x128xf32, #tpu.memory_space<vmem>>[vector<16xi32>, vector<16xi32>], vector<16xf32>,
            %gather3A_564 = tpu.vector_load_idx %arg24[%broadcast_in_dim3A_549, %add3A_23] : memref<40x128xf32, #tpu.memory_space<vmem>>[vector<16xi32>, vector<16xi32>], vector<16xf32>,
            %mul3A_565 = arith.mulf %gather3A_564, %broadcast_in_dim3A_548 : vector<16xf32>
            tpu.vector_store_idx %arg24[%broadcast_in_dim3A_549, %add3A_23], %mul3A_565 : memref<40x128xf32, #tpu.memory_space<vmem>>[vector<16xi32>, vector<16xi32>], vector<16xf32>,
            %scan3A_566 = arith.constant 6 : i32
            %scan3A_567 = arith.addi %scan3A_387, %scan3A_566 : i32
            %mul3A_568 = arith.constant 1 : i32
            %mul3A_569 = arith.muli %scan3A_567, %mul3A_568 : i32
            %add3A_570 = arith.constant 0 : i32
            %add3A_571 = arith.addi %add3A_570, %mul3A_569 : i32
            %add3A_572 = arith.constant 0 : i32
            %add3A_573 = arith.addi %add3A_571, %add3A_572 : i32
            %get3A_574 = arith.index_cast %add3A_573 : i32 to index
            %get3A_575 = tpu.vector_load %arg23[%get3A_574] {strides = array<i32>} : memref<96xf32, #tpu.memory_space<vmem>>, vector<16xf32>,
            %slice3A_576 = vector.extract_strided_slice %get3A_575 {offsets = [0], sizes = [1], strides = [1]} : vector<16xf32> to vector<1xf32>
            %squeeze3A_577 = vector.extract %slice3A_576[0] : f32 from vector<1xf32>
            %broadcast_in_dim3A_578 = vector.broadcast %squeeze3A_577 : f32 to vector<16xf32>
            %broadcast_in_dim3A_579 = vector.broadcast %add3A_571 : i32 to vector<16xi32>
            %gather3A_580 = tpu.vector_load_idx %arg24[%broadcast_in_dim3A_579, %add3A_2] : memref<40x128xf32, #tpu.memory_space<vmem>>[vector<16xi32>, vector<16xi32>], vector<16xf32>,
            %mul3A_581 = arith.mulf %gather3A_580, %broadcast_in_dim3A_578 : vector<16xf32>
            tpu.vector_store_idx %arg24[%broadcast_in_dim3A_579, %add3A_2], %mul3A_581 : memref<40x128xf32, #tpu.memory_space<vmem>>[vector<16xi32>, vector<16xi32>], vector<16xf32>,
            %gather3A_582 = tpu.vector_load_idx %arg24[%broadcast_in_dim3A_579, %add3A_5] : memref<40x128xf32, #tpu.memory_space<vmem>>[vector<16xi32>, vector<16xi32>], vector<16xf32>,
            %mul3A_583 = arith.mulf %gather3A_582, %broadcast_in_dim3A_578 : vector<16xf32>
            tpu.vector_store_idx %arg24[%broadcast_in_dim3A_579, %add3A_5], %mul3A_583 : memref<40x128xf32, #tpu.memory_space<vmem>>[vector<16xi32>, vector<16xi32>], vector<16xf32>,
            %gather3A_584 = tpu.vector_load_idx %arg24[%broadcast_in_dim3A_579, %add3A_8] : memref<40x128xf32, #tpu.memory_space<vmem>>[vector<16xi32>, vector<16xi32>], vector<16xf32>,
            %mul3A_585 = arith.mulf %gather3A_584, %broadcast_in_dim3A_578 : vector<16xf32>
            tpu.vector_store_idx %arg24[%broadcast_in_dim3A_579, %add3A_8], %mul3A_585 : memref<40x128xf32, #tpu.memory_space<vmem>>[vector<16xi32>, vector<16xi32>], vector<16xf32>,
            %gather3A_586 = tpu.vector_load_idx %arg24[%broadcast_in_dim3A_579, %add3A_11] : memref<40x128xf32, #tpu.memory_space<vmem>>[vector<16xi32>, vector<16xi32>], vector<16xf32>,
            %mul3A_587 = arith.mulf %gather3A_586, %broadcast_in_dim3A_578 : vector<16xf32>
            tpu.vector_store_idx %arg24[%broadcast_in_dim3A_579, %add3A_11], %mul3A_587 : memref<40x128xf32, #tpu.memory_space<vmem>>[vector<16xi32>, vector<16xi32>], vector<16xf32>,
            %gather3A_588 = tpu.vector_load_idx %arg24[%broadcast_in_dim3A_579, %add3A_14] : memref<40x128xf32, #tpu.memory_space<vmem>>[vector<16xi32>, vector<16xi32>], vector<16xf32>,
            %mul3A_589 = arith.mulf %gather3A_588, %broadcast_in_dim3A_578 : vector<16xf32>
            tpu.vector_store_idx %arg24[%broadcast_in_dim3A_579, %add3A_14], %mul3A_589 : memref<40x128xf32, #tpu.memory_space<vmem>>[vector<16xi32>, vector<16xi32>], vector<16xf32>,
            %gather3A_590 = tpu.vector_load_idx %arg24[%broadcast_in_dim3A_579, %add3A_17] : memref<40x128xf32, #tpu.memory_space<vmem>>[vector<16xi32>, vector<16xi32>], vector<16xf32>,
            %mul3A_591 = arith.mulf %gather3A_590, %broadcast_in_dim3A_578 : vector<16xf32>
            tpu.vector_store_idx %arg24[%broadcast_in_dim3A_579, %add3A_17], %mul3A_591 : memref<40x128xf32, #tpu.memory_space<vmem>>[vector<16xi32>, vector<16xi32>], vector<16xf32>,
            %gather3A_592 = tpu.vector_load_idx %arg24[%broadcast_in_dim3A_579, %add3A_20] : memref<40x128xf32, #tpu.memory_space<vmem>>[vector<16xi32>, vector<16xi32>], vector<16xf32>,
            %mul3A_593 = arith.mulf %gather3A_592, %broadcast_in_dim3A_578 : vector<16xf32>
            tpu.vector_store_idx %arg24[%broadcast_in_dim3A_579, %add3A_20], %mul3A_593 : memref<40x128xf32, #tpu.memory_space<vmem>>[vector<16xi32>, vector<16xi32>], vector<16xf32>,
            %gather3A_594 = tpu.vector_load_idx %arg24[%broadcast_in_dim3A_579, %add3A_23] : memref<40x128xf32, #tpu.memory_space<vmem>>[vector<16xi32>, vector<16xi32>], vector<16xf32>,
            %mul3A_595 = arith.mulf %gather3A_594, %broadcast_in_dim3A_578 : vector<16xf32>
            tpu.vector_store_idx %arg24[%broadcast_in_dim3A_579, %add3A_23], %mul3A_595 : memref<40x128xf32, #tpu.memory_space<vmem>>[vector<16xi32>, vector<16xi32>], vector<16xf32>,
            %scan3A_596 = arith.constant 7 : i32
            %scan3A_597 = arith.addi %scan3A_387, %scan3A_596 : i32
            %mul3A_598 = arith.constant 1 : i32
            %mul3A_599 = arith.muli %scan3A_597, %mul3A_598 : i32
            %add3A_600 = arith.constant 0 : i32
            %add3A_601 = arith.addi %add3A_600, %mul3A_599 : i32
            %add3A_602 = arith.constant 0 : i32
            %add3A_603 = arith.addi %add3A_601, %add3A_602 : i32
            %get3A_604 = arith.index_cast %add3A_603 : i32 to index
            %get3A_605 = tpu.vector_load %arg23[%get3A_604] {strides = array<i32>} : memref<96xf32, #tpu.memory_space<vmem>>, vector<16xf32>,
            %slice3A_606 = vector.extract_strided_slice %get3A_605 {offsets = [0], sizes = [1], strides = [1]} : vector<16xf32> to vector<1xf32>
            %squeeze3A_607 = vector.extract %slice3A_606[0] : f32 from vector<1xf32>
            %broadcast_in_dim3A_608 = vector.broadcast %squeeze3A_607 : f32 to vector<16xf32>
            %broadcast_in_dim3A_609 = vector.broadcast %add3A_601 : i32 to vector<16xi32>
            %gather3A_610 = tpu.vector_load_idx %arg24[%broadcast_in_dim3A_609, %add3A_2] : memref<40x128xf32, #tpu.memory_space<vmem>>[vector<16xi32>, vector<16xi32>], vector<16xf32>,
            %mul3A_611 = arith.mulf %gather3A_610, %broadcast_in_dim3A_608 : vector<16xf32>
            tpu.vector_store_idx %arg24[%broadcast_in_dim3A_609, %add3A_2], %mul3A_611 : memref<40x128xf32, #tpu.memory_space<vmem>>[vector<16xi32>, vector<16xi32>], vector<16xf32>,
            %gather3A_612 = tpu.vector_load_idx %arg24[%broadcast_in_dim3A_609, %add3A_5] : memref<40x128xf32, #tpu.memory_space<vmem>>[vector<16xi32>, vector<16xi32>], vector<16xf32>,
            %mul3A_613 = arith.mulf %gather3A_612, %broadcast_in_dim3A_608 : vector<16xf32>
            tpu.vector_store_idx %arg24[%broadcast_in_dim3A_609, %add3A_5], %mul3A_613 : memref<40x128xf32, #tpu.memory_space<vmem>>[vector<16xi32>, vector<16xi32>], vector<16xf32>,
            %gather3A_614 = tpu.vector_load_idx %arg24[%broadcast_in_dim3A_609, %add3A_8] : memref<40x128xf32, #tpu.memory_space<vmem>>[vector<16xi32>, vector<16xi32>], vector<16xf32>,
            %mul3A_615 = arith.mulf %gather3A_614, %broadcast_in_dim3A_608 : vector<16xf32>
            tpu.vector_store_idx %arg24[%broadcast_in_dim3A_609, %add3A_8], %mul3A_615 : memref<40x128xf32, #tpu.memory_space<vmem>>[vector<16xi32>, vector<16xi32>], vector<16xf32>,
            %gather3A_616 = tpu.vector_load_idx %arg24[%broadcast_in_dim3A_609, %add3A_11] : memref<40x128xf32, #tpu.memory_space<vmem>>[vector<16xi32>, vector<16xi32>], vector<16xf32>,
            %mul3A_617 = arith.mulf %gather3A_616, %broadcast_in_dim3A_608 : vector<16xf32>
            tpu.vector_store_idx %arg24[%broadcast_in_dim3A_609, %add3A_11], %mul3A_617 : memref<40x128xf32, #tpu.memory_space<vmem>>[vector<16xi32>, vector<16xi32>], vector<16xf32>,
            %gather3A_618 = tpu.vector_load_idx %arg24[%broadcast_in_dim3A_609, %add3A_14] : memref<40x128xf32, #tpu.memory_space<vmem>>[vector<16xi32>, vector<16xi32>], vector<16xf32>,
            %mul3A_619 = arith.mulf %gather3A_618, %broadcast_in_dim3A_608 : vector<16xf32>
            tpu.vector_store_idx %arg24[%broadcast_in_dim3A_609, %add3A_14], %mul3A_619 : memref<40x128xf32, #tpu.memory_space<vmem>>[vector<16xi32>, vector<16xi32>], vector<16xf32>,
            %gather3A_620 = tpu.vector_load_idx %arg24[%broadcast_in_dim3A_609, %add3A_17] : memref<40x128xf32, #tpu.memory_space<vmem>>[vector<16xi32>, vector<16xi32>], vector<16xf32>,
            %mul3A_621 = arith.mulf %gather3A_620, %broadcast_in_dim3A_608 : vector<16xf32>
            tpu.vector_store_idx %arg24[%broadcast_in_dim3A_609, %add3A_17], %mul3A_621 : memref<40x128xf32, #tpu.memory_space<vmem>>[vector<16xi32>, vector<16xi32>], vector<16xf32>,
            %gather3A_622 = tpu.vector_load_idx %arg24[%broadcast_in_dim3A_609, %add3A_20] : memref<40x128xf32, #tpu.memory_space<vmem>>[vector<16xi32>, vector<16xi32>], vector<16xf32>,
            %mul3A_623 = arith.mulf %gather3A_622, %broadcast_in_dim3A_608 : vector<16xf32>
            tpu.vector_store_idx %arg24[%broadcast_in_dim3A_609, %add3A_20], %mul3A_623 : memref<40x128xf32, #tpu.memory_space<vmem>>[vector<16xi32>, vector<16xi32>], vector<16xf32>,
            %gather3A_624 = tpu.vector_load_idx %arg24[%broadcast_in_dim3A_609, %add3A_23] : memref<40x128xf32, #tpu.memory_space<vmem>>[vector<16xi32>, vector<16xi32>], vector<16xf32>,
            %mul3A_625 = arith.mulf %gather3A_624, %broadcast_in_dim3A_608 : vector<16xf32>
            tpu.vector_store_idx %arg24[%broadcast_in_dim3A_609, %add3A_23], %mul3A_625 : memref<40x128xf32, #tpu.memory_space<vmem>>[vector<16xi32>, vector<16xi32>], vector<16xf32>,
          }
          %scan3A_359 = arith.constant 40 : i32
          %dma_start3A_360 = arith.constant 0 : i32
          %dma_start3A_361 = tpu.memref_slice %arg22[%mul3A_223, %dma_start3A_360] : memref<20x40xi32, #tpu.memory_space<vmem>> -> memref<1x40xi32, #tpu.memory_space<vmem>>
          %dma_start3A_362 = tpu.memref_squeeze %dma_start3A_361 : memref<1x40xi32, #tpu.memory_space<vmem>> -> memref<40xi32, #tpu.memory_space<vmem>>
          %dma_start3A_363 = arith.constant 0 : i32
          %dma_start3A_364 = arith.constant 0 : i32
          %dma_start3A_365 = tpu.memref_slice %arg26[%dma_start3A_363, %dma_start3A_364] : memref<10240x128xf32, #tpu.memory_space<vmem_shared>> -> memref<10240x128xf32, #tpu.memory_space<vmem_shared>>
          tpu.enqueue_indirect_dma source(%arg24 : memref<40x128xf32, #tpu.memory_space<vmem>>) target(%dma_start3A_365 : memref<10240x128xf32, #tpu.memory_space<vmem_shared>>) offsets(%dma_start3A_362 : memref<40xi32, #tpu.memory_space<vmem>>) semaphore(%arg29 : memref<!tpu.dma_semaphore, #tpu.memory_space<semaphore_mem>>) {add = true}
          %mul3A_366 = arith.constant 40 : i32
          %mul3A_367 = arith.muli %add3A_225, %mul3A_366 : i32
          %dma_wait3A_368 = tpu.memref_slice %arg21[%mul3A_367] : memref<800xi32, #tpu.memory_space<vmem>> -> memref<40xi32, #tpu.memory_space<vmem>>
          %dma_wait3A_369 = arith.constant 0 : i32
          %dma_wait3A_370 = arith.constant 0 : i32
          %dma_wait3A_371 = tpu.memref_slice %arg2[%dma_wait3A_369, %dma_wait3A_370] : memref<10000x128xf32, #tpu.memory_space<hbm>> -> memref<10000x128xf32, #tpu.memory_space<hbm>>
          tpu.wait_indirect_dma semaphore(%arg28 : memref<!tpu.dma_semaphore, #tpu.memory_space<semaphore_mem>>) src(%dma_wait3A_371 : memref<10000x128xf32, #tpu.memory_space<hbm>>) dst(%arg25 : memref<40x128xf32, #tpu.memory_space<vmem>>)
          %scan3A_372 = arith.constant 0 : i32
          %scan3A_373 = arith.constant 40 : i32
          %scan3A_374 = arith.addi %scan3A_372, %scan3A_373 : i32
          %scan3A_375 = arith.constant 8 : i32
          scf.for %scan3A_387 = %scan3A_372 to %scan3A_374 step %scan3A_375  : i32 {
            %mul3A_388 = arith.constant 1 : i32
            %mul3A_389 = arith.muli %scan3A_387, %mul3A_388 : i32
            %add3A_390 = arith.constant 0 : i32
            %add3A_391 = arith.addi %add3A_390, %mul3A_389 : i32
            %add3A_392 = arith.constant 40 : i32
            %add3A_393 = arith.addi %add3A_391, %add3A_392 : i32
            %get3A_394 = arith.index_cast %add3A_393 : i32 to index
            %get3A_395 = tpu.vector_load %arg23[%get3A_394] {strides = array<i32>} : memref<96xf32, #tpu.memory_space<vmem>>, vector<16xf32>,
            %slice3A_396 = vector.extract_strided_slice %get3A_395 {offsets = [0], sizes = [1], strides = [1]} : vector<16xf32> to vector<1xf32>
            %squeeze3A_397 = vector.extract %slice3A_396[0] : f32 from vector<1xf32>
            %broadcast_in_dim3A_398 = vector.broadcast %squeeze3A_397 : f32 to vector<16xf32>
            %broadcast_in_dim3A_399 = vector.broadcast %add3A_391 : i32 to vector<16xi32>
            %gather3A_400 = tpu.vector_load_idx %arg25[%broadcast_in_dim3A_399, %add3A_2] : memref<40x128xf32, #tpu.memory_space<vmem>>[vector<16xi32>, vector<16xi32>], vector<16xf32>,
            %mul3A_401 = arith.mulf %gather3A_400, %broadcast_in_dim3A_398 : vector<16xf32>
            tpu.vector_store_idx %arg25[%broadcast_in_dim3A_399, %add3A_2], %mul3A_401 : memref<40x128xf32, #tpu.memory_space<vmem>>[vector<16xi32>, vector<16xi32>], vector<16xf32>,
            %gather3A_402 = tpu.vector_load_idx %arg25[%broadcast_in_dim3A_399, %add3A_5] : memref<40x128xf32, #tpu.memory_space<vmem>>[vector<16xi32>, vector<16xi32>], vector<16xf32>,
            %mul3A_403 = arith.mulf %gather3A_402, %broadcast_in_dim3A_398 : vector<16xf32>
            tpu.vector_store_idx %arg25[%broadcast_in_dim3A_399, %add3A_5], %mul3A_403 : memref<40x128xf32, #tpu.memory_space<vmem>>[vector<16xi32>, vector<16xi32>], vector<16xf32>,
            %gather3A_404 = tpu.vector_load_idx %arg25[%broadcast_in_dim3A_399, %add3A_8] : memref<40x128xf32, #tpu.memory_space<vmem>>[vector<16xi32>, vector<16xi32>], vector<16xf32>,
            %mul3A_405 = arith.mulf %gather3A_404, %broadcast_in_dim3A_398 : vector<16xf32>
            tpu.vector_store_idx %arg25[%broadcast_in_dim3A_399, %add3A_8], %mul3A_405 : memref<40x128xf32, #tpu.memory_space<vmem>>[vector<16xi32>, vector<16xi32>], vector<16xf32>,
            %gather3A_406 = tpu.vector_load_idx %arg25[%broadcast_in_dim3A_399, %add3A_11] : memref<40x128xf32, #tpu.memory_space<vmem>>[vector<16xi32>, vector<16xi32>], vector<16xf32>,
            %mul3A_407 = arith.mulf %gather3A_406, %broadcast_in_dim3A_398 : vector<16xf32>
            tpu.vector_store_idx %arg25[%broadcast_in_dim3A_399, %add3A_11], %mul3A_407 : memref<40x128xf32, #tpu.memory_space<vmem>>[vector<16xi32>, vector<16xi32>], vector<16xf32>,
            %gather3A_408 = tpu.vector_load_idx %arg25[%broadcast_in_dim3A_399, %add3A_14] : memref<40x128xf32, #tpu.memory_space<vmem>>[vector<16xi32>, vector<16xi32>], vector<16xf32>,
            %mul3A_409 = arith.mulf %gather3A_408, %broadcast_in_dim3A_398 : vector<16xf32>
            tpu.vector_store_idx %arg25[%broadcast_in_dim3A_399, %add3A_14], %mul3A_409 : memref<40x128xf32, #tpu.memory_space<vmem>>[vector<16xi32>, vector<16xi32>], vector<16xf32>,
            %gather3A_410 = tpu.vector_load_idx %arg25[%broadcast_in_dim3A_399, %add3A_17] : memref<40x128xf32, #tpu.memory_space<vmem>>[vector<16xi32>, vector<16xi32>], vector<16xf32>,
            %mul3A_411 = arith.mulf %gather3A_410, %broadcast_in_dim3A_398 : vector<16xf32>
            tpu.vector_store_idx %arg25[%broadcast_in_dim3A_399, %add3A_17], %mul3A_411 : memref<40x128xf32, #tpu.memory_space<vmem>>[vector<16xi32>, vector<16xi32>], vector<16xf32>,
            %gather3A_412 = tpu.vector_load_idx %arg25[%broadcast_in_dim3A_399, %add3A_20] : memref<40x128xf32, #tpu.memory_space<vmem>>[vector<16xi32>, vector<16xi32>], vector<16xf32>,
            %mul3A_413 = arith.mulf %gather3A_412, %broadcast_in_dim3A_398 : vector<16xf32>
            tpu.vector_store_idx %arg25[%broadcast_in_dim3A_399, %add3A_20], %mul3A_413 : memref<40x128xf32, #tpu.memory_space<vmem>>[vector<16xi32>, vector<16xi32>], vector<16xf32>,
            %gather3A_414 = tpu.vector_load_idx %arg25[%broadcast_in_dim3A_399, %add3A_23] : memref<40x128xf32, #tpu.memory_space<vmem>>[vector<16xi32>, vector<16xi32>], vector<16xf32>,
            %mul3A_415 = arith.mulf %gather3A_414, %broadcast_in_dim3A_398 : vector<16xf32>
            tpu.vector_store_idx %arg25[%broadcast_in_dim3A_399, %add3A_23], %mul3A_415 : memref<40x128xf32, #tpu.memory_space<vmem>>[vector<16xi32>, vector<16xi32>], vector<16xf32>,
            %scan3A_416 = arith.constant 1 : i32
            %scan3A_417 = arith.addi %scan3A_387, %scan3A_416 : i32
            %mul3A_418 = arith.constant 1 : i32
            %mul3A_419 = arith.muli %scan3A_417, %mul3A_418 : i32
            %add3A_420 = arith.constant 0 : i32
            %add3A_421 = arith.addi %add3A_420, %mul3A_419 : i32
            %add3A_422 = arith.constant 40 : i32
            %add3A_423 = arith.addi %add3A_421, %add3A_422 : i32
            %get3A_424 = arith.index_cast %add3A_423 : i32 to index
            %get3A_425 = tpu.vector_load %arg23[%get3A_424] {strides = array<i32>} : memref<96xf32, #tpu.memory_space<vmem>>, vector<16xf32>,
            %slice3A_426 = vector.extract_strided_slice %get3A_425 {offsets = [0], sizes = [1], strides = [1]} : vector<16xf32> to vector<1xf32>
            %squeeze3A_427 = vector.extract %slice3A_426[0] : f32 from vector<1xf32>
            %broadcast_in_dim3A_428 = vector.broadcast %squeeze3A_427 : f32 to vector<16xf32>
            %broadcast_in_dim3A_429 = vector.broadcast %add3A_421 : i32 to vector<16xi32>
            %gather3A_430 = tpu.vector_load_idx %arg25[%broadcast_in_dim3A_429, %add3A_2] : memref<40x128xf32, #tpu.memory_space<vmem>>[vector<16xi32>, vector<16xi32>], vector<16xf32>,
            %mul3A_431 = arith.mulf %gather3A_430, %broadcast_in_dim3A_428 : vector<16xf32>
            tpu.vector_store_idx %arg25[%broadcast_in_dim3A_429, %add3A_2], %mul3A_431 : memref<40x128xf32, #tpu.memory_space<vmem>>[vector<16xi32>, vector<16xi32>], vector<16xf32>,
            %gather3A_432 = tpu.vector_load_idx %arg25[%broadcast_in_dim3A_429, %add3A_5] : memref<40x128xf32, #tpu.memory_space<vmem>>[vector<16xi32>, vector<16xi32>], vector<16xf32>,
            %mul3A_433 = arith.mulf %gather3A_432, %broadcast_in_dim3A_428 : vector<16xf32>
            tpu.vector_store_idx %arg25[%broadcast_in_dim3A_429, %add3A_5], %mul3A_433 : memref<40x128xf32, #tpu.memory_space<vmem>>[vector<16xi32>, vector<16xi32>], vector<16xf32>,
            %gather3A_434 = tpu.vector_load_idx %arg25[%broadcast_in_dim3A_429, %add3A_8] : memref<40x128xf32, #tpu.memory_space<vmem>>[vector<16xi32>, vector<16xi32>], vector<16xf32>,
            %mul3A_435 = arith.mulf %gather3A_434, %broadcast_in_dim3A_428 : vector<16xf32>
            tpu.vector_store_idx %arg25[%broadcast_in_dim3A_429, %add3A_8], %mul3A_435 : memref<40x128xf32, #tpu.memory_space<vmem>>[vector<16xi32>, vector<16xi32>], vector<16xf32>,
            %gather3A_436 = tpu.vector_load_idx %arg25[%broadcast_in_dim3A_429, %add3A_11] : memref<40x128xf32, #tpu.memory_space<vmem>>[vector<16xi32>, vector<16xi32>], vector<16xf32>,
            %mul3A_437 = arith.mulf %gather3A_436, %broadcast_in_dim3A_428 : vector<16xf32>
            tpu.vector_store_idx %arg25[%broadcast_in_dim3A_429, %add3A_11], %mul3A_437 : memref<40x128xf32, #tpu.memory_space<vmem>>[vector<16xi32>, vector<16xi32>], vector<16xf32>,
            %gather3A_438 = tpu.vector_load_idx %arg25[%broadcast_in_dim3A_429, %add3A_14] : memref<40x128xf32, #tpu.memory_space<vmem>>[vector<16xi32>, vector<16xi32>], vector<16xf32>,
            %mul3A_439 = arith.mulf %gather3A_438, %broadcast_in_dim3A_428 : vector<16xf32>
            tpu.vector_store_idx %arg25[%broadcast_in_dim3A_429, %add3A_14], %mul3A_439 : memref<40x128xf32, #tpu.memory_space<vmem>>[vector<16xi32>, vector<16xi32>], vector<16xf32>,
            %gather3A_440 = tpu.vector_load_idx %arg25[%broadcast_in_dim3A_429, %add3A_17] : memref<40x128xf32, #tpu.memory_space<vmem>>[vector<16xi32>, vector<16xi32>], vector<16xf32>,
            %mul3A_441 = arith.mulf %gather3A_440, %broadcast_in_dim3A_428 : vector<16xf32>
            tpu.vector_store_idx %arg25[%broadcast_in_dim3A_429, %add3A_17], %mul3A_441 : memref<40x128xf32, #tpu.memory_space<vmem>>[vector<16xi32>, vector<16xi32>], vector<16xf32>,
            %gather3A_442 = tpu.vector_load_idx %arg25[%broadcast_in_dim3A_429, %add3A_20] : memref<40x128xf32, #tpu.memory_space<vmem>>[vector<16xi32>, vector<16xi32>], vector<16xf32>,
            %mul3A_443 = arith.mulf %gather3A_442, %broadcast_in_dim3A_428 : vector<16xf32>
            tpu.vector_store_idx %arg25[%broadcast_in_dim3A_429, %add3A_20], %mul3A_443 : memref<40x128xf32, #tpu.memory_space<vmem>>[vector<16xi32>, vector<16xi32>], vector<16xf32>,
            %gather3A_444 = tpu.vector_load_idx %arg25[%broadcast_in_dim3A_429, %add3A_23] : memref<40x128xf32, #tpu.memory_space<vmem>>[vector<16xi32>, vector<16xi32>], vector<16xf32>,
            %mul3A_445 = arith.mulf %gather3A_444, %broadcast_in_dim3A_428 : vector<16xf32>
            tpu.vector_store_idx %arg25[%broadcast_in_dim3A_429, %add3A_23], %mul3A_445 : memref<40x128xf32, #tpu.memory_space<vmem>>[vector<16xi32>, vector<16xi32>], vector<16xf32>,
            %scan3A_446 = arith.constant 2 : i32
            %scan3A_447 = arith.addi %scan3A_387, %scan3A_446 : i32
            %mul3A_448 = arith.constant 1 : i32
            %mul3A_449 = arith.muli %scan3A_447, %mul3A_448 : i32
            %add3A_450 = arith.constant 0 : i32
            %add3A_451 = arith.addi %add3A_450, %mul3A_449 : i32
            %add3A_452 = arith.constant 40 : i32
            %add3A_453 = arith.addi %add3A_451, %add3A_452 : i32
            %get3A_454 = arith.index_cast %add3A_453 : i32 to index
            %get3A_455 = tpu.vector_load %arg23[%get3A_454] {strides = array<i32>} : memref<96xf32, #tpu.memory_space<vmem>>, vector<16xf32>,
            %slice3A_456 = vector.extract_strided_slice %get3A_455 {offsets = [0], sizes = [1], strides = [1]} : vector<16xf32> to vector<1xf32>
            %squeeze3A_457 = vector.extract %slice3A_456[0] : f32 from vector<1xf32>
            %broadcast_in_dim3A_458 = vector.broadcast %squeeze3A_457 : f32 to vector<16xf32>
            %broadcast_in_dim3A_459 = vector.broadcast %add3A_451 : i32 to vector<16xi32>
            %gather3A_460 = tpu.vector_load_idx %arg25[%broadcast_in_dim3A_459, %add3A_2] : memref<40x128xf32, #tpu.memory_space<vmem>>[vector<16xi32>, vector<16xi32>], vector<16xf32>,
            %mul3A_461 = arith.mulf %gather3A_460, %broadcast_in_dim3A_458 : vector<16xf32>
            tpu.vector_store_idx %arg25[%broadcast_in_dim3A_459, %add3A_2], %mul3A_461 : memref<40x128xf32, #tpu.memory_space<vmem>>[vector<16xi32>, vector<16xi32>], vector<16xf32>,
            %gather3A_462 = tpu.vector_load_idx %arg25[%broadcast_in_dim3A_459, %add3A_5] : memref<40x128xf32, #tpu.memory_space<vmem>>[vector<16xi32>, vector<16xi32>], vector<16xf32>,
            %mul3A_463 = arith.mulf %gather3A_462, %broadcast_in_dim3A_458 : vector<16xf32>
            tpu.vector_store_idx %arg25[%broadcast_in_dim3A_459, %add3A_5], %mul3A_463 : memref<40x128xf32, #tpu.memory_space<vmem>>[vector<16xi32>, vector<16xi32>], vector<16xf32>,
            %gather3A_464 = tpu.vector_load_idx %arg25[%broadcast_in_dim3A_459, %add3A_8] : memref<40x128xf32, #tpu.memory_space<vmem>>[vector<16xi32>, vector<16xi32>], vector<16xf32>,
            %mul3A_465 = arith.mulf %gather3A_464, %broadcast_in_dim3A_458 : vector<16xf32>
            tpu.vector_store_idx %arg25[%broadcast_in_dim3A_459, %add3A_8], %mul3A_465 : memref<40x128xf32, #tpu.memory_space<vmem>>[vector<16xi32>, vector<16xi32>], vector<16xf32>,
            %gather3A_466 = tpu.vector_load_idx %arg25[%broadcast_in_dim3A_459, %add3A_11] : memref<40x128xf32, #tpu.memory_space<vmem>>[vector<16xi32>, vector<16xi32>], vector<16xf32>,
            %mul3A_467 = arith.mulf %gather3A_466, %broadcast_in_dim3A_458 : vector<16xf32>
            tpu.vector_store_idx %arg25[%broadcast_in_dim3A_459, %add3A_11], %mul3A_467 : memref<40x128xf32, #tpu.memory_space<vmem>>[vector<16xi32>, vector<16xi32>], vector<16xf32>,
            %gather3A_468 = tpu.vector_load_idx %arg25[%broadcast_in_dim3A_459, %add3A_14] : memref<40x128xf32, #tpu.memory_space<vmem>>[vector<16xi32>, vector<16xi32>], vector<16xf32>,
            %mul3A_469 = arith.mulf %gather3A_468, %broadcast_in_dim3A_458 : vector<16xf32>
            tpu.vector_store_idx %arg25[%broadcast_in_dim3A_459, %add3A_14], %mul3A_469 : memref<40x128xf32, #tpu.memory_space<vmem>>[vector<16xi32>, vector<16xi32>], vector<16xf32>,
            %gather3A_470 = tpu.vector_load_idx %arg25[%broadcast_in_dim3A_459, %add3A_17] : memref<40x128xf32, #tpu.memory_space<vmem>>[vector<16xi32>, vector<16xi32>], vector<16xf32>,
            %mul3A_471 = arith.mulf %gather3A_470, %broadcast_in_dim3A_458 : vector<16xf32>
            tpu.vector_store_idx %arg25[%broadcast_in_dim3A_459, %add3A_17], %mul3A_471 : memref<40x128xf32, #tpu.memory_space<vmem>>[vector<16xi32>, vector<16xi32>], vector<16xf32>,
            %gather3A_472 = tpu.vector_load_idx %arg25[%broadcast_in_dim3A_459, %add3A_20] : memref<40x128xf32, #tpu.memory_space<vmem>>[vector<16xi32>, vector<16xi32>], vector<16xf32>,
            %mul3A_473 = arith.mulf %gather3A_472, %broadcast_in_dim3A_458 : vector<16xf32>
            tpu.vector_store_idx %arg25[%broadcast_in_dim3A_459, %add3A_20], %mul3A_473 : memref<40x128xf32, #tpu.memory_space<vmem>>[vector<16xi32>, vector<16xi32>], vector<16xf32>,
            %gather3A_474 = tpu.vector_load_idx %arg25[%broadcast_in_dim3A_459, %add3A_23] : memref<40x128xf32, #tpu.memory_space<vmem>>[vector<16xi32>, vector<16xi32>], vector<16xf32>,
            %mul3A_475 = arith.mulf %gather3A_474, %broadcast_in_dim3A_458 : vector<16xf32>
            tpu.vector_store_idx %arg25[%broadcast_in_dim3A_459, %add3A_23], %mul3A_475 : memref<40x128xf32, #tpu.memory_space<vmem>>[vector<16xi32>, vector<16xi32>], vector<16xf32>,
            %scan3A_476 = arith.constant 3 : i32
            %scan3A_477 = arith.addi %scan3A_387, %scan3A_476 : i32
            %mul3A_478 = arith.constant 1 : i32
            %mul3A_479 = arith.muli %scan3A_477, %mul3A_478 : i32
            %add3A_480 = arith.constant 0 : i32
            %add3A_481 = arith.addi %add3A_480, %mul3A_479 : i32
            %add3A_482 = arith.constant 40 : i32
            %add3A_483 = arith.addi %add3A_481, %add3A_482 : i32
            %get3A_484 = arith.index_cast %add3A_483 : i32 to index
            %get3A_485 = tpu.vector_load %arg23[%get3A_484] {strides = array<i32>} : memref<96xf32, #tpu.memory_space<vmem>>, vector<16xf32>,
            %slice3A_486 = vector.extract_strided_slice %get3A_485 {offsets = [0], sizes = [1], strides = [1]} : vector<16xf32> to vector<1xf32>
            %squeeze3A_487 = vector.extract %slice3A_486[0] : f32 from vector<1xf32>
            %broadcast_in_dim3A_488 = vector.broadcast %squeeze3A_487 : f32 to vector<16xf32>
            %broadcast_in_dim3A_489 = vector.broadcast %add3A_481 : i32 to vector<16xi32>
            %gather3A_490 = tpu.vector_load_idx %arg25[%broadcast_in_dim3A_489, %add3A_2] : memref<40x128xf32, #tpu.memory_space<vmem>>[vector<16xi32>, vector<16xi32>], vector<16xf32>,
            %mul3A_491 = arith.mulf %gather3A_490, %broadcast_in_dim3A_488 : vector<16xf32>
            tpu.vector_store_idx %arg25[%broadcast_in_dim3A_489, %add3A_2], %mul3A_491 : memref<40x128xf32, #tpu.memory_space<vmem>>[vector<16xi32>, vector<16xi32>], vector<16xf32>,
            %gather3A_492 = tpu.vector_load_idx %arg25[%broadcast_in_dim3A_489, %add3A_5] : memref<40x128xf32, #tpu.memory_space<vmem>>[vector<16xi32>, vector<16xi32>], vector<16xf32>,
            %mul3A_493 = arith.mulf %gather3A_492, %broadcast_in_dim3A_488 : vector<16xf32>
            tpu.vector_store_idx %arg25[%broadcast_in_dim3A_489, %add3A_5], %mul3A_493 : memref<40x128xf32, #tpu.memory_space<vmem>>[vector<16xi32>, vector<16xi32>], vector<16xf32>,
            %gather3A_494 = tpu.vector_load_idx %arg25[%broadcast_in_dim3A_489, %add3A_8] : memref<40x128xf32, #tpu.memory_space<vmem>>[vector<16xi32>, vector<16xi32>], vector<16xf32>,
            %mul3A_495 = arith.mulf %gather3A_494, %broadcast_in_dim3A_488 : vector<16xf32>
            tpu.vector_store_idx %arg25[%broadcast_in_dim3A_489, %add3A_8], %mul3A_495 : memref<40x128xf32, #tpu.memory_space<vmem>>[vector<16xi32>, vector<16xi32>], vector<16xf32>,
            %gather3A_496 = tpu.vector_load_idx %arg25[%broadcast_in_dim3A_489, %add3A_11] : memref<40x128xf32, #tpu.memory_space<vmem>>[vector<16xi32>, vector<16xi32>], vector<16xf32>,
            %mul3A_497 = arith.mulf %gather3A_496, %broadcast_in_dim3A_488 : vector<16xf32>
            tpu.vector_store_idx %arg25[%broadcast_in_dim3A_489, %add3A_11], %mul3A_497 : memref<40x128xf32, #tpu.memory_space<vmem>>[vector<16xi32>, vector<16xi32>], vector<16xf32>,
            %gather3A_498 = tpu.vector_load_idx %arg25[%broadcast_in_dim3A_489, %add3A_14] : memref<40x128xf32, #tpu.memory_space<vmem>>[vector<16xi32>, vector<16xi32>], vector<16xf32>,
            %mul3A_499 = arith.mulf %gather3A_498, %broadcast_in_dim3A_488 : vector<16xf32>
            tpu.vector_store_idx %arg25[%broadcast_in_dim3A_489, %add3A_14], %mul3A_499 : memref<40x128xf32, #tpu.memory_space<vmem>>[vector<16xi32>, vector<16xi32>], vector<16xf32>,
            %gather3A_500 = tpu.vector_load_idx %arg25[%broadcast_in_dim3A_489, %add3A_17] : memref<40x128xf32, #tpu.memory_space<vmem>>[vector<16xi32>, vector<16xi32>], vector<16xf32>,
            %mul3A_501 = arith.mulf %gather3A_500, %broadcast_in_dim3A_488 : vector<16xf32>
            tpu.vector_store_idx %arg25[%broadcast_in_dim3A_489, %add3A_17], %mul3A_501 : memref<40x128xf32, #tpu.memory_space<vmem>>[vector<16xi32>, vector<16xi32>], vector<16xf32>,
            %gather3A_502 = tpu.vector_load_idx %arg25[%broadcast_in_dim3A_489, %add3A_20] : memref<40x128xf32, #tpu.memory_space<vmem>>[vector<16xi32>, vector<16xi32>], vector<16xf32>,
            %mul3A_503 = arith.mulf %gather3A_502, %broadcast_in_dim3A_488 : vector<16xf32>
            tpu.vector_store_idx %arg25[%broadcast_in_dim3A_489, %add3A_20], %mul3A_503 : memref<40x128xf32, #tpu.memory_space<vmem>>[vector<16xi32>, vector<16xi32>], vector<16xf32>,
            %gather3A_504 = tpu.vector_load_idx %arg25[%broadcast_in_dim3A_489, %add3A_23] : memref<40x128xf32, #tpu.memory_space<vmem>>[vector<16xi32>, vector<16xi32>], vector<16xf32>,
            %mul3A_505 = arith.mulf %gather3A_504, %broadcast_in_dim3A_488 : vector<16xf32>
            tpu.vector_store_idx %arg25[%broadcast_in_dim3A_489, %add3A_23], %mul3A_505 : memref<40x128xf32, #tpu.memory_space<vmem>>[vector<16xi32>, vector<16xi32>], vector<16xf32>,
            %scan3A_506 = arith.constant 4 : i32
            %scan3A_507 = arith.addi %scan3A_387, %scan3A_506 : i32
            %mul3A_508 = arith.constant 1 : i32
            %mul3A_509 = arith.muli %scan3A_507, %mul3A_508 : i32
            %add3A_510 = arith.constant 0 : i32
            %add3A_511 = arith.addi %add3A_510, %mul3A_509 : i32
            %add3A_512 = arith.constant 40 : i32
            %add3A_513 = arith.addi %add3A_511, %add3A_512 : i32
            %get3A_514 = arith.index_cast %add3A_513 : i32 to index
            %get3A_515 = tpu.vector_load %arg23[%get3A_514] {strides = array<i32>} : memref<96xf32, #tpu.memory_space<vmem>>, vector<16xf32>,
            %slice3A_516 = vector.extract_strided_slice %get3A_515 {offsets = [0], sizes = [1], strides = [1]} : vector<16xf32> to vector<1xf32>
            %squeeze3A_517 = vector.extract %slice3A_516[0] : f32 from vector<1xf32>
            %broadcast_in_dim3A_518 = vector.broadcast %squeeze3A_517 : f32 to vector<16xf32>
            %broadcast_in_dim3A_519 = vector.broadcast %add3A_511 : i32 to vector<16xi32>
            %gather3A_520 = tpu.vector_load_idx %arg25[%broadcast_in_dim3A_519, %add3A_2] : memref<40x128xf32, #tpu.memory_space<vmem>>[vector<16xi32>, vector<16xi32>], vector<16xf32>,
            %mul3A_521 = arith.mulf %gather3A_520, %broadcast_in_dim3A_518 : vector<16xf32>
            tpu.vector_store_idx %arg25[%broadcast_in_dim3A_519, %add3A_2], %mul3A_521 : memref<40x128xf32, #tpu.memory_space<vmem>>[vector<16xi32>, vector<16xi32>], vector<16xf32>,
            %gather3A_522 = tpu.vector_load_idx %arg25[%broadcast_in_dim3A_519, %add3A_5] : memref<40x128xf32, #tpu.memory_space<vmem>>[vector<16xi32>, vector<16xi32>], vector<16xf32>,
            %mul3A_523 = arith.mulf %gather3A_522, %broadcast_in_dim3A_518 : vector<16xf32>
            tpu.vector_store_idx %arg25[%broadcast_in_dim3A_519, %add3A_5], %mul3A_523 : memref<40x128xf32, #tpu.memory_space<vmem>>[vector<16xi32>, vector<16xi32>], vector<16xf32>,
            %gather3A_524 = tpu.vector_load_idx %arg25[%broadcast_in_dim3A_519, %add3A_8] : memref<40x128xf32, #tpu.memory_space<vmem>>[vector<16xi32>, vector<16xi32>], vector<16xf32>,
            %mul3A_525 = arith.mulf %gather3A_524, %broadcast_in_dim3A_518 : vector<16xf32>
            tpu.vector_store_idx %arg25[%broadcast_in_dim3A_519, %add3A_8], %mul3A_525 : memref<40x128xf32, #tpu.memory_space<vmem>>[vector<16xi32>, vector<16xi32>], vector<16xf32>,
            %gather3A_526 = tpu.vector_load_idx %arg25[%broadcast_in_dim3A_519, %add3A_11] : memref<40x128xf32, #tpu.memory_space<vmem>>[vector<16xi32>, vector<16xi32>], vector<16xf32>,
            %mul3A_527 = arith.mulf %gather3A_526, %broadcast_in_dim3A_518 : vector<16xf32>
            tpu.vector_store_idx %arg25[%broadcast_in_dim3A_519, %add3A_11], %mul3A_527 : memref<40x128xf32, #tpu.memory_space<vmem>>[vector<16xi32>, vector<16xi32>], vector<16xf32>,
            %gather3A_528 = tpu.vector_load_idx %arg25[%broadcast_in_dim3A_519, %add3A_14] : memref<40x128xf32, #tpu.memory_space<vmem>>[vector<16xi32>, vector<16xi32>], vector<16xf32>,
            %mul3A_529 = arith.mulf %gather3A_528, %broadcast_in_dim3A_518 : vector<16xf32>
            tpu.vector_store_idx %arg25[%broadcast_in_dim3A_519, %add3A_14], %mul3A_529 : memref<40x128xf32, #tpu.memory_space<vmem>>[vector<16xi32>, vector<16xi32>], vector<16xf32>,
            %gather3A_530 = tpu.vector_load_idx %arg25[%broadcast_in_dim3A_519, %add3A_17] : memref<40x128xf32, #tpu.memory_space<vmem>>[vector<16xi32>, vector<16xi32>], vector<16xf32>,
            %mul3A_531 = arith.mulf %gather3A_530, %broadcast_in_dim3A_518 : vector<16xf32>
            tpu.vector_store_idx %arg25[%broadcast_in_dim3A_519, %add3A_17], %mul3A_531 : memref<40x128xf32, #tpu.memory_space<vmem>>[vector<16xi32>, vector<16xi32>], vector<16xf32>,
            %gather3A_532 = tpu.vector_load_idx %arg25[%broadcast_in_dim3A_519, %add3A_20] : memref<40x128xf32, #tpu.memory_space<vmem>>[vector<16xi32>, vector<16xi32>], vector<16xf32>,
            %mul3A_533 = arith.mulf %gather3A_532, %broadcast_in_dim3A_518 : vector<16xf32>
            tpu.vector_store_idx %arg25[%broadcast_in_dim3A_519, %add3A_20], %mul3A_533 : memref<40x128xf32, #tpu.memory_space<vmem>>[vector<16xi32>, vector<16xi32>], vector<16xf32>,
            %gather3A_534 = tpu.vector_load_idx %arg25[%broadcast_in_dim3A_519, %add3A_23] : memref<40x128xf32, #tpu.memory_space<vmem>>[vector<16xi32>, vector<16xi32>], vector<16xf32>,
            %mul3A_535 = arith.mulf %gather3A_534, %broadcast_in_dim3A_518 : vector<16xf32>
            tpu.vector_store_idx %arg25[%broadcast_in_dim3A_519, %add3A_23], %mul3A_535 : memref<40x128xf32, #tpu.memory_space<vmem>>[vector<16xi32>, vector<16xi32>], vector<16xf32>,
            %scan3A_536 = arith.constant 5 : i32
            %scan3A_537 = arith.addi %scan3A_387, %scan3A_536 : i32
            %mul3A_538 = arith.constant 1 : i32
            %mul3A_539 = arith.muli %scan3A_537, %mul3A_538 : i32
            %add3A_540 = arith.constant 0 : i32
            %add3A_541 = arith.addi %add3A_540, %mul3A_539 : i32
            %add3A_542 = arith.constant 40 : i32
            %add3A_543 = arith.addi %add3A_541, %add3A_542 : i32
            %get3A_544 = arith.index_cast %add3A_543 : i32 to index
            %get3A_545 = tpu.vector_load %arg23[%get3A_544] {strides = array<i32>} : memref<96xf32, #tpu.memory_space<vmem>>, vector<16xf32>,
            %slice3A_546 = vector.extract_strided_slice %get3A_545 {offsets = [0], sizes = [1], strides = [1]} : vector<16xf32> to vector<1xf32>
            %squeeze3A_547 = vector.extract %slice3A_546[0] : f32 from vector<1xf32>
            %broadcast_in_dim3A_548 = vector.broadcast %squeeze3A_547 : f32 to vector<16xf32>
            %broadcast_in_dim3A_549 = vector.broadcast %add3A_541 : i32 to vector<16xi32>
            %gather3A_550 = tpu.vector_load_idx %arg25[%broadcast_in_dim3A_549, %add3A_2] : memref<40x128xf32, #tpu.memory_space<vmem>>[vector<16xi32>, vector<16xi32>], vector<16xf32>,
            %mul3A_551 = arith.mulf %gather3A_550, %broadcast_in_dim3A_548 : vector<16xf32>
            tpu.vector_store_idx %arg25[%broadcast_in_dim3A_549, %add3A_2], %mul3A_551 : memref<40x128xf32, #tpu.memory_space<vmem>>[vector<16xi32>, vector<16xi32>], vector<16xf32>,
            %gather3A_552 = tpu.vector_load_idx %arg25[%broadcast_in_dim3A_549, %add3A_5] : memref<40x128xf32, #tpu.memory_space<vmem>>[vector<16xi32>, vector<16xi32>], vector<16xf32>,
            %mul3A_553 = arith.mulf %gather3A_552, %broadcast_in_dim3A_548 : vector<16xf32>
            tpu.vector_store_idx %arg25[%broadcast_in_dim3A_549, %add3A_5], %mul3A_553 : memref<40x128xf32, #tpu.memory_space<vmem>>[vector<16xi32>, vector<16xi32>], vector<16xf32>,
            %gather3A_554 = tpu.vector_load_idx %arg25[%broadcast_in_dim3A_549, %add3A_8] : memref<40x128xf32, #tpu.memory_space<vmem>>[vector<16xi32>, vector<16xi32>], vector<16xf32>,
            %mul3A_555 = arith.mulf %gather3A_554, %broadcast_in_dim3A_548 : vector<16xf32>
            tpu.vector_store_idx %arg25[%broadcast_in_dim3A_549, %add3A_8], %mul3A_555 : memref<40x128xf32, #tpu.memory_space<vmem>>[vector<16xi32>, vector<16xi32>], vector<16xf32>,
            %gather3A_556 = tpu.vector_load_idx %arg25[%broadcast_in_dim3A_549, %add3A_11] : memref<40x128xf32, #tpu.memory_space<vmem>>[vector<16xi32>, vector<16xi32>], vector<16xf32>,
            %mul3A_557 = arith.mulf %gather3A_556, %broadcast_in_dim3A_548 : vector<16xf32>
            tpu.vector_store_idx %arg25[%broadcast_in_dim3A_549, %add3A_11], %mul3A_557 : memref<40x128xf32, #tpu.memory_space<vmem>>[vector<16xi32>, vector<16xi32>], vector<16xf32>,
            %gather3A_558 = tpu.vector_load_idx %arg25[%broadcast_in_dim3A_549, %add3A_14] : memref<40x128xf32, #tpu.memory_space<vmem>>[vector<16xi32>, vector<16xi32>], vector<16xf32>,
            %mul3A_559 = arith.mulf %gather3A_558, %broadcast_in_dim3A_548 : vector<16xf32>
            tpu.vector_store_idx %arg25[%broadcast_in_dim3A_549, %add3A_14], %mul3A_559 : memref<40x128xf32, #tpu.memory_space<vmem>>[vector<16xi32>, vector<16xi32>], vector<16xf32>,
            %gather3A_560 = tpu.vector_load_idx %arg25[%broadcast_in_dim3A_549, %add3A_17] : memref<40x128xf32, #tpu.memory_space<vmem>>[vector<16xi32>, vector<16xi32>], vector<16xf32>,
            %mul3A_561 = arith.mulf %gather3A_560, %broadcast_in_dim3A_548 : vector<16xf32>
            tpu.vector_store_idx %arg25[%broadcast_in_dim3A_549, %add3A_17], %mul3A_561 : memref<40x128xf32, #tpu.memory_space<vmem>>[vector<16xi32>, vector<16xi32>], vector<16xf32>,
            %gather3A_562 = tpu.vector_load_idx %arg25[%broadcast_in_dim3A_549, %add3A_20] : memref<40x128xf32, #tpu.memory_space<vmem>>[vector<16xi32>, vector<16xi32>], vector<16xf32>,
            %mul3A_563 = arith.mulf %gather3A_562, %broadcast_in_dim3A_548 : vector<16xf32>
            tpu.vector_store_idx %arg25[%broadcast_in_dim3A_549, %add3A_20], %mul3A_563 : memref<40x128xf32, #tpu.memory_space<vmem>>[vector<16xi32>, vector<16xi32>], vector<16xf32>,
            %gather3A_564 = tpu.vector_load_idx %arg25[%broadcast_in_dim3A_549, %add3A_23] : memref<40x128xf32, #tpu.memory_space<vmem>>[vector<16xi32>, vector<16xi32>], vector<16xf32>,
            %mul3A_565 = arith.mulf %gather3A_564, %broadcast_in_dim3A_548 : vector<16xf32>
            tpu.vector_store_idx %arg25[%broadcast_in_dim3A_549, %add3A_23], %mul3A_565 : memref<40x128xf32, #tpu.memory_space<vmem>>[vector<16xi32>, vector<16xi32>], vector<16xf32>,
            %scan3A_566 = arith.constant 6 : i32
            %scan3A_567 = arith.addi %scan3A_387, %scan3A_566 : i32
            %mul3A_568 = arith.constant 1 : i32
            %mul3A_569 = arith.muli %scan3A_567, %mul3A_568 : i32
            %add3A_570 = arith.constant 0 : i32
            %add3A_571 = arith.addi %add3A_570, %mul3A_569 : i32
            %add3A_572 = arith.constant 40 : i32
            %add3A_573 = arith.addi %add3A_571, %add3A_572 : i32
            %get3A_574 = arith.index_cast %add3A_573 : i32 to index
            %get3A_575 = tpu.vector_load %arg23[%get3A_574] {strides = array<i32>} : memref<96xf32, #tpu.memory_space<vmem>>, vector<16xf32>,
            %slice3A_576 = vector.extract_strided_slice %get3A_575 {offsets = [0], sizes = [1], strides = [1]} : vector<16xf32> to vector<1xf32>
            %squeeze3A_577 = vector.extract %slice3A_576[0] : f32 from vector<1xf32>
            %broadcast_in_dim3A_578 = vector.broadcast %squeeze3A_577 : f32 to vector<16xf32>
            %broadcast_in_dim3A_579 = vector.broadcast %add3A_571 : i32 to vector<16xi32>
            %gather3A_580 = tpu.vector_load_idx %arg25[%broadcast_in_dim3A_579, %add3A_2] : memref<40x128xf32, #tpu.memory_space<vmem>>[vector<16xi32>, vector<16xi32>], vector<16xf32>,
            %mul3A_581 = arith.mulf %gather3A_580, %broadcast_in_dim3A_578 : vector<16xf32>
            tpu.vector_store_idx %arg25[%broadcast_in_dim3A_579, %add3A_2], %mul3A_581 : memref<40x128xf32, #tpu.memory_space<vmem>>[vector<16xi32>, vector<16xi32>], vector<16xf32>,
            %gather3A_582 = tpu.vector_load_idx %arg25[%broadcast_in_dim3A_579, %add3A_5] : memref<40x128xf32, #tpu.memory_space<vmem>>[vector<16xi32>, vector<16xi32>], vector<16xf32>,
            %mul3A_583 = arith.mulf %gather3A_582, %broadcast_in_dim3A_578 : vector<16xf32>
            tpu.vector_store_idx %arg25[%broadcast_in_dim3A_579, %add3A_5], %mul3A_583 : memref<40x128xf32, #tpu.memory_space<vmem>>[vector<16xi32>, vector<16xi32>], vector<16xf32>,
            %gather3A_584 = tpu.vector_load_idx %arg25[%broadcast_in_dim3A_579, %add3A_8] : memref<40x128xf32, #tpu.memory_space<vmem>>[vector<16xi32>, vector<16xi32>], vector<16xf32>,
            %mul3A_585 = arith.mulf %gather3A_584, %broadcast_in_dim3A_578 : vector<16xf32>
            tpu.vector_store_idx %arg25[%broadcast_in_dim3A_579, %add3A_8], %mul3A_585 : memref<40x128xf32, #tpu.memory_space<vmem>>[vector<16xi32>, vector<16xi32>], vector<16xf32>,
            %gather3A_586 = tpu.vector_load_idx %arg25[%broadcast_in_dim3A_579, %add3A_11] : memref<40x128xf32, #tpu.memory_space<vmem>>[vector<16xi32>, vector<16xi32>], vector<16xf32>,
            %mul3A_587 = arith.mulf %gather3A_586, %broadcast_in_dim3A_578 : vector<16xf32>
            tpu.vector_store_idx %arg25[%broadcast_in_dim3A_579, %add3A_11], %mul3A_587 : memref<40x128xf32, #tpu.memory_space<vmem>>[vector<16xi32>, vector<16xi32>], vector<16xf32>,
            %gather3A_588 = tpu.vector_load_idx %arg25[%broadcast_in_dim3A_579, %add3A_14] : memref<40x128xf32, #tpu.memory_space<vmem>>[vector<16xi32>, vector<16xi32>], vector<16xf32>,
            %mul3A_589 = arith.mulf %gather3A_588, %broadcast_in_dim3A_578 : vector<16xf32>
            tpu.vector_store_idx %arg25[%broadcast_in_dim3A_579, %add3A_14], %mul3A_589 : memref<40x128xf32, #tpu.memory_space<vmem>>[vector<16xi32>, vector<16xi32>], vector<16xf32>,
            %gather3A_590 = tpu.vector_load_idx %arg25[%broadcast_in_dim3A_579, %add3A_17] : memref<40x128xf32, #tpu.memory_space<vmem>>[vector<16xi32>, vector<16xi32>], vector<16xf32>,
            %mul3A_591 = arith.mulf %gather3A_590, %broadcast_in_dim3A_578 : vector<16xf32>
            tpu.vector_store_idx %arg25[%broadcast_in_dim3A_579, %add3A_17], %mul3A_591 : memref<40x128xf32, #tpu.memory_space<vmem>>[vector<16xi32>, vector<16xi32>], vector<16xf32>,
            %gather3A_592 = tpu.vector_load_idx %arg25[%broadcast_in_dim3A_579, %add3A_20] : memref<40x128xf32, #tpu.memory_space<vmem>>[vector<16xi32>, vector<16xi32>], vector<16xf32>,
            %mul3A_593 = arith.mulf %gather3A_592, %broadcast_in_dim3A_578 : vector<16xf32>
            tpu.vector_store_idx %arg25[%broadcast_in_dim3A_579, %add3A_20], %mul3A_593 : memref<40x128xf32, #tpu.memory_space<vmem>>[vector<16xi32>, vector<16xi32>], vector<16xf32>,
            %gather3A_594 = tpu.vector_load_idx %arg25[%broadcast_in_dim3A_579, %add3A_23] : memref<40x128xf32, #tpu.memory_space<vmem>>[vector<16xi32>, vector<16xi32>], vector<16xf32>,
            %mul3A_595 = arith.mulf %gather3A_594, %broadcast_in_dim3A_578 : vector<16xf32>
            tpu.vector_store_idx %arg25[%broadcast_in_dim3A_579, %add3A_23], %mul3A_595 : memref<40x128xf32, #tpu.memory_space<vmem>>[vector<16xi32>, vector<16xi32>], vector<16xf32>,
            %scan3A_596 = arith.constant 7 : i32
            %scan3A_597 = arith.addi %scan3A_387, %scan3A_596 : i32
            %mul3A_598 = arith.constant 1 : i32
            %mul3A_599 = arith.muli %scan3A_597, %mul3A_598 : i32
            %add3A_600 = arith.constant 0 : i32
            %add3A_601 = arith.addi %add3A_600, %mul3A_599 : i32
            %add3A_602 = arith.constant 40 : i32
            %add3A_603 = arith.addi %add3A_601, %add3A_602 : i32
            %get3A_604 = arith.index_cast %add3A_603 : i32 to index
            %get3A_605 = tpu.vector_load %arg23[%get3A_604] {strides = array<i32>} : memref<96xf32, #tpu.memory_space<vmem>>, vector<16xf32>,
            %slice3A_606 = vector.extract_strided_slice %get3A_605 {offsets = [0], sizes = [1], strides = [1]} : vector<16xf32> to vector<1xf32>
            %squeeze3A_607 = vector.extract %slice3A_606[0] : f32 from vector<1xf32>
            %broadcast_in_dim3A_608 = vector.broadcast %squeeze3A_607 : f32 to vector<16xf32>
            %broadcast_in_dim3A_609 = vector.broadcast %add3A_601 : i32 to vector<16xi32>
            %gather3A_610 = tpu.vector_load_idx %arg25[%broadcast_in_dim3A_609, %add3A_2] : memref<40x128xf32, #tpu.memory_space<vmem>>[vector<16xi32>, vector<16xi32>], vector<16xf32>,
            %mul3A_611 = arith.mulf %gather3A_610, %broadcast_in_dim3A_608 : vector<16xf32>
            tpu.vector_store_idx %arg25[%broadcast_in_dim3A_609, %add3A_2], %mul3A_611 : memref<40x128xf32, #tpu.memory_space<vmem>>[vector<16xi32>, vector<16xi32>], vector<16xf32>,
            %gather3A_612 = tpu.vector_load_idx %arg25[%broadcast_in_dim3A_609, %add3A_5] : memref<40x128xf32, #tpu.memory_space<vmem>>[vector<16xi32>, vector<16xi32>], vector<16xf32>,
            %mul3A_613 = arith.mulf %gather3A_612, %broadcast_in_dim3A_608 : vector<16xf32>
            tpu.vector_store_idx %arg25[%broadcast_in_dim3A_609, %add3A_5], %mul3A_613 : memref<40x128xf32, #tpu.memory_space<vmem>>[vector<16xi32>, vector<16xi32>], vector<16xf32>,
            %gather3A_614 = tpu.vector_load_idx %arg25[%broadcast_in_dim3A_609, %add3A_8] : memref<40x128xf32, #tpu.memory_space<vmem>>[vector<16xi32>, vector<16xi32>], vector<16xf32>,
            %mul3A_615 = arith.mulf %gather3A_614, %broadcast_in_dim3A_608 : vector<16xf32>
            tpu.vector_store_idx %arg25[%broadcast_in_dim3A_609, %add3A_8], %mul3A_615 : memref<40x128xf32, #tpu.memory_space<vmem>>[vector<16xi32>, vector<16xi32>], vector<16xf32>,
            %gather3A_616 = tpu.vector_load_idx %arg25[%broadcast_in_dim3A_609, %add3A_11] : memref<40x128xf32, #tpu.memory_space<vmem>>[vector<16xi32>, vector<16xi32>], vector<16xf32>,
            %mul3A_617 = arith.mulf %gather3A_616, %broadcast_in_dim3A_608 : vector<16xf32>
            tpu.vector_store_idx %arg25[%broadcast_in_dim3A_609, %add3A_11], %mul3A_617 : memref<40x128xf32, #tpu.memory_space<vmem>>[vector<16xi32>, vector<16xi32>], vector<16xf32>,
            %gather3A_618 = tpu.vector_load_idx %arg25[%broadcast_in_dim3A_609, %add3A_14] : memref<40x128xf32, #tpu.memory_space<vmem>>[vector<16xi32>, vector<16xi32>], vector<16xf32>,
            %mul3A_619 = arith.mulf %gather3A_618, %broadcast_in_dim3A_608 : vector<16xf32>
            tpu.vector_store_idx %arg25[%broadcast_in_dim3A_609, %add3A_14], %mul3A_619 : memref<40x128xf32, #tpu.memory_space<vmem>>[vector<16xi32>, vector<16xi32>], vector<16xf32>,
            %gather3A_620 = tpu.vector_load_idx %arg25[%broadcast_in_dim3A_609, %add3A_17] : memref<40x128xf32, #tpu.memory_space<vmem>>[vector<16xi32>, vector<16xi32>], vector<16xf32>,
            %mul3A_621 = arith.mulf %gather3A_620, %broadcast_in_dim3A_608 : vector<16xf32>
            tpu.vector_store_idx %arg25[%broadcast_in_dim3A_609, %add3A_17], %mul3A_621 : memref<40x128xf32, #tpu.memory_space<vmem>>[vector<16xi32>, vector<16xi32>], vector<16xf32>,
            %gather3A_622 = tpu.vector_load_idx %arg25[%broadcast_in_dim3A_609, %add3A_20] : memref<40x128xf32, #tpu.memory_space<vmem>>[vector<16xi32>, vector<16xi32>], vector<16xf32>,
            %mul3A_623 = arith.mulf %gather3A_622, %broadcast_in_dim3A_608 : vector<16xf32>
            tpu.vector_store_idx %arg25[%broadcast_in_dim3A_609, %add3A_20], %mul3A_623 : memref<40x128xf32, #tpu.memory_space<vmem>>[vector<16xi32>, vector<16xi32>], vector<16xf32>,
            %gather3A_624 = tpu.vector_load_idx %arg25[%broadcast_in_dim3A_609, %add3A_23] : memref<40x128xf32, #tpu.memory_space<vmem>>[vector<16xi32>, vector<16xi32>], vector<16xf32>,
            %mul3A_625 = arith.mulf %gather3A_624, %broadcast_in_dim3A_608 : vector<16xf32>
            tpu.vector_store_idx %arg25[%broadcast_in_dim3A_609, %add3A_23], %mul3A_625 : memref<40x128xf32, #tpu.memory_space<vmem>>[vector<16xi32>, vector<16xi32>], vector<16xf32>,
          }
          %scan3A_376 = arith.constant 40 : i32
          %dma_start3A_377 = arith.constant 0 : i32
          %dma_start3A_378 = tpu.memref_slice %arg22[%add3A_225, %dma_start3A_377] : memref<20x40xi32, #tpu.memory_space<vmem>> -> memref<1x40xi32, #tpu.memory_space<vmem>>
          %dma_start3A_379 = tpu.memref_squeeze %dma_start3A_378 : memref<1x40xi32, #tpu.memory_space<vmem>> -> memref<40xi32, #tpu.memory_space<vmem>>
          %dma_start3A_380 = arith.constant 0 : i32
          %dma_start3A_381 = arith.constant 0 : i32
          %dma_start3A_382 = tpu.memref_slice %arg26[%dma_start3A_380, %dma_start3A_381] : memref<10240x128xf32, #tpu.memory_space<vmem_shared>> -> memref<10240x128xf32, #tpu.memory_space<vmem_shared>>
          tpu.enqueue_indirect_dma source(%arg25 : memref<40x128xf32, #tpu.memory_space<vmem>>) target(%dma_start3A_382 : memref<10240x128xf32, #tpu.memory_space<vmem_shared>>) offsets(%dma_start3A_379 : memref<40xi32, #tpu.memory_space<vmem>>) semaphore(%arg30 : memref<!tpu.dma_semaphore, #tpu.memory_space<semaphore_mem>>) {add = true}
          %lt3A = arith.constant 9 : i32
          %lt3A_383 = arith.cmpi slt, %add3A_221, %lt3A : i32
          %convert_element_type3A_384 = arith.extui %lt3A_383 : i1 to i32
          %cond3A_385 = arith.constant 0 : i32
          %cond3A_386 = arith.cmpi ne, %convert_element_type3A_384, %cond3A_385 : i32
          scf.if %cond3A_386 {
            %dma_wait3A_387 = arith.constant 0 : i32
            %dma_wait3A_388 = tpu.memref_slice %arg22[%mul3A_223, %dma_wait3A_387] : memref<20x40xi32, #tpu.memory_space<vmem>> -> memref<1x40xi32, #tpu.memory_space<vmem>>
            %dma_wait3A_389 = tpu.memref_squeeze %dma_wait3A_388 : memref<1x40xi32, #tpu.memory_space<vmem>> -> memref<40xi32, #tpu.memory_space<vmem>>
            %dma_wait3A_390 = arith.constant 0 : i32
            %dma_wait3A_391 = arith.constant 0 : i32
            %dma_wait3A_392 = tpu.memref_slice %arg26[%dma_wait3A_390, %dma_wait3A_391] : memref<10240x128xf32, #tpu.memory_space<vmem_shared>> -> memref<10240x128xf32, #tpu.memory_space<vmem_shared>>
            tpu.wait_indirect_dma semaphore(%arg29 : memref<!tpu.dma_semaphore, #tpu.memory_space<semaphore_mem>>) src(%arg24 : memref<40x128xf32, #tpu.memory_space<vmem>>) dst(%dma_wait3A_392 : memref<10240x128xf32, #tpu.memory_space<vmem_shared>>)
            %add3A_393 = arith.constant 2 : i32
            %add3A_394 = arith.addi %mul3A_223, %add3A_393 : i32
            %mul3A_395 = arith.constant 40 : i32
            %mul3A_396 = arith.muli %add3A_394, %mul3A_395 : i32
            %dma_start3A_397 = tpu.memref_slice %arg21[%mul3A_396] : memref<800xi32, #tpu.memory_space<vmem>> -> memref<40xi32, #tpu.memory_space<vmem>>
            %dma_start3A_398 = arith.constant 0 : i32
            %dma_start3A_399 = arith.constant 0 : i32
            %dma_start3A_400 = tpu.memref_slice %arg2[%dma_start3A_398, %dma_start3A_399] : memref<10000x128xf32, #tpu.memory_space<hbm>> -> memref<10000x128xf32, #tpu.memory_space<hbm>>
            tpu.enqueue_indirect_dma source(%dma_start3A_400 : memref<10000x128xf32, #tpu.memory_space<hbm>>) target(%arg24 : memref<40x128xf32, #tpu.memory_space<vmem>>) offsets(%dma_start3A_397 : memref<40xi32, #tpu.memory_space<vmem>>) semaphore(%arg27 : memref<!tpu.dma_semaphore, #tpu.memory_space<semaphore_mem>>)
          } else {
          }
        }
        %scan3A_203 = arith.constant 10 : i32
        %dma_wait3A = arith.constant 18 : i32
        %dma_wait3A_204 = arith.constant 0 : i32
        %dma_wait3A_205 = tpu.memref_slice %arg22[%dma_wait3A, %dma_wait3A_204] : memref<20x40xi32, #tpu.memory_space<vmem>> -> memref<1x40xi32, #tpu.memory_space<vmem>>
        %dma_wait3A_206 = tpu.memref_squeeze %dma_wait3A_205 : memref<1x40xi32, #tpu.memory_space<vmem>> -> memref<40xi32, #tpu.memory_space<vmem>>
        %dma_wait3A_207 = arith.constant 0 : i32
        %dma_wait3A_208 = arith.constant 0 : i32
        %dma_wait3A_209 = tpu.memref_slice %arg26[%dma_wait3A_207, %dma_wait3A_208] : memref<10240x128xf32, #tpu.memory_space<vmem_shared>> -> memref<10240x128xf32, #tpu.memory_space<vmem_shared>>
        tpu.wait_indirect_dma semaphore(%arg29 : memref<!tpu.dma_semaphore, #tpu.memory_space<semaphore_mem>>) src(%arg24 : memref<40x128xf32, #tpu.memory_space<vmem>>) dst(%dma_wait3A_209 : memref<10240x128xf32, #tpu.memory_space<vmem_shared>>)
        %dma_wait3A_210 = arith.constant 19 : i32
        %dma_wait3A_211 = arith.constant 0 : i32
        %dma_wait3A_212 = tpu.memref_slice %arg22[%dma_wait3A_210, %dma_wait3A_211] : memref<20x40xi32, #tpu.memory_space<vmem>> -> memref<1x40xi32, #tpu.memory_space<vmem>>
        %dma_wait3A_213 = tpu.memref_squeeze %dma_wait3A_212 : memref<1x40xi32, #tpu.memory_space<vmem>> -> memref<40xi32, #tpu.memory_space<vmem>>
        %dma_wait3A_214 = arith.constant 0 : i32
        %dma_wait3A_215 = arith.constant 0 : i32
        %dma_wait3A_216 = tpu.memref_slice %arg26[%dma_wait3A_214, %dma_wait3A_215] : memref<10240x128xf32, #tpu.memory_space<vmem_shared>> -> memref<10240x128xf32, #tpu.memory_space<vmem_shared>>
        tpu.wait_indirect_dma semaphore(%arg30 : memref<!tpu.dma_semaphore, #tpu.memory_space<semaphore_mem>>) src(%arg25 : memref<40x128xf32, #tpu.memory_space<vmem>>) dst(%dma_wait3A_216 : memref<10240x128xf32, #tpu.memory_space<vmem_shared>>)
      }
      %scan3A_180 = arith.constant 25 : i32
      "tpu.region"() ({
        %run_scoped3A_186 = tpu.sem_alloc : memref<!tpu.dma_semaphore, #tpu.memory_space<semaphore_mem>>
        %dma_start3A = arith.constant 0 : i32
        %dma_start3A_187 = tpu.memref_slice %arg15[%arg1, %dma_start3A] : memref<16x10240xf32, #tpu.memory_space<hbm>> -> memref<1x10240xf32, #tpu.memory_space<hbm>>
        %dma_start3A_188 = tpu.memref_squeeze %dma_start3A_187 : memref<1x10240xf32, #tpu.memory_space<hbm>> -> memref<10240xf32, #tpu.memory_space<hbm>>
        %dma_start3A_189 = arith.constant 0 : i32
        %dma_start3A_190 = tpu.memref_slice %arg15[%arg1, %dma_start3A_189] : memref<16x10240xf32, #tpu.memory_space<hbm>> -> memref<1x10240xf32, #tpu.memory_space<hbm>>
        %dma_start3A_191 = tpu.memref_squeeze %dma_start3A_190 : memref<1x10240xf32, #tpu.memory_space<hbm>> -> memref<10240xf32, #tpu.memory_space<hbm>>
        tpu.enqueue_dma source(%arg20 : memref<10240xf32, #tpu.memory_space<vmem>>) target(%dma_start3A_191 : memref<10240xf32, #tpu.memory_space<hbm>>) target_semaphore(%run_scoped3A_186 : memref<!tpu.dma_semaphore, #tpu.memory_space<semaphore_mem>>)
        %dma_wait3A = arith.constant 0 : i32
        %dma_wait3A_192 = tpu.memref_slice %arg15[%arg1, %dma_wait3A] : memref<16x10240xf32, #tpu.memory_space<hbm>> -> memref<1x10240xf32, #tpu.memory_space<hbm>>
        %dma_wait3A_193 = tpu.memref_squeeze %dma_wait3A_192 : memref<1x10240xf32, #tpu.memory_space<hbm>> -> memref<10240xf32, #tpu.memory_space<hbm>>
        %dma_wait3A_194 = arith.constant 0 : i32
        %dma_wait3A_195 = tpu.memref_slice %arg15[%arg1, %dma_wait3A_194] : memref<16x10240xf32, #tpu.memory_space<hbm>> -> memref<1x10240xf32, #tpu.memory_space<hbm>>
        %dma_wait3A_196 = tpu.memref_squeeze %dma_wait3A_195 : memref<1x10240xf32, #tpu.memory_space<hbm>> -> memref<10240xf32, #tpu.memory_space<hbm>>
        tpu.wait_dma2 semaphore(%run_scoped3A_186 : memref<!tpu.dma_semaphore, #tpu.memory_space<semaphore_mem>>) src(%arg20 : memref<10240xf32, #tpu.memory_space<vmem>>) dst(%dma_wait3A_196 : memref<10240xf32, #tpu.memory_space<hbm>>)
        tpu.yield
      }) : () -> ()
      %barrier3A_181 = arith.constant 0 : index
      tpu.barrier barrier_id(%barrier3A_181)
      %mul3A_182 = arith.constant 640 : i32
      %mul3A_183 = arith.muli %arg1, %mul3A_182 : i32
      %mul3A_184 = arith.constant 640 : i32
      %mul3A_185 = arith.muli %arg1, %mul3A_184 : i32
      "tpu.region"() ({
        %run_scoped3A_186 = tpu.sem_alloc : memref<!tpu.dma_semaphore, #tpu.memory_space<semaphore_mem>>
        %dma_start3A = arith.constant 0 : i32
        %dma_start3A_187 = tpu.memref_slice %arg13[%mul3A_185, %dma_start3A] : memref<10240x128xf32, #tpu.memory_space<hbm>> -> memref<640x128xf32, #tpu.memory_space<hbm>>
        %dma_start3A_188 = arith.constant 0 : i32
        %dma_start3A_189 = tpu.memref_slice %arg26[%mul3A_183, %dma_start3A_188] : memref<10240x128xf32, #tpu.memory_space<vmem_shared>> -> memref<640x128xf32, #tpu.memory_space<vmem_shared>>
        tpu.enqueue_dma source(%dma_start3A_189 : memref<640x128xf32, #tpu.memory_space<vmem_shared>>) target(%dma_start3A_187 : memref<640x128xf32, #tpu.memory_space<hbm>>) target_semaphore(%run_scoped3A_186 : memref<!tpu.dma_semaphore, #tpu.memory_space<semaphore_mem>>)
        %dma_wait3A = arith.constant 0 : i32
        %dma_wait3A_190 = tpu.memref_slice %arg13[%mul3A_185, %dma_wait3A] : memref<10240x128xf32, #tpu.memory_space<hbm>> -> memref<640x128xf32, #tpu.memory_space<hbm>>
        %dma_wait3A_191 = arith.constant 0 : i32
        %dma_wait3A_192 = tpu.memref_slice %arg26[%mul3A_183, %dma_wait3A_191] : memref<10240x128xf32, #tpu.memory_space<vmem_shared>> -> memref<640x128xf32, #tpu.memory_space<vmem_shared>>
        tpu.wait_dma2 semaphore(%run_scoped3A_186 : memref<!tpu.dma_semaphore, #tpu.memory_space<semaphore_mem>>) src(%dma_wait3A_192 : memref<640x128xf32, #tpu.memory_space<vmem_shared>>) dst(%dma_wait3A_190 : memref<640x128xf32, #tpu.memory_space<hbm>>)
        tpu.yield
      }) : () -> ()
    } else {
    }
    %eq3A_98 = arith.constant 1 : i32
    %eq3A_99 = arith.cmpi eq, %arg0, %eq3A_98 : i32
    %convert_element_type3A_100 = arith.extui %eq3A_99 : i1 to i32
    %cond3A_101 = arith.constant 0 : i32
    %cond3A_102 = arith.cmpi ne, %convert_element_type3A_100, %cond3A_101 : i32
    scf.if %cond3A_102 {
      "tpu.region"() ({
        %run_scoped3A_186 = tpu.sem_alloc : memref<!tpu.dma_semaphore, #tpu.memory_space<semaphore_mem>>
        tpu.enqueue_dma source(%arg10 : memref<10000xf32, #tpu.memory_space<hbm>>) target(%arg17 : memref<10000xf32, #tpu.memory_space<vmem>>) target_semaphore(%run_scoped3A_186 : memref<!tpu.dma_semaphore, #tpu.memory_space<semaphore_mem>>)
        tpu.wait_dma2 semaphore(%run_scoped3A_186 : memref<!tpu.dma_semaphore, #tpu.memory_space<semaphore_mem>>) src(%arg10 : memref<10000xf32, #tpu.memory_space<hbm>>) dst(%arg17 : memref<10000xf32, #tpu.memory_space<vmem>>)
        tpu.yield
      }) : () -> ()
      "tpu.region"() ({
        %run_scoped3A_186 = tpu.sem_alloc : memref<!tpu.dma_semaphore, #tpu.memory_space<semaphore_mem>>
        tpu.enqueue_dma source(%arg11 : memref<10000xf32, #tpu.memory_space<hbm>>) target(%arg18 : memref<10000xf32, #tpu.memory_space<vmem>>) target_semaphore(%run_scoped3A_186 : memref<!tpu.dma_semaphore, #tpu.memory_space<semaphore_mem>>)
        tpu.wait_dma2 semaphore(%run_scoped3A_186 : memref<!tpu.dma_semaphore, #tpu.memory_space<semaphore_mem>>) src(%arg11 : memref<10000xf32, #tpu.memory_space<hbm>>) dst(%arg18 : memref<10000xf32, #tpu.memory_space<vmem>>)
        tpu.yield
      }) : () -> ()
      %run_scoped3A = arith.constant 1 : i32
      "tpu.region"() ({
        %run_scoped3A_186 = tpu.sem_alloc : memref<!tpu.dma_semaphore, #tpu.memory_space<semaphore_mem>>
        %dma_start3A = arith.constant 0 : i32
        %dma_start3A_187 = tpu.memref_slice %arg12[%run_scoped3A, %dma_start3A] : memref<2x128xf32, #tpu.memory_space<hbm>> -> memref<1x128xf32, #tpu.memory_space<hbm>>
        %dma_start3A_188 = tpu.memref_squeeze %dma_start3A_187 : memref<1x128xf32, #tpu.memory_space<hbm>> -> memref<128xf32, #tpu.memory_space<hbm>>
        %dma_start3A_189 = arith.constant 0 : i32
        %dma_start3A_190 = tpu.memref_slice %arg12[%run_scoped3A, %dma_start3A_189] : memref<2x128xf32, #tpu.memory_space<hbm>> -> memref<1x128xf32, #tpu.memory_space<hbm>>
        %dma_start3A_191 = tpu.memref_squeeze %dma_start3A_190 : memref<1x128xf32, #tpu.memory_space<hbm>> -> memref<128xf32, #tpu.memory_space<hbm>>
        tpu.enqueue_dma source(%dma_start3A_191 : memref<128xf32, #tpu.memory_space<hbm>>) target(%arg19 : memref<128xf32, #tpu.memory_space<vmem>>) target_semaphore(%run_scoped3A_186 : memref<!tpu.dma_semaphore, #tpu.memory_space<semaphore_mem>>)
        %dma_wait3A = arith.constant 0 : i32
        %dma_wait3A_192 = tpu.memref_slice %arg12[%run_scoped3A, %dma_wait3A] : memref<2x128xf32, #tpu.memory_space<hbm>> -> memref<1x128xf32, #tpu.memory_space<hbm>>
        %dma_wait3A_193 = tpu.memref_squeeze %dma_wait3A_192 : memref<1x128xf32, #tpu.memory_space<hbm>> -> memref<128xf32, #tpu.memory_space<hbm>>
        %dma_wait3A_194 = arith.constant 0 : i32
        %dma_wait3A_195 = tpu.memref_slice %arg12[%run_scoped3A, %dma_wait3A_194] : memref<2x128xf32, #tpu.memory_space<hbm>> -> memref<1x128xf32, #tpu.memory_space<hbm>>
        %dma_wait3A_196 = tpu.memref_squeeze %dma_wait3A_195 : memref<1x128xf32, #tpu.memory_space<hbm>> -> memref<128xf32, #tpu.memory_space<hbm>>
        tpu.wait_dma2 semaphore(%run_scoped3A_186 : memref<!tpu.dma_semaphore, #tpu.memory_space<semaphore_mem>>) src(%dma_wait3A_196 : memref<128xf32, #tpu.memory_space<hbm>>) dst(%arg19 : memref<128xf32, #tpu.memory_space<vmem>>)
        tpu.yield
      }) : () -> ()
      %get3A = arith.constant 0 : index
      %get3A_103 = tpu.vector_load %arg19[%get3A] {strides = array<i32>} : memref<128xf32, #tpu.memory_space<vmem>>, vector<16xf32>,
      %slice3A = vector.extract_strided_slice %get3A_103 {offsets = [0], sizes = [1], strides = [1]} : vector<16xf32> to vector<1xf32>
      %squeeze3A = vector.extract %slice3A[0] : f32 from vector<1xf32>
      %broadcast_in_dim3A_104 = vector.broadcast %squeeze3A : f32 to vector<16xf32>
      %add3A_105 = arith.constant 0 : i32
      %add3A_106 = vector.broadcast %add3A_105 : i32 to vector<16xi32>
      %add3A_107 = arith.addi %iota3A, %add3A_106 : vector<16xi32>
      %ge3A = arith.constant 40 : i32
      %ge3A_108 = vector.broadcast %ge3A : i32 to vector<16xi32>
      %ge3A_109 = arith.cmpi sge, %add3A_107, %ge3A_108 : vector<16xi32>
      %jit3A = arith.constant 1 : i32
      %jit3A_110 = arith.constant 0 : i32
      %broadcast_in_dim3A_111 = vector.broadcast %jit3A : i32 to vector<16xi32>
      %broadcast_in_dim3A_112 = vector.broadcast %jit3A_110 : i32 to vector<16xi32>
      %select_n3A = arith.select %ge3A_109, %broadcast_in_dim3A_111, %broadcast_in_dim3A_112 : vector<16xi1>, vector<16xi32>
      %mul3A_113 = arith.constant 40 : i32
      %mul3A_114 = vector.broadcast %mul3A_113 : i32 to vector<16xi32>
      %mul3A_115 = arith.muli %select_n3A, %mul3A_114 : vector<16xi32>
      %sub3A = arith.subi %add3A_107, %mul3A_115 : vector<16xi32>
      %add3A_116 = arith.constant 16 : i32
      %add3A_117 = vector.broadcast %add3A_116 : i32 to vector<16xi32>
      %add3A_118 = arith.addi %iota3A, %add3A_117 : vector<16xi32>
      %ge3A_119 = arith.constant 40 : i32
      %ge3A_120 = vector.broadcast %ge3A_119 : i32 to vector<16xi32>
      %ge3A_121 = arith.cmpi sge, %add3A_118, %ge3A_120 : vector<16xi32>
      %jit3A_122 = arith.constant 1 : i32
      %jit3A_123 = arith.constant 0 : i32
      %broadcast_in_dim3A_124 = vector.broadcast %jit3A_122 : i32 to vector<16xi32>
      %broadcast_in_dim3A_125 = vector.broadcast %jit3A_123 : i32 to vector<16xi32>
      %select_n3A_126 = arith.select %ge3A_121, %broadcast_in_dim3A_124, %broadcast_in_dim3A_125 : vector<16xi1>, vector<16xi32>
      %mul3A_127 = arith.constant 40 : i32
      %mul3A_128 = vector.broadcast %mul3A_127 : i32 to vector<16xi32>
      %mul3A_129 = arith.muli %select_n3A_126, %mul3A_128 : vector<16xi32>
      %sub3A_130 = arith.subi %add3A_118, %mul3A_129 : vector<16xi32>
      %add3A_131 = arith.constant 32 : i32
      %add3A_132 = vector.broadcast %add3A_131 : i32 to vector<16xi32>
      %add3A_133 = arith.addi %iota3A, %add3A_132 : vector<16xi32>
      %ge3A_134 = arith.constant 40 : i32
      %ge3A_135 = vector.broadcast %ge3A_134 : i32 to vector<16xi32>
      %ge3A_136 = arith.cmpi sge, %add3A_133, %ge3A_135 : vector<16xi32>
      %jit3A_137 = arith.constant 1 : i32
      %jit3A_138 = arith.constant 0 : i32
      %broadcast_in_dim3A_139 = vector.broadcast %jit3A_137 : i32 to vector<16xi32>
      %broadcast_in_dim3A_140 = vector.broadcast %jit3A_138 : i32 to vector<16xi32>
      %select_n3A_141 = arith.select %ge3A_136, %broadcast_in_dim3A_139, %broadcast_in_dim3A_140 : vector<16xi1>, vector<16xi32>
      %mul3A_142 = arith.constant 40 : i32
      %mul3A_143 = vector.broadcast %mul3A_142 : i32 to vector<16xi32>
      %mul3A_144 = arith.muli %select_n3A_141, %mul3A_143 : vector<16xi32>
      %sub3A_145 = arith.subi %add3A_133, %mul3A_144 : vector<16xi32>
      %add3A_146 = arith.constant 48 : i32
      %add3A_147 = vector.broadcast %add3A_146 : i32 to vector<16xi32>
      %add3A_148 = arith.addi %iota3A, %add3A_147 : vector<16xi32>
      %ge3A_149 = arith.constant 40 : i32
      %ge3A_150 = vector.broadcast %ge3A_149 : i32 to vector<16xi32>
      %ge3A_151 = arith.cmpi sge, %add3A_148, %ge3A_150 : vector<16xi32>
      %jit3A_152 = arith.constant 1 : i32
      %jit3A_153 = arith.constant 0 : i32
      %broadcast_in_dim3A_154 = vector.broadcast %jit3A_152 : i32 to vector<16xi32>
      %broadcast_in_dim3A_155 = vector.broadcast %jit3A_153 : i32 to vector<16xi32>
      %select_n3A_156 = arith.select %ge3A_151, %broadcast_in_dim3A_154, %broadcast_in_dim3A_155 : vector<16xi1>, vector<16xi32>
      %mul3A_157 = arith.constant 40 : i32
      %mul3A_158 = vector.broadcast %mul3A_157 : i32 to vector<16xi32>
      %mul3A_159 = arith.muli %select_n3A_156, %mul3A_158 : vector<16xi32>
      %sub3A_160 = arith.subi %add3A_148, %mul3A_159 : vector<16xi32>
      %add3A_161 = arith.constant 64 : i32
      %add3A_162 = vector.broadcast %add3A_161 : i32 to vector<16xi32>
      %add3A_163 = arith.addi %iota3A, %add3A_162 : vector<16xi32>
      %ge3A_164 = arith.constant 40 : i32
      %ge3A_165 = vector.broadcast %ge3A_164 : i32 to vector<16xi32>
      %ge3A_166 = arith.cmpi sge, %add3A_163, %ge3A_165 : vector<16xi32>
      %jit3A_167 = arith.constant 1 : i32
      %jit3A_168 = arith.constant 0 : i32
      %broadcast_in_dim3A_169 = vector.broadcast %jit3A_167 : i32 to vector<16xi32>
      %broadcast_in_dim3A_170 = vector.broadcast %jit3A_168 : i32 to vector<16xi32>
      %select_n3A_171 = arith.select %ge3A_166, %broadcast_in_dim3A_169, %broadcast_in_dim3A_170 : vector<16xi1>, vector<16xi32>
      %mul3A_172 = arith.constant 40 : i32
      %mul3A_173 = vector.broadcast %mul3A_172 : i32 to vector<16xi32>
      %mul3A_174 = arith.muli %select_n3A_171, %mul3A_173 : vector<16xi32>
      %sub3A_175 = arith.subi %add3A_163, %mul3A_174 : vector<16xi32>
      %scan3A_176 = arith.constant 0 : i32
      %scan3A_177 = arith.constant 25 : i32
      %scan3A_178 = arith.addi %scan3A_176, %scan3A_177 : i32
      %scan3A_179 = arith.constant 1 : i32
      scf.for %scan3A_186 = %scan3A_176 to %scan3A_178 step %scan3A_179  : i32 {
        %mul3A_187 = arith.constant 1 : i32
        %mul3A_188 = arith.muli %scan3A_186, %mul3A_187 : i32
        %add3A_189 = arith.constant 0 : i32
        %add3A_190 = arith.addi %add3A_189, %mul3A_188 : i32
        %mul3A_191 = arith.constant 800 : i32
        %mul3A_192 = arith.muli %add3A_190, %mul3A_191 : i32
        "tpu.region"() ({
          %run_scoped3A_217 = tpu.sem_alloc : memref<!tpu.dma_semaphore, #tpu.memory_space<semaphore_mem>>
          %dma_start3A_218 = tpu.memref_slice %arg6[%arg1, %mul3A_192] : memref<16x20000xi32, #tpu.memory_space<hbm>> -> memref<1x800xi32, #tpu.memory_space<hbm>>
          %dma_start3A_219 = tpu.memref_squeeze %dma_start3A_218 : memref<1x800xi32, #tpu.memory_space<hbm>> -> memref<800xi32, #tpu.memory_space<hbm>>
          %dma_start3A_220 = tpu.memref_slice %arg6[%arg1, %mul3A_192] : memref<16x20000xi32, #tpu.memory_space<hbm>> -> memref<1x800xi32, #tpu.memory_space<hbm>>
          %dma_start3A_221 = tpu.memref_squeeze %dma_start3A_220 : memref<1x800xi32, #tpu.memory_space<hbm>> -> memref<800xi32, #tpu.memory_space<hbm>>
          tpu.enqueue_dma source(%dma_start3A_221 : memref<800xi32, #tpu.memory_space<hbm>>) target(%arg21 : memref<800xi32, #tpu.memory_space<vmem>>) target_semaphore(%run_scoped3A_217 : memref<!tpu.dma_semaphore, #tpu.memory_space<semaphore_mem>>)
          %dma_wait3A_222 = tpu.memref_slice %arg6[%arg1, %mul3A_192] : memref<16x20000xi32, #tpu.memory_space<hbm>> -> memref<1x800xi32, #tpu.memory_space<hbm>>
          %dma_wait3A_223 = tpu.memref_squeeze %dma_wait3A_222 : memref<1x800xi32, #tpu.memory_space<hbm>> -> memref<800xi32, #tpu.memory_space<hbm>>
          %dma_wait3A_224 = tpu.memref_slice %arg6[%arg1, %mul3A_192] : memref<16x20000xi32, #tpu.memory_space<hbm>> -> memref<1x800xi32, #tpu.memory_space<hbm>>
          %dma_wait3A_225 = tpu.memref_squeeze %dma_wait3A_224 : memref<1x800xi32, #tpu.memory_space<hbm>> -> memref<800xi32, #tpu.memory_space<hbm>>
          tpu.wait_dma2 semaphore(%run_scoped3A_217 : memref<!tpu.dma_semaphore, #tpu.memory_space<semaphore_mem>>) src(%dma_wait3A_225 : memref<800xi32, #tpu.memory_space<hbm>>) dst(%arg21 : memref<800xi32, #tpu.memory_space<vmem>>)
          tpu.yield
        }) : () -> ()
        %mul3A_193 = arith.constant 20 : i32
        %mul3A_194 = arith.muli %add3A_190, %mul3A_193 : i32
        "tpu.region"() ({
          %run_scoped3A_217 = tpu.sem_alloc : memref<!tpu.dma_semaphore, #tpu.memory_space<semaphore_mem>>
          %dma_start3A_218 = arith.constant 0 : i32
          %dma_start3A_219 = tpu.memref_slice %arg7[%arg1, %mul3A_194, %dma_start3A_218] : memref<16x500x40xi32, #tpu.memory_space<hbm>> -> memref<1x20x40xi32, #tpu.memory_space<hbm>>
          %dma_start3A_220 = tpu.memref_squeeze %dma_start3A_219 : memref<1x20x40xi32, #tpu.memory_space<hbm>> -> memref<20x40xi32, #tpu.memory_space<hbm>>
          %dma_start3A_221 = arith.constant 0 : i32
          %dma_start3A_222 = tpu.memref_slice %arg7[%arg1, %mul3A_194, %dma_start3A_221] : memref<16x500x40xi32, #tpu.memory_space<hbm>> -> memref<1x20x40xi32, #tpu.memory_space<hbm>>
          %dma_start3A_223 = tpu.memref_squeeze %dma_start3A_222 : memref<1x20x40xi32, #tpu.memory_space<hbm>> -> memref<20x40xi32, #tpu.memory_space<hbm>>
          tpu.enqueue_dma source(%dma_start3A_223 : memref<20x40xi32, #tpu.memory_space<hbm>>) target(%arg22 : memref<20x40xi32, #tpu.memory_space<vmem>>) target_semaphore(%run_scoped3A_217 : memref<!tpu.dma_semaphore, #tpu.memory_space<semaphore_mem>>)
          %dma_wait3A_224 = arith.constant 0 : i32
          %dma_wait3A_225 = tpu.memref_slice %arg7[%arg1, %mul3A_194, %dma_wait3A_224] : memref<16x500x40xi32, #tpu.memory_space<hbm>> -> memref<1x20x40xi32, #tpu.memory_space<hbm>>
          %dma_wait3A_226 = tpu.memref_squeeze %dma_wait3A_225 : memref<1x20x40xi32, #tpu.memory_space<hbm>> -> memref<20x40xi32, #tpu.memory_space<hbm>>
          %dma_wait3A_227 = arith.constant 0 : i32
          %dma_wait3A_228 = tpu.memref_slice %arg7[%arg1, %mul3A_194, %dma_wait3A_227] : memref<16x500x40xi32, #tpu.memory_space<hbm>> -> memref<1x20x40xi32, #tpu.memory_space<hbm>>
          %dma_wait3A_229 = tpu.memref_squeeze %dma_wait3A_228 : memref<1x20x40xi32, #tpu.memory_space<hbm>> -> memref<20x40xi32, #tpu.memory_space<hbm>>
          tpu.wait_dma2 semaphore(%run_scoped3A_217 : memref<!tpu.dma_semaphore, #tpu.memory_space<semaphore_mem>>) src(%dma_wait3A_229 : memref<20x40xi32, #tpu.memory_space<hbm>>) dst(%arg22 : memref<20x40xi32, #tpu.memory_space<vmem>>)
          tpu.yield
        }) : () -> ()
        %dma_start3A = arith.constant 0 : i32
        %dma_start3A_195 = tpu.memref_slice %arg21[%dma_start3A] : memref<800xi32, #tpu.memory_space<vmem>> -> memref<40xi32, #tpu.memory_space<vmem>>
        %dma_start3A_196 = arith.constant 0 : i32
        %dma_start3A_197 = arith.constant 0 : i32
        %dma_start3A_198 = tpu.memref_slice %arg3[%dma_start3A_196, %dma_start3A_197] : memref<10000x128xf32, #tpu.memory_space<hbm>> -> memref<10000x128xf32, #tpu.memory_space<hbm>>
        tpu.enqueue_indirect_dma source(%dma_start3A_198 : memref<10000x128xf32, #tpu.memory_space<hbm>>) target(%arg24 : memref<40x128xf32, #tpu.memory_space<vmem>>) offsets(%dma_start3A_195 : memref<40xi32, #tpu.memory_space<vmem>>) semaphore(%arg27 : memref<!tpu.dma_semaphore, #tpu.memory_space<semaphore_mem>>)
        %scan3A_199 = arith.constant 0 : i32
        %scan3A_200 = arith.constant 10 : i32
        %scan3A_201 = arith.addi %scan3A_199, %scan3A_200 : i32
        %scan3A_202 = arith.constant 1 : i32
        scf.for %scan3A_217 = %scan3A_199 to %scan3A_201 step %scan3A_202  : i32 {
          %mul3A_218 = arith.constant 1 : i32
          %mul3A_219 = arith.muli %scan3A_217, %mul3A_218 : i32
          %add3A_220 = arith.constant 0 : i32
          %add3A_221 = arith.addi %add3A_220, %mul3A_219 : i32
          %mul3A_222 = arith.constant 2 : i32
          %mul3A_223 = arith.muli %mul3A_222, %add3A_221 : i32
          %add3A_224 = arith.constant 1 : i32
          %add3A_225 = arith.addi %mul3A_223, %add3A_224 : i32
          %mul3A_226 = arith.constant 40 : i32
          %mul3A_227 = arith.muli %mul3A_223, %mul3A_226 : i32
          %add3A_228 = arith.constant 0 : i32
          %add3A_229 = arith.addi %mul3A_227, %add3A_228 : i32
          %get3A_230 = arith.index_cast %add3A_229 : i32 to index
          %get3A_231 = tpu.vector_load %arg21[%get3A_230] {strides = array<i32>} : memref<800xi32, #tpu.memory_space<vmem>>, vector<16xi32>,
          %broadcast_in_dim3A_232 = vector.broadcast %mul3A_223 : i32 to vector<16xi32>
          %add3A_233 = arith.addi %broadcast_in_dim3A_232, %select_n3A : vector<16xi32>
          %gather3A = tpu.vector_load_idx %arg22[%add3A_233, %sub3A] : memref<20x40xi32, #tpu.memory_space<vmem>>[vector<16xi32>, vector<16xi32>], vector<16xi32>,
          %gather3A_234 = tpu.vector_load_idx %arg17[%get3A_231] : memref<10000xf32, #tpu.memory_space<vmem>>[vector<16xi32>], vector<16xf32>,
          %gather3A_235 = tpu.vector_load_idx %arg18[%gather3A] : memref<10000xf32, #tpu.memory_space<vmem>>[vector<16xi32>], vector<16xf32>,
          %add3A_236 = arith.addf %gather3A_234, %gather3A_235 : vector<16xf32>
          %mul3A_237 = arith.constant 0.00999999977 : f32
          %mul3A_238 = vector.broadcast %mul3A_237 : f32 to vector<16xf32>
          %mul3A_239 = arith.mulf %mul3A_238, %add3A_236 : vector<16xf32>
          %max3A = arith.maximumf %add3A_236, %mul3A_239 : vector<16xf32>
          %add3A_240 = arith.addf %gather3A_235, %broadcast_in_dim3A_104 : vector<16xf32>
          %mul3A_241 = arith.constant 0.00999999977 : f32
          %mul3A_242 = vector.broadcast %mul3A_241 : f32 to vector<16xf32>
          %mul3A_243 = arith.mulf %mul3A_242, %add3A_240 : vector<16xf32>
          %max3A_244 = arith.maximumf %add3A_240, %mul3A_243 : vector<16xf32>
          %sub3A_245 = arith.subf %max3A, %max3A_244 : vector<16xf32>
          %exp3A = math.exp %sub3A_245 : vector<16xf32>
          %swap3A = arith.constant 0 : index
          %swap3A_246 = tpu.vector_load %arg23[%swap3A] {strides = array<i32>} : memref<96xf32, #tpu.memory_space<vmem>>, vector<16xf32>,
          tpu.vector_store %arg23[%swap3A], %exp3A {strides = array<i32>} : memref<96xf32, #tpu.memory_space<vmem>>, vector<16xf32>,
          tpu.vector_store_idx %arg20[%gather3A], %exp3A {add = true} : memref<10240xf32, #tpu.memory_space<vmem>>[vector<16xi32>], vector<16xf32>,
          %add3A_247 = arith.constant 16 : i32
          %add3A_248 = arith.addi %mul3A_227, %add3A_247 : i32
          %get3A_249 = arith.index_cast %add3A_248 : i32 to index
          %get3A_250 = tpu.vector_load %arg21[%get3A_249] {strides = array<i32>} : memref<800xi32, #tpu.memory_space<vmem>>, vector<16xi32>,
          %broadcast_in_dim3A_251 = vector.broadcast %mul3A_223 : i32 to vector<16xi32>
          %add3A_252 = arith.addi %broadcast_in_dim3A_251, %select_n3A_126 : vector<16xi32>
          %gather3A_253 = tpu.vector_load_idx %arg22[%add3A_252, %sub3A_130] : memref<20x40xi32, #tpu.memory_space<vmem>>[vector<16xi32>, vector<16xi32>], vector<16xi32>,
          %gather3A_254 = tpu.vector_load_idx %arg17[%get3A_250] : memref<10000xf32, #tpu.memory_space<vmem>>[vector<16xi32>], vector<16xf32>,
          %gather3A_255 = tpu.vector_load_idx %arg18[%gather3A_253] : memref<10000xf32, #tpu.memory_space<vmem>>[vector<16xi32>], vector<16xf32>,
          %add3A_256 = arith.addf %gather3A_254, %gather3A_255 : vector<16xf32>
          %mul3A_257 = arith.constant 0.00999999977 : f32
          %mul3A_258 = vector.broadcast %mul3A_257 : f32 to vector<16xf32>
          %mul3A_259 = arith.mulf %mul3A_258, %add3A_256 : vector<16xf32>
          %max3A_260 = arith.maximumf %add3A_256, %mul3A_259 : vector<16xf32>
          %add3A_261 = arith.addf %gather3A_255, %broadcast_in_dim3A_104 : vector<16xf32>
          %mul3A_262 = arith.constant 0.00999999977 : f32
          %mul3A_263 = vector.broadcast %mul3A_262 : f32 to vector<16xf32>
          %mul3A_264 = arith.mulf %mul3A_263, %add3A_261 : vector<16xf32>
          %max3A_265 = arith.maximumf %add3A_261, %mul3A_264 : vector<16xf32>
          %sub3A_266 = arith.subf %max3A_260, %max3A_265 : vector<16xf32>
          %exp3A_267 = math.exp %sub3A_266 : vector<16xf32>
          %swap3A_268 = arith.constant 16 : index
          %swap3A_269 = tpu.vector_load %arg23[%swap3A_268] {strides = array<i32>} : memref<96xf32, #tpu.memory_space<vmem>>, vector<16xf32>,
          tpu.vector_store %arg23[%swap3A_268], %exp3A_267 {strides = array<i32>} : memref<96xf32, #tpu.memory_space<vmem>>, vector<16xf32>,
          tpu.vector_store_idx %arg20[%gather3A_253], %exp3A_267 {add = true} : memref<10240xf32, #tpu.memory_space<vmem>>[vector<16xi32>], vector<16xf32>,
          %add3A_270 = arith.constant 32 : i32
          %add3A_271 = arith.addi %mul3A_227, %add3A_270 : i32
          %get3A_272 = arith.index_cast %add3A_271 : i32 to index
          %get3A_273 = tpu.vector_load %arg21[%get3A_272] {strides = array<i32>} : memref<800xi32, #tpu.memory_space<vmem>>, vector<16xi32>,
          %broadcast_in_dim3A_274 = vector.broadcast %mul3A_223 : i32 to vector<16xi32>
          %add3A_275 = arith.addi %broadcast_in_dim3A_274, %select_n3A_141 : vector<16xi32>
          %gather3A_276 = tpu.vector_load_idx %arg22[%add3A_275, %sub3A_145] : memref<20x40xi32, #tpu.memory_space<vmem>>[vector<16xi32>, vector<16xi32>], vector<16xi32>,
          %gather3A_277 = tpu.vector_load_idx %arg17[%get3A_273] : memref<10000xf32, #tpu.memory_space<vmem>>[vector<16xi32>], vector<16xf32>,
          %gather3A_278 = tpu.vector_load_idx %arg18[%gather3A_276] : memref<10000xf32, #tpu.memory_space<vmem>>[vector<16xi32>], vector<16xf32>,
          %add3A_279 = arith.addf %gather3A_277, %gather3A_278 : vector<16xf32>
          %mul3A_280 = arith.constant 0.00999999977 : f32
          %mul3A_281 = vector.broadcast %mul3A_280 : f32 to vector<16xf32>
          %mul3A_282 = arith.mulf %mul3A_281, %add3A_279 : vector<16xf32>
          %max3A_283 = arith.maximumf %add3A_279, %mul3A_282 : vector<16xf32>
          %add3A_284 = arith.addf %gather3A_278, %broadcast_in_dim3A_104 : vector<16xf32>
          %mul3A_285 = arith.constant 0.00999999977 : f32
          %mul3A_286 = vector.broadcast %mul3A_285 : f32 to vector<16xf32>
          %mul3A_287 = arith.mulf %mul3A_286, %add3A_284 : vector<16xf32>
          %max3A_288 = arith.maximumf %add3A_284, %mul3A_287 : vector<16xf32>
          %sub3A_289 = arith.subf %max3A_283, %max3A_288 : vector<16xf32>
          %exp3A_290 = math.exp %sub3A_289 : vector<16xf32>
          %swap3A_291 = arith.constant 32 : index
          %swap3A_292 = tpu.vector_load %arg23[%swap3A_291] {strides = array<i32>} : memref<96xf32, #tpu.memory_space<vmem>>, vector<16xf32>,
          tpu.vector_store %arg23[%swap3A_291], %exp3A_290 {strides = array<i32>} : memref<96xf32, #tpu.memory_space<vmem>>, vector<16xf32>,
          tpu.vector_store_idx %arg20[%gather3A_276], %exp3A_290 {add = true} : memref<10240xf32, #tpu.memory_space<vmem>>[vector<16xi32>], vector<16xf32>,
          %add3A_293 = arith.constant 48 : i32
          %add3A_294 = arith.addi %mul3A_227, %add3A_293 : i32
          %get3A_295 = arith.index_cast %add3A_294 : i32 to index
          %get3A_296 = tpu.vector_load %arg21[%get3A_295] {strides = array<i32>} : memref<800xi32, #tpu.memory_space<vmem>>, vector<16xi32>,
          %broadcast_in_dim3A_297 = vector.broadcast %mul3A_223 : i32 to vector<16xi32>
          %add3A_298 = arith.addi %broadcast_in_dim3A_297, %select_n3A_156 : vector<16xi32>
          %gather3A_299 = tpu.vector_load_idx %arg22[%add3A_298, %sub3A_160] : memref<20x40xi32, #tpu.memory_space<vmem>>[vector<16xi32>, vector<16xi32>], vector<16xi32>,
          %gather3A_300 = tpu.vector_load_idx %arg17[%get3A_296] : memref<10000xf32, #tpu.memory_space<vmem>>[vector<16xi32>], vector<16xf32>,
          %gather3A_301 = tpu.vector_load_idx %arg18[%gather3A_299] : memref<10000xf32, #tpu.memory_space<vmem>>[vector<16xi32>], vector<16xf32>,
          %add3A_302 = arith.addf %gather3A_300, %gather3A_301 : vector<16xf32>
          %mul3A_303 = arith.constant 0.00999999977 : f32
          %mul3A_304 = vector.broadcast %mul3A_303 : f32 to vector<16xf32>
          %mul3A_305 = arith.mulf %mul3A_304, %add3A_302 : vector<16xf32>
          %max3A_306 = arith.maximumf %add3A_302, %mul3A_305 : vector<16xf32>
          %add3A_307 = arith.addf %gather3A_301, %broadcast_in_dim3A_104 : vector<16xf32>
          %mul3A_308 = arith.constant 0.00999999977 : f32
          %mul3A_309 = vector.broadcast %mul3A_308 : f32 to vector<16xf32>
          %mul3A_310 = arith.mulf %mul3A_309, %add3A_307 : vector<16xf32>
          %max3A_311 = arith.maximumf %add3A_307, %mul3A_310 : vector<16xf32>
          %sub3A_312 = arith.subf %max3A_306, %max3A_311 : vector<16xf32>
          %exp3A_313 = math.exp %sub3A_312 : vector<16xf32>
          %swap3A_314 = arith.constant 48 : index
          %swap3A_315 = tpu.vector_load %arg23[%swap3A_314] {strides = array<i32>} : memref<96xf32, #tpu.memory_space<vmem>>, vector<16xf32>,
          tpu.vector_store %arg23[%swap3A_314], %exp3A_313 {strides = array<i32>} : memref<96xf32, #tpu.memory_space<vmem>>, vector<16xf32>,
          tpu.vector_store_idx %arg20[%gather3A_299], %exp3A_313 {add = true} : memref<10240xf32, #tpu.memory_space<vmem>>[vector<16xi32>], vector<16xf32>,
          %add3A_316 = arith.constant 64 : i32
          %add3A_317 = arith.addi %mul3A_227, %add3A_316 : i32
          %get3A_318 = arith.index_cast %add3A_317 : i32 to index
          %get3A_319 = tpu.vector_load %arg21[%get3A_318] {strides = array<i32>} : memref<800xi32, #tpu.memory_space<vmem>>, vector<16xi32>,
          %broadcast_in_dim3A_320 = vector.broadcast %mul3A_223 : i32 to vector<16xi32>
          %add3A_321 = arith.addi %broadcast_in_dim3A_320, %select_n3A_171 : vector<16xi32>
          %gather3A_322 = tpu.vector_load_idx %arg22[%add3A_321, %sub3A_175] : memref<20x40xi32, #tpu.memory_space<vmem>>[vector<16xi32>, vector<16xi32>], vector<16xi32>,
          %gather3A_323 = tpu.vector_load_idx %arg17[%get3A_319] : memref<10000xf32, #tpu.memory_space<vmem>>[vector<16xi32>], vector<16xf32>,
          %gather3A_324 = tpu.vector_load_idx %arg18[%gather3A_322] : memref<10000xf32, #tpu.memory_space<vmem>>[vector<16xi32>], vector<16xf32>,
          %add3A_325 = arith.addf %gather3A_323, %gather3A_324 : vector<16xf32>
          %mul3A_326 = arith.constant 0.00999999977 : f32
          %mul3A_327 = vector.broadcast %mul3A_326 : f32 to vector<16xf32>
          %mul3A_328 = arith.mulf %mul3A_327, %add3A_325 : vector<16xf32>
          %max3A_329 = arith.maximumf %add3A_325, %mul3A_328 : vector<16xf32>
          %add3A_330 = arith.addf %gather3A_324, %broadcast_in_dim3A_104 : vector<16xf32>
          %mul3A_331 = arith.constant 0.00999999977 : f32
          %mul3A_332 = vector.broadcast %mul3A_331 : f32 to vector<16xf32>
          %mul3A_333 = arith.mulf %mul3A_332, %add3A_330 : vector<16xf32>
          %max3A_334 = arith.maximumf %add3A_330, %mul3A_333 : vector<16xf32>
          %sub3A_335 = arith.subf %max3A_329, %max3A_334 : vector<16xf32>
          %exp3A_336 = math.exp %sub3A_335 : vector<16xf32>
          %swap3A_337 = arith.constant 64 : index
          %swap3A_338 = tpu.vector_load %arg23[%swap3A_337] {strides = array<i32>} : memref<96xf32, #tpu.memory_space<vmem>>, vector<16xf32>,
          tpu.vector_store %arg23[%swap3A_337], %exp3A_336 {strides = array<i32>} : memref<96xf32, #tpu.memory_space<vmem>>, vector<16xf32>,
          tpu.vector_store_idx %arg20[%gather3A_322], %exp3A_336 {add = true} : memref<10240xf32, #tpu.memory_space<vmem>>[vector<16xi32>], vector<16xf32>,
          %gt3A = arith.constant 0 : i32
          %gt3A_339 = arith.cmpi sgt, %add3A_221, %gt3A : i32
          %convert_element_type3A_340 = arith.extui %gt3A_339 : i1 to i32
          %cond3A_341 = arith.constant 0 : i32
          %cond3A_342 = arith.cmpi ne, %convert_element_type3A_340, %cond3A_341 : i32
          scf.if %cond3A_342 {
            %sub3A_387 = arith.constant 2 : i32
            %sub3A_388 = arith.subi %add3A_225, %sub3A_387 : i32
            %dma_wait3A_389 = arith.constant 0 : i32
            %dma_wait3A_390 = tpu.memref_slice %arg22[%sub3A_388, %dma_wait3A_389] : memref<20x40xi32, #tpu.memory_space<vmem>> -> memref<1x40xi32, #tpu.memory_space<vmem>>
            %dma_wait3A_391 = tpu.memref_squeeze %dma_wait3A_390 : memref<1x40xi32, #tpu.memory_space<vmem>> -> memref<40xi32, #tpu.memory_space<vmem>>
            %dma_wait3A_392 = arith.constant 0 : i32
            %dma_wait3A_393 = arith.constant 0 : i32
            %dma_wait3A_394 = tpu.memref_slice %arg26[%dma_wait3A_392, %dma_wait3A_393] : memref<10240x128xf32, #tpu.memory_space<vmem_shared>> -> memref<10240x128xf32, #tpu.memory_space<vmem_shared>>
            tpu.wait_indirect_dma semaphore(%arg30 : memref<!tpu.dma_semaphore, #tpu.memory_space<semaphore_mem>>) src(%arg25 : memref<40x128xf32, #tpu.memory_space<vmem>>) dst(%dma_wait3A_394 : memref<10240x128xf32, #tpu.memory_space<vmem_shared>>)
          } else {
          }
          %mul3A_343 = arith.constant 40 : i32
          %mul3A_344 = arith.muli %add3A_225, %mul3A_343 : i32
          %dma_start3A_345 = tpu.memref_slice %arg21[%mul3A_344] : memref<800xi32, #tpu.memory_space<vmem>> -> memref<40xi32, #tpu.memory_space<vmem>>
          %dma_start3A_346 = arith.constant 0 : i32
          %dma_start3A_347 = arith.constant 0 : i32
          %dma_start3A_348 = tpu.memref_slice %arg3[%dma_start3A_346, %dma_start3A_347] : memref<10000x128xf32, #tpu.memory_space<hbm>> -> memref<10000x128xf32, #tpu.memory_space<hbm>>
          tpu.enqueue_indirect_dma source(%dma_start3A_348 : memref<10000x128xf32, #tpu.memory_space<hbm>>) target(%arg25 : memref<40x128xf32, #tpu.memory_space<vmem>>) offsets(%dma_start3A_345 : memref<40xi32, #tpu.memory_space<vmem>>) semaphore(%arg28 : memref<!tpu.dma_semaphore, #tpu.memory_space<semaphore_mem>>)
          %mul3A_349 = arith.constant 40 : i32
          %mul3A_350 = arith.muli %mul3A_223, %mul3A_349 : i32
          %dma_wait3A_351 = tpu.memref_slice %arg21[%mul3A_350] : memref<800xi32, #tpu.memory_space<vmem>> -> memref<40xi32, #tpu.memory_space<vmem>>
          %dma_wait3A_352 = arith.constant 0 : i32
          %dma_wait3A_353 = arith.constant 0 : i32
          %dma_wait3A_354 = tpu.memref_slice %arg3[%dma_wait3A_352, %dma_wait3A_353] : memref<10000x128xf32, #tpu.memory_space<hbm>> -> memref<10000x128xf32, #tpu.memory_space<hbm>>
          tpu.wait_indirect_dma semaphore(%arg27 : memref<!tpu.dma_semaphore, #tpu.memory_space<semaphore_mem>>) src(%dma_wait3A_354 : memref<10000x128xf32, #tpu.memory_space<hbm>>) dst(%arg24 : memref<40x128xf32, #tpu.memory_space<vmem>>)
          %scan3A_355 = arith.constant 0 : i32
          %scan3A_356 = arith.constant 40 : i32
          %scan3A_357 = arith.addi %scan3A_355, %scan3A_356 : i32
          %scan3A_358 = arith.constant 8 : i32
          scf.for %scan3A_387 = %scan3A_355 to %scan3A_357 step %scan3A_358  : i32 {
            %mul3A_388 = arith.constant 1 : i32
            %mul3A_389 = arith.muli %scan3A_387, %mul3A_388 : i32
            %add3A_390 = arith.constant 0 : i32
            %add3A_391 = arith.addi %add3A_390, %mul3A_389 : i32
            %add3A_392 = arith.constant 0 : i32
            %add3A_393 = arith.addi %add3A_391, %add3A_392 : i32
            %get3A_394 = arith.index_cast %add3A_393 : i32 to index
            %get3A_395 = tpu.vector_load %arg23[%get3A_394] {strides = array<i32>} : memref<96xf32, #tpu.memory_space<vmem>>, vector<16xf32>,
            %slice3A_396 = vector.extract_strided_slice %get3A_395 {offsets = [0], sizes = [1], strides = [1]} : vector<16xf32> to vector<1xf32>
            %squeeze3A_397 = vector.extract %slice3A_396[0] : f32 from vector<1xf32>
            %broadcast_in_dim3A_398 = vector.broadcast %squeeze3A_397 : f32 to vector<16xf32>
            %broadcast_in_dim3A_399 = vector.broadcast %add3A_391 : i32 to vector<16xi32>
            %gather3A_400 = tpu.vector_load_idx %arg24[%broadcast_in_dim3A_399, %add3A_2] : memref<40x128xf32, #tpu.memory_space<vmem>>[vector<16xi32>, vector<16xi32>], vector<16xf32>,
            %mul3A_401 = arith.mulf %gather3A_400, %broadcast_in_dim3A_398 : vector<16xf32>
            tpu.vector_store_idx %arg24[%broadcast_in_dim3A_399, %add3A_2], %mul3A_401 : memref<40x128xf32, #tpu.memory_space<vmem>>[vector<16xi32>, vector<16xi32>], vector<16xf32>,
            %gather3A_402 = tpu.vector_load_idx %arg24[%broadcast_in_dim3A_399, %add3A_5] : memref<40x128xf32, #tpu.memory_space<vmem>>[vector<16xi32>, vector<16xi32>], vector<16xf32>,
            %mul3A_403 = arith.mulf %gather3A_402, %broadcast_in_dim3A_398 : vector<16xf32>
            tpu.vector_store_idx %arg24[%broadcast_in_dim3A_399, %add3A_5], %mul3A_403 : memref<40x128xf32, #tpu.memory_space<vmem>>[vector<16xi32>, vector<16xi32>], vector<16xf32>,
            %gather3A_404 = tpu.vector_load_idx %arg24[%broadcast_in_dim3A_399, %add3A_8] : memref<40x128xf32, #tpu.memory_space<vmem>>[vector<16xi32>, vector<16xi32>], vector<16xf32>,
            %mul3A_405 = arith.mulf %gather3A_404, %broadcast_in_dim3A_398 : vector<16xf32>
            tpu.vector_store_idx %arg24[%broadcast_in_dim3A_399, %add3A_8], %mul3A_405 : memref<40x128xf32, #tpu.memory_space<vmem>>[vector<16xi32>, vector<16xi32>], vector<16xf32>,
            %gather3A_406 = tpu.vector_load_idx %arg24[%broadcast_in_dim3A_399, %add3A_11] : memref<40x128xf32, #tpu.memory_space<vmem>>[vector<16xi32>, vector<16xi32>], vector<16xf32>,
            %mul3A_407 = arith.mulf %gather3A_406, %broadcast_in_dim3A_398 : vector<16xf32>
            tpu.vector_store_idx %arg24[%broadcast_in_dim3A_399, %add3A_11], %mul3A_407 : memref<40x128xf32, #tpu.memory_space<vmem>>[vector<16xi32>, vector<16xi32>], vector<16xf32>,
            %gather3A_408 = tpu.vector_load_idx %arg24[%broadcast_in_dim3A_399, %add3A_14] : memref<40x128xf32, #tpu.memory_space<vmem>>[vector<16xi32>, vector<16xi32>], vector<16xf32>,
            %mul3A_409 = arith.mulf %gather3A_408, %broadcast_in_dim3A_398 : vector<16xf32>
            tpu.vector_store_idx %arg24[%broadcast_in_dim3A_399, %add3A_14], %mul3A_409 : memref<40x128xf32, #tpu.memory_space<vmem>>[vector<16xi32>, vector<16xi32>], vector<16xf32>,
            %gather3A_410 = tpu.vector_load_idx %arg24[%broadcast_in_dim3A_399, %add3A_17] : memref<40x128xf32, #tpu.memory_space<vmem>>[vector<16xi32>, vector<16xi32>], vector<16xf32>,
            %mul3A_411 = arith.mulf %gather3A_410, %broadcast_in_dim3A_398 : vector<16xf32>
            tpu.vector_store_idx %arg24[%broadcast_in_dim3A_399, %add3A_17], %mul3A_411 : memref<40x128xf32, #tpu.memory_space<vmem>>[vector<16xi32>, vector<16xi32>], vector<16xf32>,
            %gather3A_412 = tpu.vector_load_idx %arg24[%broadcast_in_dim3A_399, %add3A_20] : memref<40x128xf32, #tpu.memory_space<vmem>>[vector<16xi32>, vector<16xi32>], vector<16xf32>,
            %mul3A_413 = arith.mulf %gather3A_412, %broadcast_in_dim3A_398 : vector<16xf32>
            tpu.vector_store_idx %arg24[%broadcast_in_dim3A_399, %add3A_20], %mul3A_413 : memref<40x128xf32, #tpu.memory_space<vmem>>[vector<16xi32>, vector<16xi32>], vector<16xf32>,
            %gather3A_414 = tpu.vector_load_idx %arg24[%broadcast_in_dim3A_399, %add3A_23] : memref<40x128xf32, #tpu.memory_space<vmem>>[vector<16xi32>, vector<16xi32>], vector<16xf32>,
            %mul3A_415 = arith.mulf %gather3A_414, %broadcast_in_dim3A_398 : vector<16xf32>
            tpu.vector_store_idx %arg24[%broadcast_in_dim3A_399, %add3A_23], %mul3A_415 : memref<40x128xf32, #tpu.memory_space<vmem>>[vector<16xi32>, vector<16xi32>], vector<16xf32>,
            %scan3A_416 = arith.constant 1 : i32
            %scan3A_417 = arith.addi %scan3A_387, %scan3A_416 : i32
            %mul3A_418 = arith.constant 1 : i32
            %mul3A_419 = arith.muli %scan3A_417, %mul3A_418 : i32
            %add3A_420 = arith.constant 0 : i32
            %add3A_421 = arith.addi %add3A_420, %mul3A_419 : i32
            %add3A_422 = arith.constant 0 : i32
            %add3A_423 = arith.addi %add3A_421, %add3A_422 : i32
            %get3A_424 = arith.index_cast %add3A_423 : i32 to index
            %get3A_425 = tpu.vector_load %arg23[%get3A_424] {strides = array<i32>} : memref<96xf32, #tpu.memory_space<vmem>>, vector<16xf32>,
            %slice3A_426 = vector.extract_strided_slice %get3A_425 {offsets = [0], sizes = [1], strides = [1]} : vector<16xf32> to vector<1xf32>
            %squeeze3A_427 = vector.extract %slice3A_426[0] : f32 from vector<1xf32>
            %broadcast_in_dim3A_428 = vector.broadcast %squeeze3A_427 : f32 to vector<16xf32>
            %broadcast_in_dim3A_429 = vector.broadcast %add3A_421 : i32 to vector<16xi32>
            %gather3A_430 = tpu.vector_load_idx %arg24[%broadcast_in_dim3A_429, %add3A_2] : memref<40x128xf32, #tpu.memory_space<vmem>>[vector<16xi32>, vector<16xi32>], vector<16xf32>,
            %mul3A_431 = arith.mulf %gather3A_430, %broadcast_in_dim3A_428 : vector<16xf32>
            tpu.vector_store_idx %arg24[%broadcast_in_dim3A_429, %add3A_2], %mul3A_431 : memref<40x128xf32, #tpu.memory_space<vmem>>[vector<16xi32>, vector<16xi32>], vector<16xf32>,
            %gather3A_432 = tpu.vector_load_idx %arg24[%broadcast_in_dim3A_429, %add3A_5] : memref<40x128xf32, #tpu.memory_space<vmem>>[vector<16xi32>, vector<16xi32>], vector<16xf32>,
            %mul3A_433 = arith.mulf %gather3A_432, %broadcast_in_dim3A_428 : vector<16xf32>
            tpu.vector_store_idx %arg24[%broadcast_in_dim3A_429, %add3A_5], %mul3A_433 : memref<40x128xf32, #tpu.memory_space<vmem>>[vector<16xi32>, vector<16xi32>], vector<16xf32>,
            %gather3A_434 = tpu.vector_load_idx %arg24[%broadcast_in_dim3A_429, %add3A_8] : memref<40x128xf32, #tpu.memory_space<vmem>>[vector<16xi32>, vector<16xi32>], vector<16xf32>,
            %mul3A_435 = arith.mulf %gather3A_434, %broadcast_in_dim3A_428 : vector<16xf32>
            tpu.vector_store_idx %arg24[%broadcast_in_dim3A_429, %add3A_8], %mul3A_435 : memref<40x128xf32, #tpu.memory_space<vmem>>[vector<16xi32>, vector<16xi32>], vector<16xf32>,
            %gather3A_436 = tpu.vector_load_idx %arg24[%broadcast_in_dim3A_429, %add3A_11] : memref<40x128xf32, #tpu.memory_space<vmem>>[vector<16xi32>, vector<16xi32>], vector<16xf32>,
            %mul3A_437 = arith.mulf %gather3A_436, %broadcast_in_dim3A_428 : vector<16xf32>
            tpu.vector_store_idx %arg24[%broadcast_in_dim3A_429, %add3A_11], %mul3A_437 : memref<40x128xf32, #tpu.memory_space<vmem>>[vector<16xi32>, vector<16xi32>], vector<16xf32>,
            %gather3A_438 = tpu.vector_load_idx %arg24[%broadcast_in_dim3A_429, %add3A_14] : memref<40x128xf32, #tpu.memory_space<vmem>>[vector<16xi32>, vector<16xi32>], vector<16xf32>,
            %mul3A_439 = arith.mulf %gather3A_438, %broadcast_in_dim3A_428 : vector<16xf32>
            tpu.vector_store_idx %arg24[%broadcast_in_dim3A_429, %add3A_14], %mul3A_439 : memref<40x128xf32, #tpu.memory_space<vmem>>[vector<16xi32>, vector<16xi32>], vector<16xf32>,
            %gather3A_440 = tpu.vector_load_idx %arg24[%broadcast_in_dim3A_429, %add3A_17] : memref<40x128xf32, #tpu.memory_space<vmem>>[vector<16xi32>, vector<16xi32>], vector<16xf32>,
            %mul3A_441 = arith.mulf %gather3A_440, %broadcast_in_dim3A_428 : vector<16xf32>
            tpu.vector_store_idx %arg24[%broadcast_in_dim3A_429, %add3A_17], %mul3A_441 : memref<40x128xf32, #tpu.memory_space<vmem>>[vector<16xi32>, vector<16xi32>], vector<16xf32>,
            %gather3A_442 = tpu.vector_load_idx %arg24[%broadcast_in_dim3A_429, %add3A_20] : memref<40x128xf32, #tpu.memory_space<vmem>>[vector<16xi32>, vector<16xi32>], vector<16xf32>,
            %mul3A_443 = arith.mulf %gather3A_442, %broadcast_in_dim3A_428 : vector<16xf32>
            tpu.vector_store_idx %arg24[%broadcast_in_dim3A_429, %add3A_20], %mul3A_443 : memref<40x128xf32, #tpu.memory_space<vmem>>[vector<16xi32>, vector<16xi32>], vector<16xf32>,
            %gather3A_444 = tpu.vector_load_idx %arg24[%broadcast_in_dim3A_429, %add3A_23] : memref<40x128xf32, #tpu.memory_space<vmem>>[vector<16xi32>, vector<16xi32>], vector<16xf32>,
            %mul3A_445 = arith.mulf %gather3A_444, %broadcast_in_dim3A_428 : vector<16xf32>
            tpu.vector_store_idx %arg24[%broadcast_in_dim3A_429, %add3A_23], %mul3A_445 : memref<40x128xf32, #tpu.memory_space<vmem>>[vector<16xi32>, vector<16xi32>], vector<16xf32>,
            %scan3A_446 = arith.constant 2 : i32
            %scan3A_447 = arith.addi %scan3A_387, %scan3A_446 : i32
            %mul3A_448 = arith.constant 1 : i32
            %mul3A_449 = arith.muli %scan3A_447, %mul3A_448 : i32
            %add3A_450 = arith.constant 0 : i32
            %add3A_451 = arith.addi %add3A_450, %mul3A_449 : i32
            %add3A_452 = arith.constant 0 : i32
            %add3A_453 = arith.addi %add3A_451, %add3A_452 : i32
            %get3A_454 = arith.index_cast %add3A_453 : i32 to index
            %get3A_455 = tpu.vector_load %arg23[%get3A_454] {strides = array<i32>} : memref<96xf32, #tpu.memory_space<vmem>>, vector<16xf32>,
            %slice3A_456 = vector.extract_strided_slice %get3A_455 {offsets = [0], sizes = [1], strides = [1]} : vector<16xf32> to vector<1xf32>
            %squeeze3A_457 = vector.extract %slice3A_456[0] : f32 from vector<1xf32>
            %broadcast_in_dim3A_458 = vector.broadcast %squeeze3A_457 : f32 to vector<16xf32>
            %broadcast_in_dim3A_459 = vector.broadcast %add3A_451 : i32 to vector<16xi32>
            %gather3A_460 = tpu.vector_load_idx %arg24[%broadcast_in_dim3A_459, %add3A_2] : memref<40x128xf32, #tpu.memory_space<vmem>>[vector<16xi32>, vector<16xi32>], vector<16xf32>,
            %mul3A_461 = arith.mulf %gather3A_460, %broadcast_in_dim3A_458 : vector<16xf32>
            tpu.vector_store_idx %arg24[%broadcast_in_dim3A_459, %add3A_2], %mul3A_461 : memref<40x128xf32, #tpu.memory_space<vmem>>[vector<16xi32>, vector<16xi32>], vector<16xf32>,
            %gather3A_462 = tpu.vector_load_idx %arg24[%broadcast_in_dim3A_459, %add3A_5] : memref<40x128xf32, #tpu.memory_space<vmem>>[vector<16xi32>, vector<16xi32>], vector<16xf32>,
            %mul3A_463 = arith.mulf %gather3A_462, %broadcast_in_dim3A_458 : vector<16xf32>
            tpu.vector_store_idx %arg24[%broadcast_in_dim3A_459, %add3A_5], %mul3A_463 : memref<40x128xf32, #tpu.memory_space<vmem>>[vector<16xi32>, vector<16xi32>], vector<16xf32>,
            %gather3A_464 = tpu.vector_load_idx %arg24[%broadcast_in_dim3A_459, %add3A_8] : memref<40x128xf32, #tpu.memory_space<vmem>>[vector<16xi32>, vector<16xi32>], vector<16xf32>,
            %mul3A_465 = arith.mulf %gather3A_464, %broadcast_in_dim3A_458 : vector<16xf32>
            tpu.vector_store_idx %arg24[%broadcast_in_dim3A_459, %add3A_8], %mul3A_465 : memref<40x128xf32, #tpu.memory_space<vmem>>[vector<16xi32>, vector<16xi32>], vector<16xf32>,
            %gather3A_466 = tpu.vector_load_idx %arg24[%broadcast_in_dim3A_459, %add3A_11] : memref<40x128xf32, #tpu.memory_space<vmem>>[vector<16xi32>, vector<16xi32>], vector<16xf32>,
            %mul3A_467 = arith.mulf %gather3A_466, %broadcast_in_dim3A_458 : vector<16xf32>
            tpu.vector_store_idx %arg24[%broadcast_in_dim3A_459, %add3A_11], %mul3A_467 : memref<40x128xf32, #tpu.memory_space<vmem>>[vector<16xi32>, vector<16xi32>], vector<16xf32>,
            %gather3A_468 = tpu.vector_load_idx %arg24[%broadcast_in_dim3A_459, %add3A_14] : memref<40x128xf32, #tpu.memory_space<vmem>>[vector<16xi32>, vector<16xi32>], vector<16xf32>,
            %mul3A_469 = arith.mulf %gather3A_468, %broadcast_in_dim3A_458 : vector<16xf32>
            tpu.vector_store_idx %arg24[%broadcast_in_dim3A_459, %add3A_14], %mul3A_469 : memref<40x128xf32, #tpu.memory_space<vmem>>[vector<16xi32>, vector<16xi32>], vector<16xf32>,
            %gather3A_470 = tpu.vector_load_idx %arg24[%broadcast_in_dim3A_459, %add3A_17] : memref<40x128xf32, #tpu.memory_space<vmem>>[vector<16xi32>, vector<16xi32>], vector<16xf32>,
            %mul3A_471 = arith.mulf %gather3A_470, %broadcast_in_dim3A_458 : vector<16xf32>
            tpu.vector_store_idx %arg24[%broadcast_in_dim3A_459, %add3A_17], %mul3A_471 : memref<40x128xf32, #tpu.memory_space<vmem>>[vector<16xi32>, vector<16xi32>], vector<16xf32>,
            %gather3A_472 = tpu.vector_load_idx %arg24[%broadcast_in_dim3A_459, %add3A_20] : memref<40x128xf32, #tpu.memory_space<vmem>>[vector<16xi32>, vector<16xi32>], vector<16xf32>,
            %mul3A_473 = arith.mulf %gather3A_472, %broadcast_in_dim3A_458 : vector<16xf32>
            tpu.vector_store_idx %arg24[%broadcast_in_dim3A_459, %add3A_20], %mul3A_473 : memref<40x128xf32, #tpu.memory_space<vmem>>[vector<16xi32>, vector<16xi32>], vector<16xf32>,
            %gather3A_474 = tpu.vector_load_idx %arg24[%broadcast_in_dim3A_459, %add3A_23] : memref<40x128xf32, #tpu.memory_space<vmem>>[vector<16xi32>, vector<16xi32>], vector<16xf32>,
            %mul3A_475 = arith.mulf %gather3A_474, %broadcast_in_dim3A_458 : vector<16xf32>
            tpu.vector_store_idx %arg24[%broadcast_in_dim3A_459, %add3A_23], %mul3A_475 : memref<40x128xf32, #tpu.memory_space<vmem>>[vector<16xi32>, vector<16xi32>], vector<16xf32>,
            %scan3A_476 = arith.constant 3 : i32
            %scan3A_477 = arith.addi %scan3A_387, %scan3A_476 : i32
            %mul3A_478 = arith.constant 1 : i32
            %mul3A_479 = arith.muli %scan3A_477, %mul3A_478 : i32
            %add3A_480 = arith.constant 0 : i32
            %add3A_481 = arith.addi %add3A_480, %mul3A_479 : i32
            %add3A_482 = arith.constant 0 : i32
            %add3A_483 = arith.addi %add3A_481, %add3A_482 : i32
            %get3A_484 = arith.index_cast %add3A_483 : i32 to index
            %get3A_485 = tpu.vector_load %arg23[%get3A_484] {strides = array<i32>} : memref<96xf32, #tpu.memory_space<vmem>>, vector<16xf32>,
            %slice3A_486 = vector.extract_strided_slice %get3A_485 {offsets = [0], sizes = [1], strides = [1]} : vector<16xf32> to vector<1xf32>
            %squeeze3A_487 = vector.extract %slice3A_486[0] : f32 from vector<1xf32>
            %broadcast_in_dim3A_488 = vector.broadcast %squeeze3A_487 : f32 to vector<16xf32>
            %broadcast_in_dim3A_489 = vector.broadcast %add3A_481 : i32 to vector<16xi32>
            %gather3A_490 = tpu.vector_load_idx %arg24[%broadcast_in_dim3A_489, %add3A_2] : memref<40x128xf32, #tpu.memory_space<vmem>>[vector<16xi32>, vector<16xi32>], vector<16xf32>,
            %mul3A_491 = arith.mulf %gather3A_490, %broadcast_in_dim3A_488 : vector<16xf32>
            tpu.vector_store_idx %arg24[%broadcast_in_dim3A_489, %add3A_2], %mul3A_491 : memref<40x128xf32, #tpu.memory_space<vmem>>[vector<16xi32>, vector<16xi32>], vector<16xf32>,
            %gather3A_492 = tpu.vector_load_idx %arg24[%broadcast_in_dim3A_489, %add3A_5] : memref<40x128xf32, #tpu.memory_space<vmem>>[vector<16xi32>, vector<16xi32>], vector<16xf32>,
            %mul3A_493 = arith.mulf %gather3A_492, %broadcast_in_dim3A_488 : vector<16xf32>
            tpu.vector_store_idx %arg24[%broadcast_in_dim3A_489, %add3A_5], %mul3A_493 : memref<40x128xf32, #tpu.memory_space<vmem>>[vector<16xi32>, vector<16xi32>], vector<16xf32>,
            %gather3A_494 = tpu.vector_load_idx %arg24[%broadcast_in_dim3A_489, %add3A_8] : memref<40x128xf32, #tpu.memory_space<vmem>>[vector<16xi32>, vector<16xi32>], vector<16xf32>,
            %mul3A_495 = arith.mulf %gather3A_494, %broadcast_in_dim3A_488 : vector<16xf32>
            tpu.vector_store_idx %arg24[%broadcast_in_dim3A_489, %add3A_8], %mul3A_495 : memref<40x128xf32, #tpu.memory_space<vmem>>[vector<16xi32>, vector<16xi32>], vector<16xf32>,
            %gather3A_496 = tpu.vector_load_idx %arg24[%broadcast_in_dim3A_489, %add3A_11] : memref<40x128xf32, #tpu.memory_space<vmem>>[vector<16xi32>, vector<16xi32>], vector<16xf32>,
            %mul3A_497 = arith.mulf %gather3A_496, %broadcast_in_dim3A_488 : vector<16xf32>
            tpu.vector_store_idx %arg24[%broadcast_in_dim3A_489, %add3A_11], %mul3A_497 : memref<40x128xf32, #tpu.memory_space<vmem>>[vector<16xi32>, vector<16xi32>], vector<16xf32>,
            %gather3A_498 = tpu.vector_load_idx %arg24[%broadcast_in_dim3A_489, %add3A_14] : memref<40x128xf32, #tpu.memory_space<vmem>>[vector<16xi32>, vector<16xi32>], vector<16xf32>,
            %mul3A_499 = arith.mulf %gather3A_498, %broadcast_in_dim3A_488 : vector<16xf32>
            tpu.vector_store_idx %arg24[%broadcast_in_dim3A_489, %add3A_14], %mul3A_499 : memref<40x128xf32, #tpu.memory_space<vmem>>[vector<16xi32>, vector<16xi32>], vector<16xf32>,
            %gather3A_500 = tpu.vector_load_idx %arg24[%broadcast_in_dim3A_489, %add3A_17] : memref<40x128xf32, #tpu.memory_space<vmem>>[vector<16xi32>, vector<16xi32>], vector<16xf32>,
            %mul3A_501 = arith.mulf %gather3A_500, %broadcast_in_dim3A_488 : vector<16xf32>
            tpu.vector_store_idx %arg24[%broadcast_in_dim3A_489, %add3A_17], %mul3A_501 : memref<40x128xf32, #tpu.memory_space<vmem>>[vector<16xi32>, vector<16xi32>], vector<16xf32>,
            %gather3A_502 = tpu.vector_load_idx %arg24[%broadcast_in_dim3A_489, %add3A_20] : memref<40x128xf32, #tpu.memory_space<vmem>>[vector<16xi32>, vector<16xi32>], vector<16xf32>,
            %mul3A_503 = arith.mulf %gather3A_502, %broadcast_in_dim3A_488 : vector<16xf32>
            tpu.vector_store_idx %arg24[%broadcast_in_dim3A_489, %add3A_20], %mul3A_503 : memref<40x128xf32, #tpu.memory_space<vmem>>[vector<16xi32>, vector<16xi32>], vector<16xf32>,
            %gather3A_504 = tpu.vector_load_idx %arg24[%broadcast_in_dim3A_489, %add3A_23] : memref<40x128xf32, #tpu.memory_space<vmem>>[vector<16xi32>, vector<16xi32>], vector<16xf32>,
            %mul3A_505 = arith.mulf %gather3A_504, %broadcast_in_dim3A_488 : vector<16xf32>
            tpu.vector_store_idx %arg24[%broadcast_in_dim3A_489, %add3A_23], %mul3A_505 : memref<40x128xf32, #tpu.memory_space<vmem>>[vector<16xi32>, vector<16xi32>], vector<16xf32>,
            %scan3A_506 = arith.constant 4 : i32
            %scan3A_507 = arith.addi %scan3A_387, %scan3A_506 : i32
            %mul3A_508 = arith.constant 1 : i32
            %mul3A_509 = arith.muli %scan3A_507, %mul3A_508 : i32
            %add3A_510 = arith.constant 0 : i32
            %add3A_511 = arith.addi %add3A_510, %mul3A_509 : i32
            %add3A_512 = arith.constant 0 : i32
            %add3A_513 = arith.addi %add3A_511, %add3A_512 : i32
            %get3A_514 = arith.index_cast %add3A_513 : i32 to index
            %get3A_515 = tpu.vector_load %arg23[%get3A_514] {strides = array<i32>} : memref<96xf32, #tpu.memory_space<vmem>>, vector<16xf32>,
            %slice3A_516 = vector.extract_strided_slice %get3A_515 {offsets = [0], sizes = [1], strides = [1]} : vector<16xf32> to vector<1xf32>
            %squeeze3A_517 = vector.extract %slice3A_516[0] : f32 from vector<1xf32>
            %broadcast_in_dim3A_518 = vector.broadcast %squeeze3A_517 : f32 to vector<16xf32>
            %broadcast_in_dim3A_519 = vector.broadcast %add3A_511 : i32 to vector<16xi32>
            %gather3A_520 = tpu.vector_load_idx %arg24[%broadcast_in_dim3A_519, %add3A_2] : memref<40x128xf32, #tpu.memory_space<vmem>>[vector<16xi32>, vector<16xi32>], vector<16xf32>,
            %mul3A_521 = arith.mulf %gather3A_520, %broadcast_in_dim3A_518 : vector<16xf32>
            tpu.vector_store_idx %arg24[%broadcast_in_dim3A_519, %add3A_2], %mul3A_521 : memref<40x128xf32, #tpu.memory_space<vmem>>[vector<16xi32>, vector<16xi32>], vector<16xf32>,
            %gather3A_522 = tpu.vector_load_idx %arg24[%broadcast_in_dim3A_519, %add3A_5] : memref<40x128xf32, #tpu.memory_space<vmem>>[vector<16xi32>, vector<16xi32>], vector<16xf32>,
            %mul3A_523 = arith.mulf %gather3A_522, %broadcast_in_dim3A_518 : vector<16xf32>
            tpu.vector_store_idx %arg24[%broadcast_in_dim3A_519, %add3A_5], %mul3A_523 : memref<40x128xf32, #tpu.memory_space<vmem>>[vector<16xi32>, vector<16xi32>], vector<16xf32>,
            %gather3A_524 = tpu.vector_load_idx %arg24[%broadcast_in_dim3A_519, %add3A_8] : memref<40x128xf32, #tpu.memory_space<vmem>>[vector<16xi32>, vector<16xi32>], vector<16xf32>,
            %mul3A_525 = arith.mulf %gather3A_524, %broadcast_in_dim3A_518 : vector<16xf32>
            tpu.vector_store_idx %arg24[%broadcast_in_dim3A_519, %add3A_8], %mul3A_525 : memref<40x128xf32, #tpu.memory_space<vmem>>[vector<16xi32>, vector<16xi32>], vector<16xf32>,
            %gather3A_526 = tpu.vector_load_idx %arg24[%broadcast_in_dim3A_519, %add3A_11] : memref<40x128xf32, #tpu.memory_space<vmem>>[vector<16xi32>, vector<16xi32>], vector<16xf32>,
            %mul3A_527 = arith.mulf %gather3A_526, %broadcast_in_dim3A_518 : vector<16xf32>
            tpu.vector_store_idx %arg24[%broadcast_in_dim3A_519, %add3A_11], %mul3A_527 : memref<40x128xf32, #tpu.memory_space<vmem>>[vector<16xi32>, vector<16xi32>], vector<16xf32>,
            %gather3A_528 = tpu.vector_load_idx %arg24[%broadcast_in_dim3A_519, %add3A_14] : memref<40x128xf32, #tpu.memory_space<vmem>>[vector<16xi32>, vector<16xi32>], vector<16xf32>,
            %mul3A_529 = arith.mulf %gather3A_528, %broadcast_in_dim3A_518 : vector<16xf32>
            tpu.vector_store_idx %arg24[%broadcast_in_dim3A_519, %add3A_14], %mul3A_529 : memref<40x128xf32, #tpu.memory_space<vmem>>[vector<16xi32>, vector<16xi32>], vector<16xf32>,
            %gather3A_530 = tpu.vector_load_idx %arg24[%broadcast_in_dim3A_519, %add3A_17] : memref<40x128xf32, #tpu.memory_space<vmem>>[vector<16xi32>, vector<16xi32>], vector<16xf32>,
            %mul3A_531 = arith.mulf %gather3A_530, %broadcast_in_dim3A_518 : vector<16xf32>
            tpu.vector_store_idx %arg24[%broadcast_in_dim3A_519, %add3A_17], %mul3A_531 : memref<40x128xf32, #tpu.memory_space<vmem>>[vector<16xi32>, vector<16xi32>], vector<16xf32>,
            %gather3A_532 = tpu.vector_load_idx %arg24[%broadcast_in_dim3A_519, %add3A_20] : memref<40x128xf32, #tpu.memory_space<vmem>>[vector<16xi32>, vector<16xi32>], vector<16xf32>,
            %mul3A_533 = arith.mulf %gather3A_532, %broadcast_in_dim3A_518 : vector<16xf32>
            tpu.vector_store_idx %arg24[%broadcast_in_dim3A_519, %add3A_20], %mul3A_533 : memref<40x128xf32, #tpu.memory_space<vmem>>[vector<16xi32>, vector<16xi32>], vector<16xf32>,
            %gather3A_534 = tpu.vector_load_idx %arg24[%broadcast_in_dim3A_519, %add3A_23] : memref<40x128xf32, #tpu.memory_space<vmem>>[vector<16xi32>, vector<16xi32>], vector<16xf32>,
            %mul3A_535 = arith.mulf %gather3A_534, %broadcast_in_dim3A_518 : vector<16xf32>
            tpu.vector_store_idx %arg24[%broadcast_in_dim3A_519, %add3A_23], %mul3A_535 : memref<40x128xf32, #tpu.memory_space<vmem>>[vector<16xi32>, vector<16xi32>], vector<16xf32>,
            %scan3A_536 = arith.constant 5 : i32
            %scan3A_537 = arith.addi %scan3A_387, %scan3A_536 : i32
            %mul3A_538 = arith.constant 1 : i32
            %mul3A_539 = arith.muli %scan3A_537, %mul3A_538 : i32
            %add3A_540 = arith.constant 0 : i32
            %add3A_541 = arith.addi %add3A_540, %mul3A_539 : i32
            %add3A_542 = arith.constant 0 : i32
            %add3A_543 = arith.addi %add3A_541, %add3A_542 : i32
            %get3A_544 = arith.index_cast %add3A_543 : i32 to index
            %get3A_545 = tpu.vector_load %arg23[%get3A_544] {strides = array<i32>} : memref<96xf32, #tpu.memory_space<vmem>>, vector<16xf32>,
            %slice3A_546 = vector.extract_strided_slice %get3A_545 {offsets = [0], sizes = [1], strides = [1]} : vector<16xf32> to vector<1xf32>
            %squeeze3A_547 = vector.extract %slice3A_546[0] : f32 from vector<1xf32>
            %broadcast_in_dim3A_548 = vector.broadcast %squeeze3A_547 : f32 to vector<16xf32>
            %broadcast_in_dim3A_549 = vector.broadcast %add3A_541 : i32 to vector<16xi32>
            %gather3A_550 = tpu.vector_load_idx %arg24[%broadcast_in_dim3A_549, %add3A_2] : memref<40x128xf32, #tpu.memory_space<vmem>>[vector<16xi32>, vector<16xi32>], vector<16xf32>,
            %mul3A_551 = arith.mulf %gather3A_550, %broadcast_in_dim3A_548 : vector<16xf32>
            tpu.vector_store_idx %arg24[%broadcast_in_dim3A_549, %add3A_2], %mul3A_551 : memref<40x128xf32, #tpu.memory_space<vmem>>[vector<16xi32>, vector<16xi32>], vector<16xf32>,
            %gather3A_552 = tpu.vector_load_idx %arg24[%broadcast_in_dim3A_549, %add3A_5] : memref<40x128xf32, #tpu.memory_space<vmem>>[vector<16xi32>, vector<16xi32>], vector<16xf32>,
            %mul3A_553 = arith.mulf %gather3A_552, %broadcast_in_dim3A_548 : vector<16xf32>
            tpu.vector_store_idx %arg24[%broadcast_in_dim3A_549, %add3A_5], %mul3A_553 : memref<40x128xf32, #tpu.memory_space<vmem>>[vector<16xi32>, vector<16xi32>], vector<16xf32>,
            %gather3A_554 = tpu.vector_load_idx %arg24[%broadcast_in_dim3A_549, %add3A_8] : memref<40x128xf32, #tpu.memory_space<vmem>>[vector<16xi32>, vector<16xi32>], vector<16xf32>,
            %mul3A_555 = arith.mulf %gather3A_554, %broadcast_in_dim3A_548 : vector<16xf32>
            tpu.vector_store_idx %arg24[%broadcast_in_dim3A_549, %add3A_8], %mul3A_555 : memref<40x128xf32, #tpu.memory_space<vmem>>[vector<16xi32>, vector<16xi32>], vector<16xf32>,
            %gather3A_556 = tpu.vector_load_idx %arg24[%broadcast_in_dim3A_549, %add3A_11] : memref<40x128xf32, #tpu.memory_space<vmem>>[vector<16xi32>, vector<16xi32>], vector<16xf32>,
            %mul3A_557 = arith.mulf %gather3A_556, %broadcast_in_dim3A_548 : vector<16xf32>
            tpu.vector_store_idx %arg24[%broadcast_in_dim3A_549, %add3A_11], %mul3A_557 : memref<40x128xf32, #tpu.memory_space<vmem>>[vector<16xi32>, vector<16xi32>], vector<16xf32>,
            %gather3A_558 = tpu.vector_load_idx %arg24[%broadcast_in_dim3A_549, %add3A_14] : memref<40x128xf32, #tpu.memory_space<vmem>>[vector<16xi32>, vector<16xi32>], vector<16xf32>,
            %mul3A_559 = arith.mulf %gather3A_558, %broadcast_in_dim3A_548 : vector<16xf32>
            tpu.vector_store_idx %arg24[%broadcast_in_dim3A_549, %add3A_14], %mul3A_559 : memref<40x128xf32, #tpu.memory_space<vmem>>[vector<16xi32>, vector<16xi32>], vector<16xf32>,
            %gather3A_560 = tpu.vector_load_idx %arg24[%broadcast_in_dim3A_549, %add3A_17] : memref<40x128xf32, #tpu.memory_space<vmem>>[vector<16xi32>, vector<16xi32>], vector<16xf32>,
            %mul3A_561 = arith.mulf %gather3A_560, %broadcast_in_dim3A_548 : vector<16xf32>
            tpu.vector_store_idx %arg24[%broadcast_in_dim3A_549, %add3A_17], %mul3A_561 : memref<40x128xf32, #tpu.memory_space<vmem>>[vector<16xi32>, vector<16xi32>], vector<16xf32>,
            %gather3A_562 = tpu.vector_load_idx %arg24[%broadcast_in_dim3A_549, %add3A_20] : memref<40x128xf32, #tpu.memory_space<vmem>>[vector<16xi32>, vector<16xi32>], vector<16xf32>,
            %mul3A_563 = arith.mulf %gather3A_562, %broadcast_in_dim3A_548 : vector<16xf32>
            tpu.vector_store_idx %arg24[%broadcast_in_dim3A_549, %add3A_20], %mul3A_563 : memref<40x128xf32, #tpu.memory_space<vmem>>[vector<16xi32>, vector<16xi32>], vector<16xf32>,
            %gather3A_564 = tpu.vector_load_idx %arg24[%broadcast_in_dim3A_549, %add3A_23] : memref<40x128xf32, #tpu.memory_space<vmem>>[vector<16xi32>, vector<16xi32>], vector<16xf32>,
            %mul3A_565 = arith.mulf %gather3A_564, %broadcast_in_dim3A_548 : vector<16xf32>
            tpu.vector_store_idx %arg24[%broadcast_in_dim3A_549, %add3A_23], %mul3A_565 : memref<40x128xf32, #tpu.memory_space<vmem>>[vector<16xi32>, vector<16xi32>], vector<16xf32>,
            %scan3A_566 = arith.constant 6 : i32
            %scan3A_567 = arith.addi %scan3A_387, %scan3A_566 : i32
            %mul3A_568 = arith.constant 1 : i32
            %mul3A_569 = arith.muli %scan3A_567, %mul3A_568 : i32
            %add3A_570 = arith.constant 0 : i32
            %add3A_571 = arith.addi %add3A_570, %mul3A_569 : i32
            %add3A_572 = arith.constant 0 : i32
            %add3A_573 = arith.addi %add3A_571, %add3A_572 : i32
            %get3A_574 = arith.index_cast %add3A_573 : i32 to index
            %get3A_575 = tpu.vector_load %arg23[%get3A_574] {strides = array<i32>} : memref<96xf32, #tpu.memory_space<vmem>>, vector<16xf32>,
            %slice3A_576 = vector.extract_strided_slice %get3A_575 {offsets = [0], sizes = [1], strides = [1]} : vector<16xf32> to vector<1xf32>
            %squeeze3A_577 = vector.extract %slice3A_576[0] : f32 from vector<1xf32>
            %broadcast_in_dim3A_578 = vector.broadcast %squeeze3A_577 : f32 to vector<16xf32>
            %broadcast_in_dim3A_579 = vector.broadcast %add3A_571 : i32 to vector<16xi32>
            %gather3A_580 = tpu.vector_load_idx %arg24[%broadcast_in_dim3A_579, %add3A_2] : memref<40x128xf32, #tpu.memory_space<vmem>>[vector<16xi32>, vector<16xi32>], vector<16xf32>,
            %mul3A_581 = arith.mulf %gather3A_580, %broadcast_in_dim3A_578 : vector<16xf32>
            tpu.vector_store_idx %arg24[%broadcast_in_dim3A_579, %add3A_2], %mul3A_581 : memref<40x128xf32, #tpu.memory_space<vmem>>[vector<16xi32>, vector<16xi32>], vector<16xf32>,
            %gather3A_582 = tpu.vector_load_idx %arg24[%broadcast_in_dim3A_579, %add3A_5] : memref<40x128xf32, #tpu.memory_space<vmem>>[vector<16xi32>, vector<16xi32>], vector<16xf32>,
            %mul3A_583 = arith.mulf %gather3A_582, %broadcast_in_dim3A_578 : vector<16xf32>
            tpu.vector_store_idx %arg24[%broadcast_in_dim3A_579, %add3A_5], %mul3A_583 : memref<40x128xf32, #tpu.memory_space<vmem>>[vector<16xi32>, vector<16xi32>], vector<16xf32>,
            %gather3A_584 = tpu.vector_load_idx %arg24[%broadcast_in_dim3A_579, %add3A_8] : memref<40x128xf32, #tpu.memory_space<vmem>>[vector<16xi32>, vector<16xi32>], vector<16xf32>,
            %mul3A_585 = arith.mulf %gather3A_584, %broadcast_in_dim3A_578 : vector<16xf32>
            tpu.vector_store_idx %arg24[%broadcast_in_dim3A_579, %add3A_8], %mul3A_585 : memref<40x128xf32, #tpu.memory_space<vmem>>[vector<16xi32>, vector<16xi32>], vector<16xf32>,
            %gather3A_586 = tpu.vector_load_idx %arg24[%broadcast_in_dim3A_579, %add3A_11] : memref<40x128xf32, #tpu.memory_space<vmem>>[vector<16xi32>, vector<16xi32>], vector<16xf32>,
            %mul3A_587 = arith.mulf %gather3A_586, %broadcast_in_dim3A_578 : vector<16xf32>
            tpu.vector_store_idx %arg24[%broadcast_in_dim3A_579, %add3A_11], %mul3A_587 : memref<40x128xf32, #tpu.memory_space<vmem>>[vector<16xi32>, vector<16xi32>], vector<16xf32>,
            %gather3A_588 = tpu.vector_load_idx %arg24[%broadcast_in_dim3A_579, %add3A_14] : memref<40x128xf32, #tpu.memory_space<vmem>>[vector<16xi32>, vector<16xi32>], vector<16xf32>,
            %mul3A_589 = arith.mulf %gather3A_588, %broadcast_in_dim3A_578 : vector<16xf32>
            tpu.vector_store_idx %arg24[%broadcast_in_dim3A_579, %add3A_14], %mul3A_589 : memref<40x128xf32, #tpu.memory_space<vmem>>[vector<16xi32>, vector<16xi32>], vector<16xf32>,
            %gather3A_590 = tpu.vector_load_idx %arg24[%broadcast_in_dim3A_579, %add3A_17] : memref<40x128xf32, #tpu.memory_space<vmem>>[vector<16xi32>, vector<16xi32>], vector<16xf32>,
            %mul3A_591 = arith.mulf %gather3A_590, %broadcast_in_dim3A_578 : vector<16xf32>
            tpu.vector_store_idx %arg24[%broadcast_in_dim3A_579, %add3A_17], %mul3A_591 : memref<40x128xf32, #tpu.memory_space<vmem>>[vector<16xi32>, vector<16xi32>], vector<16xf32>,
            %gather3A_592 = tpu.vector_load_idx %arg24[%broadcast_in_dim3A_579, %add3A_20] : memref<40x128xf32, #tpu.memory_space<vmem>>[vector<16xi32>, vector<16xi32>], vector<16xf32>,
            %mul3A_593 = arith.mulf %gather3A_592, %broadcast_in_dim3A_578 : vector<16xf32>
            tpu.vector_store_idx %arg24[%broadcast_in_dim3A_579, %add3A_20], %mul3A_593 : memref<40x128xf32, #tpu.memory_space<vmem>>[vector<16xi32>, vector<16xi32>], vector<16xf32>,
            %gather3A_594 = tpu.vector_load_idx %arg24[%broadcast_in_dim3A_579, %add3A_23] : memref<40x128xf32, #tpu.memory_space<vmem>>[vector<16xi32>, vector<16xi32>], vector<16xf32>,
            %mul3A_595 = arith.mulf %gather3A_594, %broadcast_in_dim3A_578 : vector<16xf32>
            tpu.vector_store_idx %arg24[%broadcast_in_dim3A_579, %add3A_23], %mul3A_595 : memref<40x128xf32, #tpu.memory_space<vmem>>[vector<16xi32>, vector<16xi32>], vector<16xf32>,
            %scan3A_596 = arith.constant 7 : i32
            %scan3A_597 = arith.addi %scan3A_387, %scan3A_596 : i32
            %mul3A_598 = arith.constant 1 : i32
            %mul3A_599 = arith.muli %scan3A_597, %mul3A_598 : i32
            %add3A_600 = arith.constant 0 : i32
            %add3A_601 = arith.addi %add3A_600, %mul3A_599 : i32
            %add3A_602 = arith.constant 0 : i32
            %add3A_603 = arith.addi %add3A_601, %add3A_602 : i32
            %get3A_604 = arith.index_cast %add3A_603 : i32 to index
            %get3A_605 = tpu.vector_load %arg23[%get3A_604] {strides = array<i32>} : memref<96xf32, #tpu.memory_space<vmem>>, vector<16xf32>,
            %slice3A_606 = vector.extract_strided_slice %get3A_605 {offsets = [0], sizes = [1], strides = [1]} : vector<16xf32> to vector<1xf32>
            %squeeze3A_607 = vector.extract %slice3A_606[0] : f32 from vector<1xf32>
            %broadcast_in_dim3A_608 = vector.broadcast %squeeze3A_607 : f32 to vector<16xf32>
            %broadcast_in_dim3A_609 = vector.broadcast %add3A_601 : i32 to vector<16xi32>
            %gather3A_610 = tpu.vector_load_idx %arg24[%broadcast_in_dim3A_609, %add3A_2] : memref<40x128xf32, #tpu.memory_space<vmem>>[vector<16xi32>, vector<16xi32>], vector<16xf32>,
            %mul3A_611 = arith.mulf %gather3A_610, %broadcast_in_dim3A_608 : vector<16xf32>
            tpu.vector_store_idx %arg24[%broadcast_in_dim3A_609, %add3A_2], %mul3A_611 : memref<40x128xf32, #tpu.memory_space<vmem>>[vector<16xi32>, vector<16xi32>], vector<16xf32>,
            %gather3A_612 = tpu.vector_load_idx %arg24[%broadcast_in_dim3A_609, %add3A_5] : memref<40x128xf32, #tpu.memory_space<vmem>>[vector<16xi32>, vector<16xi32>], vector<16xf32>,
            %mul3A_613 = arith.mulf %gather3A_612, %broadcast_in_dim3A_608 : vector<16xf32>
            tpu.vector_store_idx %arg24[%broadcast_in_dim3A_609, %add3A_5], %mul3A_613 : memref<40x128xf32, #tpu.memory_space<vmem>>[vector<16xi32>, vector<16xi32>], vector<16xf32>,
            %gather3A_614 = tpu.vector_load_idx %arg24[%broadcast_in_dim3A_609, %add3A_8] : memref<40x128xf32, #tpu.memory_space<vmem>>[vector<16xi32>, vector<16xi32>], vector<16xf32>,
            %mul3A_615 = arith.mulf %gather3A_614, %broadcast_in_dim3A_608 : vector<16xf32>
            tpu.vector_store_idx %arg24[%broadcast_in_dim3A_609, %add3A_8], %mul3A_615 : memref<40x128xf32, #tpu.memory_space<vmem>>[vector<16xi32>, vector<16xi32>], vector<16xf32>,
            %gather3A_616 = tpu.vector_load_idx %arg24[%broadcast_in_dim3A_609, %add3A_11] : memref<40x128xf32, #tpu.memory_space<vmem>>[vector<16xi32>, vector<16xi32>], vector<16xf32>,
            %mul3A_617 = arith.mulf %gather3A_616, %broadcast_in_dim3A_608 : vector<16xf32>
            tpu.vector_store_idx %arg24[%broadcast_in_dim3A_609, %add3A_11], %mul3A_617 : memref<40x128xf32, #tpu.memory_space<vmem>>[vector<16xi32>, vector<16xi32>], vector<16xf32>,
            %gather3A_618 = tpu.vector_load_idx %arg24[%broadcast_in_dim3A_609, %add3A_14] : memref<40x128xf32, #tpu.memory_space<vmem>>[vector<16xi32>, vector<16xi32>], vector<16xf32>,
            %mul3A_619 = arith.mulf %gather3A_618, %broadcast_in_dim3A_608 : vector<16xf32>
            tpu.vector_store_idx %arg24[%broadcast_in_dim3A_609, %add3A_14], %mul3A_619 : memref<40x128xf32, #tpu.memory_space<vmem>>[vector<16xi32>, vector<16xi32>], vector<16xf32>,
            %gather3A_620 = tpu.vector_load_idx %arg24[%broadcast_in_dim3A_609, %add3A_17] : memref<40x128xf32, #tpu.memory_space<vmem>>[vector<16xi32>, vector<16xi32>], vector<16xf32>,
            %mul3A_621 = arith.mulf %gather3A_620, %broadcast_in_dim3A_608 : vector<16xf32>
            tpu.vector_store_idx %arg24[%broadcast_in_dim3A_609, %add3A_17], %mul3A_621 : memref<40x128xf32, #tpu.memory_space<vmem>>[vector<16xi32>, vector<16xi32>], vector<16xf32>,
            %gather3A_622 = tpu.vector_load_idx %arg24[%broadcast_in_dim3A_609, %add3A_20] : memref<40x128xf32, #tpu.memory_space<vmem>>[vector<16xi32>, vector<16xi32>], vector<16xf32>,
            %mul3A_623 = arith.mulf %gather3A_622, %broadcast_in_dim3A_608 : vector<16xf32>
            tpu.vector_store_idx %arg24[%broadcast_in_dim3A_609, %add3A_20], %mul3A_623 : memref<40x128xf32, #tpu.memory_space<vmem>>[vector<16xi32>, vector<16xi32>], vector<16xf32>,
            %gather3A_624 = tpu.vector_load_idx %arg24[%broadcast_in_dim3A_609, %add3A_23] : memref<40x128xf32, #tpu.memory_space<vmem>>[vector<16xi32>, vector<16xi32>], vector<16xf32>,
            %mul3A_625 = arith.mulf %gather3A_624, %broadcast_in_dim3A_608 : vector<16xf32>
            tpu.vector_store_idx %arg24[%broadcast_in_dim3A_609, %add3A_23], %mul3A_625 : memref<40x128xf32, #tpu.memory_space<vmem>>[vector<16xi32>, vector<16xi32>], vector<16xf32>,
          }
          %scan3A_359 = arith.constant 40 : i32
          %dma_start3A_360 = arith.constant 0 : i32
          %dma_start3A_361 = tpu.memref_slice %arg22[%mul3A_223, %dma_start3A_360] : memref<20x40xi32, #tpu.memory_space<vmem>> -> memref<1x40xi32, #tpu.memory_space<vmem>>
          %dma_start3A_362 = tpu.memref_squeeze %dma_start3A_361 : memref<1x40xi32, #tpu.memory_space<vmem>> -> memref<40xi32, #tpu.memory_space<vmem>>
          %dma_start3A_363 = arith.constant 0 : i32
          %dma_start3A_364 = arith.constant 0 : i32
          %dma_start3A_365 = tpu.memref_slice %arg26[%dma_start3A_363, %dma_start3A_364] : memref<10240x128xf32, #tpu.memory_space<vmem_shared>> -> memref<10240x128xf32, #tpu.memory_space<vmem_shared>>
          tpu.enqueue_indirect_dma source(%arg24 : memref<40x128xf32, #tpu.memory_space<vmem>>) target(%dma_start3A_365 : memref<10240x128xf32, #tpu.memory_space<vmem_shared>>) offsets(%dma_start3A_362 : memref<40xi32, #tpu.memory_space<vmem>>) semaphore(%arg29 : memref<!tpu.dma_semaphore, #tpu.memory_space<semaphore_mem>>) {add = true}
          %mul3A_366 = arith.constant 40 : i32
          %mul3A_367 = arith.muli %add3A_225, %mul3A_366 : i32
          %dma_wait3A_368 = tpu.memref_slice %arg21[%mul3A_367] : memref<800xi32, #tpu.memory_space<vmem>> -> memref<40xi32, #tpu.memory_space<vmem>>
          %dma_wait3A_369 = arith.constant 0 : i32
          %dma_wait3A_370 = arith.constant 0 : i32
          %dma_wait3A_371 = tpu.memref_slice %arg3[%dma_wait3A_369, %dma_wait3A_370] : memref<10000x128xf32, #tpu.memory_space<hbm>> -> memref<10000x128xf32, #tpu.memory_space<hbm>>
          tpu.wait_indirect_dma semaphore(%arg28 : memref<!tpu.dma_semaphore, #tpu.memory_space<semaphore_mem>>) src(%dma_wait3A_371 : memref<10000x128xf32, #tpu.memory_space<hbm>>) dst(%arg25 : memref<40x128xf32, #tpu.memory_space<vmem>>)
          %scan3A_372 = arith.constant 0 : i32
          %scan3A_373 = arith.constant 40 : i32
          %scan3A_374 = arith.addi %scan3A_372, %scan3A_373 : i32
          %scan3A_375 = arith.constant 8 : i32
          scf.for %scan3A_387 = %scan3A_372 to %scan3A_374 step %scan3A_375  : i32 {
            %mul3A_388 = arith.constant 1 : i32
            %mul3A_389 = arith.muli %scan3A_387, %mul3A_388 : i32
            %add3A_390 = arith.constant 0 : i32
            %add3A_391 = arith.addi %add3A_390, %mul3A_389 : i32
            %add3A_392 = arith.constant 40 : i32
            %add3A_393 = arith.addi %add3A_391, %add3A_392 : i32
            %get3A_394 = arith.index_cast %add3A_393 : i32 to index
            %get3A_395 = tpu.vector_load %arg23[%get3A_394] {strides = array<i32>} : memref<96xf32, #tpu.memory_space<vmem>>, vector<16xf32>,
            %slice3A_396 = vector.extract_strided_slice %get3A_395 {offsets = [0], sizes = [1], strides = [1]} : vector<16xf32> to vector<1xf32>
            %squeeze3A_397 = vector.extract %slice3A_396[0] : f32 from vector<1xf32>
            %broadcast_in_dim3A_398 = vector.broadcast %squeeze3A_397 : f32 to vector<16xf32>
            %broadcast_in_dim3A_399 = vector.broadcast %add3A_391 : i32 to vector<16xi32>
            %gather3A_400 = tpu.vector_load_idx %arg25[%broadcast_in_dim3A_399, %add3A_2] : memref<40x128xf32, #tpu.memory_space<vmem>>[vector<16xi32>, vector<16xi32>], vector<16xf32>,
            %mul3A_401 = arith.mulf %gather3A_400, %broadcast_in_dim3A_398 : vector<16xf32>
            tpu.vector_store_idx %arg25[%broadcast_in_dim3A_399, %add3A_2], %mul3A_401 : memref<40x128xf32, #tpu.memory_space<vmem>>[vector<16xi32>, vector<16xi32>], vector<16xf32>,
            %gather3A_402 = tpu.vector_load_idx %arg25[%broadcast_in_dim3A_399, %add3A_5] : memref<40x128xf32, #tpu.memory_space<vmem>>[vector<16xi32>, vector<16xi32>], vector<16xf32>,
            %mul3A_403 = arith.mulf %gather3A_402, %broadcast_in_dim3A_398 : vector<16xf32>
            tpu.vector_store_idx %arg25[%broadcast_in_dim3A_399, %add3A_5], %mul3A_403 : memref<40x128xf32, #tpu.memory_space<vmem>>[vector<16xi32>, vector<16xi32>], vector<16xf32>,
            %gather3A_404 = tpu.vector_load_idx %arg25[%broadcast_in_dim3A_399, %add3A_8] : memref<40x128xf32, #tpu.memory_space<vmem>>[vector<16xi32>, vector<16xi32>], vector<16xf32>,
            %mul3A_405 = arith.mulf %gather3A_404, %broadcast_in_dim3A_398 : vector<16xf32>
            tpu.vector_store_idx %arg25[%broadcast_in_dim3A_399, %add3A_8], %mul3A_405 : memref<40x128xf32, #tpu.memory_space<vmem>>[vector<16xi32>, vector<16xi32>], vector<16xf32>,
            %gather3A_406 = tpu.vector_load_idx %arg25[%broadcast_in_dim3A_399, %add3A_11] : memref<40x128xf32, #tpu.memory_space<vmem>>[vector<16xi32>, vector<16xi32>], vector<16xf32>,
            %mul3A_407 = arith.mulf %gather3A_406, %broadcast_in_dim3A_398 : vector<16xf32>
            tpu.vector_store_idx %arg25[%broadcast_in_dim3A_399, %add3A_11], %mul3A_407 : memref<40x128xf32, #tpu.memory_space<vmem>>[vector<16xi32>, vector<16xi32>], vector<16xf32>,
            %gather3A_408 = tpu.vector_load_idx %arg25[%broadcast_in_dim3A_399, %add3A_14] : memref<40x128xf32, #tpu.memory_space<vmem>>[vector<16xi32>, vector<16xi32>], vector<16xf32>,
            %mul3A_409 = arith.mulf %gather3A_408, %broadcast_in_dim3A_398 : vector<16xf32>
            tpu.vector_store_idx %arg25[%broadcast_in_dim3A_399, %add3A_14], %mul3A_409 : memref<40x128xf32, #tpu.memory_space<vmem>>[vector<16xi32>, vector<16xi32>], vector<16xf32>,
            %gather3A_410 = tpu.vector_load_idx %arg25[%broadcast_in_dim3A_399, %add3A_17] : memref<40x128xf32, #tpu.memory_space<vmem>>[vector<16xi32>, vector<16xi32>], vector<16xf32>,
            %mul3A_411 = arith.mulf %gather3A_410, %broadcast_in_dim3A_398 : vector<16xf32>
            tpu.vector_store_idx %arg25[%broadcast_in_dim3A_399, %add3A_17], %mul3A_411 : memref<40x128xf32, #tpu.memory_space<vmem>>[vector<16xi32>, vector<16xi32>], vector<16xf32>,
            %gather3A_412 = tpu.vector_load_idx %arg25[%broadcast_in_dim3A_399, %add3A_20] : memref<40x128xf32, #tpu.memory_space<vmem>>[vector<16xi32>, vector<16xi32>], vector<16xf32>,
            %mul3A_413 = arith.mulf %gather3A_412, %broadcast_in_dim3A_398 : vector<16xf32>
            tpu.vector_store_idx %arg25[%broadcast_in_dim3A_399, %add3A_20], %mul3A_413 : memref<40x128xf32, #tpu.memory_space<vmem>>[vector<16xi32>, vector<16xi32>], vector<16xf32>,
            %gather3A_414 = tpu.vector_load_idx %arg25[%broadcast_in_dim3A_399, %add3A_23] : memref<40x128xf32, #tpu.memory_space<vmem>>[vector<16xi32>, vector<16xi32>], vector<16xf32>,
            %mul3A_415 = arith.mulf %gather3A_414, %broadcast_in_dim3A_398 : vector<16xf32>
            tpu.vector_store_idx %arg25[%broadcast_in_dim3A_399, %add3A_23], %mul3A_415 : memref<40x128xf32, #tpu.memory_space<vmem>>[vector<16xi32>, vector<16xi32>], vector<16xf32>,
            %scan3A_416 = arith.constant 1 : i32
            %scan3A_417 = arith.addi %scan3A_387, %scan3A_416 : i32
            %mul3A_418 = arith.constant 1 : i32
            %mul3A_419 = arith.muli %scan3A_417, %mul3A_418 : i32
            %add3A_420 = arith.constant 0 : i32
            %add3A_421 = arith.addi %add3A_420, %mul3A_419 : i32
            %add3A_422 = arith.constant 40 : i32
            %add3A_423 = arith.addi %add3A_421, %add3A_422 : i32
            %get3A_424 = arith.index_cast %add3A_423 : i32 to index
            %get3A_425 = tpu.vector_load %arg23[%get3A_424] {strides = array<i32>} : memref<96xf32, #tpu.memory_space<vmem>>, vector<16xf32>,
            %slice3A_426 = vector.extract_strided_slice %get3A_425 {offsets = [0], sizes = [1], strides = [1]} : vector<16xf32> to vector<1xf32>
            %squeeze3A_427 = vector.extract %slice3A_426[0] : f32 from vector<1xf32>
            %broadcast_in_dim3A_428 = vector.broadcast %squeeze3A_427 : f32 to vector<16xf32>
            %broadcast_in_dim3A_429 = vector.broadcast %add3A_421 : i32 to vector<16xi32>
            %gather3A_430 = tpu.vector_load_idx %arg25[%broadcast_in_dim3A_429, %add3A_2] : memref<40x128xf32, #tpu.memory_space<vmem>>[vector<16xi32>, vector<16xi32>], vector<16xf32>,
            %mul3A_431 = arith.mulf %gather3A_430, %broadcast_in_dim3A_428 : vector<16xf32>
            tpu.vector_store_idx %arg25[%broadcast_in_dim3A_429, %add3A_2], %mul3A_431 : memref<40x128xf32, #tpu.memory_space<vmem>>[vector<16xi32>, vector<16xi32>], vector<16xf32>,
            %gather3A_432 = tpu.vector_load_idx %arg25[%broadcast_in_dim3A_429, %add3A_5] : memref<40x128xf32, #tpu.memory_space<vmem>>[vector<16xi32>, vector<16xi32>], vector<16xf32>,
            %mul3A_433 = arith.mulf %gather3A_432, %broadcast_in_dim3A_428 : vector<16xf32>
            tpu.vector_store_idx %arg25[%broadcast_in_dim3A_429, %add3A_5], %mul3A_433 : memref<40x128xf32, #tpu.memory_space<vmem>>[vector<16xi32>, vector<16xi32>], vector<16xf32>,
            %gather3A_434 = tpu.vector_load_idx %arg25[%broadcast_in_dim3A_429, %add3A_8] : memref<40x128xf32, #tpu.memory_space<vmem>>[vector<16xi32>, vector<16xi32>], vector<16xf32>,
            %mul3A_435 = arith.mulf %gather3A_434, %broadcast_in_dim3A_428 : vector<16xf32>
            tpu.vector_store_idx %arg25[%broadcast_in_dim3A_429, %add3A_8], %mul3A_435 : memref<40x128xf32, #tpu.memory_space<vmem>>[vector<16xi32>, vector<16xi32>], vector<16xf32>,
            %gather3A_436 = tpu.vector_load_idx %arg25[%broadcast_in_dim3A_429, %add3A_11] : memref<40x128xf32, #tpu.memory_space<vmem>>[vector<16xi32>, vector<16xi32>], vector<16xf32>,
            %mul3A_437 = arith.mulf %gather3A_436, %broadcast_in_dim3A_428 : vector<16xf32>
            tpu.vector_store_idx %arg25[%broadcast_in_dim3A_429, %add3A_11], %mul3A_437 : memref<40x128xf32, #tpu.memory_space<vmem>>[vector<16xi32>, vector<16xi32>], vector<16xf32>,
            %gather3A_438 = tpu.vector_load_idx %arg25[%broadcast_in_dim3A_429, %add3A_14] : memref<40x128xf32, #tpu.memory_space<vmem>>[vector<16xi32>, vector<16xi32>], vector<16xf32>,
            %mul3A_439 = arith.mulf %gather3A_438, %broadcast_in_dim3A_428 : vector<16xf32>
            tpu.vector_store_idx %arg25[%broadcast_in_dim3A_429, %add3A_14], %mul3A_439 : memref<40x128xf32, #tpu.memory_space<vmem>>[vector<16xi32>, vector<16xi32>], vector<16xf32>,
            %gather3A_440 = tpu.vector_load_idx %arg25[%broadcast_in_dim3A_429, %add3A_17] : memref<40x128xf32, #tpu.memory_space<vmem>>[vector<16xi32>, vector<16xi32>], vector<16xf32>,
            %mul3A_441 = arith.mulf %gather3A_440, %broadcast_in_dim3A_428 : vector<16xf32>
            tpu.vector_store_idx %arg25[%broadcast_in_dim3A_429, %add3A_17], %mul3A_441 : memref<40x128xf32, #tpu.memory_space<vmem>>[vector<16xi32>, vector<16xi32>], vector<16xf32>,
            %gather3A_442 = tpu.vector_load_idx %arg25[%broadcast_in_dim3A_429, %add3A_20] : memref<40x128xf32, #tpu.memory_space<vmem>>[vector<16xi32>, vector<16xi32>], vector<16xf32>,
            %mul3A_443 = arith.mulf %gather3A_442, %broadcast_in_dim3A_428 : vector<16xf32>
            tpu.vector_store_idx %arg25[%broadcast_in_dim3A_429, %add3A_20], %mul3A_443 : memref<40x128xf32, #tpu.memory_space<vmem>>[vector<16xi32>, vector<16xi32>], vector<16xf32>,
            %gather3A_444 = tpu.vector_load_idx %arg25[%broadcast_in_dim3A_429, %add3A_23] : memref<40x128xf32, #tpu.memory_space<vmem>>[vector<16xi32>, vector<16xi32>], vector<16xf32>,
            %mul3A_445 = arith.mulf %gather3A_444, %broadcast_in_dim3A_428 : vector<16xf32>
            tpu.vector_store_idx %arg25[%broadcast_in_dim3A_429, %add3A_23], %mul3A_445 : memref<40x128xf32, #tpu.memory_space<vmem>>[vector<16xi32>, vector<16xi32>], vector<16xf32>,
            %scan3A_446 = arith.constant 2 : i32
            %scan3A_447 = arith.addi %scan3A_387, %scan3A_446 : i32
            %mul3A_448 = arith.constant 1 : i32
            %mul3A_449 = arith.muli %scan3A_447, %mul3A_448 : i32
            %add3A_450 = arith.constant 0 : i32
            %add3A_451 = arith.addi %add3A_450, %mul3A_449 : i32
            %add3A_452 = arith.constant 40 : i32
            %add3A_453 = arith.addi %add3A_451, %add3A_452 : i32
            %get3A_454 = arith.index_cast %add3A_453 : i32 to index
            %get3A_455 = tpu.vector_load %arg23[%get3A_454] {strides = array<i32>} : memref<96xf32, #tpu.memory_space<vmem>>, vector<16xf32>,
            %slice3A_456 = vector.extract_strided_slice %get3A_455 {offsets = [0], sizes = [1], strides = [1]} : vector<16xf32> to vector<1xf32>
            %squeeze3A_457 = vector.extract %slice3A_456[0] : f32 from vector<1xf32>
            %broadcast_in_dim3A_458 = vector.broadcast %squeeze3A_457 : f32 to vector<16xf32>
            %broadcast_in_dim3A_459 = vector.broadcast %add3A_451 : i32 to vector<16xi32>
            %gather3A_460 = tpu.vector_load_idx %arg25[%broadcast_in_dim3A_459, %add3A_2] : memref<40x128xf32, #tpu.memory_space<vmem>>[vector<16xi32>, vector<16xi32>], vector<16xf32>,
            %mul3A_461 = arith.mulf %gather3A_460, %broadcast_in_dim3A_458 : vector<16xf32>
            tpu.vector_store_idx %arg25[%broadcast_in_dim3A_459, %add3A_2], %mul3A_461 : memref<40x128xf32, #tpu.memory_space<vmem>>[vector<16xi32>, vector<16xi32>], vector<16xf32>,
            %gather3A_462 = tpu.vector_load_idx %arg25[%broadcast_in_dim3A_459, %add3A_5] : memref<40x128xf32, #tpu.memory_space<vmem>>[vector<16xi32>, vector<16xi32>], vector<16xf32>,
            %mul3A_463 = arith.mulf %gather3A_462, %broadcast_in_dim3A_458 : vector<16xf32>
            tpu.vector_store_idx %arg25[%broadcast_in_dim3A_459, %add3A_5], %mul3A_463 : memref<40x128xf32, #tpu.memory_space<vmem>>[vector<16xi32>, vector<16xi32>], vector<16xf32>,
            %gather3A_464 = tpu.vector_load_idx %arg25[%broadcast_in_dim3A_459, %add3A_8] : memref<40x128xf32, #tpu.memory_space<vmem>>[vector<16xi32>, vector<16xi32>], vector<16xf32>,
            %mul3A_465 = arith.mulf %gather3A_464, %broadcast_in_dim3A_458 : vector<16xf32>
            tpu.vector_store_idx %arg25[%broadcast_in_dim3A_459, %add3A_8], %mul3A_465 : memref<40x128xf32, #tpu.memory_space<vmem>>[vector<16xi32>, vector<16xi32>], vector<16xf32>,
            %gather3A_466 = tpu.vector_load_idx %arg25[%broadcast_in_dim3A_459, %add3A_11] : memref<40x128xf32, #tpu.memory_space<vmem>>[vector<16xi32>, vector<16xi32>], vector<16xf32>,
            %mul3A_467 = arith.mulf %gather3A_466, %broadcast_in_dim3A_458 : vector<16xf32>
            tpu.vector_store_idx %arg25[%broadcast_in_dim3A_459, %add3A_11], %mul3A_467 : memref<40x128xf32, #tpu.memory_space<vmem>>[vector<16xi32>, vector<16xi32>], vector<16xf32>,
            %gather3A_468 = tpu.vector_load_idx %arg25[%broadcast_in_dim3A_459, %add3A_14] : memref<40x128xf32, #tpu.memory_space<vmem>>[vector<16xi32>, vector<16xi32>], vector<16xf32>,
            %mul3A_469 = arith.mulf %gather3A_468, %broadcast_in_dim3A_458 : vector<16xf32>
            tpu.vector_store_idx %arg25[%broadcast_in_dim3A_459, %add3A_14], %mul3A_469 : memref<40x128xf32, #tpu.memory_space<vmem>>[vector<16xi32>, vector<16xi32>], vector<16xf32>,
            %gather3A_470 = tpu.vector_load_idx %arg25[%broadcast_in_dim3A_459, %add3A_17] : memref<40x128xf32, #tpu.memory_space<vmem>>[vector<16xi32>, vector<16xi32>], vector<16xf32>,
            %mul3A_471 = arith.mulf %gather3A_470, %broadcast_in_dim3A_458 : vector<16xf32>
            tpu.vector_store_idx %arg25[%broadcast_in_dim3A_459, %add3A_17], %mul3A_471 : memref<40x128xf32, #tpu.memory_space<vmem>>[vector<16xi32>, vector<16xi32>], vector<16xf32>,
            %gather3A_472 = tpu.vector_load_idx %arg25[%broadcast_in_dim3A_459, %add3A_20] : memref<40x128xf32, #tpu.memory_space<vmem>>[vector<16xi32>, vector<16xi32>], vector<16xf32>,
            %mul3A_473 = arith.mulf %gather3A_472, %broadcast_in_dim3A_458 : vector<16xf32>
            tpu.vector_store_idx %arg25[%broadcast_in_dim3A_459, %add3A_20], %mul3A_473 : memref<40x128xf32, #tpu.memory_space<vmem>>[vector<16xi32>, vector<16xi32>], vector<16xf32>,
            %gather3A_474 = tpu.vector_load_idx %arg25[%broadcast_in_dim3A_459, %add3A_23] : memref<40x128xf32, #tpu.memory_space<vmem>>[vector<16xi32>, vector<16xi32>], vector<16xf32>,
            %mul3A_475 = arith.mulf %gather3A_474, %broadcast_in_dim3A_458 : vector<16xf32>
            tpu.vector_store_idx %arg25[%broadcast_in_dim3A_459, %add3A_23], %mul3A_475 : memref<40x128xf32, #tpu.memory_space<vmem>>[vector<16xi32>, vector<16xi32>], vector<16xf32>,
            %scan3A_476 = arith.constant 3 : i32
            %scan3A_477 = arith.addi %scan3A_387, %scan3A_476 : i32
            %mul3A_478 = arith.constant 1 : i32
            %mul3A_479 = arith.muli %scan3A_477, %mul3A_478 : i32
            %add3A_480 = arith.constant 0 : i32
            %add3A_481 = arith.addi %add3A_480, %mul3A_479 : i32
            %add3A_482 = arith.constant 40 : i32
            %add3A_483 = arith.addi %add3A_481, %add3A_482 : i32
            %get3A_484 = arith.index_cast %add3A_483 : i32 to index
            %get3A_485 = tpu.vector_load %arg23[%get3A_484] {strides = array<i32>} : memref<96xf32, #tpu.memory_space<vmem>>, vector<16xf32>,
            %slice3A_486 = vector.extract_strided_slice %get3A_485 {offsets = [0], sizes = [1], strides = [1]} : vector<16xf32> to vector<1xf32>
            %squeeze3A_487 = vector.extract %slice3A_486[0] : f32 from vector<1xf32>
            %broadcast_in_dim3A_488 = vector.broadcast %squeeze3A_487 : f32 to vector<16xf32>
            %broadcast_in_dim3A_489 = vector.broadcast %add3A_481 : i32 to vector<16xi32>
            %gather3A_490 = tpu.vector_load_idx %arg25[%broadcast_in_dim3A_489, %add3A_2] : memref<40x128xf32, #tpu.memory_space<vmem>>[vector<16xi32>, vector<16xi32>], vector<16xf32>,
            %mul3A_491 = arith.mulf %gather3A_490, %broadcast_in_dim3A_488 : vector<16xf32>
            tpu.vector_store_idx %arg25[%broadcast_in_dim3A_489, %add3A_2], %mul3A_491 : memref<40x128xf32, #tpu.memory_space<vmem>>[vector<16xi32>, vector<16xi32>], vector<16xf32>,
            %gather3A_492 = tpu.vector_load_idx %arg25[%broadcast_in_dim3A_489, %add3A_5] : memref<40x128xf32, #tpu.memory_space<vmem>>[vector<16xi32>, vector<16xi32>], vector<16xf32>,
            %mul3A_493 = arith.mulf %gather3A_492, %broadcast_in_dim3A_488 : vector<16xf32>
            tpu.vector_store_idx %arg25[%broadcast_in_dim3A_489, %add3A_5], %mul3A_493 : memref<40x128xf32, #tpu.memory_space<vmem>>[vector<16xi32>, vector<16xi32>], vector<16xf32>,
            %gather3A_494 = tpu.vector_load_idx %arg25[%broadcast_in_dim3A_489, %add3A_8] : memref<40x128xf32, #tpu.memory_space<vmem>>[vector<16xi32>, vector<16xi32>], vector<16xf32>,
            %mul3A_495 = arith.mulf %gather3A_494, %broadcast_in_dim3A_488 : vector<16xf32>
            tpu.vector_store_idx %arg25[%broadcast_in_dim3A_489, %add3A_8], %mul3A_495 : memref<40x128xf32, #tpu.memory_space<vmem>>[vector<16xi32>, vector<16xi32>], vector<16xf32>,
            %gather3A_496 = tpu.vector_load_idx %arg25[%broadcast_in_dim3A_489, %add3A_11] : memref<40x128xf32, #tpu.memory_space<vmem>>[vector<16xi32>, vector<16xi32>], vector<16xf32>,
            %mul3A_497 = arith.mulf %gather3A_496, %broadcast_in_dim3A_488 : vector<16xf32>
            tpu.vector_store_idx %arg25[%broadcast_in_dim3A_489, %add3A_11], %mul3A_497 : memref<40x128xf32, #tpu.memory_space<vmem>>[vector<16xi32>, vector<16xi32>], vector<16xf32>,
            %gather3A_498 = tpu.vector_load_idx %arg25[%broadcast_in_dim3A_489, %add3A_14] : memref<40x128xf32, #tpu.memory_space<vmem>>[vector<16xi32>, vector<16xi32>], vector<16xf32>,
            %mul3A_499 = arith.mulf %gather3A_498, %broadcast_in_dim3A_488 : vector<16xf32>
            tpu.vector_store_idx %arg25[%broadcast_in_dim3A_489, %add3A_14], %mul3A_499 : memref<40x128xf32, #tpu.memory_space<vmem>>[vector<16xi32>, vector<16xi32>], vector<16xf32>,
            %gather3A_500 = tpu.vector_load_idx %arg25[%broadcast_in_dim3A_489, %add3A_17] : memref<40x128xf32, #tpu.memory_space<vmem>>[vector<16xi32>, vector<16xi32>], vector<16xf32>,
            %mul3A_501 = arith.mulf %gather3A_500, %broadcast_in_dim3A_488 : vector<16xf32>
            tpu.vector_store_idx %arg25[%broadcast_in_dim3A_489, %add3A_17], %mul3A_501 : memref<40x128xf32, #tpu.memory_space<vmem>>[vector<16xi32>, vector<16xi32>], vector<16xf32>,
            %gather3A_502 = tpu.vector_load_idx %arg25[%broadcast_in_dim3A_489, %add3A_20] : memref<40x128xf32, #tpu.memory_space<vmem>>[vector<16xi32>, vector<16xi32>], vector<16xf32>,
            %mul3A_503 = arith.mulf %gather3A_502, %broadcast_in_dim3A_488 : vector<16xf32>
            tpu.vector_store_idx %arg25[%broadcast_in_dim3A_489, %add3A_20], %mul3A_503 : memref<40x128xf32, #tpu.memory_space<vmem>>[vector<16xi32>, vector<16xi32>], vector<16xf32>,
            %gather3A_504 = tpu.vector_load_idx %arg25[%broadcast_in_dim3A_489, %add3A_23] : memref<40x128xf32, #tpu.memory_space<vmem>>[vector<16xi32>, vector<16xi32>], vector<16xf32>,
            %mul3A_505 = arith.mulf %gather3A_504, %broadcast_in_dim3A_488 : vector<16xf32>
            tpu.vector_store_idx %arg25[%broadcast_in_dim3A_489, %add3A_23], %mul3A_505 : memref<40x128xf32, #tpu.memory_space<vmem>>[vector<16xi32>, vector<16xi32>], vector<16xf32>,
            %scan3A_506 = arith.constant 4 : i32
            %scan3A_507 = arith.addi %scan3A_387, %scan3A_506 : i32
            %mul3A_508 = arith.constant 1 : i32
            %mul3A_509 = arith.muli %scan3A_507, %mul3A_508 : i32
            %add3A_510 = arith.constant 0 : i32
            %add3A_511 = arith.addi %add3A_510, %mul3A_509 : i32
            %add3A_512 = arith.constant 40 : i32
            %add3A_513 = arith.addi %add3A_511, %add3A_512 : i32
            %get3A_514 = arith.index_cast %add3A_513 : i32 to index
            %get3A_515 = tpu.vector_load %arg23[%get3A_514] {strides = array<i32>} : memref<96xf32, #tpu.memory_space<vmem>>, vector<16xf32>,
            %slice3A_516 = vector.extract_strided_slice %get3A_515 {offsets = [0], sizes = [1], strides = [1]} : vector<16xf32> to vector<1xf32>
            %squeeze3A_517 = vector.extract %slice3A_516[0] : f32 from vector<1xf32>
            %broadcast_in_dim3A_518 = vector.broadcast %squeeze3A_517 : f32 to vector<16xf32>
            %broadcast_in_dim3A_519 = vector.broadcast %add3A_511 : i32 to vector<16xi32>
            %gather3A_520 = tpu.vector_load_idx %arg25[%broadcast_in_dim3A_519, %add3A_2] : memref<40x128xf32, #tpu.memory_space<vmem>>[vector<16xi32>, vector<16xi32>], vector<16xf32>,
            %mul3A_521 = arith.mulf %gather3A_520, %broadcast_in_dim3A_518 : vector<16xf32>
            tpu.vector_store_idx %arg25[%broadcast_in_dim3A_519, %add3A_2], %mul3A_521 : memref<40x128xf32, #tpu.memory_space<vmem>>[vector<16xi32>, vector<16xi32>], vector<16xf32>,
            %gather3A_522 = tpu.vector_load_idx %arg25[%broadcast_in_dim3A_519, %add3A_5] : memref<40x128xf32, #tpu.memory_space<vmem>>[vector<16xi32>, vector<16xi32>], vector<16xf32>,
            %mul3A_523 = arith.mulf %gather3A_522, %broadcast_in_dim3A_518 : vector<16xf32>
            tpu.vector_store_idx %arg25[%broadcast_in_dim3A_519, %add3A_5], %mul3A_523 : memref<40x128xf32, #tpu.memory_space<vmem>>[vector<16xi32>, vector<16xi32>], vector<16xf32>,
            %gather3A_524 = tpu.vector_load_idx %arg25[%broadcast_in_dim3A_519, %add3A_8] : memref<40x128xf32, #tpu.memory_space<vmem>>[vector<16xi32>, vector<16xi32>], vector<16xf32>,
            %mul3A_525 = arith.mulf %gather3A_524, %broadcast_in_dim3A_518 : vector<16xf32>
            tpu.vector_store_idx %arg25[%broadcast_in_dim3A_519, %add3A_8], %mul3A_525 : memref<40x128xf32, #tpu.memory_space<vmem>>[vector<16xi32>, vector<16xi32>], vector<16xf32>,
            %gather3A_526 = tpu.vector_load_idx %arg25[%broadcast_in_dim3A_519, %add3A_11] : memref<40x128xf32, #tpu.memory_space<vmem>>[vector<16xi32>, vector<16xi32>], vector<16xf32>,
            %mul3A_527 = arith.mulf %gather3A_526, %broadcast_in_dim3A_518 : vector<16xf32>
            tpu.vector_store_idx %arg25[%broadcast_in_dim3A_519, %add3A_11], %mul3A_527 : memref<40x128xf32, #tpu.memory_space<vmem>>[vector<16xi32>, vector<16xi32>], vector<16xf32>,
            %gather3A_528 = tpu.vector_load_idx %arg25[%broadcast_in_dim3A_519, %add3A_14] : memref<40x128xf32, #tpu.memory_space<vmem>>[vector<16xi32>, vector<16xi32>], vector<16xf32>,
            %mul3A_529 = arith.mulf %gather3A_528, %broadcast_in_dim3A_518 : vector<16xf32>
            tpu.vector_store_idx %arg25[%broadcast_in_dim3A_519, %add3A_14], %mul3A_529 : memref<40x128xf32, #tpu.memory_space<vmem>>[vector<16xi32>, vector<16xi32>], vector<16xf32>,
            %gather3A_530 = tpu.vector_load_idx %arg25[%broadcast_in_dim3A_519, %add3A_17] : memref<40x128xf32, #tpu.memory_space<vmem>>[vector<16xi32>, vector<16xi32>], vector<16xf32>,
            %mul3A_531 = arith.mulf %gather3A_530, %broadcast_in_dim3A_518 : vector<16xf32>
            tpu.vector_store_idx %arg25[%broadcast_in_dim3A_519, %add3A_17], %mul3A_531 : memref<40x128xf32, #tpu.memory_space<vmem>>[vector<16xi32>, vector<16xi32>], vector<16xf32>,
            %gather3A_532 = tpu.vector_load_idx %arg25[%broadcast_in_dim3A_519, %add3A_20] : memref<40x128xf32, #tpu.memory_space<vmem>>[vector<16xi32>, vector<16xi32>], vector<16xf32>,
            %mul3A_533 = arith.mulf %gather3A_532, %broadcast_in_dim3A_518 : vector<16xf32>
            tpu.vector_store_idx %arg25[%broadcast_in_dim3A_519, %add3A_20], %mul3A_533 : memref<40x128xf32, #tpu.memory_space<vmem>>[vector<16xi32>, vector<16xi32>], vector<16xf32>,
            %gather3A_534 = tpu.vector_load_idx %arg25[%broadcast_in_dim3A_519, %add3A_23] : memref<40x128xf32, #tpu.memory_space<vmem>>[vector<16xi32>, vector<16xi32>], vector<16xf32>,
            %mul3A_535 = arith.mulf %gather3A_534, %broadcast_in_dim3A_518 : vector<16xf32>
            tpu.vector_store_idx %arg25[%broadcast_in_dim3A_519, %add3A_23], %mul3A_535 : memref<40x128xf32, #tpu.memory_space<vmem>>[vector<16xi32>, vector<16xi32>], vector<16xf32>,
            %scan3A_536 = arith.constant 5 : i32
            %scan3A_537 = arith.addi %scan3A_387, %scan3A_536 : i32
            %mul3A_538 = arith.constant 1 : i32
            %mul3A_539 = arith.muli %scan3A_537, %mul3A_538 : i32
            %add3A_540 = arith.constant 0 : i32
            %add3A_541 = arith.addi %add3A_540, %mul3A_539 : i32
            %add3A_542 = arith.constant 40 : i32
            %add3A_543 = arith.addi %add3A_541, %add3A_542 : i32
            %get3A_544 = arith.index_cast %add3A_543 : i32 to index
            %get3A_545 = tpu.vector_load %arg23[%get3A_544] {strides = array<i32>} : memref<96xf32, #tpu.memory_space<vmem>>, vector<16xf32>,
            %slice3A_546 = vector.extract_strided_slice %get3A_545 {offsets = [0], sizes = [1], strides = [1]} : vector<16xf32> to vector<1xf32>
            %squeeze3A_547 = vector.extract %slice3A_546[0] : f32 from vector<1xf32>
            %broadcast_in_dim3A_548 = vector.broadcast %squeeze3A_547 : f32 to vector<16xf32>
            %broadcast_in_dim3A_549 = vector.broadcast %add3A_541 : i32 to vector<16xi32>
            %gather3A_550 = tpu.vector_load_idx %arg25[%broadcast_in_dim3A_549, %add3A_2] : memref<40x128xf32, #tpu.memory_space<vmem>>[vector<16xi32>, vector<16xi32>], vector<16xf32>,
            %mul3A_551 = arith.mulf %gather3A_550, %broadcast_in_dim3A_548 : vector<16xf32>
            tpu.vector_store_idx %arg25[%broadcast_in_dim3A_549, %add3A_2], %mul3A_551 : memref<40x128xf32, #tpu.memory_space<vmem>>[vector<16xi32>, vector<16xi32>], vector<16xf32>,
            %gather3A_552 = tpu.vector_load_idx %arg25[%broadcast_in_dim3A_549, %add3A_5] : memref<40x128xf32, #tpu.memory_space<vmem>>[vector<16xi32>, vector<16xi32>], vector<16xf32>,
            %mul3A_553 = arith.mulf %gather3A_552, %broadcast_in_dim3A_548 : vector<16xf32>
            tpu.vector_store_idx %arg25[%broadcast_in_dim3A_549, %add3A_5], %mul3A_553 : memref<40x128xf32, #tpu.memory_space<vmem>>[vector<16xi32>, vector<16xi32>], vector<16xf32>,
            %gather3A_554 = tpu.vector_load_idx %arg25[%broadcast_in_dim3A_549, %add3A_8] : memref<40x128xf32, #tpu.memory_space<vmem>>[vector<16xi32>, vector<16xi32>], vector<16xf32>,
            %mul3A_555 = arith.mulf %gather3A_554, %broadcast_in_dim3A_548 : vector<16xf32>
            tpu.vector_store_idx %arg25[%broadcast_in_dim3A_549, %add3A_8], %mul3A_555 : memref<40x128xf32, #tpu.memory_space<vmem>>[vector<16xi32>, vector<16xi32>], vector<16xf32>,
            %gather3A_556 = tpu.vector_load_idx %arg25[%broadcast_in_dim3A_549, %add3A_11] : memref<40x128xf32, #tpu.memory_space<vmem>>[vector<16xi32>, vector<16xi32>], vector<16xf32>,
            %mul3A_557 = arith.mulf %gather3A_556, %broadcast_in_dim3A_548 : vector<16xf32>
            tpu.vector_store_idx %arg25[%broadcast_in_dim3A_549, %add3A_11], %mul3A_557 : memref<40x128xf32, #tpu.memory_space<vmem>>[vector<16xi32>, vector<16xi32>], vector<16xf32>,
            %gather3A_558 = tpu.vector_load_idx %arg25[%broadcast_in_dim3A_549, %add3A_14] : memref<40x128xf32, #tpu.memory_space<vmem>>[vector<16xi32>, vector<16xi32>], vector<16xf32>,
            %mul3A_559 = arith.mulf %gather3A_558, %broadcast_in_dim3A_548 : vector<16xf32>
            tpu.vector_store_idx %arg25[%broadcast_in_dim3A_549, %add3A_14], %mul3A_559 : memref<40x128xf32, #tpu.memory_space<vmem>>[vector<16xi32>, vector<16xi32>], vector<16xf32>,
            %gather3A_560 = tpu.vector_load_idx %arg25[%broadcast_in_dim3A_549, %add3A_17] : memref<40x128xf32, #tpu.memory_space<vmem>>[vector<16xi32>, vector<16xi32>], vector<16xf32>,
            %mul3A_561 = arith.mulf %gather3A_560, %broadcast_in_dim3A_548 : vector<16xf32>
            tpu.vector_store_idx %arg25[%broadcast_in_dim3A_549, %add3A_17], %mul3A_561 : memref<40x128xf32, #tpu.memory_space<vmem>>[vector<16xi32>, vector<16xi32>], vector<16xf32>,
            %gather3A_562 = tpu.vector_load_idx %arg25[%broadcast_in_dim3A_549, %add3A_20] : memref<40x128xf32, #tpu.memory_space<vmem>>[vector<16xi32>, vector<16xi32>], vector<16xf32>,
            %mul3A_563 = arith.mulf %gather3A_562, %broadcast_in_dim3A_548 : vector<16xf32>
            tpu.vector_store_idx %arg25[%broadcast_in_dim3A_549, %add3A_20], %mul3A_563 : memref<40x128xf32, #tpu.memory_space<vmem>>[vector<16xi32>, vector<16xi32>], vector<16xf32>,
            %gather3A_564 = tpu.vector_load_idx %arg25[%broadcast_in_dim3A_549, %add3A_23] : memref<40x128xf32, #tpu.memory_space<vmem>>[vector<16xi32>, vector<16xi32>], vector<16xf32>,
            %mul3A_565 = arith.mulf %gather3A_564, %broadcast_in_dim3A_548 : vector<16xf32>
            tpu.vector_store_idx %arg25[%broadcast_in_dim3A_549, %add3A_23], %mul3A_565 : memref<40x128xf32, #tpu.memory_space<vmem>>[vector<16xi32>, vector<16xi32>], vector<16xf32>,
            %scan3A_566 = arith.constant 6 : i32
            %scan3A_567 = arith.addi %scan3A_387, %scan3A_566 : i32
            %mul3A_568 = arith.constant 1 : i32
            %mul3A_569 = arith.muli %scan3A_567, %mul3A_568 : i32
            %add3A_570 = arith.constant 0 : i32
            %add3A_571 = arith.addi %add3A_570, %mul3A_569 : i32
            %add3A_572 = arith.constant 40 : i32
            %add3A_573 = arith.addi %add3A_571, %add3A_572 : i32
            %get3A_574 = arith.index_cast %add3A_573 : i32 to index
            %get3A_575 = tpu.vector_load %arg23[%get3A_574] {strides = array<i32>} : memref<96xf32, #tpu.memory_space<vmem>>, vector<16xf32>,
            %slice3A_576 = vector.extract_strided_slice %get3A_575 {offsets = [0], sizes = [1], strides = [1]} : vector<16xf32> to vector<1xf32>
            %squeeze3A_577 = vector.extract %slice3A_576[0] : f32 from vector<1xf32>
            %broadcast_in_dim3A_578 = vector.broadcast %squeeze3A_577 : f32 to vector<16xf32>
            %broadcast_in_dim3A_579 = vector.broadcast %add3A_571 : i32 to vector<16xi32>
            %gather3A_580 = tpu.vector_load_idx %arg25[%broadcast_in_dim3A_579, %add3A_2] : memref<40x128xf32, #tpu.memory_space<vmem>>[vector<16xi32>, vector<16xi32>], vector<16xf32>,
            %mul3A_581 = arith.mulf %gather3A_580, %broadcast_in_dim3A_578 : vector<16xf32>
            tpu.vector_store_idx %arg25[%broadcast_in_dim3A_579, %add3A_2], %mul3A_581 : memref<40x128xf32, #tpu.memory_space<vmem>>[vector<16xi32>, vector<16xi32>], vector<16xf32>,
            %gather3A_582 = tpu.vector_load_idx %arg25[%broadcast_in_dim3A_579, %add3A_5] : memref<40x128xf32, #tpu.memory_space<vmem>>[vector<16xi32>, vector<16xi32>], vector<16xf32>,
            %mul3A_583 = arith.mulf %gather3A_582, %broadcast_in_dim3A_578 : vector<16xf32>
            tpu.vector_store_idx %arg25[%broadcast_in_dim3A_579, %add3A_5], %mul3A_583 : memref<40x128xf32, #tpu.memory_space<vmem>>[vector<16xi32>, vector<16xi32>], vector<16xf32>,
            %gather3A_584 = tpu.vector_load_idx %arg25[%broadcast_in_dim3A_579, %add3A_8] : memref<40x128xf32, #tpu.memory_space<vmem>>[vector<16xi32>, vector<16xi32>], vector<16xf32>,
            %mul3A_585 = arith.mulf %gather3A_584, %broadcast_in_dim3A_578 : vector<16xf32>
            tpu.vector_store_idx %arg25[%broadcast_in_dim3A_579, %add3A_8], %mul3A_585 : memref<40x128xf32, #tpu.memory_space<vmem>>[vector<16xi32>, vector<16xi32>], vector<16xf32>,
            %gather3A_586 = tpu.vector_load_idx %arg25[%broadcast_in_dim3A_579, %add3A_11] : memref<40x128xf32, #tpu.memory_space<vmem>>[vector<16xi32>, vector<16xi32>], vector<16xf32>,
            %mul3A_587 = arith.mulf %gather3A_586, %broadcast_in_dim3A_578 : vector<16xf32>
            tpu.vector_store_idx %arg25[%broadcast_in_dim3A_579, %add3A_11], %mul3A_587 : memref<40x128xf32, #tpu.memory_space<vmem>>[vector<16xi32>, vector<16xi32>], vector<16xf32>,
            %gather3A_588 = tpu.vector_load_idx %arg25[%broadcast_in_dim3A_579, %add3A_14] : memref<40x128xf32, #tpu.memory_space<vmem>>[vector<16xi32>, vector<16xi32>], vector<16xf32>,
            %mul3A_589 = arith.mulf %gather3A_588, %broadcast_in_dim3A_578 : vector<16xf32>
            tpu.vector_store_idx %arg25[%broadcast_in_dim3A_579, %add3A_14], %mul3A_589 : memref<40x128xf32, #tpu.memory_space<vmem>>[vector<16xi32>, vector<16xi32>], vector<16xf32>,
            %gather3A_590 = tpu.vector_load_idx %arg25[%broadcast_in_dim3A_579, %add3A_17] : memref<40x128xf32, #tpu.memory_space<vmem>>[vector<16xi32>, vector<16xi32>], vector<16xf32>,
            %mul3A_591 = arith.mulf %gather3A_590, %broadcast_in_dim3A_578 : vector<16xf32>
            tpu.vector_store_idx %arg25[%broadcast_in_dim3A_579, %add3A_17], %mul3A_591 : memref<40x128xf32, #tpu.memory_space<vmem>>[vector<16xi32>, vector<16xi32>], vector<16xf32>,
            %gather3A_592 = tpu.vector_load_idx %arg25[%broadcast_in_dim3A_579, %add3A_20] : memref<40x128xf32, #tpu.memory_space<vmem>>[vector<16xi32>, vector<16xi32>], vector<16xf32>,
            %mul3A_593 = arith.mulf %gather3A_592, %broadcast_in_dim3A_578 : vector<16xf32>
            tpu.vector_store_idx %arg25[%broadcast_in_dim3A_579, %add3A_20], %mul3A_593 : memref<40x128xf32, #tpu.memory_space<vmem>>[vector<16xi32>, vector<16xi32>], vector<16xf32>,
            %gather3A_594 = tpu.vector_load_idx %arg25[%broadcast_in_dim3A_579, %add3A_23] : memref<40x128xf32, #tpu.memory_space<vmem>>[vector<16xi32>, vector<16xi32>], vector<16xf32>,
            %mul3A_595 = arith.mulf %gather3A_594, %broadcast_in_dim3A_578 : vector<16xf32>
            tpu.vector_store_idx %arg25[%broadcast_in_dim3A_579, %add3A_23], %mul3A_595 : memref<40x128xf32, #tpu.memory_space<vmem>>[vector<16xi32>, vector<16xi32>], vector<16xf32>,
            %scan3A_596 = arith.constant 7 : i32
            %scan3A_597 = arith.addi %scan3A_387, %scan3A_596 : i32
            %mul3A_598 = arith.constant 1 : i32
            %mul3A_599 = arith.muli %scan3A_597, %mul3A_598 : i32
            %add3A_600 = arith.constant 0 : i32
            %add3A_601 = arith.addi %add3A_600, %mul3A_599 : i32
            %add3A_602 = arith.constant 40 : i32
            %add3A_603 = arith.addi %add3A_601, %add3A_602 : i32
            %get3A_604 = arith.index_cast %add3A_603 : i32 to index
            %get3A_605 = tpu.vector_load %arg23[%get3A_604] {strides = array<i32>} : memref<96xf32, #tpu.memory_space<vmem>>, vector<16xf32>,
            %slice3A_606 = vector.extract_strided_slice %get3A_605 {offsets = [0], sizes = [1], strides = [1]} : vector<16xf32> to vector<1xf32>
            %squeeze3A_607 = vector.extract %slice3A_606[0] : f32 from vector<1xf32>
            %broadcast_in_dim3A_608 = vector.broadcast %squeeze3A_607 : f32 to vector<16xf32>
            %broadcast_in_dim3A_609 = vector.broadcast %add3A_601 : i32 to vector<16xi32>
            %gather3A_610 = tpu.vector_load_idx %arg25[%broadcast_in_dim3A_609, %add3A_2] : memref<40x128xf32, #tpu.memory_space<vmem>>[vector<16xi32>, vector<16xi32>], vector<16xf32>,
            %mul3A_611 = arith.mulf %gather3A_610, %broadcast_in_dim3A_608 : vector<16xf32>
            tpu.vector_store_idx %arg25[%broadcast_in_dim3A_609, %add3A_2], %mul3A_611 : memref<40x128xf32, #tpu.memory_space<vmem>>[vector<16xi32>, vector<16xi32>], vector<16xf32>,
            %gather3A_612 = tpu.vector_load_idx %arg25[%broadcast_in_dim3A_609, %add3A_5] : memref<40x128xf32, #tpu.memory_space<vmem>>[vector<16xi32>, vector<16xi32>], vector<16xf32>,
            %mul3A_613 = arith.mulf %gather3A_612, %broadcast_in_dim3A_608 : vector<16xf32>
            tpu.vector_store_idx %arg25[%broadcast_in_dim3A_609, %add3A_5], %mul3A_613 : memref<40x128xf32, #tpu.memory_space<vmem>>[vector<16xi32>, vector<16xi32>], vector<16xf32>,
            %gather3A_614 = tpu.vector_load_idx %arg25[%broadcast_in_dim3A_609, %add3A_8] : memref<40x128xf32, #tpu.memory_space<vmem>>[vector<16xi32>, vector<16xi32>], vector<16xf32>,
            %mul3A_615 = arith.mulf %gather3A_614, %broadcast_in_dim3A_608 : vector<16xf32>
            tpu.vector_store_idx %arg25[%broadcast_in_dim3A_609, %add3A_8], %mul3A_615 : memref<40x128xf32, #tpu.memory_space<vmem>>[vector<16xi32>, vector<16xi32>], vector<16xf32>,
            %gather3A_616 = tpu.vector_load_idx %arg25[%broadcast_in_dim3A_609, %add3A_11] : memref<40x128xf32, #tpu.memory_space<vmem>>[vector<16xi32>, vector<16xi32>], vector<16xf32>,
            %mul3A_617 = arith.mulf %gather3A_616, %broadcast_in_dim3A_608 : vector<16xf32>
            tpu.vector_store_idx %arg25[%broadcast_in_dim3A_609, %add3A_11], %mul3A_617 : memref<40x128xf32, #tpu.memory_space<vmem>>[vector<16xi32>, vector<16xi32>], vector<16xf32>,
            %gather3A_618 = tpu.vector_load_idx %arg25[%broadcast_in_dim3A_609, %add3A_14] : memref<40x128xf32, #tpu.memory_space<vmem>>[vector<16xi32>, vector<16xi32>], vector<16xf32>,
            %mul3A_619 = arith.mulf %gather3A_618, %broadcast_in_dim3A_608 : vector<16xf32>
            tpu.vector_store_idx %arg25[%broadcast_in_dim3A_609, %add3A_14], %mul3A_619 : memref<40x128xf32, #tpu.memory_space<vmem>>[vector<16xi32>, vector<16xi32>], vector<16xf32>,
            %gather3A_620 = tpu.vector_load_idx %arg25[%broadcast_in_dim3A_609, %add3A_17] : memref<40x128xf32, #tpu.memory_space<vmem>>[vector<16xi32>, vector<16xi32>], vector<16xf32>,
            %mul3A_621 = arith.mulf %gather3A_620, %broadcast_in_dim3A_608 : vector<16xf32>
            tpu.vector_store_idx %arg25[%broadcast_in_dim3A_609, %add3A_17], %mul3A_621 : memref<40x128xf32, #tpu.memory_space<vmem>>[vector<16xi32>, vector<16xi32>], vector<16xf32>,
            %gather3A_622 = tpu.vector_load_idx %arg25[%broadcast_in_dim3A_609, %add3A_20] : memref<40x128xf32, #tpu.memory_space<vmem>>[vector<16xi32>, vector<16xi32>], vector<16xf32>,
            %mul3A_623 = arith.mulf %gather3A_622, %broadcast_in_dim3A_608 : vector<16xf32>
            tpu.vector_store_idx %arg25[%broadcast_in_dim3A_609, %add3A_20], %mul3A_623 : memref<40x128xf32, #tpu.memory_space<vmem>>[vector<16xi32>, vector<16xi32>], vector<16xf32>,
            %gather3A_624 = tpu.vector_load_idx %arg25[%broadcast_in_dim3A_609, %add3A_23] : memref<40x128xf32, #tpu.memory_space<vmem>>[vector<16xi32>, vector<16xi32>], vector<16xf32>,
            %mul3A_625 = arith.mulf %gather3A_624, %broadcast_in_dim3A_608 : vector<16xf32>
            tpu.vector_store_idx %arg25[%broadcast_in_dim3A_609, %add3A_23], %mul3A_625 : memref<40x128xf32, #tpu.memory_space<vmem>>[vector<16xi32>, vector<16xi32>], vector<16xf32>,
          }
          %scan3A_376 = arith.constant 40 : i32
          %dma_start3A_377 = arith.constant 0 : i32
          %dma_start3A_378 = tpu.memref_slice %arg22[%add3A_225, %dma_start3A_377] : memref<20x40xi32, #tpu.memory_space<vmem>> -> memref<1x40xi32, #tpu.memory_space<vmem>>
          %dma_start3A_379 = tpu.memref_squeeze %dma_start3A_378 : memref<1x40xi32, #tpu.memory_space<vmem>> -> memref<40xi32, #tpu.memory_space<vmem>>
          %dma_start3A_380 = arith.constant 0 : i32
          %dma_start3A_381 = arith.constant 0 : i32
          %dma_start3A_382 = tpu.memref_slice %arg26[%dma_start3A_380, %dma_start3A_381] : memref<10240x128xf32, #tpu.memory_space<vmem_shared>> -> memref<10240x128xf32, #tpu.memory_space<vmem_shared>>
          tpu.enqueue_indirect_dma source(%arg25 : memref<40x128xf32, #tpu.memory_space<vmem>>) target(%dma_start3A_382 : memref<10240x128xf32, #tpu.memory_space<vmem_shared>>) offsets(%dma_start3A_379 : memref<40xi32, #tpu.memory_space<vmem>>) semaphore(%arg30 : memref<!tpu.dma_semaphore, #tpu.memory_space<semaphore_mem>>) {add = true}
          %lt3A = arith.constant 9 : i32
          %lt3A_383 = arith.cmpi slt, %add3A_221, %lt3A : i32
          %convert_element_type3A_384 = arith.extui %lt3A_383 : i1 to i32
          %cond3A_385 = arith.constant 0 : i32
          %cond3A_386 = arith.cmpi ne, %convert_element_type3A_384, %cond3A_385 : i32
          scf.if %cond3A_386 {
            %dma_wait3A_387 = arith.constant 0 : i32
            %dma_wait3A_388 = tpu.memref_slice %arg22[%mul3A_223, %dma_wait3A_387] : memref<20x40xi32, #tpu.memory_space<vmem>> -> memref<1x40xi32, #tpu.memory_space<vmem>>
            %dma_wait3A_389 = tpu.memref_squeeze %dma_wait3A_388 : memref<1x40xi32, #tpu.memory_space<vmem>> -> memref<40xi32, #tpu.memory_space<vmem>>
            %dma_wait3A_390 = arith.constant 0 : i32
            %dma_wait3A_391 = arith.constant 0 : i32
            %dma_wait3A_392 = tpu.memref_slice %arg26[%dma_wait3A_390, %dma_wait3A_391] : memref<10240x128xf32, #tpu.memory_space<vmem_shared>> -> memref<10240x128xf32, #tpu.memory_space<vmem_shared>>
            tpu.wait_indirect_dma semaphore(%arg29 : memref<!tpu.dma_semaphore, #tpu.memory_space<semaphore_mem>>) src(%arg24 : memref<40x128xf32, #tpu.memory_space<vmem>>) dst(%dma_wait3A_392 : memref<10240x128xf32, #tpu.memory_space<vmem_shared>>)
            %add3A_393 = arith.constant 2 : i32
            %add3A_394 = arith.addi %mul3A_223, %add3A_393 : i32
            %mul3A_395 = arith.constant 40 : i32
            %mul3A_396 = arith.muli %add3A_394, %mul3A_395 : i32
            %dma_start3A_397 = tpu.memref_slice %arg21[%mul3A_396] : memref<800xi32, #tpu.memory_space<vmem>> -> memref<40xi32, #tpu.memory_space<vmem>>
            %dma_start3A_398 = arith.constant 0 : i32
            %dma_start3A_399 = arith.constant 0 : i32
            %dma_start3A_400 = tpu.memref_slice %arg3[%dma_start3A_398, %dma_start3A_399] : memref<10000x128xf32, #tpu.memory_space<hbm>> -> memref<10000x128xf32, #tpu.memory_space<hbm>>
            tpu.enqueue_indirect_dma source(%dma_start3A_400 : memref<10000x128xf32, #tpu.memory_space<hbm>>) target(%arg24 : memref<40x128xf32, #tpu.memory_space<vmem>>) offsets(%dma_start3A_397 : memref<40xi32, #tpu.memory_space<vmem>>) semaphore(%arg27 : memref<!tpu.dma_semaphore, #tpu.memory_space<semaphore_mem>>)
          } else {
          }
        }
        %scan3A_203 = arith.constant 10 : i32
        %dma_wait3A = arith.constant 18 : i32
        %dma_wait3A_204 = arith.constant 0 : i32
        %dma_wait3A_205 = tpu.memref_slice %arg22[%dma_wait3A, %dma_wait3A_204] : memref<20x40xi32, #tpu.memory_space<vmem>> -> memref<1x40xi32, #tpu.memory_space<vmem>>
        %dma_wait3A_206 = tpu.memref_squeeze %dma_wait3A_205 : memref<1x40xi32, #tpu.memory_space<vmem>> -> memref<40xi32, #tpu.memory_space<vmem>>
        %dma_wait3A_207 = arith.constant 0 : i32
        %dma_wait3A_208 = arith.constant 0 : i32
        %dma_wait3A_209 = tpu.memref_slice %arg26[%dma_wait3A_207, %dma_wait3A_208] : memref<10240x128xf32, #tpu.memory_space<vmem_shared>> -> memref<10240x128xf32, #tpu.memory_space<vmem_shared>>
        tpu.wait_indirect_dma semaphore(%arg29 : memref<!tpu.dma_semaphore, #tpu.memory_space<semaphore_mem>>) src(%arg24 : memref<40x128xf32, #tpu.memory_space<vmem>>) dst(%dma_wait3A_209 : memref<10240x128xf32, #tpu.memory_space<vmem_shared>>)
        %dma_wait3A_210 = arith.constant 19 : i32
        %dma_wait3A_211 = arith.constant 0 : i32
        %dma_wait3A_212 = tpu.memref_slice %arg22[%dma_wait3A_210, %dma_wait3A_211] : memref<20x40xi32, #tpu.memory_space<vmem>> -> memref<1x40xi32, #tpu.memory_space<vmem>>
        %dma_wait3A_213 = tpu.memref_squeeze %dma_wait3A_212 : memref<1x40xi32, #tpu.memory_space<vmem>> -> memref<40xi32, #tpu.memory_space<vmem>>
        %dma_wait3A_214 = arith.constant 0 : i32
        %dma_wait3A_215 = arith.constant 0 : i32
        %dma_wait3A_216 = tpu.memref_slice %arg26[%dma_wait3A_214, %dma_wait3A_215] : memref<10240x128xf32, #tpu.memory_space<vmem_shared>> -> memref<10240x128xf32, #tpu.memory_space<vmem_shared>>
        tpu.wait_indirect_dma semaphore(%arg30 : memref<!tpu.dma_semaphore, #tpu.memory_space<semaphore_mem>>) src(%arg25 : memref<40x128xf32, #tpu.memory_space<vmem>>) dst(%dma_wait3A_216 : memref<10240x128xf32, #tpu.memory_space<vmem_shared>>)
      }
      %scan3A_180 = arith.constant 25 : i32
      "tpu.region"() ({
        %run_scoped3A_186 = tpu.sem_alloc : memref<!tpu.dma_semaphore, #tpu.memory_space<semaphore_mem>>
        %dma_start3A = arith.constant 0 : i32
        %dma_start3A_187 = tpu.memref_slice %arg16[%arg1, %dma_start3A] : memref<16x10240xf32, #tpu.memory_space<hbm>> -> memref<1x10240xf32, #tpu.memory_space<hbm>>
        %dma_start3A_188 = tpu.memref_squeeze %dma_start3A_187 : memref<1x10240xf32, #tpu.memory_space<hbm>> -> memref<10240xf32, #tpu.memory_space<hbm>>
        %dma_start3A_189 = arith.constant 0 : i32
        %dma_start3A_190 = tpu.memref_slice %arg16[%arg1, %dma_start3A_189] : memref<16x10240xf32, #tpu.memory_space<hbm>> -> memref<1x10240xf32, #tpu.memory_space<hbm>>
        %dma_start3A_191 = tpu.memref_squeeze %dma_start3A_190 : memref<1x10240xf32, #tpu.memory_space<hbm>> -> memref<10240xf32, #tpu.memory_space<hbm>>
        tpu.enqueue_dma source(%arg20 : memref<10240xf32, #tpu.memory_space<vmem>>) target(%dma_start3A_191 : memref<10240xf32, #tpu.memory_space<hbm>>) target_semaphore(%run_scoped3A_186 : memref<!tpu.dma_semaphore, #tpu.memory_space<semaphore_mem>>)
        %dma_wait3A = arith.constant 0 : i32
        %dma_wait3A_192 = tpu.memref_slice %arg16[%arg1, %dma_wait3A] : memref<16x10240xf32, #tpu.memory_space<hbm>> -> memref<1x10240xf32, #tpu.memory_space<hbm>>
        %dma_wait3A_193 = tpu.memref_squeeze %dma_wait3A_192 : memref<1x10240xf32, #tpu.memory_space<hbm>> -> memref<10240xf32, #tpu.memory_space<hbm>>
        %dma_wait3A_194 = arith.constant 0 : i32
        %dma_wait3A_195 = tpu.memref_slice %arg16[%arg1, %dma_wait3A_194] : memref<16x10240xf32, #tpu.memory_space<hbm>> -> memref<1x10240xf32, #tpu.memory_space<hbm>>
        %dma_wait3A_196 = tpu.memref_squeeze %dma_wait3A_195 : memref<1x10240xf32, #tpu.memory_space<hbm>> -> memref<10240xf32, #tpu.memory_space<hbm>>
        tpu.wait_dma2 semaphore(%run_scoped3A_186 : memref<!tpu.dma_semaphore, #tpu.memory_space<semaphore_mem>>) src(%arg20 : memref<10240xf32, #tpu.memory_space<vmem>>) dst(%dma_wait3A_196 : memref<10240xf32, #tpu.memory_space<hbm>>)
        tpu.yield
      }) : () -> ()
      %barrier3A_181 = arith.constant 0 : index
      tpu.barrier barrier_id(%barrier3A_181)
      %mul3A_182 = arith.constant 640 : i32
      %mul3A_183 = arith.muli %arg1, %mul3A_182 : i32
      %mul3A_184 = arith.constant 640 : i32
      %mul3A_185 = arith.muli %arg1, %mul3A_184 : i32
      "tpu.region"() ({
        %run_scoped3A_186 = tpu.sem_alloc : memref<!tpu.dma_semaphore, #tpu.memory_space<semaphore_mem>>
        %dma_start3A = arith.constant 0 : i32
        %dma_start3A_187 = tpu.memref_slice %arg14[%mul3A_185, %dma_start3A] : memref<10240x128xf32, #tpu.memory_space<hbm>> -> memref<640x128xf32, #tpu.memory_space<hbm>>
        %dma_start3A_188 = arith.constant 0 : i32
        %dma_start3A_189 = tpu.memref_slice %arg26[%mul3A_183, %dma_start3A_188] : memref<10240x128xf32, #tpu.memory_space<vmem_shared>> -> memref<640x128xf32, #tpu.memory_space<vmem_shared>>
        tpu.enqueue_dma source(%dma_start3A_189 : memref<640x128xf32, #tpu.memory_space<vmem_shared>>) target(%dma_start3A_187 : memref<640x128xf32, #tpu.memory_space<hbm>>) target_semaphore(%run_scoped3A_186 : memref<!tpu.dma_semaphore, #tpu.memory_space<semaphore_mem>>)
        %dma_wait3A = arith.constant 0 : i32
        %dma_wait3A_190 = tpu.memref_slice %arg14[%mul3A_185, %dma_wait3A] : memref<10240x128xf32, #tpu.memory_space<hbm>> -> memref<640x128xf32, #tpu.memory_space<hbm>>
        %dma_wait3A_191 = arith.constant 0 : i32
        %dma_wait3A_192 = tpu.memref_slice %arg26[%mul3A_183, %dma_wait3A_191] : memref<10240x128xf32, #tpu.memory_space<vmem_shared>> -> memref<640x128xf32, #tpu.memory_space<vmem_shared>>
        tpu.wait_dma2 semaphore(%run_scoped3A_186 : memref<!tpu.dma_semaphore, #tpu.memory_space<semaphore_mem>>) src(%dma_wait3A_192 : memref<640x128xf32, #tpu.memory_space<vmem_shared>>) dst(%dma_wait3A_190 : memref<640x128xf32, #tpu.memory_space<hbm>>)
        tpu.yield
      }) : () -> ()
    } else {
    }
    return
  }
}

module attributes {stable_mosaic.version = 14 : i64} {
  func.func @_logits_body(%arg0: memref<10000x128xf32, #tpu.memory_space<vmem>>, %arg1: memref<10000x128xf32, #tpu.memory_space<vmem>>, %arg2: memref<10000x128xf32, #tpu.memory_space<vmem>>, %arg3: memref<1x128xf32, #tpu.memory_space<vmem>>, %arg4: memref<1x128xf32, #tpu.memory_space<vmem>>, %arg5: memref<1x128xf32, #tpu.memory_space<vmem>>, %arg6: memref<1x128xf32, #tpu.memory_space<vmem>>, %arg7: memref<10000x1xf32, #tpu.memory_space<vmem>>, %arg8: memref<10000x1xf32, #tpu.memory_space<vmem>>, %arg9: memref<10000x1xf32, #tpu.memory_space<vmem>>, %arg10: memref<10000x1xf32, #tpu.memory_space<vmem>>, %arg11: memref<2x128xf32, #tpu.memory_space<vmem>>) attributes {dimension_semantics = [], scalar_prefetch = 0 : i64, scratch_operands = 0 : i64, tpu.core_type = #tpu.core_type<tc>} {
    %get3A = arith.constant 0 : index
    %get3A_0 = arith.constant 0 : index
    %get3A_1 = vector.load %arg1[%get3A, %get3A_0] : memref<10000x128xf32, #tpu.memory_space<vmem>>, vector<10000x128xf32>
    %get3A_2 = arith.constant 0 : index
    %get3A_3 = arith.constant 0 : index
    %get3A_4 = vector.load %arg3[%get3A_2, %get3A_3] : memref<1x128xf32, #tpu.memory_space<vmem>>, vector<1x128xf32>
    %mul3A = vector.broadcast %get3A_4 : vector<1x128xf32> to vector<10000x128xf32>
    %mul3A_5 = arith.mulf %get3A_1, %mul3A : vector<10000x128xf32>
    %reduce_sum3A = arith.constant dense<0.000000e+00> : vector<10000xf32>
    %reduce_sum3A_6 = vector.multi_reduction <add>, %mul3A_5, %reduce_sum3A [1] : vector<10000x128xf32> to vector<10000xf32>
    %broadcast_in_dim3A = vector.shape_cast %reduce_sum3A_6 : vector<10000xf32> to vector<10000x1xf32>
    %get3A_7 = arith.constant 0 : index
    %get3A_8 = arith.constant 0 : index
    %get3A_9 = vector.load %arg0[%get3A_7, %get3A_8] : memref<10000x128xf32, #tpu.memory_space<vmem>>, vector<10000x128xf32>
    %get3A_10 = arith.constant 0 : index
    %get3A_11 = arith.constant 0 : index
    %get3A_12 = vector.load %arg4[%get3A_10, %get3A_11] : memref<1x128xf32, #tpu.memory_space<vmem>>, vector<1x128xf32>
    %mul3A_13 = vector.broadcast %get3A_12 : vector<1x128xf32> to vector<10000x128xf32>
    %mul3A_14 = arith.mulf %get3A_9, %mul3A_13 : vector<10000x128xf32>
    %reduce_sum3A_15 = arith.constant dense<0.000000e+00> : vector<10000xf32>
    %reduce_sum3A_16 = vector.multi_reduction <add>, %mul3A_14, %reduce_sum3A_15 [1] : vector<10000x128xf32> to vector<10000xf32>
    %broadcast_in_dim3A_17 = vector.shape_cast %reduce_sum3A_16 : vector<10000xf32> to vector<10000x1xf32>
    %get3A_18 = arith.constant 0 : index
    %get3A_19 = arith.constant 0 : index
    %get3A_20 = vector.load %arg2[%get3A_18, %get3A_19] : memref<10000x128xf32, #tpu.memory_space<vmem>>, vector<10000x128xf32>
    %get3A_21 = arith.constant 0 : index
    %get3A_22 = arith.constant 0 : index
    %get3A_23 = vector.load %arg5[%get3A_21, %get3A_22] : memref<1x128xf32, #tpu.memory_space<vmem>>, vector<1x128xf32>
    %mul3A_24 = vector.broadcast %get3A_23 : vector<1x128xf32> to vector<10000x128xf32>
    %mul3A_25 = arith.mulf %get3A_20, %mul3A_24 : vector<10000x128xf32>
    %reduce_sum3A_26 = arith.constant dense<0.000000e+00> : vector<10000xf32>
    %reduce_sum3A_27 = vector.multi_reduction <add>, %mul3A_25, %reduce_sum3A_26 [1] : vector<10000x128xf32> to vector<10000xf32>
    %broadcast_in_dim3A_28 = vector.shape_cast %reduce_sum3A_27 : vector<10000xf32> to vector<10000x1xf32>
    %get3A_29 = arith.constant 0 : index
    %get3A_30 = arith.constant 0 : index
    %get3A_31 = vector.load %arg0[%get3A_29, %get3A_30] : memref<10000x128xf32, #tpu.memory_space<vmem>>, vector<10000x128xf32>
    %get3A_32 = arith.constant 0 : index
    %get3A_33 = arith.constant 0 : index
    %get3A_34 = vector.load %arg6[%get3A_32, %get3A_33] : memref<1x128xf32, #tpu.memory_space<vmem>>, vector<1x128xf32>
    %mul3A_35 = vector.broadcast %get3A_34 : vector<1x128xf32> to vector<10000x128xf32>
    %mul3A_36 = arith.mulf %get3A_31, %mul3A_35 : vector<10000x128xf32>
    %reduce_sum3A_37 = arith.constant dense<0.000000e+00> : vector<10000xf32>
    %reduce_sum3A_38 = vector.multi_reduction <add>, %mul3A_36, %reduce_sum3A_37 [1] : vector<10000x128xf32> to vector<10000xf32>
    %broadcast_in_dim3A_39 = vector.shape_cast %reduce_sum3A_38 : vector<10000xf32> to vector<10000x1xf32>
    %swap3A = arith.constant 0 : index
    %swap3A_40 = arith.constant 0 : index
    %swap3A_41 = vector.load %arg7[%swap3A, %swap3A_40] : memref<10000x1xf32, #tpu.memory_space<vmem>>, vector<10000x1xf32>
    tpu.vector_store %arg7[%swap3A, %swap3A_40], %broadcast_in_dim3A {strides = array<i32>} : memref<10000x1xf32, #tpu.memory_space<vmem>>, vector<10000x1xf32>,
    %swap3A_42 = arith.constant 0 : index
    %swap3A_43 = arith.constant 0 : index
    %swap3A_44 = vector.load %arg8[%swap3A_42, %swap3A_43] : memref<10000x1xf32, #tpu.memory_space<vmem>>, vector<10000x1xf32>
    tpu.vector_store %arg8[%swap3A_42, %swap3A_43], %broadcast_in_dim3A_17 {strides = array<i32>} : memref<10000x1xf32, #tpu.memory_space<vmem>>, vector<10000x1xf32>,
    %swap3A_45 = arith.constant 0 : index
    %swap3A_46 = arith.constant 0 : index
    %swap3A_47 = vector.load %arg9[%swap3A_45, %swap3A_46] : memref<10000x1xf32, #tpu.memory_space<vmem>>, vector<10000x1xf32>
    tpu.vector_store %arg9[%swap3A_45, %swap3A_46], %broadcast_in_dim3A_28 {strides = array<i32>} : memref<10000x1xf32, #tpu.memory_space<vmem>>, vector<10000x1xf32>,
    %swap3A_48 = arith.constant 0 : index
    %swap3A_49 = arith.constant 0 : index
    %swap3A_50 = vector.load %arg10[%swap3A_48, %swap3A_49] : memref<10000x1xf32, #tpu.memory_space<vmem>>, vector<10000x1xf32>
    tpu.vector_store %arg10[%swap3A_48, %swap3A_49], %broadcast_in_dim3A_39 {strides = array<i32>} : memref<10000x1xf32, #tpu.memory_space<vmem>>, vector<10000x1xf32>,
    %reduce_max3A = vector.shape_cast %broadcast_in_dim3A : vector<10000x1xf32> to vector<1x10000x1xf32>
    %reduce_max3A_51 = arith.constant dense<0xFF800000> : vector<1xf32>
    %reduce_max3A_52 = vector.multi_reduction <maximumf>, %reduce_max3A, %reduce_max3A_51 [1, 2] : vector<1x10000x1xf32> to vector<1xf32>
    %reduce_max3A_53 = vector.shape_cast %reduce_max3A_52 : vector<1xf32> to vector<1x1x1xf32>
    %reduce_max3A_54 = vector.extract %reduce_max3A_53[0, 0, 0] : f32 from vector<1x1x1xf32>
    %reduce_max3A_55 = vector.shape_cast %broadcast_in_dim3A_28 : vector<10000x1xf32> to vector<1x10000x1xf32>
    %reduce_max3A_56 = arith.constant dense<0xFF800000> : vector<1xf32>
    %reduce_max3A_57 = vector.multi_reduction <maximumf>, %reduce_max3A_55, %reduce_max3A_56 [1, 2] : vector<1x10000x1xf32> to vector<1xf32>
    %reduce_max3A_58 = vector.shape_cast %reduce_max3A_57 : vector<1xf32> to vector<1x1x1xf32>
    %reduce_max3A_59 = vector.extract %reduce_max3A_58[0, 0, 0] : f32 from vector<1x1x1xf32>
    %stack3A = vector.broadcast %reduce_max3A_54 : f32 to vector<1xf32>
    %stack3A_60 = vector.broadcast %reduce_max3A_59 : f32 to vector<1xf32>
    %stack3A_61 = tpu.concatenate %stack3A, %stack3A_60 in 0 : vector<1xf32>, vector<1xf32> -> vector<2xf32>
    %broadcast_in_dim3A_62 = vector.shape_cast %stack3A_61 : vector<2xf32> to vector<2x1xf32>
    %broadcast_in_dim3A_63 = vector.shape_cast %broadcast_in_dim3A_62 : vector<2x1xf32> to vector<2x1xf32>
    %broadcast_in_dim3A_64 = vector.broadcast %broadcast_in_dim3A_63 : vector<2x1xf32> to vector<2x128xf32>
    %swap3A_65 = arith.constant 0 : index
    %swap3A_66 = arith.constant 0 : index
    %swap3A_67 = vector.load %arg11[%swap3A_65, %swap3A_66] : memref<2x128xf32, #tpu.memory_space<vmem>>, vector<2x128xf32>
    tpu.vector_store %arg11[%swap3A_65, %swap3A_66], %broadcast_in_dim3A_64 {strides = array<i32>} : memref<2x128xf32, #tpu.memory_space<vmem>>, vector<2x128xf32>,
    return
  }
}

module attributes {stable_mosaic.version = 14 : i64} {
  func.func @_combine1_body(%arg0: i32, %arg1: memref<2048x128xf32, #tpu.memory_space<vmem>>, %arg2: memref<16x2048xf32, #tpu.memory_space<vmem>>, %arg3: memref<2048x128xf32, #tpu.memory_space<vmem>>, %arg4: memref<16x2048xf32, #tpu.memory_space<vmem>>, %arg5: memref<128x128xf32, #tpu.memory_space<vmem>>, %arg6: memref<1x128xf32, #tpu.memory_space<vmem>>, %arg7: memref<2048x128xf32, #tpu.memory_space<vmem>>, %arg8: memref<2048x128xf32, #tpu.memory_space<vmem>>, %arg9: memref<8x128xf32, #tpu.memory_space<vmem>>, %arg10: memref<8x128xf32, #tpu.memory_space<vmem>>) attributes {dimension_semantics = [#tpu.dimension_semantics<arbitrary>], iteration_bounds = array<i64: 5>, scalar_prefetch = 0 : i64, scratch_operands = 0 : i64, tpu.core_type = #tpu.core_type<tc>, window_params = [{transform_indices = @transform_0, window_bounds = array<i64: 2048, 128>}, {transform_indices = @transform_1, window_bounds = array<i64: 16, 2048>}, {transform_indices = @transform_2, window_bounds = array<i64: 2048, 128>}, {transform_indices = @transform_3, window_bounds = array<i64: 16, 2048>}, {pipeline_mode = #tpu.pipeline_mode<synchronous>, transform_indices = @transform_4, window_bounds = array<i64: 128, 128>}, {pipeline_mode = #tpu.pipeline_mode<synchronous>, transform_indices = @transform_5, window_bounds = array<i64: 1, 128>}, {transform_indices = @transform_6, window_bounds = array<i64: 2048, 128>}, {transform_indices = @transform_7, window_bounds = array<i64: 2048, 128>}, {pipeline_mode = #tpu.pipeline_mode<synchronous>, transform_indices = @transform_8, window_bounds = array<i64: 8, 128>}, {pipeline_mode = #tpu.pipeline_mode<synchronous>, transform_indices = @transform_9, window_bounds = array<i64: 8, 128>}]} {
    %get3A = arith.constant 0 : index
    %get3A_0 = arith.constant 0 : index
    %get3A_1 = vector.load %arg2[%get3A, %get3A_0] : memref<16x2048xf32, #tpu.memory_space<vmem>>, vector<16x2048xf32>
    %reduce_sum3A = arith.constant dense<0.000000e+00> : vector<2048xf32>
    %reduce_sum3A_2 = vector.multi_reduction <add>, %get3A_1, %reduce_sum3A [0] : vector<16x2048xf32> to vector<2048xf32>
    %max3A = arith.constant 9.99999971E-10 : f32
    %max3A_3 = vector.broadcast %max3A : f32 to vector<2048xf32>
    %max3A_4 = arith.maximumf %reduce_sum3A_2, %max3A_3 : vector<2048xf32>
    %broadcast_in_dim3A = vector.shape_cast %max3A_4 : vector<2048xf32> to vector<2048x1xf32>
    %get3A_5 = arith.constant 0 : index
    %get3A_6 = arith.constant 0 : index
    %get3A_7 = vector.load %arg1[%get3A_5, %get3A_6] : memref<2048x128xf32, #tpu.memory_space<vmem>>, vector<2048x128xf32>
    %div3A = vector.broadcast %broadcast_in_dim3A : vector<2048x1xf32> to vector<2048x128xf32>
    %div3A_8 = arith.divf %get3A_7, %div3A : vector<2048x128xf32>
    %gt3A = arith.constant 0.000000e+00 : f32
    %gt3A_9 = vector.broadcast %gt3A : f32 to vector<2048x128xf32>
    %gt3A_10 = arith.cmpf ogt, %div3A_8, %gt3A_9 : vector<2048x128xf32>
    %exp3A = math.exp %div3A_8 : vector<2048x128xf32>
    %sub3A = arith.constant 1.000000e+00 : f32
    %sub3A_11 = vector.broadcast %sub3A : f32 to vector<2048x128xf32>
    %sub3A_12 = arith.subf %exp3A, %sub3A_11 : vector<2048x128xf32>
    %select_n3A = arith.select %gt3A_10, %div3A_8, %sub3A_12 : vector<2048x128xi1>, vector<2048x128xf32>
    %get3A_13 = arith.constant 0 : index
    %get3A_14 = arith.constant 0 : index
    %get3A_15 = vector.load %arg4[%get3A_13, %get3A_14] : memref<16x2048xf32, #tpu.memory_space<vmem>>, vector<16x2048xf32>
    %reduce_sum3A_16 = arith.constant dense<0.000000e+00> : vector<2048xf32>
    %reduce_sum3A_17 = vector.multi_reduction <add>, %get3A_15, %reduce_sum3A_16 [0] : vector<16x2048xf32> to vector<2048xf32>
    %max3A_18 = arith.constant 9.99999971E-10 : f32
    %max3A_19 = vector.broadcast %max3A_18 : f32 to vector<2048xf32>
    %max3A_20 = arith.maximumf %reduce_sum3A_17, %max3A_19 : vector<2048xf32>
    %broadcast_in_dim3A_21 = vector.shape_cast %max3A_20 : vector<2048xf32> to vector<2048x1xf32>
    %get3A_22 = arith.constant 0 : index
    %get3A_23 = arith.constant 0 : index
    %get3A_24 = vector.load %arg3[%get3A_22, %get3A_23] : memref<2048x128xf32, #tpu.memory_space<vmem>>, vector<2048x128xf32>
    %div3A_25 = vector.broadcast %broadcast_in_dim3A_21 : vector<2048x1xf32> to vector<2048x128xf32>
    %div3A_26 = arith.divf %get3A_24, %div3A_25 : vector<2048x128xf32>
    %gt3A_27 = arith.constant 0.000000e+00 : f32
    %gt3A_28 = vector.broadcast %gt3A_27 : f32 to vector<2048x128xf32>
    %gt3A_29 = arith.cmpf ogt, %div3A_26, %gt3A_28 : vector<2048x128xf32>
    %exp3A_30 = math.exp %div3A_26 : vector<2048x128xf32>
    %sub3A_31 = arith.constant 1.000000e+00 : f32
    %sub3A_32 = vector.broadcast %sub3A_31 : f32 to vector<2048x128xf32>
    %sub3A_33 = arith.subf %exp3A_30, %sub3A_32 : vector<2048x128xf32>
    %select_n3A_34 = arith.select %gt3A_29, %div3A_26, %sub3A_33 : vector<2048x128xi1>, vector<2048x128xf32>
    %swap3A = arith.constant 0 : index
    %swap3A_35 = arith.constant 0 : index
    %swap3A_36 = vector.load %arg7[%swap3A, %swap3A_35] : memref<2048x128xf32, #tpu.memory_space<vmem>>, vector<2048x128xf32>
    tpu.vector_store %arg7[%swap3A, %swap3A_35], %select_n3A {strides = array<i32>} : memref<2048x128xf32, #tpu.memory_space<vmem>>, vector<2048x128xf32>,
    %swap3A_37 = arith.constant 0 : index
    %swap3A_38 = arith.constant 0 : index
    %swap3A_39 = vector.load %arg8[%swap3A_37, %swap3A_38] : memref<2048x128xf32, #tpu.memory_space<vmem>>, vector<2048x128xf32>
    tpu.vector_store %arg8[%swap3A_37, %swap3A_38], %select_n3A_34 {strides = array<i32>} : memref<2048x128xf32, #tpu.memory_space<vmem>>, vector<2048x128xf32>,
    %iota3A = tpu.iota {dimensions = array<i32: 0>} : vector<2048x1xi32>
    %mul3A = arith.constant 2048 : i32
    %mul3A_40 = arith.muli %arg0, %mul3A : i32
    %add3A = vector.broadcast %mul3A_40 : i32 to vector<2048x1xi32>
    %add3A_41 = arith.addi %iota3A, %add3A : vector<2048x1xi32>
    %lt3A = arith.constant 10000 : i32
    %lt3A_42 = vector.broadcast %lt3A : i32 to vector<2048x1xi32>
    %lt3A_43 = arith.cmpi slt, %add3A_41, %lt3A_42 : vector<2048x1xi32>
    %convert_element_type3A = arith.extui %lt3A_43 : vector<2048x1xi1> to vector<2048x1xi32>
    %convert_element_type3A_44 = arith.sitofp %convert_element_type3A : vector<2048x1xi32> to vector<2048x1xf32>
    %get3A_45 = arith.constant 0 : index
    %get3A_46 = arith.constant 0 : index
    %get3A_47 = vector.load %arg5[%get3A_45, %get3A_46] : memref<128x128xf32, #tpu.memory_space<vmem>>, vector<128x128xf32>
    %transpose3A = tpu.transpose %get3A_47, [1, 0] : vector<128x128xf32> -> vector<128x128xf32>
    %dot_general3A = arith.constant dense<0.000000e+00> : vector<2048x128xf32>
    %dot_general3A_48 = tpu.matmul %select_n3A, %transpose3A, %dot_general3A {dimension_numbers = #tpu.dot_dimension_numbers<[1], [0], [0], [1], [0, 0, 1, 1], [], []>, transpose_lhs_hint = false} : vector<2048x128xf32>, vector<128x128xf32>, vector<2048x128xf32> -> vector<2048x128xf32>
    %get3A_49 = arith.constant 0 : index
    %get3A_50 = arith.constant 0 : index
    %get3A_51 = vector.load %arg6[%get3A_49, %get3A_50] : memref<1x128xf32, #tpu.memory_space<vmem>>, vector<1x128xf32>
    %add3A_52 = vector.broadcast %get3A_51 : vector<1x128xf32> to vector<2048x128xf32>
    %add3A_53 = arith.addf %dot_general3A_48, %add3A_52 : vector<2048x128xf32>
    %tanh3A = math.tanh %add3A_53 : vector<2048x128xf32>
    %mul3A_54 = vector.broadcast %convert_element_type3A_44 : vector<2048x1xf32> to vector<2048x128xf32>
    %mul3A_55 = arith.mulf %tanh3A, %mul3A_54 : vector<2048x128xf32>
    %reduce_sum3A_56 = arith.constant dense<0.000000e+00> : vector<128xf32>
    %reduce_sum3A_57 = vector.multi_reduction <add>, %mul3A_55, %reduce_sum3A_56 [0] : vector<2048x128xf32> to vector<128xf32>
    %broadcast_in_dim3A_58 = vector.shape_cast %reduce_sum3A_57 : vector<128xf32> to vector<1x128xf32>
    %broadcast_in_dim3A_59 = vector.shape_cast %broadcast_in_dim3A_58 : vector<1x128xf32> to vector<1x128xf32>
    %broadcast_in_dim3A_60 = vector.broadcast %broadcast_in_dim3A_59 : vector<1x128xf32> to vector<8x128xf32>
    %dot_general3A_61 = arith.constant dense<0.000000e+00> : vector<2048x128xf32>
    %dot_general3A_62 = tpu.matmul %select_n3A_34, %transpose3A, %dot_general3A_61 {dimension_numbers = #tpu.dot_dimension_numbers<[1], [0], [0], [1], [0, 0, 1, 1], [], []>, transpose_lhs_hint = false} : vector<2048x128xf32>, vector<128x128xf32>, vector<2048x128xf32> -> vector<2048x128xf32>
    %get3A_63 = arith.constant 0 : index
    %get3A_64 = arith.constant 0 : index
    %get3A_65 = vector.load %arg6[%get3A_63, %get3A_64] : memref<1x128xf32, #tpu.memory_space<vmem>>, vector<1x128xf32>
    %add3A_66 = vector.broadcast %get3A_65 : vector<1x128xf32> to vector<2048x128xf32>
    %add3A_67 = arith.addf %dot_general3A_62, %add3A_66 : vector<2048x128xf32>
    %tanh3A_68 = math.tanh %add3A_67 : vector<2048x128xf32>
    %mul3A_69 = vector.broadcast %convert_element_type3A_44 : vector<2048x1xf32> to vector<2048x128xf32>
    %mul3A_70 = arith.mulf %tanh3A_68, %mul3A_69 : vector<2048x128xf32>
    %reduce_sum3A_71 = arith.constant dense<0.000000e+00> : vector<128xf32>
    %reduce_sum3A_72 = vector.multi_reduction <add>, %mul3A_70, %reduce_sum3A_71 [0] : vector<2048x128xf32> to vector<128xf32>
    %broadcast_in_dim3A_73 = vector.shape_cast %reduce_sum3A_72 : vector<128xf32> to vector<1x128xf32>
    %broadcast_in_dim3A_74 = vector.shape_cast %broadcast_in_dim3A_73 : vector<1x128xf32> to vector<1x128xf32>
    %broadcast_in_dim3A_75 = vector.broadcast %broadcast_in_dim3A_74 : vector<1x128xf32> to vector<8x128xf32>
    %eq3A = arith.constant 0 : i32
    %eq3A_76 = arith.cmpi eq, %arg0, %eq3A : i32
    %convert_element_type3A_77 = arith.extui %eq3A_76 : i1 to i32
    %cond3A = arith.constant 0 : i32
    %cond3A_78 = arith.cmpi ne, %convert_element_type3A_77, %cond3A : i32
    scf.if %cond3A_78 {
      %swap3A_84 = arith.constant 0 : index
      %swap3A_85 = arith.constant 0 : index
      %swap3A_86 = vector.load %arg9[%swap3A_84, %swap3A_85] : memref<8x128xf32, #tpu.memory_space<vmem>>, vector<8x128xf32>
      tpu.vector_store %arg9[%swap3A_84, %swap3A_85], %broadcast_in_dim3A_60 {strides = array<i32>} : memref<8x128xf32, #tpu.memory_space<vmem>>, vector<8x128xf32>,
      %swap3A_87 = arith.constant 0 : index
      %swap3A_88 = arith.constant 0 : index
      %swap3A_89 = vector.load %arg10[%swap3A_87, %swap3A_88] : memref<8x128xf32, #tpu.memory_space<vmem>>, vector<8x128xf32>
      tpu.vector_store %arg10[%swap3A_87, %swap3A_88], %broadcast_in_dim3A_75 {strides = array<i32>} : memref<8x128xf32, #tpu.memory_space<vmem>>, vector<8x128xf32>,
    } else {
    }
    %gt3A_79 = arith.constant 0 : i32
    %gt3A_80 = arith.cmpi sgt, %arg0, %gt3A_79 : i32
    %convert_element_type3A_81 = arith.extui %gt3A_80 : i1 to i32
    %cond3A_82 = arith.constant 0 : i32
    %cond3A_83 = arith.cmpi ne, %convert_element_type3A_81, %cond3A_82 : i32
    scf.if %cond3A_83 {
      %get3A_84 = arith.constant 0 : index
      %get3A_85 = arith.constant 0 : index
      %get3A_86 = vector.load %arg9[%get3A_84, %get3A_85] : memref<8x128xf32, #tpu.memory_space<vmem>>, vector<8x128xf32>
      %add3A_87 = arith.addf %get3A_86, %broadcast_in_dim3A_60 : vector<8x128xf32>
      %swap3A_88 = arith.constant 0 : index
      %swap3A_89 = arith.constant 0 : index
      %swap3A_90 = vector.load %arg9[%swap3A_88, %swap3A_89] : memref<8x128xf32, #tpu.memory_space<vmem>>, vector<8x128xf32>
      tpu.vector_store %arg9[%swap3A_88, %swap3A_89], %add3A_87 {strides = array<i32>} : memref<8x128xf32, #tpu.memory_space<vmem>>, vector<8x128xf32>,
      %get3A_91 = arith.constant 0 : index
      %get3A_92 = arith.constant 0 : index
      %get3A_93 = vector.load %arg10[%get3A_91, %get3A_92] : memref<8x128xf32, #tpu.memory_space<vmem>>, vector<8x128xf32>
      %add3A_94 = arith.addf %get3A_93, %broadcast_in_dim3A_75 : vector<8x128xf32>
      %swap3A_95 = arith.constant 0 : index
      %swap3A_96 = arith.constant 0 : index
      %swap3A_97 = vector.load %arg10[%swap3A_95, %swap3A_96] : memref<8x128xf32, #tpu.memory_space<vmem>>, vector<8x128xf32>
      tpu.vector_store %arg10[%swap3A_95, %swap3A_96], %add3A_94 {strides = array<i32>} : memref<8x128xf32, #tpu.memory_space<vmem>>, vector<8x128xf32>,
    } else {
    }
    return
  }
  func.func @transform_0(%arg0: i32) -> (i32, i32) {
    %c0_i32 = arith.constant 0 : i32
    %c0_i32_0 = arith.constant 0 : i32
    return %arg0, %c0_i32 : i32, i32
  }
  func.func @transform_1(%arg0: i32) -> (i32, i32) {
    %c0_i32 = arith.constant 0 : i32
    %c0_i32_0 = arith.constant 0 : i32
    return %c0_i32, %arg0 : i32, i32
  }
  func.func @transform_2(%arg0: i32) -> (i32, i32) {
    %c0_i32 = arith.constant 0 : i32
    %c0_i32_0 = arith.constant 0 : i32
    return %arg0, %c0_i32 : i32, i32
  }
  func.func @transform_3(%arg0: i32) -> (i32, i32) {
    %c0_i32 = arith.constant 0 : i32
    %c0_i32_0 = arith.constant 0 : i32
    return %c0_i32, %arg0 : i32, i32
  }
  func.func @transform_4(%arg0: i32) -> (i32, i32) {
    %c0_i32 = arith.constant 0 : i32
    %c0_i32_0 = arith.constant 0 : i32
    %c0_i32_1 = arith.constant 0 : i32
    return %c0_i32, %c0_i32_0 : i32, i32
  }
  func.func @transform_5(%arg0: i32) -> (i32, i32) {
    %c0_i32 = arith.constant 0 : i32
    %c0_i32_0 = arith.constant 0 : i32
    %c0_i32_1 = arith.constant 0 : i32
    return %c0_i32, %c0_i32_0 : i32, i32
  }
  func.func @transform_6(%arg0: i32) -> (i32, i32) {
    %c0_i32 = arith.constant 0 : i32
    %c0_i32_0 = arith.constant 0 : i32
    return %arg0, %c0_i32 : i32, i32
  }
  func.func @transform_7(%arg0: i32) -> (i32, i32) {
    %c0_i32 = arith.constant 0 : i32
    %c0_i32_0 = arith.constant 0 : i32
    return %arg0, %c0_i32 : i32, i32
  }
  func.func @transform_8(%arg0: i32) -> (i32, i32) {
    %c0_i32 = arith.constant 0 : i32
    %c0_i32_0 = arith.constant 0 : i32
    %c0_i32_1 = arith.constant 0 : i32
    return %c0_i32, %c0_i32_0 : i32, i32
  }
  func.func @transform_9(%arg0: i32) -> (i32, i32) {
    %c0_i32 = arith.constant 0 : i32
    %c0_i32_0 = arith.constant 0 : i32
    %c0_i32_1 = arith.constant 0 : i32
    return %c0_i32, %c0_i32_0 : i32, i32
  }
}

module attributes {stable_mosaic.version = 14 : i64} {
  func.func @_combine2_body(%arg0: i32, %arg1: memref<1x2xf32, #tpu.memory_space<smem>>, %arg2: memref<2048x128xf32, #tpu.memory_space<vmem>>, %arg3: memref<2048x128xf32, #tpu.memory_space<vmem>>, %arg4: memref<2048x128xf32, #tpu.memory_space<vmem>>) attributes {dimension_semantics = [#tpu.dimension_semantics<arbitrary>], iteration_bounds = array<i64: 5>, scalar_prefetch = 0 : i64, scratch_operands = 0 : i64, tpu.core_type = #tpu.core_type<tc>, window_params = [{transform_indices = @transform_0, window_bounds = array<i64: 1, 2>}, {transform_indices = @transform_1, window_bounds = array<i64: 2048, 128>}, {transform_indices = @transform_2, window_bounds = array<i64: 2048, 128>}, {transform_indices = @transform_3, window_bounds = array<i64: 2048, 128>}]} {
    %get3A = arith.constant 0 : index
    %get3A_0 = arith.constant 0 : index
    %get3A_1 = vector.load %arg2[%get3A, %get3A_0] : memref<2048x128xf32, #tpu.memory_space<vmem>>, vector<2048x128xf32>
    %get3A_2 = arith.constant 0 : index
    %get3A_3 = arith.constant 0 : index
    %get3A_4 = memref.load %arg1[%get3A_2, %get3A_3] : memref<1x2xf32, #tpu.memory_space<smem>>
    %mul3A = vector.broadcast %get3A_4 : f32 to vector<2048x128xf32>
    %mul3A_5 = arith.mulf %get3A_1, %mul3A : vector<2048x128xf32>
    %get3A_6 = arith.constant 0 : index
    %get3A_7 = arith.constant 0 : index
    %get3A_8 = vector.load %arg3[%get3A_6, %get3A_7] : memref<2048x128xf32, #tpu.memory_space<vmem>>, vector<2048x128xf32>
    %get3A_9 = arith.constant 0 : index
    %get3A_10 = arith.constant 1 : index
    %get3A_11 = memref.load %arg1[%get3A_9, %get3A_10] : memref<1x2xf32, #tpu.memory_space<smem>>
    %mul3A_12 = vector.broadcast %get3A_11 : f32 to vector<2048x128xf32>
    %mul3A_13 = arith.mulf %get3A_8, %mul3A_12 : vector<2048x128xf32>
    %add3A = arith.addf %mul3A_5, %mul3A_13 : vector<2048x128xf32>
    %swap3A = arith.constant 0 : index
    %swap3A_14 = arith.constant 0 : index
    %swap3A_15 = vector.load %arg4[%swap3A, %swap3A_14] : memref<2048x128xf32, #tpu.memory_space<vmem>>, vector<2048x128xf32>
    tpu.vector_store %arg4[%swap3A, %swap3A_14], %add3A {strides = array<i32>} : memref<2048x128xf32, #tpu.memory_space<vmem>>, vector<2048x128xf32>,
    return
  }
  func.func @transform_0(%arg0: i32) -> (i32, i32) {
    %c0_i32 = arith.constant 0 : i32
    %c0_i32_0 = arith.constant 0 : i32
    %c0_i32_1 = arith.constant 0 : i32
    return %c0_i32, %c0_i32_0 : i32, i32
  }
  func.func @transform_1(%arg0: i32) -> (i32, i32) {
    %c0_i32 = arith.constant 0 : i32
    %c0_i32_0 = arith.constant 0 : i32
    return %arg0, %c0_i32 : i32, i32
  }
  func.func @transform_2(%arg0: i32) -> (i32, i32) {
    %c0_i32 = arith.constant 0 : i32
    %c0_i32_0 = arith.constant 0 : i32
    return %arg0, %c0_i32 : i32, i32
  }
  func.func @transform_3(%arg0: i32) -> (i32, i32) {
    %c0_i32 = arith.constant 0 : i32
    %c0_i32_0 = arith.constant 0 : i32
    return %arg0, %c0_i32 : i32, i32
  }
}

</mosaic_0001>

<sc_bundles>
// kernel: kernel.6.cloned.1.call-start
scs
__scs_entry_jumppad:
0x0: {  	(pc) =	sbr.rel $0x88, $3  }
0x1: {  	(tag) =	ssettag $0x0;
	lr =	simm.s32 $0x1  }
0x2: {  	[smem:$0x3F95] =	sst lr;
	_ =	strace $0xD0000000  }
0x3: {  	_ = 	snop  }
0x4: {  	_ = 	snop  }
0x5: {  	_ = 	snop  }
0x6: {  	_ = 	snop  }
0x7: {  	_ = 	snop  }
__scs_overlays_trampoline_lowered:
0x8: {  	[smem:$0x3FA4] =	sst s0  }
0x9: {  	[smem:$0x3FA5] =	sst s1  }
0xa: {  	[smem:$0x3FA6] =	sst s2  }
0xb: {  	[smem:$0x3FA7] =	sst s3  }
0xc: {  	[smem:$0x3FA8] =	sst s4  }
0xd: {  	[smem:$0x3FA9] =	sst s5  }
0xe: {  	[smem:$0x3FAA] =	sst s6  }
0xf: {  	[smem:$0x3FAB] =	sst s7  }
0x10: {  	[smem:$0x3FAC] =	sst s8  }
0x11: {  	[smem:$0x3FAD] =	sst s9;
	s0 =	simm.s32 @!p0 $0x0  }
0x12: {  	s1 =	sld [smem:$0x3F93];
	s0 =	simm.s32 @p0 $0x1  }
0x13: {  	[smem:$0x3FAE] =	sst s0;
	s0 =	simm.s32 @!p1 $0x0  }
0x14: {  	s2 =	sld [smem:$0x3F92];
	s0 =	simm.s32 @p1 $0x1  }
0x15: {  	[smem:$0x3FAF] =	sst s0;
	s0 =	simm.s32 @!p2 $0x0  }
0x16: {  	s3 =	sld [smem:$0x3FDB];
	s0 =	simm.s32 @p2 $0x1  }
0x17: {  	s4 =	simm.s32 $0x1BF5;
	[smem:$0x3FB1] =	sst s0  }
0x18: {  	s0 =	sld [smem:$0x3F94];
	_ =	swait.ge [sflag:s4], $0x0  }
0x19: {  	s7 =	sld [smem:$0x3F95]  }
0x1a: {  	s8 =	sadd.s32 $0xFFFFE003, lr  }
0x1b: {  	s9 =	sadd.s32 $0xFFFFFEF7, lr;
	s5 =	simm.s32 $0xFFFFFFFF;
	p2 =	slt.u32 s8, $0xFFFFF086  }
0x1c: {  	p1 =	slt.u32 s9, $0xF7A;
	s5 =	simm.s32 @!p2 $0x0  }
0x1d: {  	s5 =	simm.s32 @p1 $0x1;
	p0 =	seq.s32 s7, s2  }
0x1e: {  	s7 =	smul.u32 @!p0 $0xF7A, s2;
	p2 =	seq.s32 @!p0 s5, $0x0  }
0x1f: {  	s9 =	smul.u32 $0xF7A, s1;
	s8 =	simm.s32 @!p0 $0x1BF5;
	p2 =	por !p2, p0  }
0x20: {  	[sflag:s8] =	ssyncset.s32 @!p0 $0xFFFFF086;
	s6 =	sadd.s32 @!p0 s3, s7;
	s7 =	simm.s32 @!p0 $0x108  }
0x21: {  	s3 =	sadd.s32 s3, s9;
	s6 =	sadd.s32 @!p0 $0x88, s6;
	s7 =	simm.s32 @p2 $0x1082  }
0x22: {  	[simem:s7], [sflag:s8] =	dma.local @!p0 [hbm:s6], $0xF7A  }
0x23: {  	s9 =	sor.u32 $0xD0000000, s2;
	s6 =	simm.s32 $0x108;
	_ =	swait.ge @!p0 [sflag:s8], $0x0  }
0x24: {  	s3 =	sadd.s32 $0x88, s3;
	s6 =	simm.s32 @!p1 $0x1082;
	[sflag:s4] =	ssyncset.s32 $0xFFFFF086  }
0x25: {  	[simem:s6], [sflag:s4] =	dma.local [hbm:s3], $0xF7A  }
0x26: {  	[smem:$0x3F95] =	sst s1;
	(tag) =	ssettag s2;
	_ =	strace s9  }
0x27: {  	s1 =	sld [smem:$0x3FA5]  }
0x28: {  	s2 =	sld [smem:$0x3FA6]  }
0x29: {  	s4 =	sld [smem:$0x3FA8]  }
0x2a: {  	p0 =	seq.s32 s5, $0x0;
	s5 =	sld [smem:$0x3FA9]  }
0x2b: {  	s6 =	sld [smem:$0x3FAA]  }
0x2c: {  	s7 =	sld [smem:$0x3FAB]  }
0x2d: {  	s3 =	simm.s32 $0x108;
	s8 =	sld [smem:$0x3FAC]  }
0x2e: {  	s3 =	simm.s32 @!p0 $0x1082;
	s9 =	sld [smem:$0x3FAD]  }
0x2f: {  	lr =	sadd.s32 s0, s3;
	s0 =	sld [smem:$0x3FA4]  }
0x30: {  	s3 =	sld [smem:$0x3FA7]  }
0x31: {  	[smem:$0x3FB0] =	sst s10  }
0x32: {  	s10 =	sld [smem:$0x3FAE];
	_ =	sdelay $0x3  }
0x33: {  	p0 =	seq.s32 s10, $0x1;
	s10 =	sld [smem:$0x3FB0];
	_ =	sdelay $0x3  }
0x34: {  	[smem:$0x3FB0] =	sst s10  }
0x35: {  	s10 =	sld [smem:$0x3FAF];
	_ =	sdelay $0x3  }
0x36: {  	p1 =	seq.s32 s10, $0x1;
	s10 =	sld [smem:$0x3FB0];
	_ =	sdelay $0x3  }
0x37: {  	[smem:$0x3FB0] =	sst s10  }
0x38: {  	s10 =	sld [smem:$0x3FB1]  }
0x39: {  	_ = 	snop;
	(pc) =	sbr.ind lr, $3  }
0x3a: {  	_ = 	snop  }
0x3b: {  	_ = 	snop  }
0x3c: {  	p2 =	seq.s32 s10, $0x1;
	s10 =	sld [smem:$0x3FB0]  }
0x3d: {  	_ =	shalt  }
0x3e: {  	_ =	shalt  }
0x3f: {  	_ =	shalt  }
0x40: {  	_ =	shalt  }
0x41: {  	_ =	shalt  }
0x42: {  	_ =	shalt  }
0x43: {  	_ =	shalt  }
0x44: {  	_ =	shalt  }
0x45: {  	_ =	shalt  }
0x46: {  	_ =	shalt  }
0x47: {  	_ =	shalt  }
0x48: {  	_ =	shalt  }
0x49: {  	_ =	shalt  }
0x4a: {  	_ =	shalt  }
0x4b: {  	_ =	shalt  }
0x4c: {  	_ =	shalt  }
0x4d: {  	_ =	shalt  }
0x4e: {  	_ =	shalt  }
0x4f: {  	_ =	shalt  }
0x50: {  	_ =	shalt  }
0x51: {  	_ =	shalt  }
0x52: {  	_ =	shalt  }
0x53: {  	_ =	shalt  }
0x54: {  	_ =	shalt  }
0x55: {  	_ =	shalt  }
0x56: {  	_ =	shalt  }
0x57: {  	_ =	shalt  }
0x58: {  	_ =	shalt  }
0x59: {  	_ =	shalt  }
0x5a: {  	_ =	shalt  }
0x5b: {  	_ =	shalt  }
0x5c: {  	_ =	shalt  }
0x5d: {  	_ =	shalt  }
0x5e: {  	_ =	shalt  }
0x5f: {  	_ =	shalt  }
0x60: {  	_ =	shalt  }
0x61: {  	_ =	shalt  }
0x62: {  	_ =	shalt  }
0x63: {  	_ =	shalt  }
0x64: {  	_ =	shalt  }
0x65: {  	_ =	shalt  }
0x66: {  	_ =	shalt  }
0x67: {  	_ =	shalt  }
0x68: {  	_ =	shalt  }
0x69: {  	_ =	shalt  }
0x6a: {  	_ =	shalt  }
0x6b: {  	_ =	shalt  }
0x6c: {  	_ =	shalt  }
0x6d: {  	_ =	shalt  }
0x6e: {  	_ =	shalt  }
0x6f: {  	_ =	shalt  }
0x70: {  	_ =	shalt  }
0x71: {  	_ =	shalt  }
0x72: {  	_ =	shalt  }
0x73: {  	_ =	shalt  }
0x74: {  	_ =	shalt  }
0x75: {  	_ =	shalt  }
0x76: {  	_ =	shalt  }
0x77: {  	_ =	shalt  }
0x78: {  	_ =	shalt  }
0x79: {  	_ =	shalt  }
0x7a: {  	_ =	shalt  }
0x7b: {  	_ =	shalt  }
0x7c: {  	_ =	shalt  }
0x7d: {  	_ =	shalt  }
0x7e: {  	_ =	shalt  }
0x7f: {  	_ =	shalt  }
0x80: {  	_ =	shalt  }
0x81: {  	_ =	shalt  }
0x82: {  	_ =	shalt  }
0x83: {  	_ =	shalt  }
0x84: {  	_ =	shalt  }
0x85: {  	_ =	shalt  }
0x86: {  	_ =	shalt  }
0x87: {  	_ =	shalt  }
.Lfunc_end0:
.L_simem_size_0:
called_computation_lowered:
.L_overlay_start_0:
0x88: {  	s2 =	sld [smem:$0x3FD9]  }
0x89: {  	s3 =	sld [smem:$0x3FFE];
	_ =	sdelay $0x1  }
0x8a: {  	s1 =	srdreg.scid  }
0x8b: {  	s0 =	sand.u32 $0x1, s1  }
0x8c: {  	s17 =	sshll.u32 s0, $0xA;
	s2 =	sadd.s32 s3, s2  }
0x8d: {  	s2 =	sadd.s32 s2, s17  }
0x8e: {  	[smem:$0x3FBC] =	sst s2  }
0x8f: {  	_ = 	snop  }
0x90: {  	s2 =	sld [smem:$0x3FC8]  }
0x91: {  	s18 =	sld [smem:$0x3FC7]  }
0x92: {  	s4 =	sld [smem:$0x3FD0];
	(tm) =	ssettm $0x1  }
0x93: {  	s5 =	sld [smem:$0x3FFB];
	_ =	sdelay $0x3  }
0x94: {  	_ =	strace s5  }
0x95: {  	s5 =	sld [smem:$0x3FFC];
	_ =	sdelay $0x3  }
0x96: {  	_ =	strace s5  }
0x97: {  	s5 =	sld [smem:$0x3FFD];
	_ =	sdelay $0x3  }
0x98: {  	_ =	strace s5  }
0x99: {  	_ =	strace $0x8FFFFFFF  }
0x9a: {  	s19 =	sld [smem:$0x3FDB];
	_ =	sdelay $0x1  }
0x9b: {  	s6 =	simm.s32 $_scs_section_size  }
0x9c: {  	s7 =	simm.s32 $_size__tile_overlayer_lowered;
	s8 =	simm.s32 $_tile_overlayer_lowered  }
0x9d: {  	s22 =	simm.s32 $0x1BFF;
	s21 =	sshll.u32 s8, $0x1;
	s5 =	sadd.s32 s6, s19  }
0x9e: {  	s9 =	simm.s32 $0x0;
	s20 =	sshll.u32 s7, $0x1;
	s7 =	sadd.s32 s21, s5  }
0x9f: {  	[timem:s9], [sflag:s22] =	dma.local [hbm:s7], s20  }
0xa0: {  	_ =	swait.ge [sflag:s22], s20  }
0xa1: {  	s6 =	ssub.s32 $0x0, s20;
	[sflag:s22] =	ssyncset.done $0x0  }
0xa2: {  	[sflag:s22] =	ssyncadd.s32 s6;
	_ =	sdelay $0x1  }
0xa3: {  	s23 =	simm.s32 $0x1B8B  }
0xa4: {  	_ =	swait.ge [sflag:s23], $0x1  }
0xa5: {  	[sflag:s23] =	ssyncset.done $0x0  }
0xa6: {  	s25 =	simm.s32 $0x1B8E;
	s24 =	sld [smem:$0x3FFE];
	[sflag:s23] =	ssyncadd.s32 $0xFFFFFFFF  }
0xa7: {  	s26 =	simm.s32 $execute0_lowered;
	[smem:$0x3FD2] =	sst s25  }
0xa8: {  	s7 =	sshll.u32 s26, $0x1;
	_ =	strace $0x80000046;
	[dreg:$0x1] =	wrdreg $0xFFFFFFFF  }
0xa9: {  	s28 =	simm.s32 $_size_execute0_lowered;
	s5 =	sadd.s32 s5, s7;
	[dreg:$0x0] =	wrdreg $0x0  }
0xaa: {  	s7 =	sshll.u32 s28, $0x1;
	[dreg:$0x2] =	wrdreg s5  }
0xab: {  	[dreg:$0x3] =	wrdreg s7  }
0xac: {  	[dreg:$0x4] =	wrdreg $0xC0  }
0xad: {  	_ =	task [dreg:s9], $0x5FFFF  }
0xae: {  	[dreg:$0x1] =	wrdreg $0xFFFFFFFF  }
0xaf: {  	[dreg:$0x0] =	wrdreg $0x60  }
0xb0: {  	[dreg:$0x2] =	wrdreg s2  }
0xb1: {  	[dreg:$0x3] =	wrdreg s18  }
0xb2: {  	[dreg:$0x4] =	wrdreg s24  }
0xb3: {  	[dreg:$0x5] =	wrdreg s4  }
0xb4: {  	[dreg:$0x6] =	wrdreg $0xA5400  }
0xb5: {  	[dreg:$0x7] =	wrdreg $0x9  }
0xb6: {  	_ =	task.clear_ibuf [dreg:s9], $0x8FFFF;
	_ =	strace $0x90000046  }
0xb7: {  	s29 =	simm.s32 $0x9;
	_ =	strace $0x80000048  }
0xb8: {  	_ =	swait.ge [sflag:s29], $0x1  }
0xb9: {  	[sflag:s29] =	ssyncadd.s32 $0xFFFFFFFF  }
0xba: {  	_ =	strace $0x90000048  }
0xbb: {  	_ =	sfence  }
0xbc: {  	s30 =	sld [smem:$0x0];
	_ =	sdelay $0x2  }
0xbd: {  	s31 =	sshll.u32 s1, $0xD;
	s1 =	sshrl.u32 s1, $0x2  }
0xbe: {  	s3 =	sand.u32 $0x4000, s31;
	s1 =	sadd.s32 s1, s30  }
0xbf: {  	s0 =	sor.u32 s3, s0;
	s1 =	sshll.u32 s1, $0x11  }
0xc0: {  	s0 =	sor.u32 s1, s0  }
0xc1: {  	s0 =	sadd.s32 $0x8F2B, s0  }
0xc2: {  	[sflag:s0] =	ssyncadd.remote.s32 $0x1  }
0xc3: {  	_ =	sfence.sel $0xFFFF  }
0xc4: {  	[dreg:$0x0] =	wrdreg $0xFFFFFFFF;
	(pc) =	sbr.abs _section_cstart, $3  }
0xc5: {  	[dreg:$0x1] =	wrdreg $0xFFFFFFFF  }
0xc6: {  	_ =	task.clear_ibuf [dreg:s9], $0x2FFFF;
	_ =	strace $0x9FFFFFFF  }
0xc7: {  	(tm) =	ssettm $0x7FFFFFFF  }
tec
execute0_lowered:
.L_overlay_start_1:
0x0: {  	(tag) =	ssettag $0x1  }
0x1: {  	s1 =	rddreg [dreg:$0x0]  }
0x2: {  	s2 =	rddreg [dreg:$0x1];
	s10 =	stileid.u32  }
0x3: {  	s11 =	rddreg [dreg:$0x2];
	s3 =	smul.u32 $0x50000, s10  }
0x4: {  	s5 =	rddreg [dreg:$0x3];
	s9 =	smul.u32 $0x14000, s10  }
0x5: {  	s6 =	rddreg [dreg:$0x4];
	s7 =	simm.s32 $0x0;
	s3 =	sshrl.u32 s3, $0x2  }
0x6: {  	[smem:$0x7FF] =	sst s7;
	s21 =	sadd.s32 s9, s6;
	s3 =	sadd.s32 s3, s6  }
0x7: {  	_ =	strace $0x80000047;
	[dreg:$0x6] =	wrdreg s21;
	s14 =	sadd.s32 $0x1400, s3  }
0x8: {  	s15 =	sadd.s32 $0x2800, s3;
	[dreg:$0x7] =	wrdreg s14  }
0x9: {  	s16 =	sadd.s32 $0x3C00, s3;
	[dreg:$0x8] =	wrdreg s15  }
0xa: {  	s17 =	sadd.s32 $0x5000, s3;
	[dreg:$0x9] =	wrdreg s16  }
0xb: {  	s18 =	sadd.s32 $0x6400, s3;
	[dreg:$0xa] =	wrdreg s17  }
0xc: {  	s19 =	sadd.s32 $0x7800, s3;
	[dreg:$0xb] =	wrdreg s18  }
0xd: {  	s20 =	sadd.s32 $0x8C00, s3;
	[dreg:$0xc] =	wrdreg s19  }
0xe: {  	s22 =	sadd.s32 $0xA000, s3;
	[dreg:$0xd] =	wrdreg s20  }
0xf: {  	s0 =	srdreg.scid;
	s23 =	sadd.s32 $0xB400, s3;
	[dreg:$0xe] =	wrdreg s22  }
0x10: {  	s30 =	simm.s32 $0x5;
	s24 =	sadd.s32 $0xC800, s3;
	[dreg:$0xf] =	wrdreg s23  }
0x11: {  	s0 =	sand.u32 $0x1, s0;
	s25 =	sadd.s32 $0xDC00, s3;
	[dreg:$0x10] =	wrdreg s24  }
0x12: {  	s28 =	sadd.s32 $0xB000, s11;
	s26 =	sadd.s32 $0xF000, s3;
	[dreg:$0x11] =	wrdreg s25  }
0x13: {  	s29 =	sadd.s32 $0x1200, s11;
	s31 =	sadd.s32 $0x10400, s3;
	[dreg:$0x12] =	wrdreg s26  }
0x14: {  	s4 =	ssub.s32 $0x2, s0;
	s12 =	sadd.s32 $0x11800, s3;
	[dreg:$0x13] =	wrdreg s31  }
0x15: {  	s8 =	sshrl.u32 s4, $0x1;
	s13 =	sadd.s32 $0x12C00, s3;
	[dreg:$0x14] =	wrdreg s12  }
0x16: {  	s4 =	ssub.s32 s4, s8;
	[dreg:$0x15] =	wrdreg s13;
	s14 =	sshrl.u32 s9, $0x3  }
0x17: {  	p0 =	seq.s32 s0, $0x1;
	s15 =	smax.u32 s4, $0x1;
	[dreg:$0x16] =	wrdreg s14  }
0x18: {  	s0 =	smul.u32 $0x4E20, s10;
	s16 =	sadd.s32 $0xC00, s11;
	[dreg:$0x17] =	wrdreg s15  }
0x19: {  	s3 =	simm.s32 $0x2710;
	s17 =	sadd.s32 $0x600, s11;
	[dreg:$0x18] =	wrdreg s16  }
0x1a: {  	s26 =	sadd.s32 $0x14E00, s11;
	s18 =	sadd.s32 $0x75800, s11;
	[dreg:$0x19] =	wrdreg s17  }
0x1b: {  	s19 =	sadd.s32 $0x75600, s11;
	s20 =	sadd.s32 $0x28C00, s11;
	[dreg:$0x1a] =	wrdreg s18  }
0x1c: {  	s22 =	sadd.s32 $0x75E00, s11;
	s23 =	sadd.s32 $0x23C00, s11;
	[dreg:$0x1b] =	wrdreg s19  }
0x1d: {  	s24 =	sadd.s32 $0x1EC00, s11;
	s25 =	smul.u32 $0x500, s10;
	[dreg:$0x1c] =	wrdreg s20  }
0x1e: {  	s31 =	sadd.s32 $0x75610, s11;
	s4 =	simm.s32 $0x7D40;
	[dreg:$0x1d] =	wrdreg s22  }
.Ltmp0:
0x1f: {  	s9 =	simm.s32 $0x76A0;
	[dreg:$0x1e] =	wrdreg s23;
	(pc) =	sbr.rel .LBB2_1-.Ltmp0, $4  }
0x20: {  	v0 =	vlaneseq.u32;
	s10 =	simm.s32 $0x79C0;
	s11 =	simm.s32 $0x28;
	[dreg:$0x1f] =	wrdreg s24  }
0x21: {  	v1 =	vimm.f32 $0.0e+00;
	v2 =	vor.u32 $0x10, v0;
	s12 =	simm.s32 $0x4EA0;
	s13 =	simm.s32 $0x9140;
	[smem:$0x7FD] =	sst s31  }
0x22: {  	v3 =	vor.u32 $0x20, v0;
	v4 =	vor.u32 $0x30, v0;
	v5 =	vor.u32 $0x40, v0;
	s14 =	simm.s32 $0x1;
	s15 =	simm.s32 $0x2;
	s16 =	simm.s32 $0x3  }
0x23: {  	v6 =	vor.u32 $0x50, v0;
	v7 =	vor.u32 $0x60, v0;
	v8 =	vor.u32 $0x70, v0;
	s17 =	simm.s32 $0x4;
	s18 =	simm.s32 $0x0;
	[smem:$0x7FC] =	sst s25  }
.LBB2_25:
0x24: {  	s20 =	rddreg [dreg:$0x1f]  }
0x25: {  	s19 =	rddreg [dreg:$0x1d]  }
.LBB2_26:
0x26: {  	s8 =	sld [smem:$0x7FC];
	_ =	sdelay $0x2  }
0x27: {  	s8 =	sadd.s32 s20, s8  }
0x28: {  	[hbm4b:s8+s7] =	stream.linear.scatter [tilespmem:s12], [sflag:$0x5], $0x2800, $0x38;
	[tilespmem:$0x1E540] =	vst v63  }
0x29: {  	_ =	swait.ge [sflag:s30], $0x2800  }
0x2a: {  	[sflag:s30] =	ssyncset.done $0x0  }
0x2b: {  	[sflag:s30] =	ssyncadd.s32 $0xFFFFD800  }
0x2c: {  	s24 =	stileid.u32;
	s23 =	rddreg [dreg:$0x16];
	[bflag:$0x0] =	sbarrier.arrive $0xFFFF  }
0x2d: {  	s8 =	sadd.s32 s19, s23;
	s19 =	sshll.u32 s24, $0x6;
	s21 =	rddreg [dreg:$0x6]  }
0x2e: {  	s19 =	sor.u32 $0x1C05, s19;
	s25 =	sshrl.u32 s21, $0x3  }
0x2f: {  	[hbm:s8], [sflag:s19] =	dma.local [spmem:s25], $0x2800  }
0x30: {  	_ =	swait.ge [sflag:s30], $0x2800  }
0x31: {  	s18 =	sadd.s32 $0x1, s18;
	s31 =	rddreg [dreg:$0x17]  }
0x32: {  	p1 =	sne.s32 s18, s31  }
.Ltmp1:
0x33: {  	_ = 	snop;
	(pc) =	sbr.rel @!p1 .LBB2_27-.Ltmp1, $3  }
0x34: {  	_ =	sdelay $0x1  }
0x35: {  	[sflag:s30] =	ssyncset.done $0x0  }
0x36: {  	[sflag:s30] =	ssyncadd.s32 $0xFFFFD800  }
.LBB2_1:
0x37: {  	s19 =	simm.s32 $0x0  }
.LBB2_2:
0x38: {  	p1 =	sne.s32 s19, $0x9FC0  }
.Ltmp2:
0x39: {  	_ = 	snop;
	(pc) =	sbr.rel @p1 .LBB2_2-.Ltmp2, $3  }
0x3a: {  	_ =	sdelay $0x1  }
0x3b: {  	s20 =	sshra.s32 s19, $0x2  }
0x3c: {  	s19 =	sadd.s32 $0x40, s19;
	[tilespmem:s20+$0x4EA0] =	vst v1  }
0x3d: {  	s20 =	simm.s32 $0x0  }
0x3e: {  	v12 =	vor.u32 s20, v0;
	_ =	sdelay $0x1  }
0x3f: {  	v14 =	vor.u32 s20, v2  }
0x40: {  	v11 =	vor.u32 s20, v3  }
0x41: {  	v10 =	vor.u32 s20, v4  }
0x42: {  	[tilespmem:v12+s4+$0x0] =	vst.idx.msk $0xffff, v1;
	v12 =	vor.u32 s20, v5  }
0x43: {  	v13 =	vor.u32 s20, v6  }
0x44: {  	s19 =	simm.s32 $0x1;
	v9 =	vor.u32 s20, v8;
	[tilespmem:v14+s4+$0x0] =	vst.idx.msk $0xffff, v1;
	v14 =	vor.u32 s20, v7  }
.LBB2_4:
0x45: {  	s20 =	sshll.u32 s19, $0x7;
	p1 =	sne.s32 s19, $0x27;
	s19 =	sadd.s32 $0x1, s19;
	[tilespmem:v11+s4+$0x0] =	vst.idx.msk $0xffff, v1  }
0x46: {  	v15 =	vor.u32 s20, v0;
	v16 =	vor.u32 s20, v8;
	[tilespmem:v10+s4+$0x0] =	vst.idx.msk $0xffff, v1  }
0x47: {  	v17 =	vor.u32 s20, v2;
	[tilespmem:v12+s4+$0x0] =	vst.idx.msk $0xffff, v1  }
.Ltmp3:
0x48: {  	v11 =	vor.u32 s20, v3;
	[tilespmem:v13+s4+$0x0] =	vst.idx.msk $0xffff, v1;
	(pc) =	sbr.rel @p1 .LBB2_4-.Ltmp3, $4  }
0x49: {  	v10 =	vor.u32 s20, v4;
	[tilespmem:v14+s4+$0x0] =	vst.idx.msk $0xffff, v1  }
0x4a: {  	v12 =	vor.u32 s20, v5;
	[tilespmem:v9+s4+$0x0] =	vst.idx.msk $0xffff, v1;
	v9 =	vmov v16  }
0x4b: {  	v13 =	vor.u32 s20, v6;
	[tilespmem:v15+s4+$0x0] =	vst.idx.msk $0xffff, v1  }
0x4c: {  	v14 =	vor.u32 s20, v7;
	[tilespmem:v17+s4+$0x0] =	vst.idx.msk $0xffff, v1  }
0x4d: {  	_ =	sdelay $0x3  }
0x4e: {  	[tilespmem:v11+s4+$0x0] =	vst.idx.msk $0xffff, v1  }
0x4f: {  	[tilespmem:v10+s4+$0x0] =	vst.idx.msk $0xffff, v1  }
0x50: {  	[tilespmem:v12+s4+$0x0] =	vst.idx.msk $0xffff, v1  }
0x51: {  	[tilespmem:v13+s4+$0x0] =	vst.idx.msk $0xffff, v1  }
0x52: {  	[tilespmem:v14+s4+$0x0] =	vst.idx.msk $0xffff, v1  }
0x53: {  	[tilespmem:v9+s4+$0x0] =	vst.idx.msk $0xffff, v1  }
0x54: {  	[spmem:s21] =	stream.linear.scatter [tilespmem:s4], [sflag:$0x5], $0x1400, $0x38;
	[tilespmem:$0x1E540] =	vst v63  }
0x55: {  	_ =	swait.ge [sflag:s30], $0x1400  }
0x56: {  	[sflag:s30] =	ssyncset.done $0x0  }
0x57: {  	s8 =	rddreg [dreg:$0x7];
	[sflag:s30] =	ssyncadd.s32 $0xFFFFEC00  }
0x58: {  	[spmem:s8] =	stream.linear.scatter [tilespmem:s4], [sflag:$0x5], $0x1400, $0x38;
	[tilespmem:$0x1E540] =	vst v63  }
0x59: {  	_ =	swait.ge [sflag:s30], $0x1400  }
0x5a: {  	[sflag:s30] =	ssyncset.done $0x0  }
0x5b: {  	s21 =	rddreg [dreg:$0x8];
	[sflag:s30] =	ssyncadd.s32 $0xFFFFEC00  }
0x5c: {  	[spmem:s21] =	stream.linear.scatter [tilespmem:s4], [sflag:$0x5], $0x1400, $0x38;
	[tilespmem:$0x1E540] =	vst v63  }
0x5d: {  	_ =	swait.ge [sflag:s30], $0x1400  }
0x5e: {  	[sflag:s30] =	ssyncset.done $0x0  }
0x5f: {  	s22 =	rddreg [dreg:$0x9];
	[sflag:s30] =	ssyncadd.s32 $0xFFFFEC00  }
0x60: {  	[spmem:s22] =	stream.linear.scatter [tilespmem:s4], [sflag:$0x5], $0x1400, $0x38;
	[tilespmem:$0x1E540] =	vst v63  }
0x61: {  	_ =	swait.ge [sflag:s30], $0x1400  }
0x62: {  	[sflag:s30] =	ssyncset.done $0x0  }
0x63: {  	s23 =	rddreg [dreg:$0xa];
	[sflag:s30] =	ssyncadd.s32 $0xFFFFEC00  }
0x64: {  	[spmem:s23] =	stream.linear.scatter [tilespmem:s4], [sflag:$0x5], $0x1400, $0x38;
	[tilespmem:$0x1E540] =	vst v63  }
0x65: {  	_ =	swait.ge [sflag:s30], $0x1400  }
0x66: {  	[sflag:s30] =	ssyncset.done $0x0  }
0x67: {  	s24 =	rddreg [dreg:$0xb];
	[sflag:s30] =	ssyncadd.s32 $0xFFFFEC00  }
0x68: {  	[spmem:s24] =	stream.linear.scatter [tilespmem:s4], [sflag:$0x5], $0x1400, $0x38;
	[tilespmem:$0x1E540] =	vst v63  }
0x69: {  	_ =	swait.ge [sflag:s30], $0x1400  }
0x6a: {  	[sflag:s30] =	ssyncset.done $0x0  }
0x6b: {  	s25 =	rddreg [dreg:$0xc];
	[sflag:s30] =	ssyncadd.s32 $0xFFFFEC00  }
0x6c: {  	[spmem:s25] =	stream.linear.scatter [tilespmem:s4], [sflag:$0x5], $0x1400, $0x38;
	[tilespmem:$0x1E540] =	vst v63  }
0x6d: {  	_ =	swait.ge [sflag:s30], $0x1400  }
0x6e: {  	[sflag:s30] =	ssyncset.done $0x0  }
0x6f: {  	s31 =	rddreg [dreg:$0xd];
	[sflag:s30] =	ssyncadd.s32 $0xFFFFEC00  }
0x70: {  	[spmem:s31] =	stream.linear.scatter [tilespmem:s4], [sflag:$0x5], $0x1400, $0x38;
	[tilespmem:$0x1E540] =	vst v63  }
0x71: {  	_ =	swait.ge [sflag:s30], $0x1400  }
0x72: {  	[sflag:s30] =	ssyncset.done $0x0  }
0x73: {  	s19 =	rddreg [dreg:$0xe];
	[sflag:s30] =	ssyncadd.s32 $0xFFFFEC00  }
0x74: {  	[spmem:s19] =	stream.linear.scatter [tilespmem:s4], [sflag:$0x5], $0x1400, $0x38;
	[tilespmem:$0x1E540] =	vst v63  }
0x75: {  	_ =	swait.ge [sflag:s30], $0x1400  }
0x76: {  	[sflag:s30] =	ssyncset.done $0x0  }
0x77: {  	s20 =	rddreg [dreg:$0xf];
	[sflag:s30] =	ssyncadd.s32 $0xFFFFEC00  }
0x78: {  	[spmem:s20] =	stream.linear.scatter [tilespmem:s4], [sflag:$0x5], $0x1400, $0x38;
	[tilespmem:$0x1E540] =	vst v63  }
0x79: {  	_ =	swait.ge [sflag:s30], $0x1400  }
0x7a: {  	[sflag:s30] =	ssyncset.done $0x0  }
0x7b: {  	s21 =	rddreg [dreg:$0x10];
	[sflag:s30] =	ssyncadd.s32 $0xFFFFEC00  }
0x7c: {  	[spmem:s21] =	stream.linear.scatter [tilespmem:s4], [sflag:$0x5], $0x1400, $0x38;
	[tilespmem:$0x1E540] =	vst v63  }
0x7d: {  	_ =	swait.ge [sflag:s30], $0x1400  }
0x7e: {  	[sflag:s30] =	ssyncset.done $0x0  }
0x7f: {  	s22 =	rddreg [dreg:$0x11];
	[sflag:s30] =	ssyncadd.s32 $0xFFFFEC00  }
0x80: {  	[spmem:s22] =	stream.linear.scatter [tilespmem:s4], [sflag:$0x5], $0x1400, $0x38;
	[tilespmem:$0x1E540] =	vst v63  }
0x81: {  	_ =	swait.ge [sflag:s30], $0x1400  }
0x82: {  	[sflag:s30] =	ssyncset.done $0x0  }
0x83: {  	s23 =	rddreg [dreg:$0x12];
	[sflag:s30] =	ssyncadd.s32 $0xFFFFEC00  }
0x84: {  	[spmem:s23] =	stream.linear.scatter [tilespmem:s4], [sflag:$0x5], $0x1400, $0x38;
	[tilespmem:$0x1E540] =	vst v63  }
0x85: {  	_ =	swait.ge [sflag:s30], $0x1400  }
0x86: {  	[sflag:s30] =	ssyncset.done $0x0  }
0x87: {  	s24 =	rddreg [dreg:$0x13];
	[sflag:s30] =	ssyncadd.s32 $0xFFFFEC00  }
0x88: {  	[spmem:s24] =	stream.linear.scatter [tilespmem:s4], [sflag:$0x5], $0x1400, $0x38;
	[tilespmem:$0x1E540] =	vst v63  }
0x89: {  	_ =	swait.ge [sflag:s30], $0x1400  }
0x8a: {  	[sflag:s30] =	ssyncset.done $0x0  }
0x8b: {  	s25 =	rddreg [dreg:$0x14];
	[sflag:s30] =	ssyncadd.s32 $0xFFFFEC00  }
0x8c: {  	[spmem:s25] =	stream.linear.scatter [tilespmem:s4], [sflag:$0x5], $0x1400, $0x38;
	[tilespmem:$0x1E540] =	vst v63  }
0x8d: {  	_ =	swait.ge [sflag:s30], $0x1400  }
0x8e: {  	[sflag:s30] =	ssyncset.done $0x0  }
0x8f: {  	s31 =	rddreg [dreg:$0x15];
	[sflag:s30] =	ssyncadd.s32 $0xFFFFEC00  }
0x90: {  	[spmem:s31] =	stream.linear.scatter [tilespmem:s4], [sflag:$0x5], $0x1400, $0x38;
	[tilespmem:$0x1E540] =	vst v63  }
.Ltmp4:
0x91: {  	_ =	swait.ge [sflag:s30], $0x1400;
	(pc) =	sbr.rel @!p0 .LBB2_6-.Ltmp4, $4  }
0x92: {  	[sflag:s30] =	ssyncset.done $0x0  }
0x93: {  	[sflag:s30] =	ssyncadd.s32 $0xFFFFEC00  }
0x94: {  	[bflag:$0x0] =	sbarrier.arrive $0xFFFF  }
0x95: {  	s19 =	simm.s32 $0x0  }
0x96: {  	s8 =	rddreg [dreg:$0x2]  }
0x97: {  	[tilespmem:s19], [sflag:$0x5] =	stream.linear.gather [hbm4b:s8+s19], $0x2710, $0x38;
	[tilespmem:$0x1E540] =	vst v63  }
0x98: {  	_ =	swait.ge [sflag:s30], $0x2710  }
0x99: {  	[sflag:s30] =	ssyncset.done $0x0  }
0x9a: {  	s25 =	rddreg [dreg:$0x1a];
	[sflag:s30] =	ssyncadd.s32 $0xFFFFD8F0  }
0x9b: {  	[tilespmem:s3], [sflag:$0x5] =	stream.linear.gather [hbm4b:s25+s19], $0x2710, $0x38;
	[tilespmem:$0x1E540] =	vst v63  }
0x9c: {  	_ =	swait.ge [sflag:s30], $0x2710  }
0x9d: {  	s31 =	sld [smem:$0x7FD]  }
0x9e: {  	[sflag:s30] =	ssyncset.done $0x0  }
0x9f: {  	s20 =	simm.s32 $0x4E20;
	[sflag:s30] =	ssyncadd.s32 $0xFFFFD8F0  }
0xa0: {  	[tilespmem:s20], [sflag:$0x5] =	stream.linear.gather [hbm4b:s31+s19], $0x80, $0x38;
	[tilespmem:$0x1E540] =	vst v63  }
.Ltmp5:
0xa1: {  	_ = 	snop;
	(pc) =	sbr.rel .LBB2_17-.Ltmp5, $4  }
0xa2: {  	_ =	swait.ge [sflag:s30], $0x80  }
0xa3: {  	[sflag:s30] =	ssyncset.done $0x0  }
0xa4: {  	[sflag:s30] =	ssyncadd.s32 $0xFFFFFF80  }
0xa5: {  	s20 =	simm.s32 $0x0;
	v9 =	vld.msk [tilespmem:$0x4E20 ss:$0x0], $0xffff  }
.LBB2_24:
0xa6: {  	s20 =	sadd.s32 $0x1, s20  }
0xa7: {  	p1 =	sne.s32 s20, $0x19  }
.Ltmp6:
0xa8: {  	_ = 	snop;
	(pc) =	sbr.rel @!p1 .LBB2_25-.Ltmp6, $4  }
0xa9: {  	_ = 	snop  }
0xaa: {  	_ =	swait.ge [sflag:s17], $0x1400  }
0xab: {  	[sflag:s17] =	ssyncset.done $0x0  }
0xac: {  	[sflag:s17] =	ssyncadd.s32 $0xFFFFEC00  }
.LBB2_17:
0xad: {  	s8 =	smul.u32 $0x320, s20;
	_ =	sdelay $0x1  }
0xae: {  	s8 =	sadd.s32 s0, s8  }
0xaf: {  	s8 =	sshrl.u32 s8, $0x3  }
0xb0: {  	s21 =	sadd.s32 s28, s8  }
0xb1: {  	[tilespmem:s9], [sflag:$0x5] =	stream.linear.gather [hbm4b:s21+s19], $0x320, $0x38;
	[tilespmem:$0x1E540] =	vst v63  }
0xb2: {  	_ =	swait.ge [sflag:s30], $0x320  }
0xb3: {  	[sflag:s30] =	ssyncset.done $0x0  }
0xb4: {  	s8 =	sadd.s32 s29, s8;
	[sflag:s30] =	ssyncadd.s32 $0xFFFFFCE0  }
0xb5: {  	[tilespmem:s10], [sflag:$0x5] =	stream.linear.gather [hbm4b:s8+s19], $0x320, $0x38;
	[tilespmem:$0x1E540] =	vst v63  }
0xb6: {  	_ =	swait.ge [sflag:s30], $0x320  }
0xb7: {  	[sflag:s30] =	ssyncset.done $0x0  }
0xb8: {  	s21 =	simm.s32 $0x0;
	[sflag:s30] =	ssyncadd.s32 $0xFFFFFCE0  }
0xb9: {  	[tilespmem:s4], [sflag:$0x1] =	stream.indirect.gather [hbm4b:s2+s11], $0x80, s9, s11, $0xb8;
	[tilespmem:$0x1E540] =	vst v63  }
.LBB2_18:
0xba: {  	s8 =	sshll.u32 s21, $0x1  }
0xbb: {  	v10 =	vmov s8  }
0xbc: {  	v10 =	vmul.u32 $0x28, v10;
	_ =	sdelay $0x1  }
0xbd: {  	v10 =	vbroadcast v10, $0x0;
	_ =	sdelay $0x1  }
0xbe: {  	v11 =	vor.u32 v0, v10;
	_ =	sdelay $0x1  }
0xbf: {  	s22 =	smul.u32 $0x50, s21;
	_ =	sdelay $0x1  }
0xc0: {  	v12 =	vld [tilespmem:s22+$0x76A0]  }
0xc1: {  	v11 =	vld.idx.msk [tilespmem:v11+s10+$0x0], $0xffff;
	_ =	sdelay $0x6  }
0xc2: {  	v12 =	vld.idx.msk [tilespmem:v12+s7+$0x0], $0xffff  }
0xc3: {  	v13 =	vld.idx.msk [tilespmem:v11+s3+$0x0], $0xffff;
	_ =	sdelay $0x4  }
0xc4: {  	v12 =	vadd.f32 v13, v12;
	v13 =	vadd.f32 v13, v9;
	_ =	sdelay $0x1  }
0xc5: {  	v14 =	vmul.f32 $9.999999770e-03, v12;
	v15 =	vmul.f32 $9.999999770e-03, v13;
	_ =	sdelay $0x1  }
0xc6: {  	v12 =	vmax.f32 v12, v14;
	v13 =	vmax.f32 v13, v15  }
0xc7: {  	v12 =	vsub.f32 v12, v13;
	_ =	sdelay $0x1  }
0xc8: {  	v12 =	vmul.f32 $1.442695020e+00, v12;
	_ =	sdelay $0x1  }
0xc9: {  	(erf) = vpow2.f32 v12;
	_ =	sdelay $0x7  }
0xca: {  	v51 =	vadd.s32 v2, v10  }
0xcb: {  	v52 =	vpop (erf)  }
0xcc: {  	[tilespmem:$0x7CE0] =	vst v52  }
0xcd: {  	[tilespmem:v11+s12+$0x0] =	vst.idx.add.f32.msk $0xffff, v52  }
0xce: {  	v11 =	vld [tilespmem:s22+$0x76B0]  }
0xcf: {  	v12 =	vld.idx.msk [tilespmem:v51+s10+$0x0], $0xffff;
	_ =	sdelay $0x6  }
0xd0: {  	v11 =	vld.idx.msk [tilespmem:v11+s7+$0x0], $0xffff  }
0xd1: {  	v13 =	vld.idx.msk [tilespmem:v12+s3+$0x0], $0xffff;
	_ =	sdelay $0x4  }
0xd2: {  	v11 =	vadd.f32 v13, v11;
	v13 =	vadd.f32 v13, v9;
	_ =	sdelay $0x1  }
0xd3: {  	v53 =	vmul.f32 $9.999999770e-03, v11;
	v54 =	vmul.f32 $9.999999770e-03, v13;
	_ =	sdelay $0x1  }
0xd4: {  	v11 =	vmax.f32 v11, v53;
	v13 =	vmax.f32 v13, v54  }
0xd5: {  	v11 =	vsub.f32 v11, v13;
	_ =	sdelay $0x1  }
0xd6: {  	v11 =	vmul.f32 $1.442695020e+00, v11;
	_ =	sdelay $0x1  }
0xd7: {  	(erf) = vpow2.f32 v11;
	_ =	sdelay $0x7  }
0xd8: {  	v11 =	vadd.s32 v3, v10  }
0xd9: {  	v55 =	vpop (erf)  }
0xda: {  	[tilespmem:$0x7CF0] =	vst v55  }
0xdb: {  	[tilespmem:v12+s12+$0x0] =	vst.idx.add.f32.msk $0xffff, v55  }
0xdc: {  	v12 =	vld [tilespmem:s22+$0x76C0]  }
0xdd: {  	v11 =	vld.idx.msk [tilespmem:v11+s10+$0x0], $0xffff;
	_ =	sdelay $0x6  }
0xde: {  	v12 =	vld.idx.msk [tilespmem:v12+s7+$0x0], $0xffff  }
0xdf: {  	v13 =	vld.idx.msk [tilespmem:v11+s3+$0x0], $0xffff;
	_ =	sdelay $0x4  }
0xe0: {  	v12 =	vadd.f32 v13, v12;
	v13 =	vadd.f32 v13, v9;
	_ =	sdelay $0x1  }
0xe1: {  	v56 =	vmul.f32 $9.999999770e-03, v12;
	v57 =	vmul.f32 $9.999999770e-03, v13;
	_ =	sdelay $0x1  }
0xe2: {  	v12 =	vmax.f32 v12, v56;
	v13 =	vmax.f32 v13, v57  }
0xe3: {  	v12 =	vsub.f32 v12, v13;
	_ =	sdelay $0x1  }
0xe4: {  	v12 =	vmul.f32 $1.442695020e+00, v12;
	_ =	sdelay $0x1  }
0xe5: {  	(erf) = vpow2.f32 v12;
	_ =	sdelay $0x7  }
0xe6: {  	v58 =	vadd.s32 v4, v10  }
0xe7: {  	v59 =	vpop (erf)  }
0xe8: {  	[tilespmem:$0x7D00] =	vst v59  }
0xe9: {  	[tilespmem:v11+s12+$0x0] =	vst.idx.add.f32.msk $0xffff, v59  }
0xea: {  	v11 =	vld [tilespmem:s22+$0x76D0]  }
0xeb: {  	v12 =	vld.idx.msk [tilespmem:v58+s10+$0x0], $0xffff;
	_ =	sdelay $0x6  }
0xec: {  	v11 =	vld.idx.msk [tilespmem:v11+s7+$0x0], $0xffff  }
0xed: {  	v13 =	vld.idx.msk [tilespmem:v12+s3+$0x0], $0xffff;
	_ =	sdelay $0x4  }
0xee: {  	v11 =	vadd.f32 v13, v11;
	v13 =	vadd.f32 v13, v9;
	_ =	sdelay $0x1  }
0xef: {  	v60 =	vmul.f32 $9.999999770e-03, v11;
	v61 =	vmul.f32 $9.999999770e-03, v13;
	_ =	sdelay $0x1  }
0xf0: {  	v11 =	vmax.f32 v11, v60;
	v13 =	vmax.f32 v13, v61  }
0xf1: {  	v11 =	vsub.f32 v11, v13;
	_ =	sdelay $0x1  }
0xf2: {  	v11 =	vmul.f32 $1.442695020e+00, v11;
	_ =	sdelay $0x1  }
0xf3: {  	(erf) = vpow2.f32 v11;
	_ =	sdelay $0x7  }
0xf4: {  	v10 =	vadd.s32 v5, v10  }
0xf5: {  	v11 =	vpop (erf)  }
0xf6: {  	[tilespmem:$0x7D10] =	vst v11  }
0xf7: {  	[tilespmem:v12+s12+$0x0] =	vst.idx.add.f32.msk $0xffff, v11  }
0xf8: {  	v11 =	vld [tilespmem:s22+$0x76E0]  }
0xf9: {  	v10 =	vld.idx.msk [tilespmem:v10+s10+$0x0], $0xffff;
	_ =	sdelay $0x6  }
0xfa: {  	v11 =	vld.idx.msk [tilespmem:v11+s7+$0x0], $0xffff  }
0xfb: {  	v12 =	vld.idx.msk [tilespmem:v10+s3+$0x0], $0xffff;
	_ =	sdelay $0x4  }
0xfc: {  	v11 =	vadd.f32 v12, v11;
	v12 =	vadd.f32 v12, v9;
	_ =	sdelay $0x1  }
0xfd: {  	v62 =	vmul.f32 $9.999999770e-03, v11;
	v63 =	vmul.f32 $9.999999770e-03, v12;
	_ =	sdelay $0x1  }
0xfe: {  	v11 =	vmax.f32 v11, v62;
	v12 =	vmax.f32 v12, v63  }
0xff: {  	v11 =	vsub.f32 v11, v12;
	_ =	sdelay $0x1  }
0x100: {  	v11 =	vmul.f32 $1.442695020e+00, v11;
	_ =	sdelay $0x1  }
0x101: {  	(erf) = vpow2.f32 v11;
	_ =	sdelay $0x8  }
0x102: {  	v11 =	vpop (erf)  }
0x103: {  	p1 =	seq.s32 s21, $0x0;
	[tilespmem:$0x7D20] =	vst v11  }
0x104: {  	s8 =	simm.s32 @!p1 $0x4;
	[tilespmem:v10+s12+$0x0] =	vst.idx.add.f32.msk $0xffff, v11  }
0x105: {  	_ =	swait.ge @!p1 [sflag:s8], $0x1400  }
0x106: {  	[sflag:s8] =	ssyncset.done @!p1 $0x0  }
0x107: {  	s31 =	sadd.s32 $0x76C8, s22;
	[sflag:s8] =	ssyncadd.s32 @!p1 $0xFFFFEC00  }
0x108: {  	[tilespmem:s13], [sflag:$0x2] =	stream.indirect.gather [hbm4b:s2+s11], $0x80, s31, s11, $0xb8;
	[tilespmem:$0x1E540] =	vst v63  }
0x109: {  	_ =	swait.ge [sflag:s14], $0x1400  }
0x10a: {  	s23 =	simm.s32 $0x0;
	[sflag:s14] =	ssyncset.done $0x0  }
0x10b: {  	s24 =	simm.s32 $0x7CE4;
	s22 =	sadd.s32 $0x28, s22;
	[sflag:s14] =	ssyncadd.s32 $0xFFFFEC00  }
.LBB2_19:
0x10c: {  	s25 =	sshll.u32 s23, $0x7  }
0x10d: {  	v10 =	vor.u32 s25, v0;
	_ =	sdelay $0x3  }
0x10e: {  	v11 =	vld.msk [tilespmem:s24+$0xFFFFFFFC ss:$0x0], $0xffff  }
0x10f: {  	v12 =	vld.idx.msk [tilespmem:v10+s4+$0x0], $0xffff;
	_ =	sdelay $0x2  }
0x110: {  	v13 =	vor.u32 s25, v2;
	_ =	sdelay $0x1  }
0x111: {  	v12 =	vmul.f32 v11, v12;
	_ =	sdelay $0x1  }
0x112: {  	[tilespmem:v10+s4+$0x0] =	vst.idx.msk $0xffff, v12  }
0x113: {  	v10 =	vld.idx.msk [tilespmem:v13+s4+$0x0], $0xffff;
	_ =	sdelay $0x2  }
0x114: {  	v50 =	vor.u32 s25, v3;
	_ =	sdelay $0x1  }
0x115: {  	v10 =	vmul.f32 v10, v11;
	_ =	sdelay $0x1  }
0x116: {  	[tilespmem:v13+s4+$0x0] =	vst.idx.msk $0xffff, v10  }
0x117: {  	v10 =	vld.idx.msk [tilespmem:v50+s4+$0x0], $0xffff;
	_ =	sdelay $0x2  }
0x118: {  	v51 =	vor.u32 s25, v4;
	_ =	sdelay $0x1  }
0x119: {  	v10 =	vmul.f32 v10, v11;
	_ =	sdelay $0x1  }
0x11a: {  	[tilespmem:v50+s4+$0x0] =	vst.idx.msk $0xffff, v10  }
0x11b: {  	v10 =	vld.idx.msk [tilespmem:v51+s4+$0x0], $0xffff;
	_ =	sdelay $0x2  }
0x11c: {  	v52 =	vor.u32 s25, v5;
	_ =	sdelay $0x1  }
0x11d: {  	v10 =	vmul.f32 v10, v11;
	_ =	sdelay $0x1  }
0x11e: {  	[tilespmem:v51+s4+$0x0] =	vst.idx.msk $0xffff, v10  }
0x11f: {  	v10 =	vld.idx.msk [tilespmem:v52+s4+$0x0], $0xffff;
	_ =	sdelay $0x2  }
0x120: {  	v53 =	vor.u32 s25, v6;
	_ =	sdelay $0x1  }
0x121: {  	v10 =	vmul.f32 v10, v11;
	_ =	sdelay $0x1  }
0x122: {  	[tilespmem:v52+s4+$0x0] =	vst.idx.msk $0xffff, v10  }
0x123: {  	v10 =	vld.idx.msk [tilespmem:v53+s4+$0x0], $0xffff;
	_ =	sdelay $0x2  }
0x124: {  	v54 =	vor.u32 s25, v7;
	_ =	sdelay $0x1  }
0x125: {  	v10 =	vmul.f32 v10, v11;
	_ =	sdelay $0x1  }
0x126: {  	[tilespmem:v53+s4+$0x0] =	vst.idx.msk $0xffff, v10  }
0x127: {  	v10 =	vld.idx.msk [tilespmem:v54+s4+$0x0], $0xffff;
	_ =	sdelay $0x2  }
0x128: {  	v55 =	vor.u32 s25, v8;
	_ =	sdelay $0x1  }
0x129: {  	v10 =	vmul.f32 v10, v11;
	_ =	sdelay $0x1  }
0x12a: {  	[tilespmem:v54+s4+$0x0] =	vst.idx.msk $0xffff, v10  }
0x12b: {  	v10 =	vld.idx.msk [tilespmem:v55+s4+$0x0], $0xffff;
	_ =	sdelay $0x2  }
0x12c: {  	s8 =	sadd.s32 $0x80, s25  }
0x12d: {  	v56 =	vor.u32 s8, v0  }
0x12e: {  	v10 =	vmul.f32 v10, v11;
	_ =	sdelay $0x1  }
0x12f: {  	[tilespmem:v55+s4+$0x0] =	vst.idx.msk $0xffff, v10  }
0x130: {  	v10 =	vld.msk [tilespmem:s24+$0xFFFFFFFD ss:$0x0], $0xffff  }
0x131: {  	v11 =	vld.idx.msk [tilespmem:v56+s4+$0x0], $0xffff;
	_ =	sdelay $0x2  }
0x132: {  	v57 =	vor.u32 s8, v2;
	_ =	sdelay $0x1  }
0x133: {  	v11 =	vmul.f32 v10, v11;
	_ =	sdelay $0x1  }
0x134: {  	[tilespmem:v56+s4+$0x0] =	vst.idx.msk $0xffff, v11  }
0x135: {  	v11 =	vld.idx.msk [tilespmem:v57+s4+$0x0], $0xffff;
	_ =	sdelay $0x2  }
0x136: {  	v58 =	vor.u32 s8, v3;
	_ =	sdelay $0x1  }
0x137: {  	v11 =	vmul.f32 v11, v10;
	_ =	sdelay $0x1  }
0x138: {  	[tilespmem:v57+s4+$0x0] =	vst.idx.msk $0xffff, v11  }
0x139: {  	v11 =	vld.idx.msk [tilespmem:v58+s4+$0x0], $0xffff;
	_ =	sdelay $0x2  }
0x13a: {  	v59 =	vor.u32 s8, v4;
	_ =	sdelay $0x1  }
0x13b: {  	v11 =	vmul.f32 v11, v10;
	_ =	sdelay $0x1  }
0x13c: {  	[tilespmem:v58+s4+$0x0] =	vst.idx.msk $0xffff, v11  }
0x13d: {  	v11 =	vld.idx.msk [tilespmem:v59+s4+$0x0], $0xffff;
	_ =	sdelay $0x2  }
0x13e: {  	v60 =	vor.u32 s8, v5;
	_ =	sdelay $0x1  }
0x13f: {  	v11 =	vmul.f32 v11, v10;
	_ =	sdelay $0x1  }
0x140: {  	[tilespmem:v59+s4+$0x0] =	vst.idx.msk $0xffff, v11  }
0x141: {  	v11 =	vld.idx.msk [tilespmem:v60+s4+$0x0], $0xffff;
	_ =	sdelay $0x2  }
0x142: {  	v61 =	vor.u32 s8, v6;
	_ =	sdelay $0x1  }
0x143: {  	v11 =	vmul.f32 v11, v10;
	_ =	sdelay $0x1  }
0x144: {  	[tilespmem:v60+s4+$0x0] =	vst.idx.msk $0xffff, v11  }
0x145: {  	v11 =	vld.idx.msk [tilespmem:v61+s4+$0x0], $0xffff;
	_ =	sdelay $0x2  }
0x146: {  	v62 =	vor.u32 s8, v7;
	_ =	sdelay $0x1  }
0x147: {  	v11 =	vmul.f32 v11, v10;
	_ =	sdelay $0x1  }
0x148: {  	[tilespmem:v61+s4+$0x0] =	vst.idx.msk $0xffff, v11  }
0x149: {  	v11 =	vld.idx.msk [tilespmem:v62+s4+$0x0], $0xffff;
	_ =	sdelay $0x2  }
0x14a: {  	v63 =	vor.u32 s8, v8;
	_ =	sdelay $0x1  }
0x14b: {  	v11 =	vmul.f32 v11, v10;
	_ =	sdelay $0x1  }
0x14c: {  	[tilespmem:v62+s4+$0x0] =	vst.idx.msk $0xffff, v11  }
0x14d: {  	v11 =	vld.idx.msk [tilespmem:v63+s4+$0x0], $0xffff;
	_ =	sdelay $0x2  }
0x14e: {  	s31 =	sadd.s32 $0x100, s25  }
0x14f: {  	v16 =	vor.u32 s31, v0  }
0x150: {  	v10 =	vmul.f32 v11, v10;
	_ =	sdelay $0x1  }
0x151: {  	[tilespmem:v63+s4+$0x0] =	vst.idx.msk $0xffff, v10  }
0x152: {  	v10 =	vld.msk [tilespmem:s24+$0xFFFFFFFE ss:$0x0], $0xffff  }
0x153: {  	v11 =	vld.idx.msk [tilespmem:v16+s4+$0x0], $0xffff;
	_ =	sdelay $0x2  }
0x154: {  	v17 =	vor.u32 s31, v2;
	_ =	sdelay $0x1  }
0x155: {  	v11 =	vmul.f32 v10, v11;
	_ =	sdelay $0x1  }
0x156: {  	[tilespmem:v16+s4+$0x0] =	vst.idx.msk $0xffff, v11  }
0x157: {  	v11 =	vld.idx.msk [tilespmem:v17+s4+$0x0], $0xffff;
	_ =	sdelay $0x2  }
0x158: {  	v18 =	vor.u32 s31, v3;
	_ =	sdelay $0x1  }
0x159: {  	v11 =	vmul.f32 v11, v10;
	_ =	sdelay $0x1  }
0x15a: {  	[tilespmem:v17+s4+$0x0] =	vst.idx.msk $0xffff, v11  }
0x15b: {  	v11 =	vld.idx.msk [tilespmem:v18+s4+$0x0], $0xffff;
	_ =	sdelay $0x2  }
0x15c: {  	v19 =	vor.u32 s31, v4;
	_ =	sdelay $0x1  }
0x15d: {  	v11 =	vmul.f32 v11, v10;
	_ =	sdelay $0x1  }
0x15e: {  	[tilespmem:v18+s4+$0x0] =	vst.idx.msk $0xffff, v11  }
0x15f: {  	v11 =	vld.idx.msk [tilespmem:v19+s4+$0x0], $0xffff;
	_ =	sdelay $0x2  }
0x160: {  	v20 =	vor.u32 s31, v5;
	_ =	sdelay $0x1  }
0x161: {  	v11 =	vmul.f32 v11, v10;
	_ =	sdelay $0x1  }
0x162: {  	[tilespmem:v19+s4+$0x0] =	vst.idx.msk $0xffff, v11  }
0x163: {  	v11 =	vld.idx.msk [tilespmem:v20+s4+$0x0], $0xffff;
	_ =	sdelay $0x2  }
0x164: {  	v21 =	vor.u32 s31, v6;
	_ =	sdelay $0x1  }
0x165: {  	v11 =	vmul.f32 v11, v10;
	_ =	sdelay $0x1  }
0x166: {  	[tilespmem:v20+s4+$0x0] =	vst.idx.msk $0xffff, v11  }
0x167: {  	v11 =	vld.idx.msk [tilespmem:v21+s4+$0x0], $0xffff;
	_ =	sdelay $0x2  }
0x168: {  	v22 =	vor.u32 s31, v7;
	_ =	sdelay $0x1  }
0x169: {  	v11 =	vmul.f32 v11, v10;
	_ =	sdelay $0x1  }
0x16a: {  	[tilespmem:v21+s4+$0x0] =	vst.idx.msk $0xffff, v11  }
0x16b: {  	v11 =	vld.idx.msk [tilespmem:v22+s4+$0x0], $0xffff;
	_ =	sdelay $0x2  }
0x16c: {  	v23 =	vor.u32 s31, v8;
	_ =	sdelay $0x1  }
0x16d: {  	v11 =	vmul.f32 v11, v10;
	_ =	sdelay $0x1  }
0x16e: {  	[tilespmem:v22+s4+$0x0] =	vst.idx.msk $0xffff, v11  }
0x16f: {  	v11 =	vld.idx.msk [tilespmem:v23+s4+$0x0], $0xffff;
	_ =	sdelay $0x2  }
0x170: {  	s31 =	sadd.s32 $0x180, s25  }
0x171: {  	v24 =	vor.u32 s31, v0  }
0x172: {  	v10 =	vmul.f32 v11, v10;
	_ =	sdelay $0x1  }
0x173: {  	[tilespmem:v23+s4+$0x0] =	vst.idx.msk $0xffff, v10  }
0x174: {  	v10 =	vld.msk [tilespmem:s24+$0xFFFFFFFF ss:$0x0], $0xffff  }
0x175: {  	v11 =	vld.idx.msk [tilespmem:v24+s4+$0x0], $0xffff;
	_ =	sdelay $0x2  }
0x176: {  	v25 =	vor.u32 s31, v2;
	_ =	sdelay $0x1  }
0x177: {  	v11 =	vmul.f32 v10, v11;
	_ =	sdelay $0x1  }
0x178: {  	[tilespmem:v24+s4+$0x0] =	vst.idx.msk $0xffff, v11  }
0x179: {  	v11 =	vld.idx.msk [tilespmem:v25+s4+$0x0], $0xffff;
	_ =	sdelay $0x2  }
0x17a: {  	v26 =	vor.u32 s31, v3;
	_ =	sdelay $0x1  }
0x17b: {  	v11 =	vmul.f32 v11, v10;
	_ =	sdelay $0x1  }
0x17c: {  	[tilespmem:v25+s4+$0x0] =	vst.idx.msk $0xffff, v11  }
0x17d: {  	v11 =	vld.idx.msk [tilespmem:v26+s4+$0x0], $0xffff;
	_ =	sdelay $0x2  }
0x17e: {  	v27 =	vor.u32 s31, v4;
	_ =	sdelay $0x1  }
0x17f: {  	v11 =	vmul.f32 v11, v10;
	_ =	sdelay $0x1  }
0x180: {  	[tilespmem:v26+s4+$0x0] =	vst.idx.msk $0xffff, v11  }
0x181: {  	v11 =	vld.idx.msk [tilespmem:v27+s4+$0x0], $0xffff;
	_ =	sdelay $0x2  }
0x182: {  	v28 =	vor.u32 s31, v5;
	_ =	sdelay $0x1  }
0x183: {  	v11 =	vmul.f32 v11, v10;
	_ =	sdelay $0x1  }
0x184: {  	[tilespmem:v27+s4+$0x0] =	vst.idx.msk $0xffff, v11  }
0x185: {  	v11 =	vld.idx.msk [tilespmem:v28+s4+$0x0], $0xffff;
	_ =	sdelay $0x2  }
0x186: {  	v29 =	vor.u32 s31, v6;
	_ =	sdelay $0x1  }
0x187: {  	v11 =	vmul.f32 v11, v10;
	_ =	sdelay $0x1  }
0x188: {  	[tilespmem:v28+s4+$0x0] =	vst.idx.msk $0xffff, v11  }
0x189: {  	v11 =	vld.idx.msk [tilespmem:v29+s4+$0x0], $0xffff;
	_ =	sdelay $0x2  }
0x18a: {  	v30 =	vor.u32 s31, v7;
	_ =	sdelay $0x1  }
0x18b: {  	v11 =	vmul.f32 v11, v10;
	_ =	sdelay $0x1  }
0x18c: {  	[tilespmem:v29+s4+$0x0] =	vst.idx.msk $0xffff, v11  }
0x18d: {  	v11 =	vld.idx.msk [tilespmem:v30+s4+$0x0], $0xffff;
	_ =	sdelay $0x2  }
0x18e: {  	v31 =	vor.u32 s31, v8;
	_ =	sdelay $0x1  }
0x18f: {  	v11 =	vmul.f32 v11, v10;
	_ =	sdelay $0x1  }
0x190: {  	[tilespmem:v30+s4+$0x0] =	vst.idx.msk $0xffff, v11  }
0x191: {  	v11 =	vld.idx.msk [tilespmem:v31+s4+$0x0], $0xffff;
	_ =	sdelay $0x2  }
0x192: {  	s31 =	sadd.s32 $0x200, s25  }
0x193: {  	v32 =	vor.u32 s31, v0  }
0x194: {  	v10 =	vmul.f32 v11, v10;
	_ =	sdelay $0x1  }
0x195: {  	[tilespmem:v31+s4+$0x0] =	vst.idx.msk $0xffff, v10  }
0x196: {  	v10 =	vld.msk [tilespmem:s24+$0x0 ss:$0x0], $0xffff  }
0x197: {  	v11 =	vld.idx.msk [tilespmem:v32+s4+$0x0], $0xffff;
	_ =	sdelay $0x2  }
0x198: {  	v33 =	vor.u32 s31, v2;
	_ =	sdelay $0x1  }
0x199: {  	v11 =	vmul.f32 v10, v11;
	_ =	sdelay $0x1  }
0x19a: {  	[tilespmem:v32+s4+$0x0] =	vst.idx.msk $0xffff, v11  }
0x19b: {  	v11 =	vld.idx.msk [tilespmem:v33+s4+$0x0], $0xffff;
	_ =	sdelay $0x2  }
0x19c: {  	v34 =	vor.u32 s31, v3;
	_ =	sdelay $0x1  }
0x19d: {  	v11 =	vmul.f32 v11, v10;
	_ =	sdelay $0x1  }
0x19e: {  	[tilespmem:v33+s4+$0x0] =	vst.idx.msk $0xffff, v11  }
0x19f: {  	v11 =	vld.idx.msk [tilespmem:v34+s4+$0x0], $0xffff;
	_ =	sdelay $0x2  }
0x1a0: {  	v35 =	vor.u32 s31, v4;
	_ =	sdelay $0x1  }
0x1a1: {  	v11 =	vmul.f32 v11, v10;
	_ =	sdelay $0x1  }
0x1a2: {  	[tilespmem:v34+s4+$0x0] =	vst.idx.msk $0xffff, v11  }
0x1a3: {  	v11 =	vld.idx.msk [tilespmem:v35+s4+$0x0], $0xffff;
	_ =	sdelay $0x2  }
0x1a4: {  	v36 =	vor.u32 s31, v5;
	_ =	sdelay $0x1  }
0x1a5: {  	v11 =	vmul.f32 v11, v10;
	_ =	sdelay $0x1  }
0x1a6: {  	[tilespmem:v35+s4+$0x0] =	vst.idx.msk $0xffff, v11  }
0x1a7: {  	v11 =	vld.idx.msk [tilespmem:v36+s4+$0x0], $0xffff;
	_ =	sdelay $0x2  }
0x1a8: {  	v37 =	vor.u32 s31, v6;
	_ =	sdelay $0x1  }
0x1a9: {  	v11 =	vmul.f32 v11, v10;
	_ =	sdelay $0x1  }
0x1aa: {  	[tilespmem:v36+s4+$0x0] =	vst.idx.msk $0xffff, v11  }
0x1ab: {  	v11 =	vld.idx.msk [tilespmem:v37+s4+$0x0], $0xffff;
	_ =	sdelay $0x2  }
0x1ac: {  	v38 =	vor.u32 s31, v7;
	_ =	sdelay $0x1  }
0x1ad: {  	v11 =	vmul.f32 v11, v10;
	_ =	sdelay $0x1  }
0x1ae: {  	[tilespmem:v37+s4+$0x0] =	vst.idx.msk $0xffff, v11  }
0x1af: {  	v11 =	vld.idx.msk [tilespmem:v38+s4+$0x0], $0xffff;
	_ =	sdelay $0x2  }
0x1b0: {  	v39 =	vor.u32 s31, v8;
	_ =	sdelay $0x1  }
0x1b1: {  	v11 =	vmul.f32 v11, v10;
	_ =	sdelay $0x1  }
0x1b2: {  	[tilespmem:v38+s4+$0x0] =	vst.idx.msk $0xffff, v11  }
0x1b3: {  	v11 =	vld.idx.msk [tilespmem:v39+s4+$0x0], $0xffff;
	_ =	sdelay $0x2  }
0x1b4: {  	s31 =	sadd.s32 $0x280, s25  }
0x1b5: {  	v40 =	vor.u32 s31, v0  }
0x1b6: {  	v10 =	vmul.f32 v11, v10;
	_ =	sdelay $0x1  }
0x1b7: {  	[tilespmem:v39+s4+$0x0] =	vst.idx.msk $0xffff, v10  }
0x1b8: {  	v10 =	vld.msk [tilespmem:s24+$0x1 ss:$0x0], $0xffff  }
0x1b9: {  	v11 =	vld.idx.msk [tilespmem:v40+s4+$0x0], $0xffff;
	_ =	sdelay $0x2  }
0x1ba: {  	v41 =	vor.u32 s31, v2;
	_ =	sdelay $0x1  }
0x1bb: {  	v11 =	vmul.f32 v10, v11;
	_ =	sdelay $0x1  }
0x1bc: {  	[tilespmem:v40+s4+$0x0] =	vst.idx.msk $0xffff, v11  }
0x1bd: {  	v11 =	vld.idx.msk [tilespmem:v41+s4+$0x0], $0xffff;
	_ =	sdelay $0x2  }
0x1be: {  	v42 =	vor.u32 s31, v3;
	_ =	sdelay $0x1  }
0x1bf: {  	v11 =	vmul.f32 v11, v10;
	_ =	sdelay $0x1  }
0x1c0: {  	[tilespmem:v41+s4+$0x0] =	vst.idx.msk $0xffff, v11  }
0x1c1: {  	v11 =	vld.idx.msk [tilespmem:v42+s4+$0x0], $0xffff;
	_ =	sdelay $0x2  }
0x1c2: {  	v43 =	vor.u32 s31, v4;
	_ =	sdelay $0x1  }
0x1c3: {  	v11 =	vmul.f32 v11, v10;
	_ =	sdelay $0x1  }
0x1c4: {  	[tilespmem:v42+s4+$0x0] =	vst.idx.msk $0xffff, v11  }
0x1c5: {  	v11 =	vld.idx.msk [tilespmem:v43+s4+$0x0], $0xffff;
	_ =	sdelay $0x2  }
0x1c6: {  	v44 =	vor.u32 s31, v5;
	_ =	sdelay $0x1  }
0x1c7: {  	v11 =	vmul.f32 v11, v10;
	_ =	sdelay $0x1  }
0x1c8: {  	[tilespmem:v43+s4+$0x0] =	vst.idx.msk $0xffff, v11  }
0x1c9: {  	v11 =	vld.idx.msk [tilespmem:v44+s4+$0x0], $0xffff;
	_ =	sdelay $0x2  }
0x1ca: {  	v45 =	vor.u32 s31, v6;
	_ =	sdelay $0x1  }
0x1cb: {  	v11 =	vmul.f32 v11, v10;
	_ =	sdelay $0x1  }
0x1cc: {  	[tilespmem:v44+s4+$0x0] =	vst.idx.msk $0xffff, v11  }
0x1cd: {  	v11 =	vld.idx.msk [tilespmem:v45+s4+$0x0], $0xffff;
	_ =	sdelay $0x2  }
0x1ce: {  	v46 =	vor.u32 s31, v7;
	_ =	sdelay $0x1  }
0x1cf: {  	v11 =	vmul.f32 v11, v10;
	_ =	sdelay $0x1  }
0x1d0: {  	[tilespmem:v45+s4+$0x0] =	vst.idx.msk $0xffff, v11  }
0x1d1: {  	v11 =	vld.idx.msk [tilespmem:v46+s4+$0x0], $0xffff;
	_ =	sdelay $0x2  }
0x1d2: {  	v47 =	vor.u32 s31, v8;
	_ =	sdelay $0x1  }
0x1d3: {  	v11 =	vmul.f32 v11, v10;
	_ =	sdelay $0x1  }
0x1d4: {  	[tilespmem:v46+s4+$0x0] =	vst.idx.msk $0xffff, v11  }
0x1d5: {  	v11 =	vld.idx.msk [tilespmem:v47+s4+$0x0], $0xffff;
	_ =	sdelay $0x2  }
0x1d6: {  	s31 =	sadd.s32 $0x300, s25  }
0x1d7: {  	v48 =	vor.u32 s31, v0  }
0x1d8: {  	v10 =	vmul.f32 v11, v10;
	_ =	sdelay $0x1  }
0x1d9: {  	[tilespmem:v47+s4+$0x0] =	vst.idx.msk $0xffff, v10  }
0x1da: {  	v10 =	vld.msk [tilespmem:s24+$0x2 ss:$0x0], $0xffff  }
0x1db: {  	v11 =	vld.idx.msk [tilespmem:v48+s4+$0x0], $0xffff;
	_ =	sdelay $0x2  }
0x1dc: {  	v49 =	vor.u32 s31, v2;
	_ =	sdelay $0x1  }
0x1dd: {  	v11 =	vmul.f32 v10, v11;
	_ =	sdelay $0x1  }
0x1de: {  	[tilespmem:v48+s4+$0x0] =	vst.idx.msk $0xffff, v11  }
0x1df: {  	v11 =	vld.idx.msk [tilespmem:v49+s4+$0x0], $0xffff;
	_ =	sdelay $0x2  }
0x1e0: {  	v50 =	vor.u32 s31, v3;
	_ =	sdelay $0x1  }
0x1e1: {  	v11 =	vmul.f32 v11, v10;
	_ =	sdelay $0x1  }
0x1e2: {  	[tilespmem:v49+s4+$0x0] =	vst.idx.msk $0xffff, v11  }
0x1e3: {  	v11 =	vld.idx.msk [tilespmem:v50+s4+$0x0], $0xffff;
	_ =	sdelay $0x2  }
0x1e4: {  	v51 =	vor.u32 s31, v4;
	_ =	sdelay $0x1  }
0x1e5: {  	v11 =	vmul.f32 v11, v10;
	_ =	sdelay $0x1  }
0x1e6: {  	[tilespmem:v50+s4+$0x0] =	vst.idx.msk $0xffff, v11  }
0x1e7: {  	v11 =	vld.idx.msk [tilespmem:v51+s4+$0x0], $0xffff;
	_ =	sdelay $0x2  }
0x1e8: {  	v52 =	vor.u32 s31, v5;
	_ =	sdelay $0x1  }
0x1e9: {  	v11 =	vmul.f32 v11, v10;
	_ =	sdelay $0x1  }
0x1ea: {  	[tilespmem:v51+s4+$0x0] =	vst.idx.msk $0xffff, v11  }
0x1eb: {  	v11 =	vld.idx.msk [tilespmem:v52+s4+$0x0], $0xffff;
	_ =	sdelay $0x2  }
0x1ec: {  	v53 =	vor.u32 s31, v6;
	_ =	sdelay $0x1  }
0x1ed: {  	v11 =	vmul.f32 v11, v10;
	_ =	sdelay $0x1  }
0x1ee: {  	[tilespmem:v52+s4+$0x0] =	vst.idx.msk $0xffff, v11  }
0x1ef: {  	v11 =	vld.idx.msk [tilespmem:v53+s4+$0x0], $0xffff;
	_ =	sdelay $0x2  }
0x1f0: {  	v54 =	vor.u32 s31, v7;
	_ =	sdelay $0x1  }
0x1f1: {  	v11 =	vmul.f32 v11, v10;
	_ =	sdelay $0x1  }
0x1f2: {  	[tilespmem:v53+s4+$0x0] =	vst.idx.msk $0xffff, v11  }
0x1f3: {  	v11 =	vld.idx.msk [tilespmem:v54+s4+$0x0], $0xffff;
	_ =	sdelay $0x2  }
0x1f4: {  	v55 =	vor.u32 s31, v8;
	_ =	sdelay $0x1  }
0x1f5: {  	v11 =	vmul.f32 v11, v10;
	_ =	sdelay $0x1  }
0x1f6: {  	[tilespmem:v54+s4+$0x0] =	vst.idx.msk $0xffff, v11  }
0x1f7: {  	v11 =	vld.idx.msk [tilespmem:v55+s4+$0x0], $0xffff;
	_ =	sdelay $0x2  }
0x1f8: {  	s31 =	sadd.s32 $0x380, s25  }
0x1f9: {  	v56 =	vor.u32 s31, v0  }
0x1fa: {  	v10 =	vmul.f32 v11, v10;
	_ =	sdelay $0x1  }
0x1fb: {  	[tilespmem:v55+s4+$0x0] =	vst.idx.msk $0xffff, v10  }
0x1fc: {  	v10 =	vld.msk [tilespmem:s24+$0x3 ss:$0x0], $0xffff  }
0x1fd: {  	v11 =	vld.idx.msk [tilespmem:v56+s4+$0x0], $0xffff;
	_ =	sdelay $0x2  }
0x1fe: {  	v57 =	vor.u32 s31, v2;
	_ =	sdelay $0x1  }
0x1ff: {  	v11 =	vmul.f32 v10, v11;
	_ =	sdelay $0x1  }
0x200: {  	[tilespmem:v56+s4+$0x0] =	vst.idx.msk $0xffff, v11  }
0x201: {  	v11 =	vld.idx.msk [tilespmem:v57+s4+$0x0], $0xffff;
	_ =	sdelay $0x2  }
0x202: {  	v58 =	vor.u32 s31, v3;
	_ =	sdelay $0x1  }
0x203: {  	v11 =	vmul.f32 v11, v10;
	_ =	sdelay $0x1  }
0x204: {  	[tilespmem:v57+s4+$0x0] =	vst.idx.msk $0xffff, v11  }
0x205: {  	v11 =	vld.idx.msk [tilespmem:v58+s4+$0x0], $0xffff;
	_ =	sdelay $0x2  }
0x206: {  	v59 =	vor.u32 s31, v4;
	_ =	sdelay $0x1  }
0x207: {  	v11 =	vmul.f32 v11, v10;
	_ =	sdelay $0x1  }
0x208: {  	[tilespmem:v58+s4+$0x0] =	vst.idx.msk $0xffff, v11  }
0x209: {  	v11 =	vld.idx.msk [tilespmem:v59+s4+$0x0], $0xffff;
	_ =	sdelay $0x2  }
0x20a: {  	v60 =	vor.u32 s31, v5;
	_ =	sdelay $0x1  }
0x20b: {  	v11 =	vmul.f32 v11, v10;
	_ =	sdelay $0x1  }
0x20c: {  	[tilespmem:v59+s4+$0x0] =	vst.idx.msk $0xffff, v11  }
0x20d: {  	v11 =	vld.idx.msk [tilespmem:v60+s4+$0x0], $0xffff;
	_ =	sdelay $0x2  }
0x20e: {  	v61 =	vor.u32 s31, v6;
	_ =	sdelay $0x1  }
0x20f: {  	v11 =	vmul.f32 v11, v10;
	_ =	sdelay $0x1  }
0x210: {  	[tilespmem:v60+s4+$0x0] =	vst.idx.msk $0xffff, v11  }
0x211: {  	v11 =	vld.idx.msk [tilespmem:v61+s4+$0x0], $0xffff;
	_ =	sdelay $0x2  }
0x212: {  	v62 =	vor.u32 s31, v7;
	_ =	sdelay $0x1  }
0x213: {  	v11 =	vmul.f32 v11, v10;
	_ =	sdelay $0x1  }
0x214: {  	[tilespmem:v61+s4+$0x0] =	vst.idx.msk $0xffff, v11  }
0x215: {  	v11 =	vld.idx.msk [tilespmem:v62+s4+$0x0], $0xffff;
	_ =	sdelay $0x2  }
0x216: {  	v63 =	vor.u32 s31, v8;
	_ =	sdelay $0x1  }
0x217: {  	v11 =	vmul.f32 v11, v10;
	_ =	sdelay $0x1  }
0x218: {  	[tilespmem:v62+s4+$0x0] =	vst.idx.msk $0xffff, v11  }
0x219: {  	v11 =	vld.idx.msk [tilespmem:v63+s4+$0x0], $0xffff;
	_ =	sdelay $0x1  }
0x21a: {  	p1 =	slt.u32 s23, $0x20  }
.Ltmp7:
0x21b: {  	_ = 	snop;
	(pc) =	sbr.rel @p1 .LBB2_19-.Ltmp7, $3  }
0x21c: {  	_ = 	snop  }
0x21d: {  	v10 =	vmul.f32 v11, v10;
	_ =	sdelay $0x1  }
0x21e: {  	s23 =	sadd.s32 $0x8, s23;
	s24 =	sadd.s32 $0x8, s24;
	[tilespmem:v63+s4+$0x0] =	vst.idx.msk $0xffff, v10  }
0x21f: {  	s8 =	smul.u32 $0x140, s21;
	_ =	sdelay $0x1  }
0x220: {  	s23 =	sshra.s32 s8, $0x2  }
0x221: {  	s8 =	sadd.s32 $0x79C0, s23  }
0x222: {  	[spmem:s6] =	stream.indirect.scatter.add.f32 [tilespmem:s4], [sflag:$0x3], $0x80, s8, s11, $0xb8;
	[tilespmem:$0x1E540] =	vst v63  }
0x223: {  	_ =	swait.ge [sflag:s15], $0x1400  }
0x224: {  	[sflag:s15] =	ssyncset.done $0x0  }
0x225: {  	s24 =	simm.s32 $0x0;
	s25 =	simm.s32 $0x7D0F;
	[sflag:s15] =	ssyncadd.s32 $0xFFFFEC00  }
.LBB2_21:
0x226: {  	s31 =	sshll.u32 s24, $0x7  }
0x227: {  	v10 =	vor.u32 s31, v0;
	_ =	sdelay $0x3  }
0x228: {  	v11 =	vld.msk [tilespmem:s25+$0xFFFFFFF9 ss:$0x0], $0xffff  }
0x229: {  	v12 =	vld.idx.msk [tilespmem:v10+s13+$0x0], $0xffff;
	_ =	sdelay $0x2  }
0x22a: {  	v13 =	vor.u32 s31, v2;
	_ =	sdelay $0x1  }
0x22b: {  	v12 =	vmul.f32 v11, v12;
	_ =	sdelay $0x1  }
0x22c: {  	[tilespmem:v10+s13+$0x0] =	vst.idx.msk $0xffff, v12  }
0x22d: {  	v10 =	vld.idx.msk [tilespmem:v13+s13+$0x0], $0xffff;
	_ =	sdelay $0x2  }
0x22e: {  	v50 =	vor.u32 s31, v3;
	_ =	sdelay $0x1  }
0x22f: {  	v10 =	vmul.f32 v10, v11;
	_ =	sdelay $0x1  }
0x230: {  	[tilespmem:v13+s13+$0x0] =	vst.idx.msk $0xffff, v10  }
0x231: {  	v10 =	vld.idx.msk [tilespmem:v50+s13+$0x0], $0xffff;
	_ =	sdelay $0x2  }
0x232: {  	v51 =	vor.u32 s31, v4;
	_ =	sdelay $0x1  }
0x233: {  	v10 =	vmul.f32 v10, v11;
	_ =	sdelay $0x1  }
0x234: {  	[tilespmem:v50+s13+$0x0] =	vst.idx.msk $0xffff, v10  }
0x235: {  	v10 =	vld.idx.msk [tilespmem:v51+s13+$0x0], $0xffff;
	_ =	sdelay $0x2  }
0x236: {  	v52 =	vor.u32 s31, v5;
	_ =	sdelay $0x1  }
0x237: {  	v10 =	vmul.f32 v10, v11;
	_ =	sdelay $0x1  }
0x238: {  	[tilespmem:v51+s13+$0x0] =	vst.idx.msk $0xffff, v10  }
0x239: {  	v10 =	vld.idx.msk [tilespmem:v52+s13+$0x0], $0xffff;
	_ =	sdelay $0x2  }
0x23a: {  	v53 =	vor.u32 s31, v6;
	_ =	sdelay $0x1  }
0x23b: {  	v10 =	vmul.f32 v10, v11;
	_ =	sdelay $0x1  }
0x23c: {  	[tilespmem:v52+s13+$0x0] =	vst.idx.msk $0xffff, v10  }
0x23d: {  	v10 =	vld.idx.msk [tilespmem:v53+s13+$0x0], $0xffff;
	_ =	sdelay $0x2  }
0x23e: {  	v54 =	vor.u32 s31, v7;
	_ =	sdelay $0x1  }
0x23f: {  	v10 =	vmul.f32 v10, v11;
	_ =	sdelay $0x1  }
0x240: {  	[tilespmem:v53+s13+$0x0] =	vst.idx.msk $0xffff, v10  }
0x241: {  	v10 =	vld.idx.msk [tilespmem:v54+s13+$0x0], $0xffff;
	_ =	sdelay $0x2  }
0x242: {  	v55 =	vor.u32 s31, v8;
	_ =	sdelay $0x1  }
0x243: {  	v10 =	vmul.f32 v10, v11;
	_ =	sdelay $0x1  }
0x244: {  	[tilespmem:v54+s13+$0x0] =	vst.idx.msk $0xffff, v10  }
0x245: {  	v10 =	vld.idx.msk [tilespmem:v55+s13+$0x0], $0xffff;
	_ =	sdelay $0x2  }
0x246: {  	s8 =	sadd.s32 $0x80, s31  }
0x247: {  	v56 =	vor.u32 s8, v0  }
0x248: {  	v10 =	vmul.f32 v10, v11;
	_ =	sdelay $0x1  }
0x249: {  	[tilespmem:v55+s13+$0x0] =	vst.idx.msk $0xffff, v10  }
0x24a: {  	v10 =	vld.msk [tilespmem:s25+$0xFFFFFFFA ss:$0x0], $0xffff  }
0x24b: {  	v11 =	vld.idx.msk [tilespmem:v56+s13+$0x0], $0xffff;
	_ =	sdelay $0x2  }
0x24c: {  	v57 =	vor.u32 s8, v2;
	_ =	sdelay $0x1  }
0x24d: {  	v11 =	vmul.f32 v10, v11;
	_ =	sdelay $0x1  }
0x24e: {  	[tilespmem:v56+s13+$0x0] =	vst.idx.msk $0xffff, v11  }
0x24f: {  	v11 =	vld.idx.msk [tilespmem:v57+s13+$0x0], $0xffff;
	_ =	sdelay $0x2  }
0x250: {  	v58 =	vor.u32 s8, v3;
	_ =	sdelay $0x1  }
0x251: {  	v11 =	vmul.f32 v11, v10;
	_ =	sdelay $0x1  }
0x252: {  	[tilespmem:v57+s13+$0x0] =	vst.idx.msk $0xffff, v11  }
0x253: {  	v11 =	vld.idx.msk [tilespmem:v58+s13+$0x0], $0xffff;
	_ =	sdelay $0x2  }
0x254: {  	v59 =	vor.u32 s8, v4;
	_ =	sdelay $0x1  }
0x255: {  	v11 =	vmul.f32 v11, v10;
	_ =	sdelay $0x1  }
0x256: {  	[tilespmem:v58+s13+$0x0] =	vst.idx.msk $0xffff, v11  }
0x257: {  	v11 =	vld.idx.msk [tilespmem:v59+s13+$0x0], $0xffff;
	_ =	sdelay $0x2  }
0x258: {  	v60 =	vor.u32 s8, v5;
	_ =	sdelay $0x1  }
0x259: {  	v11 =	vmul.f32 v11, v10;
	_ =	sdelay $0x1  }
0x25a: {  	[tilespmem:v59+s13+$0x0] =	vst.idx.msk $0xffff, v11  }
0x25b: {  	v11 =	vld.idx.msk [tilespmem:v60+s13+$0x0], $0xffff;
	_ =	sdelay $0x2  }
0x25c: {  	v61 =	vor.u32 s8, v6;
	_ =	sdelay $0x1  }
0x25d: {  	v11 =	vmul.f32 v11, v10;
	_ =	sdelay $0x1  }
0x25e: {  	[tilespmem:v60+s13+$0x0] =	vst.idx.msk $0xffff, v11  }
0x25f: {  	v11 =	vld.idx.msk [tilespmem:v61+s13+$0x0], $0xffff;
	_ =	sdelay $0x2  }
0x260: {  	v62 =	vor.u32 s8, v7;
	_ =	sdelay $0x1  }
0x261: {  	v11 =	vmul.f32 v11, v10;
	_ =	sdelay $0x1  }
0x262: {  	[tilespmem:v61+s13+$0x0] =	vst.idx.msk $0xffff, v11  }
0x263: {  	v11 =	vld.idx.msk [tilespmem:v62+s13+$0x0], $0xffff;
	_ =	sdelay $0x2  }
0x264: {  	v63 =	vor.u32 s8, v8;
	_ =	sdelay $0x1  }
0x265: {  	v11 =	vmul.f32 v11, v10;
	_ =	sdelay $0x1  }
0x266: {  	[tilespmem:v62+s13+$0x0] =	vst.idx.msk $0xffff, v11  }
0x267: {  	v11 =	vld.idx.msk [tilespmem:v63+s13+$0x0], $0xffff;
	_ =	sdelay $0x2  }
0x268: {  	s8 =	sadd.s32 $0x100, s31  }
0x269: {  	v16 =	vor.u32 s8, v0  }
0x26a: {  	v10 =	vmul.f32 v11, v10;
	_ =	sdelay $0x1  }
0x26b: {  	[tilespmem:v63+s13+$0x0] =	vst.idx.msk $0xffff, v10  }
0x26c: {  	v10 =	vld.msk [tilespmem:s25+$0xFFFFFFFB ss:$0x0], $0xffff  }
0x26d: {  	v11 =	vld.idx.msk [tilespmem:v16+s13+$0x0], $0xffff;
	_ =	sdelay $0x2  }
0x26e: {  	v17 =	vor.u32 s8, v2;
	_ =	sdelay $0x1  }
0x26f: {  	v11 =	vmul.f32 v10, v11;
	_ =	sdelay $0x1  }
0x270: {  	[tilespmem:v16+s13+$0x0] =	vst.idx.msk $0xffff, v11  }
0x271: {  	v11 =	vld.idx.msk [tilespmem:v17+s13+$0x0], $0xffff;
	_ =	sdelay $0x2  }
0x272: {  	v18 =	vor.u32 s8, v3;
	_ =	sdelay $0x1  }
0x273: {  	v11 =	vmul.f32 v11, v10;
	_ =	sdelay $0x1  }
0x274: {  	[tilespmem:v17+s13+$0x0] =	vst.idx.msk $0xffff, v11  }
0x275: {  	v11 =	vld.idx.msk [tilespmem:v18+s13+$0x0], $0xffff;
	_ =	sdelay $0x2  }
0x276: {  	v19 =	vor.u32 s8, v4;
	_ =	sdelay $0x1  }
0x277: {  	v11 =	vmul.f32 v11, v10;
	_ =	sdelay $0x1  }
0x278: {  	[tilespmem:v18+s13+$0x0] =	vst.idx.msk $0xffff, v11  }
0x279: {  	v11 =	vld.idx.msk [tilespmem:v19+s13+$0x0], $0xffff;
	_ =	sdelay $0x2  }
0x27a: {  	v20 =	vor.u32 s8, v5;
	_ =	sdelay $0x1  }
0x27b: {  	v11 =	vmul.f32 v11, v10;
	_ =	sdelay $0x1  }
0x27c: {  	[tilespmem:v19+s13+$0x0] =	vst.idx.msk $0xffff, v11  }
0x27d: {  	v11 =	vld.idx.msk [tilespmem:v20+s13+$0x0], $0xffff;
	_ =	sdelay $0x2  }
0x27e: {  	v21 =	vor.u32 s8, v6;
	_ =	sdelay $0x1  }
0x27f: {  	v11 =	vmul.f32 v11, v10;
	_ =	sdelay $0x1  }
0x280: {  	[tilespmem:v20+s13+$0x0] =	vst.idx.msk $0xffff, v11  }
0x281: {  	v11 =	vld.idx.msk [tilespmem:v21+s13+$0x0], $0xffff;
	_ =	sdelay $0x2  }
0x282: {  	v22 =	vor.u32 s8, v7;
	_ =	sdelay $0x1  }
0x283: {  	v11 =	vmul.f32 v11, v10;
	_ =	sdelay $0x1  }
0x284: {  	[tilespmem:v21+s13+$0x0] =	vst.idx.msk $0xffff, v11  }
0x285: {  	v11 =	vld.idx.msk [tilespmem:v22+s13+$0x0], $0xffff;
	_ =	sdelay $0x2  }
0x286: {  	v23 =	vor.u32 s8, v8;
	_ =	sdelay $0x1  }
0x287: {  	v11 =	vmul.f32 v11, v10;
	_ =	sdelay $0x1  }
0x288: {  	[tilespmem:v22+s13+$0x0] =	vst.idx.msk $0xffff, v11  }
0x289: {  	v11 =	vld.idx.msk [tilespmem:v23+s13+$0x0], $0xffff;
	_ =	sdelay $0x2  }
0x28a: {  	s8 =	sadd.s32 $0x180, s31  }
0x28b: {  	v24 =	vor.u32 s8, v0  }
0x28c: {  	v10 =	vmul.f32 v11, v10;
	_ =	sdelay $0x1  }
0x28d: {  	[tilespmem:v23+s13+$0x0] =	vst.idx.msk $0xffff, v10  }
0x28e: {  	v10 =	vld.msk [tilespmem:s25+$0xFFFFFFFC ss:$0x0], $0xffff  }
0x28f: {  	v11 =	vld.idx.msk [tilespmem:v24+s13+$0x0], $0xffff;
	_ =	sdelay $0x2  }
0x290: {  	v25 =	vor.u32 s8, v2;
	_ =	sdelay $0x1  }
0x291: {  	v11 =	vmul.f32 v10, v11;
	_ =	sdelay $0x1  }
0x292: {  	[tilespmem:v24+s13+$0x0] =	vst.idx.msk $0xffff, v11  }
0x293: {  	v11 =	vld.idx.msk [tilespmem:v25+s13+$0x0], $0xffff;
	_ =	sdelay $0x2  }
0x294: {  	v26 =	vor.u32 s8, v3;
	_ =	sdelay $0x1  }
0x295: {  	v11 =	vmul.f32 v11, v10;
	_ =	sdelay $0x1  }
0x296: {  	[tilespmem:v25+s13+$0x0] =	vst.idx.msk $0xffff, v11  }
0x297: {  	v11 =	vld.idx.msk [tilespmem:v26+s13+$0x0], $0xffff;
	_ =	sdelay $0x2  }
0x298: {  	v27 =	vor.u32 s8, v4;
	_ =	sdelay $0x1  }
0x299: {  	v11 =	vmul.f32 v11, v10;
	_ =	sdelay $0x1  }
0x29a: {  	[tilespmem:v26+s13+$0x0] =	vst.idx.msk $0xffff, v11  }
0x29b: {  	v11 =	vld.idx.msk [tilespmem:v27+s13+$0x0], $0xffff;
	_ =	sdelay $0x2  }
0x29c: {  	v28 =	vor.u32 s8, v5;
	_ =	sdelay $0x1  }
0x29d: {  	v11 =	vmul.f32 v11, v10;
	_ =	sdelay $0x1  }
0x29e: {  	[tilespmem:v27+s13+$0x0] =	vst.idx.msk $0xffff, v11  }
0x29f: {  	v11 =	vld.idx.msk [tilespmem:v28+s13+$0x0], $0xffff;
	_ =	sdelay $0x2  }
0x2a0: {  	v29 =	vor.u32 s8, v6;
	_ =	sdelay $0x1  }
0x2a1: {  	v11 =	vmul.f32 v11, v10;
	_ =	sdelay $0x1  }
0x2a2: {  	[tilespmem:v28+s13+$0x0] =	vst.idx.msk $0xffff, v11  }
0x2a3: {  	v11 =	vld.idx.msk [tilespmem:v29+s13+$0x0], $0xffff;
	_ =	sdelay $0x2  }
0x2a4: {  	v30 =	vor.u32 s8, v7;
	_ =	sdelay $0x1  }
0x2a5: {  	v11 =	vmul.f32 v11, v10;
	_ =	sdelay $0x1  }
0x2a6: {  	[tilespmem:v29+s13+$0x0] =	vst.idx.msk $0xffff, v11  }
0x2a7: {  	v11 =	vld.idx.msk [tilespmem:v30+s13+$0x0], $0xffff;
	_ =	sdelay $0x2  }
0x2a8: {  	v31 =	vor.u32 s8, v8;
	_ =	sdelay $0x1  }
0x2a9: {  	v11 =	vmul.f32 v11, v10;
	_ =	sdelay $0x1  }
0x2aa: {  	[tilespmem:v30+s13+$0x0] =	vst.idx.msk $0xffff, v11  }
0x2ab: {  	v11 =	vld.idx.msk [tilespmem:v31+s13+$0x0], $0xffff;
	_ =	sdelay $0x2  }
0x2ac: {  	s8 =	sadd.s32 $0x200, s31  }
0x2ad: {  	v32 =	vor.u32 s8, v0  }
0x2ae: {  	v10 =	vmul.f32 v11, v10;
	_ =	sdelay $0x1  }
0x2af: {  	[tilespmem:v31+s13+$0x0] =	vst.idx.msk $0xffff, v10  }
0x2b0: {  	v10 =	vld.msk [tilespmem:s25+$0xFFFFFFFD ss:$0x0], $0xffff  }
0x2b1: {  	v11 =	vld.idx.msk [tilespmem:v32+s13+$0x0], $0xffff;
	_ =	sdelay $0x2  }
0x2b2: {  	v33 =	vor.u32 s8, v2;
	_ =	sdelay $0x1  }
0x2b3: {  	v11 =	vmul.f32 v10, v11;
	_ =	sdelay $0x1  }
0x2b4: {  	[tilespmem:v32+s13+$0x0] =	vst.idx.msk $0xffff, v11  }
0x2b5: {  	v11 =	vld.idx.msk [tilespmem:v33+s13+$0x0], $0xffff;
	_ =	sdelay $0x2  }
0x2b6: {  	v34 =	vor.u32 s8, v3;
	_ =	sdelay $0x1  }
0x2b7: {  	v11 =	vmul.f32 v11, v10;
	_ =	sdelay $0x1  }
0x2b8: {  	[tilespmem:v33+s13+$0x0] =	vst.idx.msk $0xffff, v11  }
0x2b9: {  	v11 =	vld.idx.msk [tilespmem:v34+s13+$0x0], $0xffff;
	_ =	sdelay $0x2  }
0x2ba: {  	v35 =	vor.u32 s8, v4;
	_ =	sdelay $0x1  }
0x2bb: {  	v11 =	vmul.f32 v11, v10;
	_ =	sdelay $0x1  }
0x2bc: {  	[tilespmem:v34+s13+$0x0] =	vst.idx.msk $0xffff, v11  }
0x2bd: {  	v11 =	vld.idx.msk [tilespmem:v35+s13+$0x0], $0xffff;
	_ =	sdelay $0x2  }
0x2be: {  	v36 =	vor.u32 s8, v5;
	_ =	sdelay $0x1  }
0x2bf: {  	v11 =	vmul.f32 v11, v10;
	_ =	sdelay $0x1  }
0x2c0: {  	[tilespmem:v35+s13+$0x0] =	vst.idx.msk $0xffff, v11  }
0x2c1: {  	v11 =	vld.idx.msk [tilespmem:v36+s13+$0x0], $0xffff;
	_ =	sdelay $0x2  }
0x2c2: {  	v37 =	vor.u32 s8, v6;
	_ =	sdelay $0x1  }
0x2c3: {  	v11 =	vmul.f32 v11, v10;
	_ =	sdelay $0x1  }
0x2c4: {  	[tilespmem:v36+s13+$0x0] =	vst.idx.msk $0xffff, v11  }
0x2c5: {  	v11 =	vld.idx.msk [tilespmem:v37+s13+$0x0], $0xffff;
	_ =	sdelay $0x2  }
0x2c6: {  	v38 =	vor.u32 s8, v7;
	_ =	sdelay $0x1  }
0x2c7: {  	v11 =	vmul.f32 v11, v10;
	_ =	sdelay $0x1  }
0x2c8: {  	[tilespmem:v37+s13+$0x0] =	vst.idx.msk $0xffff, v11  }
0x2c9: {  	v11 =	vld.idx.msk [tilespmem:v38+s13+$0x0], $0xffff;
	_ =	sdelay $0x2  }
0x2ca: {  	v39 =	vor.u32 s8, v8;
	_ =	sdelay $0x1  }
0x2cb: {  	v11 =	vmul.f32 v11, v10;
	_ =	sdelay $0x1  }
0x2cc: {  	[tilespmem:v38+s13+$0x0] =	vst.idx.msk $0xffff, v11  }
0x2cd: {  	v11 =	vld.idx.msk [tilespmem:v39+s13+$0x0], $0xffff;
	_ =	sdelay $0x2  }
0x2ce: {  	s8 =	sadd.s32 $0x280, s31  }
0x2cf: {  	v40 =	vor.u32 s8, v0  }
0x2d0: {  	v10 =	vmul.f32 v11, v10;
	_ =	sdelay $0x1  }
0x2d1: {  	[tilespmem:v39+s13+$0x0] =	vst.idx.msk $0xffff, v10  }
0x2d2: {  	v10 =	vld.msk [tilespmem:s25+$0xFFFFFFFE ss:$0x0], $0xffff  }
0x2d3: {  	v11 =	vld.idx.msk [tilespmem:v40+s13+$0x0], $0xffff;
	_ =	sdelay $0x2  }
0x2d4: {  	v41 =	vor.u32 s8, v2;
	_ =	sdelay $0x1  }
0x2d5: {  	v11 =	vmul.f32 v10, v11;
	_ =	sdelay $0x1  }
0x2d6: {  	[tilespmem:v40+s13+$0x0] =	vst.idx.msk $0xffff, v11  }
0x2d7: {  	v11 =	vld.idx.msk [tilespmem:v41+s13+$0x0], $0xffff;
	_ =	sdelay $0x2  }
0x2d8: {  	v42 =	vor.u32 s8, v3;
	_ =	sdelay $0x1  }
0x2d9: {  	v11 =	vmul.f32 v11, v10;
	_ =	sdelay $0x1  }
0x2da: {  	[tilespmem:v41+s13+$0x0] =	vst.idx.msk $0xffff, v11  }
0x2db: {  	v11 =	vld.idx.msk [tilespmem:v42+s13+$0x0], $0xffff;
	_ =	sdelay $0x2  }
0x2dc: {  	v43 =	vor.u32 s8, v4;
	_ =	sdelay $0x1  }
0x2dd: {  	v11 =	vmul.f32 v11, v10;
	_ =	sdelay $0x1  }
0x2de: {  	[tilespmem:v42+s13+$0x0] =	vst.idx.msk $0xffff, v11  }
0x2df: {  	v11 =	vld.idx.msk [tilespmem:v43+s13+$0x0], $0xffff;
	_ =	sdelay $0x2  }
0x2e0: {  	v44 =	vor.u32 s8, v5;
	_ =	sdelay $0x1  }
0x2e1: {  	v11 =	vmul.f32 v11, v10;
	_ =	sdelay $0x1  }
0x2e2: {  	[tilespmem:v43+s13+$0x0] =	vst.idx.msk $0xffff, v11  }
0x2e3: {  	v11 =	vld.idx.msk [tilespmem:v44+s13+$0x0], $0xffff;
	_ =	sdelay $0x2  }
0x2e4: {  	v45 =	vor.u32 s8, v6;
	_ =	sdelay $0x1  }
0x2e5: {  	v11 =	vmul.f32 v11, v10;
	_ =	sdelay $0x1  }
0x2e6: {  	[tilespmem:v44+s13+$0x0] =	vst.idx.msk $0xffff, v11  }
0x2e7: {  	v11 =	vld.idx.msk [tilespmem:v45+s13+$0x0], $0xffff;
	_ =	sdelay $0x2  }
0x2e8: {  	v46 =	vor.u32 s8, v7;
	_ =	sdelay $0x1  }
0x2e9: {  	v11 =	vmul.f32 v11, v10;
	_ =	sdelay $0x1  }
0x2ea: {  	[tilespmem:v45+s13+$0x0] =	vst.idx.msk $0xffff, v11  }
0x2eb: {  	v11 =	vld.idx.msk [tilespmem:v46+s13+$0x0], $0xffff;
	_ =	sdelay $0x2  }
0x2ec: {  	v47 =	vor.u32 s8, v8;
	_ =	sdelay $0x1  }
0x2ed: {  	v11 =	vmul.f32 v11, v10;
	_ =	sdelay $0x1  }
0x2ee: {  	[tilespmem:v46+s13+$0x0] =	vst.idx.msk $0xffff, v11  }
0x2ef: {  	v11 =	vld.idx.msk [tilespmem:v47+s13+$0x0], $0xffff;
	_ =	sdelay $0x2  }
0x2f0: {  	s8 =	sadd.s32 $0x300, s31  }
0x2f1: {  	v48 =	vor.u32 s8, v0  }
0x2f2: {  	v10 =	vmul.f32 v11, v10;
	_ =	sdelay $0x1  }
0x2f3: {  	[tilespmem:v47+s13+$0x0] =	vst.idx.msk $0xffff, v10  }
0x2f4: {  	v10 =	vld.msk [tilespmem:s25+$0xFFFFFFFF ss:$0x0], $0xffff  }
0x2f5: {  	v11 =	vld.idx.msk [tilespmem:v48+s13+$0x0], $0xffff;
	_ =	sdelay $0x2  }
0x2f6: {  	v49 =	vor.u32 s8, v2;
	_ =	sdelay $0x1  }
0x2f7: {  	v11 =	vmul.f32 v10, v11;
	_ =	sdelay $0x1  }
0x2f8: {  	[tilespmem:v48+s13+$0x0] =	vst.idx.msk $0xffff, v11  }
0x2f9: {  	v11 =	vld.idx.msk [tilespmem:v49+s13+$0x0], $0xffff;
	_ =	sdelay $0x2  }
0x2fa: {  	v50 =	vor.u32 s8, v3;
	_ =	sdelay $0x1  }
0x2fb: {  	v11 =	vmul.f32 v11, v10;
	_ =	sdelay $0x1  }
0x2fc: {  	[tilespmem:v49+s13+$0x0] =	vst.idx.msk $0xffff, v11  }
0x2fd: {  	v11 =	vld.idx.msk [tilespmem:v50+s13+$0x0], $0xffff;
	_ =	sdelay $0x2  }
0x2fe: {  	v51 =	vor.u32 s8, v4;
	_ =	sdelay $0x1  }
0x2ff: {  	v11 =	vmul.f32 v11, v10;
	_ =	sdelay $0x1  }
0x300: {  	[tilespmem:v50+s13+$0x0] =	vst.idx.msk $0xffff, v11  }
0x301: {  	v11 =	vld.idx.msk [tilespmem:v51+s13+$0x0], $0xffff;
	_ =	sdelay $0x2  }
0x302: {  	v52 =	vor.u32 s8, v5;
	_ =	sdelay $0x1  }
0x303: {  	v11 =	vmul.f32 v11, v10;
	_ =	sdelay $0x1  }
0x304: {  	[tilespmem:v51+s13+$0x0] =	vst.idx.msk $0xffff, v11  }
0x305: {  	v11 =	vld.idx.msk [tilespmem:v52+s13+$0x0], $0xffff;
	_ =	sdelay $0x2  }
0x306: {  	v53 =	vor.u32 s8, v6;
	_ =	sdelay $0x1  }
0x307: {  	v11 =	vmul.f32 v11, v10;
	_ =	sdelay $0x1  }
0x308: {  	[tilespmem:v52+s13+$0x0] =	vst.idx.msk $0xffff, v11  }
0x309: {  	v11 =	vld.idx.msk [tilespmem:v53+s13+$0x0], $0xffff;
	_ =	sdelay $0x2  }
0x30a: {  	v54 =	vor.u32 s8, v7;
	_ =	sdelay $0x1  }
0x30b: {  	v11 =	vmul.f32 v11, v10;
	_ =	sdelay $0x1  }
0x30c: {  	[tilespmem:v53+s13+$0x0] =	vst.idx.msk $0xffff, v11  }
0x30d: {  	v11 =	vld.idx.msk [tilespmem:v54+s13+$0x0], $0xffff;
	_ =	sdelay $0x2  }
0x30e: {  	v55 =	vor.u32 s8, v8;
	_ =	sdelay $0x1  }
0x30f: {  	v11 =	vmul.f32 v11, v10;
	_ =	sdelay $0x1  }
0x310: {  	[tilespmem:v54+s13+$0x0] =	vst.idx.msk $0xffff, v11  }
0x311: {  	v11 =	vld.idx.msk [tilespmem:v55+s13+$0x0], $0xffff;
	_ =	sdelay $0x2  }
0x312: {  	s31 =	sadd.s32 $0x380, s31  }
0x313: {  	v56 =	vor.u32 s31, v0  }
0x314: {  	v10 =	vmul.f32 v11, v10;
	_ =	sdelay $0x1  }
0x315: {  	[tilespmem:v55+s13+$0x0] =	vst.idx.msk $0xffff, v10  }
0x316: {  	v10 =	vld.msk [tilespmem:s25+$0x0 ss:$0x0], $0xffff  }
0x317: {  	v11 =	vld.idx.msk [tilespmem:v56+s13+$0x0], $0xffff;
	_ =	sdelay $0x2  }
0x318: {  	v57 =	vor.u32 s31, v2;
	_ =	sdelay $0x1  }
0x319: {  	v11 =	vmul.f32 v10, v11;
	_ =	sdelay $0x1  }
0x31a: {  	[tilespmem:v56+s13+$0x0] =	vst.idx.msk $0xffff, v11  }
0x31b: {  	v11 =	vld.idx.msk [tilespmem:v57+s13+$0x0], $0xffff;
	_ =	sdelay $0x2  }
0x31c: {  	v58 =	vor.u32 s31, v3;
	_ =	sdelay $0x1  }
0x31d: {  	v11 =	vmul.f32 v11, v10;
	_ =	sdelay $0x1  }
0x31e: {  	[tilespmem:v57+s13+$0x0] =	vst.idx.msk $0xffff, v11  }
0x31f: {  	v11 =	vld.idx.msk [tilespmem:v58+s13+$0x0], $0xffff;
	_ =	sdelay $0x2  }
0x320: {  	v59 =	vor.u32 s31, v4;
	_ =	sdelay $0x1  }
0x321: {  	v11 =	vmul.f32 v11, v10;
	_ =	sdelay $0x1  }
0x322: {  	[tilespmem:v58+s13+$0x0] =	vst.idx.msk $0xffff, v11  }
0x323: {  	v11 =	vld.idx.msk [tilespmem:v59+s13+$0x0], $0xffff;
	_ =	sdelay $0x2  }
0x324: {  	v60 =	vor.u32 s31, v5;
	_ =	sdelay $0x1  }
0x325: {  	v11 =	vmul.f32 v11, v10;
	_ =	sdelay $0x1  }
0x326: {  	[tilespmem:v59+s13+$0x0] =	vst.idx.msk $0xffff, v11  }
0x327: {  	v11 =	vld.idx.msk [tilespmem:v60+s13+$0x0], $0xffff;
	_ =	sdelay $0x2  }
0x328: {  	v61 =	vor.u32 s31, v6;
	_ =	sdelay $0x1  }
0x329: {  	v11 =	vmul.f32 v11, v10;
	_ =	sdelay $0x1  }
0x32a: {  	[tilespmem:v60+s13+$0x0] =	vst.idx.msk $0xffff, v11  }
0x32b: {  	v11 =	vld.idx.msk [tilespmem:v61+s13+$0x0], $0xffff;
	_ =	sdelay $0x2  }
0x32c: {  	v62 =	vor.u32 s31, v7;
	_ =	sdelay $0x1  }
0x32d: {  	v11 =	vmul.f32 v11, v10;
	_ =	sdelay $0x1  }
0x32e: {  	[tilespmem:v61+s13+$0x0] =	vst.idx.msk $0xffff, v11  }
0x32f: {  	v11 =	vld.idx.msk [tilespmem:v62+s13+$0x0], $0xffff;
	_ =	sdelay $0x2  }
0x330: {  	v63 =	vor.u32 s31, v8;
	_ =	sdelay $0x1  }
0x331: {  	v11 =	vmul.f32 v11, v10;
	_ =	sdelay $0x1  }
0x332: {  	[tilespmem:v62+s13+$0x0] =	vst.idx.msk $0xffff, v11  }
0x333: {  	v11 =	vld.idx.msk [tilespmem:v63+s13+$0x0], $0xffff;
	_ =	sdelay $0x1  }
0x334: {  	p1 =	slt.u32 s24, $0x20  }
.Ltmp8:
0x335: {  	_ = 	snop;
	(pc) =	sbr.rel @p1 .LBB2_21-.Ltmp8, $3  }
0x336: {  	_ = 	snop  }
0x337: {  	v10 =	vmul.f32 v11, v10;
	_ =	sdelay $0x1  }
0x338: {  	s24 =	sadd.s32 $0x8, s24;
	s25 =	sadd.s32 $0x8, s25;
	[tilespmem:v63+s13+$0x0] =	vst.idx.msk $0xffff, v10  }
0x339: {  	p1 =	seq.s32 s21, $0x9  }
.Ltmp9:
0x33a: {  	s8 =	sadd.s32 $0x79C0, s22;
	(pc) =	sbr.rel @p1 .LBB2_24-.Ltmp9, $4  }
0x33b: {  	[spmem:s6] =	stream.indirect.scatter.add.f32 [tilespmem:s13], [sflag:$0x4], $0x80, s8, s11, $0xb8;
	[tilespmem:$0x1E540] =	vst v63  }
0x33c: {  	_ =	swait.ge [sflag:s16], $0x1400  }
0x33d: {  	[sflag:s16] =	ssyncset.done $0x0  }
0x33e: {  	[sflag:s16] =	ssyncadd.s32 $0xFFFFEC00  }
.Ltmp10:
0x33f: {  	(pc) =	sbr.rel .LBB2_18-.Ltmp10, $3  }
0x340: {  	_ =	sdelay $0x1  }
0x341: {  	s8 =	sadd.s32 $0x76F0, s23;
	s21 =	sadd.s32 $0x1, s21  }
0x342: {  	[tilespmem:s4], [sflag:$0x1] =	stream.indirect.gather [hbm4b:s2+s11], $0x80, s8, s11, $0xb8;
	[tilespmem:$0x1E540] =	vst v63  }
.LBB2_6:
0x343: {  	s8 =	rddreg [dreg:$0x18]  }
0x344: {  	[tilespmem:s19], [sflag:$0x5] =	stream.linear.gather [hbm4b:s8+s19], $0x2710, $0x38;
	[tilespmem:$0x1E540] =	vst v63  }
0x345: {  	_ =	swait.ge [sflag:s30], $0x2710  }
0x346: {  	[sflag:s30] =	ssyncset.done $0x0  }
0x347: {  	s25 =	rddreg [dreg:$0x19];
	[sflag:s30] =	ssyncadd.s32 $0xFFFFD8F0  }
0x348: {  	[tilespmem:s3], [sflag:$0x5] =	stream.linear.gather [hbm4b:s25+s19], $0x2710, $0x38;
	[tilespmem:$0x1E540] =	vst v63  }
0x349: {  	_ =	swait.ge [sflag:s30], $0x2710  }
0x34a: {  	[sflag:s30] =	ssyncset.done $0x0  }
0x34b: {  	s20 =	simm.s32 $0x4E20;
	s31 =	rddreg [dreg:$0x1b];
	[sflag:s30] =	ssyncadd.s32 $0xFFFFD8F0  }
0x34c: {  	[tilespmem:s20], [sflag:$0x5] =	stream.linear.gather [hbm4b:s31+s19], $0x80, $0x38;
	[tilespmem:$0x1E540] =	vst v63  }
.Ltmp11:
0x34d: {  	_ = 	snop;
	(pc) =	sbr.rel .LBB2_7-.Ltmp11, $4  }
0x34e: {  	_ =	swait.ge [sflag:s30], $0x80  }
0x34f: {  	[sflag:s30] =	ssyncset.done $0x0  }
0x350: {  	[sflag:s30] =	ssyncadd.s32 $0xFFFFFF80  }
0x351: {  	s20 =	simm.s32 $0x0;
	v9 =	vld.msk [tilespmem:$0x4E20 ss:$0x0], $0xffff  }
.LBB2_14:
0x352: {  	s20 =	sadd.s32 $0x1, s20  }
0x353: {  	p1 =	seq.s32 s20, $0x19  }
.Ltmp12:
0x354: {  	_ = 	snop;
	(pc) =	sbr.rel @p1 .LBB2_15-.Ltmp12, $4  }
0x355: {  	_ = 	snop  }
0x356: {  	_ =	swait.ge [sflag:s17], $0x1400  }
0x357: {  	[sflag:s17] =	ssyncset.done $0x0  }
0x358: {  	[sflag:s17] =	ssyncadd.s32 $0xFFFFEC00  }
.LBB2_7:
0x359: {  	s21 =	smul.u32 $0x320, s20;
	_ =	sdelay $0x1  }
0x35a: {  	s21 =	sadd.s32 s0, s21  }
0x35b: {  	s21 =	sshrl.u32 s21, $0x3  }
0x35c: {  	s22 =	sadd.s32 s26, s21  }
0x35d: {  	[tilespmem:s9], [sflag:$0x5] =	stream.linear.gather [hbm4b:s22+s19], $0x320, $0x38;
	[tilespmem:$0x1E540] =	vst v63  }
0x35e: {  	_ =	swait.ge [sflag:s30], $0x320  }
0x35f: {  	[sflag:s30] =	ssyncset.done $0x0  }
0x360: {  	s21 =	sadd.s32 s5, s21;
	[sflag:s30] =	ssyncadd.s32 $0xFFFFFCE0  }
0x361: {  	[tilespmem:s10], [sflag:$0x5] =	stream.linear.gather [hbm4b:s21+s19], $0x320, $0x38;
	[tilespmem:$0x1E540] =	vst v63  }
0x362: {  	_ =	swait.ge [sflag:s30], $0x320  }
0x363: {  	[sflag:s30] =	ssyncset.done $0x0  }
0x364: {  	s21 =	simm.s32 $0x0;
	[sflag:s30] =	ssyncadd.s32 $0xFFFFFCE0  }
0x365: {  	[tilespmem:s4], [sflag:$0x1] =	stream.indirect.gather [hbm4b:s1+s11], $0x80, s9, s11, $0xb8;
	[tilespmem:$0x1E540] =	vst v63  }
.LBB2_8:
0x366: {  	s22 =	sshll.u32 s21, $0x1  }
0x367: {  	v10 =	vmov s22  }
0x368: {  	v10 =	vmul.u32 $0x28, v10;
	_ =	sdelay $0x1  }
0x369: {  	v10 =	vbroadcast v10, $0x0;
	_ =	sdelay $0x1  }
0x36a: {  	v11 =	vor.u32 v0, v10;
	_ =	sdelay $0x1  }
0x36b: {  	s25 =	smul.u32 $0x50, s21;
	_ =	sdelay $0x1  }
0x36c: {  	v12 =	vld [tilespmem:s25+$0x76A0]  }
0x36d: {  	v11 =	vld.idx.msk [tilespmem:v11+s10+$0x0], $0xffff;
	_ =	sdelay $0x6  }
0x36e: {  	v12 =	vld.idx.msk [tilespmem:v12+s7+$0x0], $0xffff  }
0x36f: {  	v13 =	vld.idx.msk [tilespmem:v11+s3+$0x0], $0xffff;
	_ =	sdelay $0x4  }
0x370: {  	v12 =	vadd.f32 v13, v12;
	v13 =	vadd.f32 v13, v9;
	_ =	sdelay $0x1  }
0x371: {  	v14 =	vmul.f32 $9.999999770e-03, v12;
	v15 =	vmul.f32 $9.999999770e-03, v13;
	_ =	sdelay $0x1  }
0x372: {  	v12 =	vmax.f32 v12, v14;
	v13 =	vmax.f32 v13, v15  }
0x373: {  	v12 =	vsub.f32 v12, v13;
	_ =	sdelay $0x1  }
0x374: {  	v12 =	vmul.f32 $1.442695020e+00, v12;
	_ =	sdelay $0x1  }
0x375: {  	(erf) = vpow2.f32 v12;
	_ =	sdelay $0x7  }
0x376: {  	v51 =	vadd.s32 v2, v10  }
0x377: {  	v52 =	vpop (erf)  }
0x378: {  	[tilespmem:$0x7CE0] =	vst v52  }
0x379: {  	[tilespmem:v11+s12+$0x0] =	vst.idx.add.f32.msk $0xffff, v52  }
0x37a: {  	v11 =	vld [tilespmem:s25+$0x76B0]  }
0x37b: {  	v12 =	vld.idx.msk [tilespmem:v51+s10+$0x0], $0xffff;
	_ =	sdelay $0x6  }
0x37c: {  	v11 =	vld.idx.msk [tilespmem:v11+s7+$0x0], $0xffff  }
0x37d: {  	v13 =	vld.idx.msk [tilespmem:v12+s3+$0x0], $0xffff;
	_ =	sdelay $0x4  }
0x37e: {  	v11 =	vadd.f32 v13, v11;
	v13 =	vadd.f32 v13, v9;
	_ =	sdelay $0x1  }
0x37f: {  	v53 =	vmul.f32 $9.999999770e-03, v11;
	v54 =	vmul.f32 $9.999999770e-03, v13;
	_ =	sdelay $0x1  }
0x380: {  	v11 =	vmax.f32 v11, v53;
	v13 =	vmax.f32 v13, v54  }
0x381: {  	v11 =	vsub.f32 v11, v13;
	_ =	sdelay $0x1  }
0x382: {  	v11 =	vmul.f32 $1.442695020e+00, v11;
	_ =	sdelay $0x1  }
0x383: {  	(erf) = vpow2.f32 v11;
	_ =	sdelay $0x7  }
0x384: {  	v11 =	vadd.s32 v3, v10  }
0x385: {  	v55 =	vpop (erf)  }
0x386: {  	[tilespmem:$0x7CF0] =	vst v55  }
0x387: {  	[tilespmem:v12+s12+$0x0] =	vst.idx.add.f32.msk $0xffff, v55  }
0x388: {  	v12 =	vld [tilespmem:s25+$0x76C0]  }
0x389: {  	v11 =	vld.idx.msk [tilespmem:v11+s10+$0x0], $0xffff;
	_ =	sdelay $0x6  }
0x38a: {  	v12 =	vld.idx.msk [tilespmem:v12+s7+$0x0], $0xffff  }
0x38b: {  	v13 =	vld.idx.msk [tilespmem:v11+s3+$0x0], $0xffff;
	_ =	sdelay $0x4  }
0x38c: {  	v12 =	vadd.f32 v13, v12;
	v13 =	vadd.f32 v13, v9;
	_ =	sdelay $0x1  }
0x38d: {  	v56 =	vmul.f32 $9.999999770e-03, v12;
	v57 =	vmul.f32 $9.999999770e-03, v13;
	_ =	sdelay $0x1  }
0x38e: {  	v12 =	vmax.f32 v12, v56;
	v13 =	vmax.f32 v13, v57  }
0x38f: {  	v12 =	vsub.f32 v12, v13;
	_ =	sdelay $0x1  }
0x390: {  	v12 =	vmul.f32 $1.442695020e+00, v12;
	_ =	sdelay $0x1  }
0x391: {  	(erf) = vpow2.f32 v12;
	_ =	sdelay $0x7  }
0x392: {  	v58 =	vadd.s32 v4, v10  }
0x393: {  	v59 =	vpop (erf)  }
0x394: {  	[tilespmem:$0x7D00] =	vst v59  }
0x395: {  	[tilespmem:v11+s12+$0x0] =	vst.idx.add.f32.msk $0xffff, v59  }
0x396: {  	v11 =	vld [tilespmem:s25+$0x76D0]  }
0x397: {  	v12 =	vld.idx.msk [tilespmem:v58+s10+$0x0], $0xffff;
	_ =	sdelay $0x6  }
0x398: {  	v11 =	vld.idx.msk [tilespmem:v11+s7+$0x0], $0xffff  }
0x399: {  	v13 =	vld.idx.msk [tilespmem:v12+s3+$0x0], $0xffff;
	_ =	sdelay $0x4  }
0x39a: {  	v11 =	vadd.f32 v13, v11;
	v13 =	vadd.f32 v13, v9;
	_ =	sdelay $0x1  }
0x39b: {  	v60 =	vmul.f32 $9.999999770e-03, v11;
	v61 =	vmul.f32 $9.999999770e-03, v13;
	_ =	sdelay $0x1  }
0x39c: {  	v11 =	vmax.f32 v11, v60;
	v13 =	vmax.f32 v13, v61  }
0x39d: {  	v11 =	vsub.f32 v11, v13;
	_ =	sdelay $0x1  }
0x39e: {  	v11 =	vmul.f32 $1.442695020e+00, v11;
	_ =	sdelay $0x1  }
0x39f: {  	(erf) = vpow2.f32 v11;
	_ =	sdelay $0x7  }
0x3a0: {  	v10 =	vadd.s32 v5, v10  }
0x3a1: {  	v11 =	vpop (erf)  }
0x3a2: {  	[tilespmem:$0x7D10] =	vst v11  }
0x3a3: {  	[tilespmem:v12+s12+$0x0] =	vst.idx.add.f32.msk $0xffff, v11  }
0x3a4: {  	v11 =	vld [tilespmem:s25+$0x76E0]  }
0x3a5: {  	v10 =	vld.idx.msk [tilespmem:v10+s10+$0x0], $0xffff;
	_ =	sdelay $0x6  }
0x3a6: {  	v11 =	vld.idx.msk [tilespmem:v11+s7+$0x0], $0xffff  }
0x3a7: {  	v12 =	vld.idx.msk [tilespmem:v10+s3+$0x0], $0xffff;
	_ =	sdelay $0x4  }
0x3a8: {  	v11 =	vadd.f32 v12, v11;
	v12 =	vadd.f32 v12, v9;
	_ =	sdelay $0x1  }
0x3a9: {  	v62 =	vmul.f32 $9.999999770e-03, v11;
	v63 =	vmul.f32 $9.999999770e-03, v12;
	_ =	sdelay $0x1  }
0x3aa: {  	v11 =	vmax.f32 v11, v62;
	v12 =	vmax.f32 v12, v63  }
0x3ab: {  	v11 =	vsub.f32 v11, v12;
	_ =	sdelay $0x1  }
0x3ac: {  	v11 =	vmul.f32 $1.442695020e+00, v11;
	_ =	sdelay $0x1  }
0x3ad: {  	(erf) = vpow2.f32 v11;
	_ =	sdelay $0x8  }
0x3ae: {  	v11 =	vpop (erf)  }
0x3af: {  	p1 =	seq.s32 s21, $0x0;
	[tilespmem:$0x7D20] =	vst v11  }
0x3b0: {  	s23 =	simm.s32 @!p1 $0x4;
	[tilespmem:v10+s12+$0x0] =	vst.idx.add.f32.msk $0xffff, v11  }
0x3b1: {  	_ =	swait.ge @!p1 [sflag:s23], $0x1400  }
0x3b2: {  	[sflag:s23] =	ssyncset.done @!p1 $0x0  }
0x3b3: {  	s31 =	sadd.s32 $0x76C8, s25;
	[sflag:s23] =	ssyncadd.s32 @!p1 $0xFFFFEC00  }
0x3b4: {  	[tilespmem:s13], [sflag:$0x2] =	stream.indirect.gather [hbm4b:s1+s11], $0x80, s31, s11, $0xb8;
	[tilespmem:$0x1E540] =	vst v63  }
0x3b5: {  	_ =	swait.ge [sflag:s14], $0x1400  }
0x3b6: {  	s24 =	simm.s32 $0x7CE4;
	[sflag:s14] =	ssyncset.done $0x0  }
0x3b7: {  	s22 =	sadd.s32 $0x28, s25;
	s23 =	simm.s32 $0x0;
	[sflag:s14] =	ssyncadd.s32 $0xFFFFEC00  }
.LBB2_9:
0x3b8: {  	s25 =	sshll.u32 s23, $0x7  }
0x3b9: {  	v10 =	vor.u32 s25, v0;
	_ =	sdelay $0x3  }
0x3ba: {  	v11 =	vld.msk [tilespmem:s24+$0xFFFFFFFC ss:$0x0], $0xffff  }
0x3bb: {  	v12 =	vld.idx.msk [tilespmem:v10+s4+$0x0], $0xffff;
	_ =	sdelay $0x2  }
0x3bc: {  	v13 =	vor.u32 s25, v2;
	_ =	sdelay $0x1  }
0x3bd: {  	v12 =	vmul.f32 v11, v12;
	_ =	sdelay $0x1  }
0x3be: {  	[tilespmem:v10+s4+$0x0] =	vst.idx.msk $0xffff, v12  }
0x3bf: {  	v10 =	vld.idx.msk [tilespmem:v13+s4+$0x0], $0xffff;
	_ =	sdelay $0x2  }
0x3c0: {  	v50 =	vor.u32 s25, v3;
	_ =	sdelay $0x1  }
0x3c1: {  	v10 =	vmul.f32 v10, v11;
	_ =	sdelay $0x1  }
0x3c2: {  	[tilespmem:v13+s4+$0x0] =	vst.idx.msk $0xffff, v10  }
0x3c3: {  	v10 =	vld.idx.msk [tilespmem:v50+s4+$0x0], $0xffff;
	_ =	sdelay $0x2  }
0x3c4: {  	v51 =	vor.u32 s25, v4;
	_ =	sdelay $0x1  }
0x3c5: {  	v10 =	vmul.f32 v10, v11;
	_ =	sdelay $0x1  }
0x3c6: {  	[tilespmem:v50+s4+$0x0] =	vst.idx.msk $0xffff, v10  }
0x3c7: {  	v10 =	vld.idx.msk [tilespmem:v51+s4+$0x0], $0xffff;
	_ =	sdelay $0x2  }
0x3c8: {  	v52 =	vor.u32 s25, v5;
	_ =	sdelay $0x1  }
0x3c9: {  	v10 =	vmul.f32 v10, v11;
	_ =	sdelay $0x1  }
0x3ca: {  	[tilespmem:v51+s4+$0x0] =	vst.idx.msk $0xffff, v10  }
0x3cb: {  	v10 =	vld.idx.msk [tilespmem:v52+s4+$0x0], $0xffff;
	_ =	sdelay $0x2  }
0x3cc: {  	v53 =	vor.u32 s25, v6;
	_ =	sdelay $0x1  }
0x3cd: {  	v10 =	vmul.f32 v10, v11;
	_ =	sdelay $0x1  }
0x3ce: {  	[tilespmem:v52+s4+$0x0] =	vst.idx.msk $0xffff, v10  }
0x3cf: {  	v10 =	vld.idx.msk [tilespmem:v53+s4+$0x0], $0xffff;
	_ =	sdelay $0x2  }
0x3d0: {  	v54 =	vor.u32 s25, v7;
	_ =	sdelay $0x1  }
0x3d1: {  	v10 =	vmul.f32 v10, v11;
	_ =	sdelay $0x1  }
0x3d2: {  	[tilespmem:v53+s4+$0x0] =	vst.idx.msk $0xffff, v10  }
0x3d3: {  	v10 =	vld.idx.msk [tilespmem:v54+s4+$0x0], $0xffff;
	_ =	sdelay $0x2  }
0x3d4: {  	v55 =	vor.u32 s25, v8;
	_ =	sdelay $0x1  }
0x3d5: {  	v10 =	vmul.f32 v10, v11;
	_ =	sdelay $0x1  }
0x3d6: {  	[tilespmem:v54+s4+$0x0] =	vst.idx.msk $0xffff, v10  }
0x3d7: {  	v10 =	vld.idx.msk [tilespmem:v55+s4+$0x0], $0xffff;
	_ =	sdelay $0x2  }
0x3d8: {  	s31 =	sadd.s32 $0x80, s25  }
0x3d9: {  	v56 =	vor.u32 s31, v0  }
0x3da: {  	v10 =	vmul.f32 v10, v11;
	_ =	sdelay $0x1  }
0x3db: {  	[tilespmem:v55+s4+$0x0] =	vst.idx.msk $0xffff, v10  }
0x3dc: {  	v10 =	vld.msk [tilespmem:s24+$0xFFFFFFFD ss:$0x0], $0xffff  }
0x3dd: {  	v11 =	vld.idx.msk [tilespmem:v56+s4+$0x0], $0xffff;
	_ =	sdelay $0x2  }
0x3de: {  	v57 =	vor.u32 s31, v2;
	_ =	sdelay $0x1  }
0x3df: {  	v11 =	vmul.f32 v10, v11;
	_ =	sdelay $0x1  }
0x3e0: {  	[tilespmem:v56+s4+$0x0] =	vst.idx.msk $0xffff, v11  }
0x3e1: {  	v11 =	vld.idx.msk [tilespmem:v57+s4+$0x0], $0xffff;
	_ =	sdelay $0x2  }
0x3e2: {  	v58 =	vor.u32 s31, v3;
	_ =	sdelay $0x1  }
0x3e3: {  	v11 =	vmul.f32 v11, v10;
	_ =	sdelay $0x1  }
0x3e4: {  	[tilespmem:v57+s4+$0x0] =	vst.idx.msk $0xffff, v11  }
0x3e5: {  	v11 =	vld.idx.msk [tilespmem:v58+s4+$0x0], $0xffff;
	_ =	sdelay $0x2  }
0x3e6: {  	v59 =	vor.u32 s31, v4;
	_ =	sdelay $0x1  }
0x3e7: {  	v11 =	vmul.f32 v11, v10;
	_ =	sdelay $0x1  }
0x3e8: {  	[tilespmem:v58+s4+$0x0] =	vst.idx.msk $0xffff, v11  }
0x3e9: {  	v11 =	vld.idx.msk [tilespmem:v59+s4+$0x0], $0xffff;
	_ =	sdelay $0x2  }
0x3ea: {  	v60 =	vor.u32 s31, v5;
	_ =	sdelay $0x1  }
0x3eb: {  	v11 =	vmul.f32 v11, v10;
	_ =	sdelay $0x1  }
0x3ec: {  	[tilespmem:v59+s4+$0x0] =	vst.idx.msk $0xffff, v11  }
0x3ed: {  	v11 =	vld.idx.msk [tilespmem:v60+s4+$0x0], $0xffff;
	_ =	sdelay $0x2  }
0x3ee: {  	v61 =	vor.u32 s31, v6;
	_ =	sdelay $0x1  }
0x3ef: {  	v11 =	vmul.f32 v11, v10;
	_ =	sdelay $0x1  }
0x3f0: {  	[tilespmem:v60+s4+$0x0] =	vst.idx.msk $0xffff, v11  }
0x3f1: {  	v11 =	vld.idx.msk [tilespmem:v61+s4+$0x0], $0xffff;
	_ =	sdelay $0x2  }
0x3f2: {  	v62 =	vor.u32 s31, v7;
	_ =	sdelay $0x1  }
0x3f3: {  	v11 =	vmul.f32 v11, v10;
	_ =	sdelay $0x1  }
0x3f4: {  	[tilespmem:v61+s4+$0x0] =	vst.idx.msk $0xffff, v11  }
0x3f5: {  	v11 =	vld.idx.msk [tilespmem:v62+s4+$0x0], $0xffff;
	_ =	sdelay $0x2  }
0x3f6: {  	v63 =	vor.u32 s31, v8;
	_ =	sdelay $0x1  }
0x3f7: {  	v11 =	vmul.f32 v11, v10;
	_ =	sdelay $0x1  }
0x3f8: {  	[tilespmem:v62+s4+$0x0] =	vst.idx.msk $0xffff, v11  }
0x3f9: {  	v11 =	vld.idx.msk [tilespmem:v63+s4+$0x0], $0xffff;
	_ =	sdelay $0x2  }
0x3fa: {  	s8 =	sadd.s32 $0x100, s25  }
0x3fb: {  	v16 =	vor.u32 s8, v0  }
0x3fc: {  	v10 =	vmul.f32 v11, v10;
	_ =	sdelay $0x1  }
0x3fd: {  	[tilespmem:v63+s4+$0x0] =	vst.idx.msk $0xffff, v10  }
0x3fe: {  	v10 =	vld.msk [tilespmem:s24+$0xFFFFFFFE ss:$0x0], $0xffff  }
0x3ff: {  	v11 =	vld.idx.msk [tilespmem:v16+s4+$0x0], $0xffff;
	_ =	sdelay $0x2  }
0x400: {  	v17 =	vor.u32 s8, v2;
	_ =	sdelay $0x1  }
0x401: {  	v11 =	vmul.f32 v10, v11;
	_ =	sdelay $0x1  }
0x402: {  	[tilespmem:v16+s4+$0x0] =	vst.idx.msk $0xffff, v11  }
0x403: {  	v11 =	vld.idx.msk [tilespmem:v17+s4+$0x0], $0xffff;
	_ =	sdelay $0x2  }
0x404: {  	v18 =	vor.u32 s8, v3;
	_ =	sdelay $0x1  }
0x405: {  	v11 =	vmul.f32 v11, v10;
	_ =	sdelay $0x1  }
0x406: {  	[tilespmem:v17+s4+$0x0] =	vst.idx.msk $0xffff, v11  }
0x407: {  	v11 =	vld.idx.msk [tilespmem:v18+s4+$0x0], $0xffff;
	_ =	sdelay $0x2  }
0x408: {  	v19 =	vor.u32 s8, v4;
	_ =	sdelay $0x1  }
0x409: {  	v11 =	vmul.f32 v11, v10;
	_ =	sdelay $0x1  }
0x40a: {  	[tilespmem:v18+s4+$0x0] =	vst.idx.msk $0xffff, v11  }
0x40b: {  	v11 =	vld.idx.msk [tilespmem:v19+s4+$0x0], $0xffff;
	_ =	sdelay $0x2  }
0x40c: {  	v20 =	vor.u32 s8, v5;
	_ =	sdelay $0x1  }
0x40d: {  	v11 =	vmul.f32 v11, v10;
	_ =	sdelay $0x1  }
0x40e: {  	[tilespmem:v19+s4+$0x0] =	vst.idx.msk $0xffff, v11  }
0x40f: {  	v11 =	vld.idx.msk [tilespmem:v20+s4+$0x0], $0xffff;
	_ =	sdelay $0x2  }
0x410: {  	v21 =	vor.u32 s8, v6;
	_ =	sdelay $0x1  }
0x411: {  	v11 =	vmul.f32 v11, v10;
	_ =	sdelay $0x1  }
0x412: {  	[tilespmem:v20+s4+$0x0] =	vst.idx.msk $0xffff, v11  }
0x413: {  	v11 =	vld.idx.msk [tilespmem:v21+s4+$0x0], $0xffff;
	_ =	sdelay $0x2  }
0x414: {  	v22 =	vor.u32 s8, v7;
	_ =	sdelay $0x1  }
0x415: {  	v11 =	vmul.f32 v11, v10;
	_ =	sdelay $0x1  }
0x416: {  	[tilespmem:v21+s4+$0x0] =	vst.idx.msk $0xffff, v11  }
0x417: {  	v11 =	vld.idx.msk [tilespmem:v22+s4+$0x0], $0xffff;
	_ =	sdelay $0x2  }
0x418: {  	v23 =	vor.u32 s8, v8;
	_ =	sdelay $0x1  }
0x419: {  	v11 =	vmul.f32 v11, v10;
	_ =	sdelay $0x1  }
0x41a: {  	[tilespmem:v22+s4+$0x0] =	vst.idx.msk $0xffff, v11  }
0x41b: {  	v11 =	vld.idx.msk [tilespmem:v23+s4+$0x0], $0xffff;
	_ =	sdelay $0x2  }
0x41c: {  	s8 =	sadd.s32 $0x180, s25  }
0x41d: {  	v24 =	vor.u32 s8, v0  }
0x41e: {  	v10 =	vmul.f32 v11, v10;
	_ =	sdelay $0x1  }
0x41f: {  	[tilespmem:v23+s4+$0x0] =	vst.idx.msk $0xffff, v10  }
0x420: {  	v10 =	vld.msk [tilespmem:s24+$0xFFFFFFFF ss:$0x0], $0xffff  }
0x421: {  	v11 =	vld.idx.msk [tilespmem:v24+s4+$0x0], $0xffff;
	_ =	sdelay $0x2  }
0x422: {  	v25 =	vor.u32 s8, v2;
	_ =	sdelay $0x1  }
0x423: {  	v11 =	vmul.f32 v10, v11;
	_ =	sdelay $0x1  }
0x424: {  	[tilespmem:v24+s4+$0x0] =	vst.idx.msk $0xffff, v11  }
0x425: {  	v11 =	vld.idx.msk [tilespmem:v25+s4+$0x0], $0xffff;
	_ =	sdelay $0x2  }
0x426: {  	v26 =	vor.u32 s8, v3;
	_ =	sdelay $0x1  }
0x427: {  	v11 =	vmul.f32 v11, v10;
	_ =	sdelay $0x1  }
0x428: {  	[tilespmem:v25+s4+$0x0] =	vst.idx.msk $0xffff, v11  }
0x429: {  	v11 =	vld.idx.msk [tilespmem:v26+s4+$0x0], $0xffff;
	_ =	sdelay $0x2  }
0x42a: {  	v27 =	vor.u32 s8, v4;
	_ =	sdelay $0x1  }
0x42b: {  	v11 =	vmul.f32 v11, v10;
	_ =	sdelay $0x1  }
0x42c: {  	[tilespmem:v26+s4+$0x0] =	vst.idx.msk $0xffff, v11  }
0x42d: {  	v11 =	vld.idx.msk [tilespmem:v27+s4+$0x0], $0xffff;
	_ =	sdelay $0x2  }
0x42e: {  	v28 =	vor.u32 s8, v5;
	_ =	sdelay $0x1  }
0x42f: {  	v11 =	vmul.f32 v11, v10;
	_ =	sdelay $0x1  }
0x430: {  	[tilespmem:v27+s4+$0x0] =	vst.idx.msk $0xffff, v11  }
0x431: {  	v11 =	vld.idx.msk [tilespmem:v28+s4+$0x0], $0xffff;
	_ =	sdelay $0x2  }
0x432: {  	v29 =	vor.u32 s8, v6;
	_ =	sdelay $0x1  }
0x433: {  	v11 =	vmul.f32 v11, v10;
	_ =	sdelay $0x1  }
0x434: {  	[tilespmem:v28+s4+$0x0] =	vst.idx.msk $0xffff, v11  }
0x435: {  	v11 =	vld.idx.msk [tilespmem:v29+s4+$0x0], $0xffff;
	_ =	sdelay $0x2  }
0x436: {  	v30 =	vor.u32 s8, v7;
	_ =	sdelay $0x1  }
0x437: {  	v11 =	vmul.f32 v11, v10;
	_ =	sdelay $0x1  }
0x438: {  	[tilespmem:v29+s4+$0x0] =	vst.idx.msk $0xffff, v11  }
0x439: {  	v11 =	vld.idx.msk [tilespmem:v30+s4+$0x0], $0xffff;
	_ =	sdelay $0x2  }
0x43a: {  	v31 =	vor.u32 s8, v8;
	_ =	sdelay $0x1  }
0x43b: {  	v11 =	vmul.f32 v11, v10;
	_ =	sdelay $0x1  }
0x43c: {  	[tilespmem:v30+s4+$0x0] =	vst.idx.msk $0xffff, v11  }
0x43d: {  	v11 =	vld.idx.msk [tilespmem:v31+s4+$0x0], $0xffff;
	_ =	sdelay $0x2  }
0x43e: {  	s8 =	sadd.s32 $0x200, s25  }
0x43f: {  	v32 =	vor.u32 s8, v0  }
0x440: {  	v10 =	vmul.f32 v11, v10;
	_ =	sdelay $0x1  }
0x441: {  	[tilespmem:v31+s4+$0x0] =	vst.idx.msk $0xffff, v10  }
0x442: {  	v10 =	vld.msk [tilespmem:s24+$0x0 ss:$0x0], $0xffff  }
0x443: {  	v11 =	vld.idx.msk [tilespmem:v32+s4+$0x0], $0xffff;
	_ =	sdelay $0x2  }
0x444: {  	v33 =	vor.u32 s8, v2;
	_ =	sdelay $0x1  }
0x445: {  	v11 =	vmul.f32 v10, v11;
	_ =	sdelay $0x1  }
0x446: {  	[tilespmem:v32+s4+$0x0] =	vst.idx.msk $0xffff, v11  }
0x447: {  	v11 =	vld.idx.msk [tilespmem:v33+s4+$0x0], $0xffff;
	_ =	sdelay $0x2  }
0x448: {  	v34 =	vor.u32 s8, v3;
	_ =	sdelay $0x1  }
0x449: {  	v11 =	vmul.f32 v11, v10;
	_ =	sdelay $0x1  }
0x44a: {  	[tilespmem:v33+s4+$0x0] =	vst.idx.msk $0xffff, v11  }
0x44b: {  	v11 =	vld.idx.msk [tilespmem:v34+s4+$0x0], $0xffff;
	_ =	sdelay $0x2  }
0x44c: {  	v35 =	vor.u32 s8, v4;
	_ =	sdelay $0x1  }
0x44d: {  	v11 =	vmul.f32 v11, v10;
	_ =	sdelay $0x1  }
0x44e: {  	[tilespmem:v34+s4+$0x0] =	vst.idx.msk $0xffff, v11  }
0x44f: {  	v11 =	vld.idx.msk [tilespmem:v35+s4+$0x0], $0xffff;
	_ =	sdelay $0x2  }
0x450: {  	v36 =	vor.u32 s8, v5;
	_ =	sdelay $0x1  }
0x451: {  	v11 =	vmul.f32 v11, v10;
	_ =	sdelay $0x1  }
0x452: {  	[tilespmem:v35+s4+$0x0] =	vst.idx.msk $0xffff, v11  }
0x453: {  	v11 =	vld.idx.msk [tilespmem:v36+s4+$0x0], $0xffff;
	_ =	sdelay $0x2  }
0x454: {  	v37 =	vor.u32 s8, v6;
	_ =	sdelay $0x1  }
0x455: {  	v11 =	vmul.f32 v11, v10;
	_ =	sdelay $0x1  }
0x456: {  	[tilespmem:v36+s4+$0x0] =	vst.idx.msk $0xffff, v11  }
0x457: {  	v11 =	vld.idx.msk [tilespmem:v37+s4+$0x0], $0xffff;
	_ =	sdelay $0x2  }
0x458: {  	v38 =	vor.u32 s8, v7;
	_ =	sdelay $0x1  }
0x459: {  	v11 =	vmul.f32 v11, v10;
	_ =	sdelay $0x1  }
0x45a: {  	[tilespmem:v37+s4+$0x0] =	vst.idx.msk $0xffff, v11  }
0x45b: {  	v11 =	vld.idx.msk [tilespmem:v38+s4+$0x0], $0xffff;
	_ =	sdelay $0x2  }
0x45c: {  	v39 =	vor.u32 s8, v8;
	_ =	sdelay $0x1  }
0x45d: {  	v11 =	vmul.f32 v11, v10;
	_ =	sdelay $0x1  }
0x45e: {  	[tilespmem:v38+s4+$0x0] =	vst.idx.msk $0xffff, v11  }
0x45f: {  	v11 =	vld.idx.msk [tilespmem:v39+s4+$0x0], $0xffff;
	_ =	sdelay $0x2  }
0x460: {  	s8 =	sadd.s32 $0x280, s25  }
0x461: {  	v40 =	vor.u32 s8, v0  }
0x462: {  	v10 =	vmul.f32 v11, v10;
	_ =	sdelay $0x1  }
0x463: {  	[tilespmem:v39+s4+$0x0] =	vst.idx.msk $0xffff, v10  }
0x464: {  	v10 =	vld.msk [tilespmem:s24+$0x1 ss:$0x0], $0xffff  }
0x465: {  	v11 =	vld.idx.msk [tilespmem:v40+s4+$0x0], $0xffff;
	_ =	sdelay $0x2  }
0x466: {  	v41 =	vor.u32 s8, v2;
	_ =	sdelay $0x1  }
0x467: {  	v11 =	vmul.f32 v10, v11;
	_ =	sdelay $0x1  }
0x468: {  	[tilespmem:v40+s4+$0x0] =	vst.idx.msk $0xffff, v11  }
0x469: {  	v11 =	vld.idx.msk [tilespmem:v41+s4+$0x0], $0xffff;
	_ =	sdelay $0x2  }
0x46a: {  	v42 =	vor.u32 s8, v3;
	_ =	sdelay $0x1  }
0x46b: {  	v11 =	vmul.f32 v11, v10;
	_ =	sdelay $0x1  }
0x46c: {  	[tilespmem:v41+s4+$0x0] =	vst.idx.msk $0xffff, v11  }
0x46d: {  	v11 =	vld.idx.msk [tilespmem:v42+s4+$0x0], $0xffff;
	_ =	sdelay $0x2  }
0x46e: {  	v43 =	vor.u32 s8, v4;
	_ =	sdelay $0x1  }
0x46f: {  	v11 =	vmul.f32 v11, v10;
	_ =	sdelay $0x1  }
0x470: {  	[tilespmem:v42+s4+$0x0] =	vst.idx.msk $0xffff, v11  }
0x471: {  	v11 =	vld.idx.msk [tilespmem:v43+s4+$0x0], $0xffff;
	_ =	sdelay $0x2  }
0x472: {  	v44 =	vor.u32 s8, v5;
	_ =	sdelay $0x1  }
0x473: {  	v11 =	vmul.f32 v11, v10;
	_ =	sdelay $0x1  }
0x474: {  	[tilespmem:v43+s4+$0x0] =	vst.idx.msk $0xffff, v11  }
0x475: {  	v11 =	vld.idx.msk [tilespmem:v44+s4+$0x0], $0xffff;
	_ =	sdelay $0x2  }
0x476: {  	v45 =	vor.u32 s8, v6;
	_ =	sdelay $0x1  }
0x477: {  	v11 =	vmul.f32 v11, v10;
	_ =	sdelay $0x1  }
0x478: {  	[tilespmem:v44+s4+$0x0] =	vst.idx.msk $0xffff, v11  }
0x479: {  	v11 =	vld.idx.msk [tilespmem:v45+s4+$0x0], $0xffff;
	_ =	sdelay $0x2  }
0x47a: {  	v46 =	vor.u32 s8, v7;
	_ =	sdelay $0x1  }
0x47b: {  	v11 =	vmul.f32 v11, v10;
	_ =	sdelay $0x1  }
0x47c: {  	[tilespmem:v45+s4+$0x0] =	vst.idx.msk $0xffff, v11  }
0x47d: {  	v11 =	vld.idx.msk [tilespmem:v46+s4+$0x0], $0xffff;
	_ =	sdelay $0x2  }
0x47e: {  	v47 =	vor.u32 s8, v8;
	_ =	sdelay $0x1  }
0x47f: {  	v11 =	vmul.f32 v11, v10;
	_ =	sdelay $0x1  }
0x480: {  	[tilespmem:v46+s4+$0x0] =	vst.idx.msk $0xffff, v11  }
0x481: {  	v11 =	vld.idx.msk [tilespmem:v47+s4+$0x0], $0xffff;
	_ =	sdelay $0x2  }
0x482: {  	s8 =	sadd.s32 $0x300, s25  }
0x483: {  	v48 =	vor.u32 s8, v0  }
0x484: {  	v10 =	vmul.f32 v11, v10;
	_ =	sdelay $0x1  }
0x485: {  	[tilespmem:v47+s4+$0x0] =	vst.idx.msk $0xffff, v10  }
0x486: {  	v10 =	vld.msk [tilespmem:s24+$0x2 ss:$0x0], $0xffff  }
0x487: {  	v11 =	vld.idx.msk [tilespmem:v48+s4+$0x0], $0xffff;
	_ =	sdelay $0x2  }
0x488: {  	v49 =	vor.u32 s8, v2;
	_ =	sdelay $0x1  }
0x489: {  	v11 =	vmul.f32 v10, v11;
	_ =	sdelay $0x1  }
0x48a: {  	[tilespmem:v48+s4+$0x0] =	vst.idx.msk $0xffff, v11  }
0x48b: {  	v11 =	vld.idx.msk [tilespmem:v49+s4+$0x0], $0xffff;
	_ =	sdelay $0x2  }
0x48c: {  	v50 =	vor.u32 s8, v3;
	_ =	sdelay $0x1  }
0x48d: {  	v11 =	vmul.f32 v11, v10;
	_ =	sdelay $0x1  }
0x48e: {  	[tilespmem:v49+s4+$0x0] =	vst.idx.msk $0xffff, v11  }
0x48f: {  	v11 =	vld.idx.msk [tilespmem:v50+s4+$0x0], $0xffff;
	_ =	sdelay $0x2  }
0x490: {  	v51 =	vor.u32 s8, v4;
	_ =	sdelay $0x1  }
0x491: {  	v11 =	vmul.f32 v11, v10;
	_ =	sdelay $0x1  }
0x492: {  	[tilespmem:v50+s4+$0x0] =	vst.idx.msk $0xffff, v11  }
0x493: {  	v11 =	vld.idx.msk [tilespmem:v51+s4+$0x0], $0xffff;
	_ =	sdelay $0x2  }
0x494: {  	v52 =	vor.u32 s8, v5;
	_ =	sdelay $0x1  }
0x495: {  	v11 =	vmul.f32 v11, v10;
	_ =	sdelay $0x1  }
0x496: {  	[tilespmem:v51+s4+$0x0] =	vst.idx.msk $0xffff, v11  }
0x497: {  	v11 =	vld.idx.msk [tilespmem:v52+s4+$0x0], $0xffff;
	_ =	sdelay $0x2  }
0x498: {  	v53 =	vor.u32 s8, v6;
	_ =	sdelay $0x1  }
0x499: {  	v11 =	vmul.f32 v11, v10;
	_ =	sdelay $0x1  }
0x49a: {  	[tilespmem:v52+s4+$0x0] =	vst.idx.msk $0xffff, v11  }
0x49b: {  	v11 =	vld.idx.msk [tilespmem:v53+s4+$0x0], $0xffff;
	_ =	sdelay $0x2  }
0x49c: {  	v54 =	vor.u32 s8, v7;
	_ =	sdelay $0x1  }
0x49d: {  	v11 =	vmul.f32 v11, v10;
	_ =	sdelay $0x1  }
0x49e: {  	[tilespmem:v53+s4+$0x0] =	vst.idx.msk $0xffff, v11  }
0x49f: {  	v11 =	vld.idx.msk [tilespmem:v54+s4+$0x0], $0xffff;
	_ =	sdelay $0x2  }
0x4a0: {  	v55 =	vor.u32 s8, v8;
	_ =	sdelay $0x1  }
0x4a1: {  	v11 =	vmul.f32 v11, v10;
	_ =	sdelay $0x1  }
0x4a2: {  	[tilespmem:v54+s4+$0x0] =	vst.idx.msk $0xffff, v11  }
0x4a3: {  	v11 =	vld.idx.msk [tilespmem:v55+s4+$0x0], $0xffff;
	_ =	sdelay $0x2  }
0x4a4: {  	s25 =	sadd.s32 $0x380, s25  }
0x4a5: {  	v56 =	vor.u32 s25, v0  }
0x4a6: {  	v10 =	vmul.f32 v11, v10;
	_ =	sdelay $0x1  }
0x4a7: {  	[tilespmem:v55+s4+$0x0] =	vst.idx.msk $0xffff, v10  }
0x4a8: {  	v10 =	vld.msk [tilespmem:s24+$0x3 ss:$0x0], $0xffff  }
0x4a9: {  	v11 =	vld.idx.msk [tilespmem:v56+s4+$0x0], $0xffff;
	_ =	sdelay $0x2  }
0x4aa: {  	v57 =	vor.u32 s25, v2;
	_ =	sdelay $0x1  }
0x4ab: {  	v11 =	vmul.f32 v10, v11;
	_ =	sdelay $0x1  }
0x4ac: {  	[tilespmem:v56+s4+$0x0] =	vst.idx.msk $0xffff, v11  }
0x4ad: {  	v11 =	vld.idx.msk [tilespmem:v57+s4+$0x0], $0xffff;
	_ =	sdelay $0x2  }
0x4ae: {  	v58 =	vor.u32 s25, v3;
	_ =	sdelay $0x1  }
0x4af: {  	v11 =	vmul.f32 v11, v10;
	_ =	sdelay $0x1  }
0x4b0: {  	[tilespmem:v57+s4+$0x0] =	vst.idx.msk $0xffff, v11  }
0x4b1: {  	v11 =	vld.idx.msk [tilespmem:v58+s4+$0x0], $0xffff;
	_ =	sdelay $0x2  }
0x4b2: {  	v59 =	vor.u32 s25, v4;
	_ =	sdelay $0x1  }
0x4b3: {  	v11 =	vmul.f32 v11, v10;
	_ =	sdelay $0x1  }
0x4b4: {  	[tilespmem:v58+s4+$0x0] =	vst.idx.msk $0xffff, v11  }
0x4b5: {  	v11 =	vld.idx.msk [tilespmem:v59+s4+$0x0], $0xffff;
	_ =	sdelay $0x2  }
0x4b6: {  	v60 =	vor.u32 s25, v5;
	_ =	sdelay $0x1  }
0x4b7: {  	v11 =	vmul.f32 v11, v10;
	_ =	sdelay $0x1  }
0x4b8: {  	[tilespmem:v59+s4+$0x0] =	vst.idx.msk $0xffff, v11  }
0x4b9: {  	v11 =	vld.idx.msk [tilespmem:v60+s4+$0x0], $0xffff;
	_ =	sdelay $0x2  }
0x4ba: {  	v61 =	vor.u32 s25, v6;
	_ =	sdelay $0x1  }
0x4bb: {  	v11 =	vmul.f32 v11, v10;
	_ =	sdelay $0x1  }
0x4bc: {  	[tilespmem:v60+s4+$0x0] =	vst.idx.msk $0xffff, v11  }
0x4bd: {  	v11 =	vld.idx.msk [tilespmem:v61+s4+$0x0], $0xffff;
	_ =	sdelay $0x2  }
0x4be: {  	v62 =	vor.u32 s25, v7;
	_ =	sdelay $0x1  }
0x4bf: {  	v11 =	vmul.f32 v11, v10;
	_ =	sdelay $0x1  }
0x4c0: {  	[tilespmem:v61+s4+$0x0] =	vst.idx.msk $0xffff, v11  }
0x4c1: {  	v11 =	vld.idx.msk [tilespmem:v62+s4+$0x0], $0xffff;
	_ =	sdelay $0x2  }
0x4c2: {  	v63 =	vor.u32 s25, v8;
	_ =	sdelay $0x1  }
0x4c3: {  	v11 =	vmul.f32 v11, v10;
	_ =	sdelay $0x1  }
0x4c4: {  	[tilespmem:v62+s4+$0x0] =	vst.idx.msk $0xffff, v11  }
0x4c5: {  	v11 =	vld.idx.msk [tilespmem:v63+s4+$0x0], $0xffff;
	_ =	sdelay $0x1  }
0x4c6: {  	p1 =	slt.u32 s23, $0x20  }
.Ltmp13:
0x4c7: {  	_ = 	snop;
	(pc) =	sbr.rel @p1 .LBB2_9-.Ltmp13, $3  }
0x4c8: {  	_ = 	snop  }
0x4c9: {  	v10 =	vmul.f32 v11, v10;
	_ =	sdelay $0x1  }
0x4ca: {  	s23 =	sadd.s32 $0x8, s23;
	s24 =	sadd.s32 $0x8, s24;
	[tilespmem:v63+s4+$0x0] =	vst.idx.msk $0xffff, v10  }
0x4cb: {  	s23 =	smul.u32 $0x140, s21;
	_ =	sdelay $0x1  }
0x4cc: {  	s23 =	sshra.s32 s23, $0x2  }
0x4cd: {  	s24 =	sadd.s32 $0x79C0, s23  }
0x4ce: {  	[spmem:s6] =	stream.indirect.scatter.add.f32 [tilespmem:s4], [sflag:$0x3], $0x80, s24, s11, $0xb8;
	[tilespmem:$0x1E540] =	vst v63  }
0x4cf: {  	_ =	swait.ge [sflag:s15], $0x1400  }
0x4d0: {  	[sflag:s15] =	ssyncset.done $0x0  }
0x4d1: {  	s25 =	simm.s32 $0x7D0F;
	s24 =	simm.s32 $0x0;
	[sflag:s15] =	ssyncadd.s32 $0xFFFFEC00  }
.LBB2_11:
0x4d2: {  	s31 =	sshll.u32 s24, $0x7  }
0x4d3: {  	v10 =	vor.u32 s31, v0;
	_ =	sdelay $0x3  }
0x4d4: {  	v11 =	vld.msk [tilespmem:s25+$0xFFFFFFF9 ss:$0x0], $0xffff  }
0x4d5: {  	v12 =	vld.idx.msk [tilespmem:v10+s13+$0x0], $0xffff;
	_ =	sdelay $0x2  }
0x4d6: {  	v13 =	vor.u32 s31, v2;
	_ =	sdelay $0x1  }
0x4d7: {  	v12 =	vmul.f32 v11, v12;
	_ =	sdelay $0x1  }
0x4d8: {  	[tilespmem:v10+s13+$0x0] =	vst.idx.msk $0xffff, v12  }
0x4d9: {  	v10 =	vld.idx.msk [tilespmem:v13+s13+$0x0], $0xffff;
	_ =	sdelay $0x2  }
0x4da: {  	v50 =	vor.u32 s31, v3;
	_ =	sdelay $0x1  }
0x4db: {  	v10 =	vmul.f32 v10, v11;
	_ =	sdelay $0x1  }
0x4dc: {  	[tilespmem:v13+s13+$0x0] =	vst.idx.msk $0xffff, v10  }
0x4dd: {  	v10 =	vld.idx.msk [tilespmem:v50+s13+$0x0], $0xffff;
	_ =	sdelay $0x2  }
0x4de: {  	v51 =	vor.u32 s31, v4;
	_ =	sdelay $0x1  }
0x4df: {  	v10 =	vmul.f32 v10, v11;
	_ =	sdelay $0x1  }
0x4e0: {  	[tilespmem:v50+s13+$0x0] =	vst.idx.msk $0xffff, v10  }
0x4e1: {  	v10 =	vld.idx.msk [tilespmem:v51+s13+$0x0], $0xffff;
	_ =	sdelay $0x2  }
0x4e2: {  	v52 =	vor.u32 s31, v5;
	_ =	sdelay $0x1  }
0x4e3: {  	v10 =	vmul.f32 v10, v11;
	_ =	sdelay $0x1  }
0x4e4: {  	[tilespmem:v51+s13+$0x0] =	vst.idx.msk $0xffff, v10  }
0x4e5: {  	v10 =	vld.idx.msk [tilespmem:v52+s13+$0x0], $0xffff;
	_ =	sdelay $0x2  }
0x4e6: {  	v53 =	vor.u32 s31, v6;
	_ =	sdelay $0x1  }
0x4e7: {  	v10 =	vmul.f32 v10, v11;
	_ =	sdelay $0x1  }
0x4e8: {  	[tilespmem:v52+s13+$0x0] =	vst.idx.msk $0xffff, v10  }
0x4e9: {  	v10 =	vld.idx.msk [tilespmem:v53+s13+$0x0], $0xffff;
	_ =	sdelay $0x2  }
0x4ea: {  	v54 =	vor.u32 s31, v7;
	_ =	sdelay $0x1  }
0x4eb: {  	v10 =	vmul.f32 v10, v11;
	_ =	sdelay $0x1  }
0x4ec: {  	[tilespmem:v53+s13+$0x0] =	vst.idx.msk $0xffff, v10  }
0x4ed: {  	v10 =	vld.idx.msk [tilespmem:v54+s13+$0x0], $0xffff;
	_ =	sdelay $0x2  }
0x4ee: {  	v55 =	vor.u32 s31, v8;
	_ =	sdelay $0x1  }
0x4ef: {  	v10 =	vmul.f32 v10, v11;
	_ =	sdelay $0x1  }
0x4f0: {  	[tilespmem:v54+s13+$0x0] =	vst.idx.msk $0xffff, v10  }
0x4f1: {  	v10 =	vld.idx.msk [tilespmem:v55+s13+$0x0], $0xffff;
	_ =	sdelay $0x2  }
0x4f2: {  	s8 =	sadd.s32 $0x80, s31  }
0x4f3: {  	v56 =	vor.u32 s8, v0  }
0x4f4: {  	v10 =	vmul.f32 v10, v11;
	_ =	sdelay $0x1  }
0x4f5: {  	[tilespmem:v55+s13+$0x0] =	vst.idx.msk $0xffff, v10  }
0x4f6: {  	v10 =	vld.msk [tilespmem:s25+$0xFFFFFFFA ss:$0x0], $0xffff  }
0x4f7: {  	v11 =	vld.idx.msk [tilespmem:v56+s13+$0x0], $0xffff;
	_ =	sdelay $0x2  }
0x4f8: {  	v57 =	vor.u32 s8, v2;
	_ =	sdelay $0x1  }
0x4f9: {  	v11 =	vmul.f32 v10, v11;
	_ =	sdelay $0x1  }
0x4fa: {  	[tilespmem:v56+s13+$0x0] =	vst.idx.msk $0xffff, v11  }
0x4fb: {  	v11 =	vld.idx.msk [tilespmem:v57+s13+$0x0], $0xffff;
	_ =	sdelay $0x2  }
0x4fc: {  	v58 =	vor.u32 s8, v3;
	_ =	sdelay $0x1  }
0x4fd: {  	v11 =	vmul.f32 v11, v10;
	_ =	sdelay $0x1  }
0x4fe: {  	[tilespmem:v57+s13+$0x0] =	vst.idx.msk $0xffff, v11  }
0x4ff: {  	v11 =	vld.idx.msk [tilespmem:v58+s13+$0x0], $0xffff;
	_ =	sdelay $0x2  }
0x500: {  	v59 =	vor.u32 s8, v4;
	_ =	sdelay $0x1  }
0x501: {  	v11 =	vmul.f32 v11, v10;
	_ =	sdelay $0x1  }
0x502: {  	[tilespmem:v58+s13+$0x0] =	vst.idx.msk $0xffff, v11  }
0x503: {  	v11 =	vld.idx.msk [tilespmem:v59+s13+$0x0], $0xffff;
	_ =	sdelay $0x2  }
0x504: {  	v60 =	vor.u32 s8, v5;
	_ =	sdelay $0x1  }
0x505: {  	v11 =	vmul.f32 v11, v10;
	_ =	sdelay $0x1  }
0x506: {  	[tilespmem:v59+s13+$0x0] =	vst.idx.msk $0xffff, v11  }
0x507: {  	v11 =	vld.idx.msk [tilespmem:v60+s13+$0x0], $0xffff;
	_ =	sdelay $0x2  }
0x508: {  	v61 =	vor.u32 s8, v6;
	_ =	sdelay $0x1  }
0x509: {  	v11 =	vmul.f32 v11, v10;
	_ =	sdelay $0x1  }
0x50a: {  	[tilespmem:v60+s13+$0x0] =	vst.idx.msk $0xffff, v11  }
0x50b: {  	v11 =	vld.idx.msk [tilespmem:v61+s13+$0x0], $0xffff;
	_ =	sdelay $0x2  }
0x50c: {  	v62 =	vor.u32 s8, v7;
	_ =	sdelay $0x1  }
0x50d: {  	v11 =	vmul.f32 v11, v10;
	_ =	sdelay $0x1  }
0x50e: {  	[tilespmem:v61+s13+$0x0] =	vst.idx.msk $0xffff, v11  }
0x50f: {  	v11 =	vld.idx.msk [tilespmem:v62+s13+$0x0], $0xffff;
	_ =	sdelay $0x2  }
0x510: {  	v63 =	vor.u32 s8, v8;
	_ =	sdelay $0x1  }
0x511: {  	v11 =	vmul.f32 v11, v10;
	_ =	sdelay $0x1  }
0x512: {  	[tilespmem:v62+s13+$0x0] =	vst.idx.msk $0xffff, v11  }
0x513: {  	v11 =	vld.idx.msk [tilespmem:v63+s13+$0x0], $0xffff;
	_ =	sdelay $0x2  }
0x514: {  	s8 =	sadd.s32 $0x100, s31  }
0x515: {  	v16 =	vor.u32 s8, v0  }
0x516: {  	v10 =	vmul.f32 v11, v10;
	_ =	sdelay $0x1  }
0x517: {  	[tilespmem:v63+s13+$0x0] =	vst.idx.msk $0xffff, v10  }
0x518: {  	v10 =	vld.msk [tilespmem:s25+$0xFFFFFFFB ss:$0x0], $0xffff  }
0x519: {  	v11 =	vld.idx.msk [tilespmem:v16+s13+$0x0], $0xffff;
	_ =	sdelay $0x2  }
0x51a: {  	v17 =	vor.u32 s8, v2;
	_ =	sdelay $0x1  }
0x51b: {  	v11 =	vmul.f32 v10, v11;
	_ =	sdelay $0x1  }
0x51c: {  	[tilespmem:v16+s13+$0x0] =	vst.idx.msk $0xffff, v11  }
0x51d: {  	v11 =	vld.idx.msk [tilespmem:v17+s13+$0x0], $0xffff;
	_ =	sdelay $0x2  }
0x51e: {  	v18 =	vor.u32 s8, v3;
	_ =	sdelay $0x1  }
0x51f: {  	v11 =	vmul.f32 v11, v10;
	_ =	sdelay $0x1  }
0x520: {  	[tilespmem:v17+s13+$0x0] =	vst.idx.msk $0xffff, v11  }
0x521: {  	v11 =	vld.idx.msk [tilespmem:v18+s13+$0x0], $0xffff;
	_ =	sdelay $0x2  }
0x522: {  	v19 =	vor.u32 s8, v4;
	_ =	sdelay $0x1  }
0x523: {  	v11 =	vmul.f32 v11, v10;
	_ =	sdelay $0x1  }
0x524: {  	[tilespmem:v18+s13+$0x0] =	vst.idx.msk $0xffff, v11  }
0x525: {  	v11 =	vld.idx.msk [tilespmem:v19+s13+$0x0], $0xffff;
	_ =	sdelay $0x2  }
0x526: {  	v20 =	vor.u32 s8, v5;
	_ =	sdelay $0x1  }
0x527: {  	v11 =	vmul.f32 v11, v10;
	_ =	sdelay $0x1  }
0x528: {  	[tilespmem:v19+s13+$0x0] =	vst.idx.msk $0xffff, v11  }
0x529: {  	v11 =	vld.idx.msk [tilespmem:v20+s13+$0x0], $0xffff;
	_ =	sdelay $0x2  }
0x52a: {  	v21 =	vor.u32 s8, v6;
	_ =	sdelay $0x1  }
0x52b: {  	v11 =	vmul.f32 v11, v10;
	_ =	sdelay $0x1  }
0x52c: {  	[tilespmem:v20+s13+$0x0] =	vst.idx.msk $0xffff, v11  }
0x52d: {  	v11 =	vld.idx.msk [tilespmem:v21+s13+$0x0], $0xffff;
	_ =	sdelay $0x2  }
0x52e: {  	v22 =	vor.u32 s8, v7;
	_ =	sdelay $0x1  }
0x52f: {  	v11 =	vmul.f32 v11, v10;
	_ =	sdelay $0x1  }
0x530: {  	[tilespmem:v21+s13+$0x0] =	vst.idx.msk $0xffff, v11  }
0x531: {  	v11 =	vld.idx.msk [tilespmem:v22+s13+$0x0], $0xffff;
	_ =	sdelay $0x2  }
0x532: {  	v23 =	vor.u32 s8, v8;
	_ =	sdelay $0x1  }
0x533: {  	v11 =	vmul.f32 v11, v10;
	_ =	sdelay $0x1  }
0x534: {  	[tilespmem:v22+s13+$0x0] =	vst.idx.msk $0xffff, v11  }
0x535: {  	v11 =	vld.idx.msk [tilespmem:v23+s13+$0x0], $0xffff;
	_ =	sdelay $0x2  }
0x536: {  	s8 =	sadd.s32 $0x180, s31  }
0x537: {  	v24 =	vor.u32 s8, v0  }
0x538: {  	v10 =	vmul.f32 v11, v10;
	_ =	sdelay $0x1  }
0x539: {  	[tilespmem:v23+s13+$0x0] =	vst.idx.msk $0xffff, v10  }
0x53a: {  	v10 =	vld.msk [tilespmem:s25+$0xFFFFFFFC ss:$0x0], $0xffff  }
0x53b: {  	v11 =	vld.idx.msk [tilespmem:v24+s13+$0x0], $0xffff;
	_ =	sdelay $0x2  }
0x53c: {  	v25 =	vor.u32 s8, v2;
	_ =	sdelay $0x1  }
0x53d: {  	v11 =	vmul.f32 v10, v11;
	_ =	sdelay $0x1  }
0x53e: {  	[tilespmem:v24+s13+$0x0] =	vst.idx.msk $0xffff, v11  }
0x53f: {  	v11 =	vld.idx.msk [tilespmem:v25+s13+$0x0], $0xffff;
	_ =	sdelay $0x2  }
0x540: {  	v26 =	vor.u32 s8, v3;
	_ =	sdelay $0x1  }
0x541: {  	v11 =	vmul.f32 v11, v10;
	_ =	sdelay $0x1  }
0x542: {  	[tilespmem:v25+s13+$0x0] =	vst.idx.msk $0xffff, v11  }
0x543: {  	v11 =	vld.idx.msk [tilespmem:v26+s13+$0x0], $0xffff;
	_ =	sdelay $0x2  }
0x544: {  	v27 =	vor.u32 s8, v4;
	_ =	sdelay $0x1  }
0x545: {  	v11 =	vmul.f32 v11, v10;
	_ =	sdelay $0x1  }
0x546: {  	[tilespmem:v26+s13+$0x0] =	vst.idx.msk $0xffff, v11  }
0x547: {  	v11 =	vld.idx.msk [tilespmem:v27+s13+$0x0], $0xffff;
	_ =	sdelay $0x2  }
0x548: {  	v28 =	vor.u32 s8, v5;
	_ =	sdelay $0x1  }
0x549: {  	v11 =	vmul.f32 v11, v10;
	_ =	sdelay $0x1  }
0x54a: {  	[tilespmem:v27+s13+$0x0] =	vst.idx.msk $0xffff, v11  }
0x54b: {  	v11 =	vld.idx.msk [tilespmem:v28+s13+$0x0], $0xffff;
	_ =	sdelay $0x2  }
0x54c: {  	v29 =	vor.u32 s8, v6;
	_ =	sdelay $0x1  }
0x54d: {  	v11 =	vmul.f32 v11, v10;
	_ =	sdelay $0x1  }
0x54e: {  	[tilespmem:v28+s13+$0x0] =	vst.idx.msk $0xffff, v11  }
0x54f: {  	v11 =	vld.idx.msk [tilespmem:v29+s13+$0x0], $0xffff;
	_ =	sdelay $0x2  }
0x550: {  	v30 =	vor.u32 s8, v7;
	_ =	sdelay $0x1  }
0x551: {  	v11 =	vmul.f32 v11, v10;
	_ =	sdelay $0x1  }
0x552: {  	[tilespmem:v29+s13+$0x0] =	vst.idx.msk $0xffff, v11  }
0x553: {  	v11 =	vld.idx.msk [tilespmem:v30+s13+$0x0], $0xffff;
	_ =	sdelay $0x2  }
0x554: {  	v31 =	vor.u32 s8, v8;
	_ =	sdelay $0x1  }
0x555: {  	v11 =	vmul.f32 v11, v10;
	_ =	sdelay $0x1  }
0x556: {  	[tilespmem:v30+s13+$0x0] =	vst.idx.msk $0xffff, v11  }
0x557: {  	v11 =	vld.idx.msk [tilespmem:v31+s13+$0x0], $0xffff;
	_ =	sdelay $0x2  }
0x558: {  	s8 =	sadd.s32 $0x200, s31  }
0x559: {  	v32 =	vor.u32 s8, v0  }
0x55a: {  	v10 =	vmul.f32 v11, v10;
	_ =	sdelay $0x1  }
0x55b: {  	[tilespmem:v31+s13+$0x0] =	vst.idx.msk $0xffff, v10  }
0x55c: {  	v10 =	vld.msk [tilespmem:s25+$0xFFFFFFFD ss:$0x0], $0xffff  }
0x55d: {  	v11 =	vld.idx.msk [tilespmem:v32+s13+$0x0], $0xffff;
	_ =	sdelay $0x2  }
0x55e: {  	v33 =	vor.u32 s8, v2;
	_ =	sdelay $0x1  }
0x55f: {  	v11 =	vmul.f32 v10, v11;
	_ =	sdelay $0x1  }
0x560: {  	[tilespmem:v32+s13+$0x0] =	vst.idx.msk $0xffff, v11  }
0x561: {  	v11 =	vld.idx.msk [tilespmem:v33+s13+$0x0], $0xffff;
	_ =	sdelay $0x2  }
0x562: {  	v34 =	vor.u32 s8, v3;
	_ =	sdelay $0x1  }
0x563: {  	v11 =	vmul.f32 v11, v10;
	_ =	sdelay $0x1  }
0x564: {  	[tilespmem:v33+s13+$0x0] =	vst.idx.msk $0xffff, v11  }
0x565: {  	v11 =	vld.idx.msk [tilespmem:v34+s13+$0x0], $0xffff;
	_ =	sdelay $0x2  }
0x566: {  	v35 =	vor.u32 s8, v4;
	_ =	sdelay $0x1  }
0x567: {  	v11 =	vmul.f32 v11, v10;
	_ =	sdelay $0x1  }
0x568: {  	[tilespmem:v34+s13+$0x0] =	vst.idx.msk $0xffff, v11  }
0x569: {  	v11 =	vld.idx.msk [tilespmem:v35+s13+$0x0], $0xffff;
	_ =	sdelay $0x2  }
0x56a: {  	v36 =	vor.u32 s8, v5;
	_ =	sdelay $0x1  }
0x56b: {  	v11 =	vmul.f32 v11, v10;
	_ =	sdelay $0x1  }
0x56c: {  	[tilespmem:v35+s13+$0x0] =	vst.idx.msk $0xffff, v11  }
0x56d: {  	v11 =	vld.idx.msk [tilespmem:v36+s13+$0x0], $0xffff;
	_ =	sdelay $0x2  }
0x56e: {  	v37 =	vor.u32 s8, v6;
	_ =	sdelay $0x1  }
0x56f: {  	v11 =	vmul.f32 v11, v10;
	_ =	sdelay $0x1  }
0x570: {  	[tilespmem:v36+s13+$0x0] =	vst.idx.msk $0xffff, v11  }
0x571: {  	v11 =	vld.idx.msk [tilespmem:v37+s13+$0x0], $0xffff;
	_ =	sdelay $0x2  }
0x572: {  	v38 =	vor.u32 s8, v7;
	_ =	sdelay $0x1  }
0x573: {  	v11 =	vmul.f32 v11, v10;
	_ =	sdelay $0x1  }
0x574: {  	[tilespmem:v37+s13+$0x0] =	vst.idx.msk $0xffff, v11  }
0x575: {  	v11 =	vld.idx.msk [tilespmem:v38+s13+$0x0], $0xffff;
	_ =	sdelay $0x2  }
0x576: {  	v39 =	vor.u32 s8, v8;
	_ =	sdelay $0x1  }
0x577: {  	v11 =	vmul.f32 v11, v10;
	_ =	sdelay $0x1  }
0x578: {  	[tilespmem:v38+s13+$0x0] =	vst.idx.msk $0xffff, v11  }
0x579: {  	v11 =	vld.idx.msk [tilespmem:v39+s13+$0x0], $0xffff;
	_ =	sdelay $0x2  }
0x57a: {  	s8 =	sadd.s32 $0x280, s31  }
0x57b: {  	v40 =	vor.u32 s8, v0  }
0x57c: {  	v10 =	vmul.f32 v11, v10;
	_ =	sdelay $0x1  }
0x57d: {  	[tilespmem:v39+s13+$0x0] =	vst.idx.msk $0xffff, v10  }
0x57e: {  	v10 =	vld.msk [tilespmem:s25+$0xFFFFFFFE ss:$0x0], $0xffff  }
0x57f: {  	v11 =	vld.idx.msk [tilespmem:v40+s13+$0x0], $0xffff;
	_ =	sdelay $0x2  }
0x580: {  	v41 =	vor.u32 s8, v2;
	_ =	sdelay $0x1  }
0x581: {  	v11 =	vmul.f32 v10, v11;
	_ =	sdelay $0x1  }
0x582: {  	[tilespmem:v40+s13+$0x0] =	vst.idx.msk $0xffff, v11  }
0x583: {  	v11 =	vld.idx.msk [tilespmem:v41+s13+$0x0], $0xffff;
	_ =	sdelay $0x2  }
0x584: {  	v42 =	vor.u32 s8, v3;
	_ =	sdelay $0x1  }
0x585: {  	v11 =	vmul.f32 v11, v10;
	_ =	sdelay $0x1  }
0x586: {  	[tilespmem:v41+s13+$0x0] =	vst.idx.msk $0xffff, v11  }
0x587: {  	v11 =	vld.idx.msk [tilespmem:v42+s13+$0x0], $0xffff;
	_ =	sdelay $0x2  }
0x588: {  	v43 =	vor.u32 s8, v4;
	_ =	sdelay $0x1  }
0x589: {  	v11 =	vmul.f32 v11, v10;
	_ =	sdelay $0x1  }
0x58a: {  	[tilespmem:v42+s13+$0x0] =	vst.idx.msk $0xffff, v11  }
0x58b: {  	v11 =	vld.idx.msk [tilespmem:v43+s13+$0x0], $0xffff;
	_ =	sdelay $0x2  }
0x58c: {  	v44 =	vor.u32 s8, v5;
	_ =	sdelay $0x1  }
0x58d: {  	v11 =	vmul.f32 v11, v10;
	_ =	sdelay $0x1  }
0x58e: {  	[tilespmem:v43+s13+$0x0] =	vst.idx.msk $0xffff, v11  }
0x58f: {  	v11 =	vld.idx.msk [tilespmem:v44+s13+$0x0], $0xffff;
	_ =	sdelay $0x2  }
0x590: {  	v45 =	vor.u32 s8, v6;
	_ =	sdelay $0x1  }
0x591: {  	v11 =	vmul.f32 v11, v10;
	_ =	sdelay $0x1  }
0x592: {  	[tilespmem:v44+s13+$0x0] =	vst.idx.msk $0xffff, v11  }
0x593: {  	v11 =	vld.idx.msk [tilespmem:v45+s13+$0x0], $0xffff;
	_ =	sdelay $0x2  }
0x594: {  	v46 =	vor.u32 s8, v7;
	_ =	sdelay $0x1  }
0x595: {  	v11 =	vmul.f32 v11, v10;
	_ =	sdelay $0x1  }
0x596: {  	[tilespmem:v45+s13+$0x0] =	vst.idx.msk $0xffff, v11  }
0x597: {  	v11 =	vld.idx.msk [tilespmem:v46+s13+$0x0], $0xffff;
	_ =	sdelay $0x2  }
0x598: {  	v47 =	vor.u32 s8, v8;
	_ =	sdelay $0x1  }
0x599: {  	v11 =	vmul.f32 v11, v10;
	_ =	sdelay $0x1  }
0x59a: {  	[tilespmem:v46+s13+$0x0] =	vst.idx.msk $0xffff, v11  }
0x59b: {  	v11 =	vld.idx.msk [tilespmem:v47+s13+$0x0], $0xffff;
	_ =	sdelay $0x2  }
0x59c: {  	s8 =	sadd.s32 $0x300, s31  }
0x59d: {  	v48 =	vor.u32 s8, v0  }
0x59e: {  	v10 =	vmul.f32 v11, v10;
	_ =	sdelay $0x1  }
0x59f: {  	[tilespmem:v47+s13+$0x0] =	vst.idx.msk $0xffff, v10  }
0x5a0: {  	v10 =	vld.msk [tilespmem:s25+$0xFFFFFFFF ss:$0x0], $0xffff  }
0x5a1: {  	v11 =	vld.idx.msk [tilespmem:v48+s13+$0x0], $0xffff;
	_ =	sdelay $0x2  }
0x5a2: {  	v49 =	vor.u32 s8, v2;
	_ =	sdelay $0x1  }
0x5a3: {  	v11 =	vmul.f32 v10, v11;
	_ =	sdelay $0x1  }
0x5a4: {  	[tilespmem:v48+s13+$0x0] =	vst.idx.msk $0xffff, v11  }
0x5a5: {  	v11 =	vld.idx.msk [tilespmem:v49+s13+$0x0], $0xffff;
	_ =	sdelay $0x2  }
0x5a6: {  	v50 =	vor.u32 s8, v3;
	_ =	sdelay $0x1  }
0x5a7: {  	v11 =	vmul.f32 v11, v10;
	_ =	sdelay $0x1  }
0x5a8: {  	[tilespmem:v49+s13+$0x0] =	vst.idx.msk $0xffff, v11  }
0x5a9: {  	v11 =	vld.idx.msk [tilespmem:v50+s13+$0x0], $0xffff;
	_ =	sdelay $0x2  }
0x5aa: {  	v51 =	vor.u32 s8, v4;
	_ =	sdelay $0x1  }
0x5ab: {  	v11 =	vmul.f32 v11, v10;
	_ =	sdelay $0x1  }
0x5ac: {  	[tilespmem:v50+s13+$0x0] =	vst.idx.msk $0xffff, v11  }
0x5ad: {  	v11 =	vld.idx.msk [tilespmem:v51+s13+$0x0], $0xffff;
	_ =	sdelay $0x2  }
0x5ae: {  	v52 =	vor.u32 s8, v5;
	_ =	sdelay $0x1  }
0x5af: {  	v11 =	vmul.f32 v11, v10;
	_ =	sdelay $0x1  }
0x5b0: {  	[tilespmem:v51+s13+$0x0] =	vst.idx.msk $0xffff, v11  }
0x5b1: {  	v11 =	vld.idx.msk [tilespmem:v52+s13+$0x0], $0xffff;
	_ =	sdelay $0x2  }
0x5b2: {  	v53 =	vor.u32 s8, v6;
	_ =	sdelay $0x1  }
0x5b3: {  	v11 =	vmul.f32 v11, v10;
	_ =	sdelay $0x1  }
0x5b4: {  	[tilespmem:v52+s13+$0x0] =	vst.idx.msk $0xffff, v11  }
0x5b5: {  	v11 =	vld.idx.msk [tilespmem:v53+s13+$0x0], $0xffff;
	_ =	sdelay $0x2  }
0x5b6: {  	v54 =	vor.u32 s8, v7;
	_ =	sdelay $0x1  }
0x5b7: {  	v11 =	vmul.f32 v11, v10;
	_ =	sdelay $0x1  }
0x5b8: {  	[tilespmem:v53+s13+$0x0] =	vst.idx.msk $0xffff, v11  }
0x5b9: {  	v11 =	vld.idx.msk [tilespmem:v54+s13+$0x0], $0xffff;
	_ =	sdelay $0x2  }
0x5ba: {  	v55 =	vor.u32 s8, v8;
	_ =	sdelay $0x1  }
0x5bb: {  	v11 =	vmul.f32 v11, v10;
	_ =	sdelay $0x1  }
0x5bc: {  	[tilespmem:v54+s13+$0x0] =	vst.idx.msk $0xffff, v11  }
0x5bd: {  	v11 =	vld.idx.msk [tilespmem:v55+s13+$0x0], $0xffff;
	_ =	sdelay $0x2  }
0x5be: {  	s31 =	sadd.s32 $0x380, s31  }
0x5bf: {  	v56 =	vor.u32 s31, v0  }
0x5c0: {  	v10 =	vmul.f32 v11, v10;
	_ =	sdelay $0x1  }
0x5c1: {  	[tilespmem:v55+s13+$0x0] =	vst.idx.msk $0xffff, v10  }
0x5c2: {  	v10 =	vld.msk [tilespmem:s25+$0x0 ss:$0x0], $0xffff  }
0x5c3: {  	v11 =	vld.idx.msk [tilespmem:v56+s13+$0x0], $0xffff;
	_ =	sdelay $0x2  }
0x5c4: {  	v57 =	vor.u32 s31, v2;
	_ =	sdelay $0x1  }
0x5c5: {  	v11 =	vmul.f32 v10, v11;
	_ =	sdelay $0x1  }
0x5c6: {  	[tilespmem:v56+s13+$0x0] =	vst.idx.msk $0xffff, v11  }
0x5c7: {  	v11 =	vld.idx.msk [tilespmem:v57+s13+$0x0], $0xffff;
	_ =	sdelay $0x2  }
0x5c8: {  	v58 =	vor.u32 s31, v3;
	_ =	sdelay $0x1  }
0x5c9: {  	v11 =	vmul.f32 v11, v10;
	_ =	sdelay $0x1  }
0x5ca: {  	[tilespmem:v57+s13+$0x0] =	vst.idx.msk $0xffff, v11  }
0x5cb: {  	v11 =	vld.idx.msk [tilespmem:v58+s13+$0x0], $0xffff;
	_ =	sdelay $0x2  }
0x5cc: {  	v59 =	vor.u32 s31, v4;
	_ =	sdelay $0x1  }
0x5cd: {  	v11 =	vmul.f32 v11, v10;
	_ =	sdelay $0x1  }
0x5ce: {  	[tilespmem:v58+s13+$0x0] =	vst.idx.msk $0xffff, v11  }
0x5cf: {  	v11 =	vld.idx.msk [tilespmem:v59+s13+$0x0], $0xffff;
	_ =	sdelay $0x2  }
0x5d0: {  	v60 =	vor.u32 s31, v5;
	_ =	sdelay $0x1  }
0x5d1: {  	v11 =	vmul.f32 v11, v10;
	_ =	sdelay $0x1  }
0x5d2: {  	[tilespmem:v59+s13+$0x0] =	vst.idx.msk $0xffff, v11  }
0x5d3: {  	v11 =	vld.idx.msk [tilespmem:v60+s13+$0x0], $0xffff;
	_ =	sdelay $0x2  }
0x5d4: {  	v61 =	vor.u32 s31, v6;
	_ =	sdelay $0x1  }
0x5d5: {  	v11 =	vmul.f32 v11, v10;
	_ =	sdelay $0x1  }
0x5d6: {  	[tilespmem:v60+s13+$0x0] =	vst.idx.msk $0xffff, v11  }
0x5d7: {  	v11 =	vld.idx.msk [tilespmem:v61+s13+$0x0], $0xffff;
	_ =	sdelay $0x2  }
0x5d8: {  	v62 =	vor.u32 s31, v7;
	_ =	sdelay $0x1  }
0x5d9: {  	v11 =	vmul.f32 v11, v10;
	_ =	sdelay $0x1  }
0x5da: {  	[tilespmem:v61+s13+$0x0] =	vst.idx.msk $0xffff, v11  }
0x5db: {  	v11 =	vld.idx.msk [tilespmem:v62+s13+$0x0], $0xffff;
	_ =	sdelay $0x2  }
0x5dc: {  	v63 =	vor.u32 s31, v8;
	_ =	sdelay $0x1  }
0x5dd: {  	v11 =	vmul.f32 v11, v10;
	_ =	sdelay $0x1  }
0x5de: {  	[tilespmem:v62+s13+$0x0] =	vst.idx.msk $0xffff, v11  }
0x5df: {  	v11 =	vld.idx.msk [tilespmem:v63+s13+$0x0], $0xffff;
	_ =	sdelay $0x1  }
0x5e0: {  	p1 =	slt.u32 s24, $0x20  }
.Ltmp14:
0x5e1: {  	_ = 	snop;
	(pc) =	sbr.rel @p1 .LBB2_11-.Ltmp14, $3  }
0x5e2: {  	_ = 	snop  }
0x5e3: {  	v10 =	vmul.f32 v11, v10;
	_ =	sdelay $0x1  }
0x5e4: {  	s24 =	sadd.s32 $0x8, s24;
	s25 =	sadd.s32 $0x8, s25;
	[tilespmem:v63+s13+$0x0] =	vst.idx.msk $0xffff, v10  }
0x5e5: {  	p1 =	seq.s32 s21, $0x9  }
.Ltmp15:
0x5e6: {  	s8 =	sadd.s32 $0x79C0, s22;
	(pc) =	sbr.rel @p1 .LBB2_14-.Ltmp15, $4  }
0x5e7: {  	[spmem:s6] =	stream.indirect.scatter.add.f32 [tilespmem:s13], [sflag:$0x4], $0x80, s8, s11, $0xb8;
	[tilespmem:$0x1E540] =	vst v63  }
0x5e8: {  	_ =	swait.ge [sflag:s16], $0x1400  }
0x5e9: {  	[sflag:s16] =	ssyncset.done $0x0  }
0x5ea: {  	[sflag:s16] =	ssyncadd.s32 $0xFFFFEC00  }
.Ltmp16:
0x5eb: {  	(pc) =	sbr.rel .LBB2_8-.Ltmp16, $3  }
0x5ec: {  	_ =	sdelay $0x1  }
0x5ed: {  	s8 =	sadd.s32 $0x76F0, s23;
	s21 =	sadd.s32 $0x1, s21  }
0x5ee: {  	[tilespmem:s4], [sflag:$0x1] =	stream.indirect.gather [hbm4b:s1+s11], $0x80, s8, s11, $0xb8;
	[tilespmem:$0x1E540] =	vst v63  }
.LBB2_15:
.Ltmp17:
0x5ef: {  	(pc) =	sbr.rel .LBB2_26-.Ltmp17, $3  }
0x5f0: {  	_ =	sdelay $0x1  }
0x5f1: {  	s20 =	rddreg [dreg:$0x1e]  }
0x5f2: {  	s19 =	rddreg [dreg:$0x1c]  }
.LBB2_27:
0x5f3: {  	_ =	sfence.sel $0x180000  }
0x5f4: {  	[bflag:$0x0] =	sbarrier.arrive $0xFFFF  }
0x5f5: {  	_ =	strace $0x90000047  }
0x5f6: {  	s0 =	stileid.u32;
	[bflag:$0x2] =	sbarrier.arrive $0xFFFF  }
0x5f7: {  	p0 =	sne.s32 s0, $0x0;
	s0 =	rddreg [dreg:$0x5]  }
0x5f8: {  	s0 =	sadd.s32 @!p0 $0x100000, s0  }
0x5f9: {  	[sflag:s0] =	ssyncadd.tile.s32 @!p0 $0x1;
	_ =	shalt  }
.Lfunc_end2:
_tile_overlayer_lowered:
.L_overlay_start_2:
0x5fa: {  	(tag) =	ssettag $0x2  }
0x5fb: {  	s0 =	rddreg [dreg:$0x0];
	s2 =	stileid.u32  }
0x5fc: {  	s1 =	rddreg [dreg:$0x1];
	p0 =	sne.s32 s2, $0x0  }
0x5fd: {  	s3 =	rddreg [dreg:$0x2];
	[bflag:$0x3] =	sbarrier.arrive $0xFFFF;
	s2 =	simm.s32 @!p0 $0x1C05  }
0x5fe: {  	[timem:s3], [sflag:s2] =	dma.local @!p0 [hbm:s0], s1  }
0x5ff: {  	s0 =	simm.s32 @!p0 $0x5  }
0x600: {  	_ =	swait.ge @!p0 [sflag:s0], s1  }
0x601: {  	s1 =	ssub.s32 @!p0 $0x0, s1;
	[sflag:s0] =	ssyncset.done @!p0 $0x0  }
0x602: {  	[sflag:s0] =	ssyncadd.s32 @!p0 s1  }
0x603: {  	[bflag:$0x3] =	sbarrier.arrive $0xFFFF  }
0x604: {  	_ =	shalt  }

</sc_bundles>
